<compile_context>
chip_gen: v7x
topology: tpu7x:2x2x1
jax: 0.10.2.dev20260603
libtpu: 0.0.44.dev20260713+nightly
codegen_flags: <defaults>
</compile_context>

<pallas_src>
import functools

import jax
import jax.numpy as jnp
from jax import lax
from jax.experimental import pallas as pl
from jax.experimental.pallas import tpu as pltpu
from jax.experimental.pallas import tpu_sc as plsc

N = 10000
E = 320000
D = 128
NG = 64
NC = 2
NS = 16
NW = NC * NS
N2 = 10240
STRIPE = N2 // NS
EPW = E // NW
CEC = 80
CHC = EPW // CEC
GPW = N2 // NW
GCE = 80
GCH = GPW // GCE
CE = 40
CH = EPW // CE
SUP = 5
SUPE = SUP * CE
NSUP = CH // SUP
RB = 8
FG = 4
SR = 3
DR = 4

_mesh = plsc.VectorSubcoreMesh(core_axis_name="c", subcore_axis_name="s")


def _wid():
    return lax.axis_index("s") * NC + lax.axis_index("c")


CF = 80
CHF = (E // NS) // CF
GPC = N2 // NC
GPT = GPC // NS
GNCH = GPT // GCE


@functools.partial(
    pl.kernel,
    out_type=(
        jax.ShapeDtypeStruct((N2,), jnp.float32),
        jax.ShapeDtypeStruct((N2, D), jnp.float32),
        jax.ShapeDtypeStruct((N2, D), jnp.float32),
    ),
    mesh=_mesh,
    scratch_types=[
        pltpu.VMEM((CHF * CF,), jnp.int32),
        pltpu.VMEM((CF,), jnp.float32),
        pltpu.VMEM((STRIPE,), jnp.float32),
        pltpu.VMEM((GPT,), jnp.int32),
        pltpu.VMEM((GPT,), jnp.int32),
        pltpu.VMEM((GPT,), jnp.float32),
        pltpu.VMEM((2, GPT, D), jnp.float32),
        pltpu.VMEM_SHARED((N2,), jnp.float32),
        pltpu.SemaphoreType.DMA,
        pltpu.SemaphoreType.DMA,
        pltpu.SemaphoreType.DMA,
    ],
)
def _sc_front(ef_hbm, featp_hbm, wv_hbm, de_hbm,
              cnt_hbm, o1_hbm, o2_hbm,
              dst_v, ones_v, zbuf_v, fidx_v, didx_v, cbuf_v, rows_v,
              cnt_sh, csem, gsem, osem):
    cid = lax.axis_index("c")
    sid = lax.axis_index("s")
    pltpu.sync_copy(ef_hbm.at[pl.ds(E + sid * (CHF * CF), CHF * CF)], dst_v)
    for j in range(CF // 16):
        ones_v[pl.ds(j * 16, 16)] = jnp.ones((16,), jnp.float32)
    for j in range(STRIPE // 16):
        zbuf_v[pl.ds(j * 16, 16)] = jnp.zeros((16,), jnp.float32)
    pltpu.sync_copy(zbuf_v, cnt_sh.at[pl.ds(sid * STRIPE, STRIPE)])
    plsc.subcore_barrier()

    LAG = 8

    def body(ch, _):
        pltpu.async_copy(ones_v, cnt_sh.at[dst_v.at[pl.ds(ch * CF, CF)]],
                         csem, add=True)

        @pl.when(ch >= LAG)
        def _():
            pltpu.make_async_copy(
                ones_v, cnt_sh.at[dst_v.at[pl.ds(0, CF)]], csem).wait()

        return 0

    lax.fori_loop(0, CHF, body, 0)
    for _ in range(LAG):
        pltpu.make_async_copy(
            ones_v, cnt_sh.at[dst_v.at[pl.ds(0, CF)]], csem).wait()
    plsc.subcore_barrier()

    @pl.when(cid == 0)
    def _():
        pltpu.sync_copy(cnt_sh.at[pl.ds(sid * STRIPE, STRIPE)],
                        cnt_hbm.at[pl.ds(sid * STRIPE, STRIPE)])

    gbase = cid * GPC + sid * GPT
    pltpu.sync_copy(featp_hbm.at[pl.ds(gbase, GPT)], fidx_v)
    pltpu.sync_copy(cnt_sh.at[pl.ds(gbase, GPT)], cbuf_v)
    for j in range(GPT // 16):
        c = cbuf_v[pl.ds(j * 16, 16)]
        didx_v[pl.ds(j * 16, 16)] = jnp.minimum(c, 1000.0).astype(jnp.int32)

    def _wait_g():
        pltpu.make_async_copy(
            wv_hbm.at[fidx_v], rows_v.at[0], gsem).wait()

    def _wait_o():
        pltpu.make_async_copy(
            rows_v.at[0], o1_hbm.at[pl.ds(0, GPT)], osem).wait()

    pltpu.async_copy(wv_hbm.at[fidx_v], rows_v.at[0], gsem)
    pltpu.async_copy(de_hbm.at[didx_v], rows_v.at[1], gsem)
    _wait_g()
    pltpu.async_copy(rows_v.at[0], o1_hbm.at[pl.ds(gbase, GPT)], osem)
    _wait_g()
    pltpu.async_copy(rows_v.at[1], o2_hbm.at[pl.ds(gbase, GPT)], osem)
    _wait_o()
    _wait_o()


@functools.partial(
    pl.kernel,
    out_type=(
        jax.ShapeDtypeStruct((N2, D), jnp.float32),
        jax.ShapeDtypeStruct((N2, D), jnp.float32),
    ),
    mesh=_mesh,
    scratch_types=[
        pltpu.VMEM((SR * SUPE,), jnp.int32),
        pltpu.VMEM((DR * SUPE,), jnp.int32),
        pltpu.VMEM((RB, CE, D), jnp.float32),
        pltpu.VMEM_SHARED((N2, D), jnp.float32),
        pltpu.SemaphoreType.DMA,
        pltpu.SemaphoreType.DMA,
        pltpu.SemaphoreType.DMA,
    ],
)
def _sc_mp(y_hbm, ef_hbm, zeros_hbm, out0_hbm, out1_hbm,
           src_v, dst_v, rows_v, acc_sh, isem, gsem, ssem):
    cid = lax.axis_index("c")
    sid = lax.axis_index("s")
    wid = _wid()
    @pl.when(cid == 0)
    def _():
        pltpu.sync_copy(y_hbm.at[pl.ds(sid * STRIPE, STRIPE)],
                        acc_sh.at[pl.ds(sid * STRIPE, STRIPE)])

    @pl.when(cid == 1)
    def _():
        pltpu.sync_copy(zeros_hbm,
                        acc_sh.at[pl.ds(sid * STRIPE, STRIPE)])

    def _fire_idx(m, slot_s, slot_d):
        base = wid * EPW + m * SUPE
        pltpu.async_copy(ef_hbm.at[pl.ds(base, SUPE)],
                         src_v.at[pl.ds(slot_s * SUPE, SUPE)], isem)
        pltpu.async_copy(ef_hbm.at[pl.ds(E + base, SUPE)],
                         dst_v.at[pl.ds(slot_d * SUPE, SUPE)], isem)

    def _wait_idx():
        pltpu.make_async_copy(ef_hbm.at[pl.ds(0, SUPE)],
                              src_v.at[pl.ds(0, SUPE)], isem).wait()

    def _fire_gather(ch, slot_q):
        rn = lax.rem(ch, SUP)
        pltpu.async_copy(
            y_hbm.at[src_v.at[pl.ds(slot_q * SUPE + rn * CE, CE)]],
            rows_v.at[lax.rem(ch, RB)], gsem)

    def _wait_gather():
        pltpu.make_async_copy(
            y_hbm.at[src_v.at[pl.ds(0, CE)]], rows_v.at[0], gsem).wait()

    def _wait_scatter():
        pltpu.make_async_copy(
            rows_v.at[0], acc_sh.at[dst_v.at[pl.ds(0, CE)]], ssem).wait()

    plsc.subcore_barrier()
    for m in range(SR):
        _fire_idx(m, m, m)
    _wait_idx()
    _wait_idx()
    for ch in range(FG):
        _fire_gather(ch, 0)

    def body(ch, _):
        b = lax.rem(ch, RB)
        _wait_gather()
        qs = lax.div(ch, SUP)
        rs = lax.rem(ch, SUP)
        pltpu.async_copy(
            rows_v.at[b],
            acc_sh.at[dst_v.at[pl.ds(lax.rem(qs, DR) * SUPE + rs * CE, CE)]],
            ssem, add=True)

        @pl.when(ch >= FG - 1)
        def _():
            _wait_scatter()

        m = lax.div(ch, SUP)

        @pl.when((lax.rem(ch, SUP) == SUP - 1) & (m + SR < NSUP))
        def _():
            _fire_idx(m + SR, lax.rem(m + SR, SR), lax.rem(m + SR, DR))

        nxt = ch + FG

        @pl.when(nxt < CH)
        def _():
            qn = lax.div(nxt, SUP)

            @pl.when(lax.rem(nxt, SUP) == 0)
            def _():
                _wait_idx()
                _wait_idx()

            _fire_gather(nxt, lax.rem(qn, SR))

        return 0

    lax.fori_loop(0, CH, body, 0)
    for _ in range(FG - 1):
        _wait_scatter()
    plsc.subcore_barrier()

    @pl.when(cid == 0)
    def _():
        pltpu.sync_copy(acc_sh.at[pl.ds(sid * STRIPE, STRIPE)],
                        out0_hbm.at[pl.ds(sid * STRIPE, STRIPE)])

    @pl.when(cid == 1)
    def _():
        pltpu.sync_copy(acc_sh.at[pl.ds(sid * STRIPE, STRIPE)],
                        out1_hbm.at[pl.ds(sid * STRIPE, STRIPE)])


BR = 1000
NB = N // BR
BL = 2000
NBL = N // BL


def _prep_body(wv_ref, de_ref, cnt_ref, bv_ref, y_ref, dis_ref):
    dis = lax.rsqrt(cnt_ref[...] + 1.0)
    h = wv_ref[...] + de_ref[...] + bv_ref[...]
    y_ref[...] = h * dis
    dis_ref[...] = dis


def _tc_prep(wv_rows, deg_rows, cnt, bv):
    return pl.pallas_call(
        _prep_body,
        grid=(NB,),
        in_specs=[
            pl.BlockSpec((BR, D), lambda i: (i, 0)),
            pl.BlockSpec((BR, D), lambda i: (i, 0)),
            pl.BlockSpec((BR, 1), lambda i: (i, 0)),
            pl.BlockSpec((1, D), lambda i: (0, 0)),
        ],
        out_specs=[
            pl.BlockSpec((BR, D), lambda i: (i, 0)),
            pl.BlockSpec((BR, 1), lambda i: (i, 0)),
        ],
        out_shape=[
            jax.ShapeDtypeStruct((N2, D), jnp.float32),
            jax.ShapeDtypeStruct((N, 1), jnp.float32),
        ],
    )(wv_rows, deg_rows, cnt, bv)


def _blk(ph, i):
    return jnp.where(ph == 0, i, NBL - 1)


def _flayer_body(p0_ref, p1_ref, dis_ref, w_ref, b_ref, g_ref, t_ref,
                 yout_ref, zscr, s1, s2):
    ph = pl.program_id(0)
    i = pl.program_id(1)

    @pl.when(ph == 0)
    def _():
        c = (p0_ref[...] + p1_ref[...]) * dis_ref[...]
        z = jnp.dot(c, w_ref[...],
                    preferred_element_type=jnp.float32) + b_ref[...]
        zscr[pl.ds(i * BL, BL), :] = z

        @pl.when(i == 0)
        def _():
            s1[...] = jnp.zeros_like(s1)
            s2[...] = jnp.zeros_like(s2)

        s1[...] += jnp.sum(z, axis=0, keepdims=True)
        s2[...] += jnp.sum(z * z, axis=0, keepdims=True)

    @pl.when(ph == 1)
    def _():
        mean = s1[...] * (1.0 / N)
        var = s2[...] * (1.0 / N) - mean * mean
        rstd = lax.rsqrt(var + 1e-5)
        z = zscr[pl.ds(i * BL, BL), :]
        h = (z - mean) * (rstd * g_ref[...]) + t_ref[...]
        h = jnp.maximum(h, 0.0)
        yout_ref[...] = h * dis_ref[...]


def _tc_flayer(p0, p1, dis, W, b, g, t):
    return pl.pallas_call(
        _flayer_body,
        grid=(2, NBL),
        in_specs=[
            pl.BlockSpec((BL, D), lambda ph, i: (_blk(ph, i), 0)),
            pl.BlockSpec((BL, D), lambda ph, i: (_blk(ph, i), 0)),
            pl.BlockSpec((BL, 1), lambda ph, i: (i, 0)),
            pl.BlockSpec((D, D), lambda ph, i: (0, 0)),
            pl.BlockSpec((1, D), lambda ph, i: (0, 0)),
            pl.BlockSpec((1, D), lambda ph, i: (0, 0)),
            pl.BlockSpec((1, D), lambda ph, i: (0, 0)),
        ],
        out_specs=pl.BlockSpec((BL, D),
                               lambda ph, i: (jnp.where(ph == 0, 0, i), 0)),
        out_shape=jax.ShapeDtypeStruct((N2, D), jnp.float32),
        scratch_shapes=[
            pltpu.VMEM((N, D), jnp.float32),
            pltpu.VMEM((1, D), jnp.float32),
            pltpu.VMEM((1, D), jnp.float32),
        ],
    )(p0, p1, dis, W, b, g, t)


def _ffinal_body(p0_ref, p1_ref, dis_ref, w_ref, b_ref, g_ref, t_ref, bat_ref,
                 h_ref, gf_ref, zscr, s1, s2, pacc, cacc):
    ph = pl.program_id(0)
    i = pl.program_id(1)

    @pl.when(ph == 0)
    def _():
        c = (p0_ref[...] + p1_ref[...]) * dis_ref[...]
        z = jnp.dot(c, w_ref[...],
                    preferred_element_type=jnp.float32) + b_ref[...]
        zscr[pl.ds(i * BL, BL), :] = z

        @pl.when(i == 0)
        def _():
            s1[...] = jnp.zeros_like(s1)
            s2[...] = jnp.zeros_like(s2)
            pacc[...] = jnp.zeros_like(pacc)
            cacc[...] = jnp.zeros_like(cacc)

        s1[...] += jnp.sum(z, axis=0, keepdims=True)
        s2[...] += jnp.sum(z * z, axis=0, keepdims=True)

    @pl.when(ph == 1)
    def _():
        mean = s1[...] * (1.0 / N)
        var = s2[...] * (1.0 / N) - mean * mean
        rstd = lax.rsqrt(var + 1e-5)
        z = zscr[pl.ds(i * BL, BL), :]
        h = (z - mean) * (rstd * g_ref[...]) + t_ref[...]
        h = jnp.maximum(h, 0.0)
        h_ref[...] = h

        gids = lax.broadcasted_iota(jnp.int32, (1, NG), 1)
        mask = (bat_ref[...] == gids).astype(jnp.float32)
        dnums = (((0,), (0,)), ((), ()))
        pacc[...] += lax.dot_general(mask, h, dnums,
                                     preferred_element_type=jnp.float32)
        cacc[...] += lax.dot_general(mask, jnp.ones_like(h), dnums,
                                     preferred_element_type=jnp.float32)

        @pl.when(i == NBL - 1)
        def _():
            gf_ref[...] = pacc[...] / jnp.maximum(cacc[...], 1.0)


def _tc_ffinal(p0, p1, dis, W, b, g, t, batch2):
    return pl.pallas_call(
        _ffinal_body,
        grid=(2, NBL),
        in_specs=[
            pl.BlockSpec((BL, D), lambda ph, i: (_blk(ph, i), 0)),
            pl.BlockSpec((BL, D), lambda ph, i: (_blk(ph, i), 0)),
            pl.BlockSpec((BL, 1), lambda ph, i: (i, 0)),
            pl.BlockSpec((D, D), lambda ph, i: (0, 0)),
            pl.BlockSpec((1, D), lambda ph, i: (0, 0)),
            pl.BlockSpec((1, D), lambda ph, i: (0, 0)),
            pl.BlockSpec((1, D), lambda ph, i: (0, 0)),
            pl.BlockSpec((BL, 1), lambda ph, i: (i, 0)),
        ],
        out_specs=[
            pl.BlockSpec((BL, D),
                         lambda ph, i: (jnp.where(ph == 0, 0, i), 0)),
            pl.BlockSpec((NG, D), lambda ph, i: (0, 0)),
        ],
        out_shape=[
            jax.ShapeDtypeStruct((N, D), jnp.float32),
            jax.ShapeDtypeStruct((NG, D), jnp.float32),
        ],
        scratch_shapes=[
            pltpu.VMEM((N, D), jnp.float32),
            pltpu.VMEM((1, D), jnp.float32),
            pltpu.VMEM((1, D), jnp.float32),
            pltpu.VMEM((NG, D), jnp.float32),
            pltpu.VMEM((NG, D), jnp.float32),
        ],
    )(p0, p1, dis, W, b, g, t, batch2)


def kernel(feat_id, edge_index, batch, Wv, bv, deg_emb,
           W0, b0, g0, t0, W1, b1, g1, t1, W2, b2, g2, t2):
    f32 = jnp.float32
    feat = (feat_id.astype(jnp.int32) % Wv.shape[0])
    featp = jnp.pad(feat, (0, N2 - N))
    ef = edge_index.astype(jnp.int32).reshape(2 * E)

    cnt, wv_rows, deg_rows = _sc_front(ef, featp, Wv.astype(f32),
                                       deg_emb.astype(f32))

    cntN = cnt[:N].reshape(N, 1)
    y, dis = _tc_prep(wv_rows, deg_rows, cntN,
                      bv.astype(f32).reshape(1, D))

    zeros = jnp.zeros((STRIPE, D), f32)
    layers = [(W0, b0, g0, t0), (W1, b1, g1, t1), (W2, b2, g2, t2)]
    for li, (W, b, g, t) in enumerate(layers):
        p0, p1 = _sc_mp(y, ef, zeros)
        args = (p0, p1, dis, W.astype(f32), b.astype(f32).reshape(1, D),
                g.astype(f32).reshape(1, D), t.astype(f32).reshape(1, D))
        if li < 2:
            y = _tc_flayer(*args)
        else:
            h, gf = _tc_ffinal(*args, batch.astype(jnp.int32).reshape(N, 1))
    return (gf, h)

# --- scband reference (transcript-rebuilt; emitter-appended) ---
"""Pipeline reference for scband-gnn-66340064854629 (READ-ONLY COPY).

The authoritative reference and input builder live on the scoring server;
editing this copy changes nothing except your own understanding.
"""

import jax, jax.numpy as jnp
import numpy as np

N = 10000
E = 320000
DIN = 128
DOUT = 128
FIX = 10000
NG = 64

def _batchnorm(x, g, b):
    m = jnp.mean(x, axis=0)
    v = jnp.var(x, axis=0)
    return (x - m) / jnp.sqrt(v + 1e-5) * g + b

def _graph_conv(x, edge_index, W, b):
    n = x.shape[0]
    loops = jnp.arange(n)
    ei = jnp.concatenate([edge_index, jnp.stack([loops, loops], axis=0)], axis=1)
    src = ei[0]
    dst = ei[1]
    deg = jax.ops.segment_sum(jnp.ones(src.shape[0], dtype=x.dtype), dst, num_segments=n)
    dis = jnp.where(deg > 0, deg ** -0.5, 0.0)
    norm = dis[src] * dis[dst]
    out = jax.ops.segment_sum(x[src] * norm[:, None], dst, num_segments=n)
    return out @ W + b

def setup_inputs(seed: int = 0):
    key = jax.random.key(seed)
    ks = jax.random.split(key, 20)
    feat_id = jax.random.randint(ks[0], (N,), 0, FIX)
    edge_index = jax.random.randint(ks[1], (2, E), 0, N)
    batch = jnp.sort(jax.random.randint(ks[2], (N,), 0, NG))
    batch = batch.at[-1].set(NG - 1).at[0].set(0)
    Wv = jax.random.normal(ks[3], (FIX, DIN)) * 0.02
    bv = jnp.zeros((DIN,))
    deg_emb = jax.random.normal(ks[4], (1001, DIN)) * 0.02
    params = {}
    dims = [(DIN, DOUT), (DOUT, DOUT), (DOUT, DOUT)]
    for i, (di, do) in enumerate(dims):
        params['W%d' % i] = jax.random.normal(ks[5 + 3 * i], (di, do)) * (1.0 / np.sqrt(di))
        params['b%d' % i] = jnp.zeros((do,))
        params['g%d' % i] = jnp.ones((do,))
        params['t%d' % i] = jnp.zeros((do,))
    out = {'feat_id': feat_id, 'edge_index': edge_index, 'batch': batch, 'Wv': Wv, 'bv': bv, 'deg_emb': deg_emb}
    out.update(params)
    return out

def reference(feat_id, edge_index, batch, Wv, bv, deg_emb, W0, b0, g0, t0, W1, b1, g1, t1, W2, b2, g2, t2):
    # value_projection on one-hot(feat_id % FIX) is mathematically an embedding gather: one_hot(i) @ W.T + b == W.T[i] + b
    h_attr = jnp.take(Wv, feat_id % FIX, axis=0) + bv
    indeg = jnp.clip(jnp.bincount(edge_index[1], length=N), 0, 1000)
    h = h_attr + jnp.take(deg_emb, indeg, axis=0)
    layers = [(W0, b0, g0, t0), (W1, b1, g1, t1), (W2, b2, g2, t2)]
    for (W, b, g, t) in layers:
        h = _graph_conv(h, edge_index, W, b)
        h = _batchnorm(h, g, t)
        h = jax.nn.relu(h)
    pooled = jax.ops.segment_sum(h, batch, num_segments=NG)
    cnt = jax.ops.segment_sum(jnp.ones((N, 1), dtype=h.dtype), batch, num_segments=NG)
    graph_feature = pooled / jnp.maximum(cnt, 1.0)
    return (graph_feature, h)

if __name__ == "__main__":
    import jax
    _d = setup_inputs()
    print(jax.jit(kernel)(*tuple(_d.values())))

</pallas_src>

<mosaic_0001>
#map = affine_map<(d0, d1) -> (0, 0)>
#map1 = affine_map<(d0, d1) -> (0)>
module attributes {stable_mosaic.version = 14 : i64} {
  func.func @_sc_mp(%arg0: i32, %arg1: i32, %arg2: memref<10240x128xf32, #tpu.memory_space<hbm>>, %arg3: memref<640000xi32, #tpu.memory_space<hbm>>, %arg4: memref<640x128xf32, #tpu.memory_space<hbm>>, %arg5: memref<10240x128xf32, #tpu.memory_space<hbm>>, %arg6: memref<10240x128xf32, #tpu.memory_space<hbm>>, %arg7: memref<600xi32, #tpu.memory_space<vmem>>, %arg8: memref<800xi32, #tpu.memory_space<vmem>>, %arg9: memref<8x40x128xf32, #tpu.memory_space<vmem>>, %arg10: memref<10240x128xf32, #tpu.memory_space<vmem_shared>>, %arg11: memref<!tpu.dma_semaphore, #tpu.memory_space<semaphore_mem>>, %arg12: memref<!tpu.dma_semaphore, #tpu.memory_space<semaphore_mem>>, %arg13: memref<!tpu.dma_semaphore, #tpu.memory_space<semaphore_mem>>) attributes {dimension_semantics = [#tpu.dimension_semantics<core_parallel>, #tpu.dimension_semantics<subcore_parallel>], iteration_bounds = array<i64: 2, 16>, scalar_prefetch = 0 : i64, scratch_operands = 7 : i64, tpu.core_type = #tpu.core_type<sc_vector_subcore>, window_params = [{transform_indices = #map}, {transform_indices = #map1}, {transform_indices = #map}, {transform_indices = #map}, {transform_indices = #map}]} {
    %mul3A = arith.constant 2 : i32
    %mul3A_0 = arith.muli %arg1, %mul3A : i32
    %add3A = arith.addi %mul3A_0, %arg0 : i32
    %eq3A = arith.constant 0 : i32
    %eq3A_1 = arith.cmpi eq, %arg0, %eq3A : i32
    %convert_element_type3A = arith.extui %eq3A_1 : i1 to i32
    %cond3A = arith.constant 0 : i32
    %cond3A_2 = arith.cmpi ne, %convert_element_type3A, %cond3A : i32
    scf.if %cond3A_2 {
      %mul3A_194 = arith.constant 640 : i32
      %mul3A_195 = arith.muli %arg1, %mul3A_194 : i32
      %mul3A_196 = arith.constant 640 : i32
      %mul3A_197 = arith.muli %arg1, %mul3A_196 : i32
      "tpu.region"() ({
        %run_scoped3A = tpu.sem_alloc : memref<!tpu.dma_semaphore, #tpu.memory_space<semaphore_mem>>
        %dma_start3A_198 = arith.constant 0 : i32
        %dma_start3A_199 = tpu.memref_slice %arg10[%mul3A_197, %dma_start3A_198] : memref<10240x128xf32, #tpu.memory_space<vmem_shared>> -> memref<640x128xf32, #tpu.memory_space<vmem_shared>>
        %dma_start3A_200 = arith.constant 0 : i32
        %dma_start3A_201 = tpu.memref_slice %arg2[%mul3A_195, %dma_start3A_200] : memref<10240x128xf32, #tpu.memory_space<hbm>> -> memref<640x128xf32, #tpu.memory_space<hbm>>
        tpu.enqueue_dma source(%dma_start3A_201 : memref<640x128xf32, #tpu.memory_space<hbm>>) target(%dma_start3A_199 : memref<640x128xf32, #tpu.memory_space<vmem_shared>>) target_semaphore(%run_scoped3A : memref<!tpu.dma_semaphore, #tpu.memory_space<semaphore_mem>>)
        %dma_wait3A_202 = arith.constant 0 : i32
        %dma_wait3A_203 = tpu.memref_slice %arg10[%mul3A_197, %dma_wait3A_202] : memref<10240x128xf32, #tpu.memory_space<vmem_shared>> -> memref<640x128xf32, #tpu.memory_space<vmem_shared>>
        %dma_wait3A_204 = arith.constant 0 : i32
        %dma_wait3A_205 = tpu.memref_slice %arg2[%mul3A_195, %dma_wait3A_204] : memref<10240x128xf32, #tpu.memory_space<hbm>> -> memref<640x128xf32, #tpu.memory_space<hbm>>
        tpu.wait_dma2 semaphore(%run_scoped3A : memref<!tpu.dma_semaphore, #tpu.memory_space<semaphore_mem>>) src(%dma_wait3A_205 : memref<640x128xf32, #tpu.memory_space<hbm>>) dst(%dma_wait3A_203 : memref<640x128xf32, #tpu.memory_space<vmem_shared>>)
        tpu.yield
      }) : () -> ()
    } else {
    }
    %eq3A_3 = arith.constant 1 : i32
    %eq3A_4 = arith.cmpi eq, %arg0, %eq3A_3 : i32
    %convert_element_type3A_5 = arith.extui %eq3A_4 : i1 to i32
    %cond3A_6 = arith.constant 0 : i32
    %cond3A_7 = arith.cmpi ne, %convert_element_type3A_5, %cond3A_6 : i32
    scf.if %cond3A_7 {
      %mul3A_194 = arith.constant 640 : i32
      %mul3A_195 = arith.muli %arg1, %mul3A_194 : i32
      "tpu.region"() ({
        %run_scoped3A = tpu.sem_alloc : memref<!tpu.dma_semaphore, #tpu.memory_space<semaphore_mem>>
        %dma_start3A_196 = arith.constant 0 : i32
        %dma_start3A_197 = tpu.memref_slice %arg10[%mul3A_195, %dma_start3A_196] : memref<10240x128xf32, #tpu.memory_space<vmem_shared>> -> memref<640x128xf32, #tpu.memory_space<vmem_shared>>
        tpu.enqueue_dma source(%arg4 : memref<640x128xf32, #tpu.memory_space<hbm>>) target(%dma_start3A_197 : memref<640x128xf32, #tpu.memory_space<vmem_shared>>) target_semaphore(%run_scoped3A : memref<!tpu.dma_semaphore, #tpu.memory_space<semaphore_mem>>)
        %dma_wait3A_198 = arith.constant 0 : i32
        %dma_wait3A_199 = tpu.memref_slice %arg10[%mul3A_195, %dma_wait3A_198] : memref<10240x128xf32, #tpu.memory_space<vmem_shared>> -> memref<640x128xf32, #tpu.memory_space<vmem_shared>>
        tpu.wait_dma2 semaphore(%run_scoped3A : memref<!tpu.dma_semaphore, #tpu.memory_space<semaphore_mem>>) src(%arg4 : memref<640x128xf32, #tpu.memory_space<hbm>>) dst(%dma_wait3A_199 : memref<640x128xf32, #tpu.memory_space<vmem_shared>>)
        tpu.yield
      }) : () -> ()
    } else {
    }
    %barrier3A = arith.constant 0 : index
    tpu.barrier barrier_id(%barrier3A)
    %mul3A_8 = arith.constant 10000 : i32
    %mul3A_9 = arith.muli %add3A, %mul3A_8 : i32
    %add3A_10 = arith.constant 0 : i32
    %add3A_11 = arith.addi %mul3A_9, %add3A_10 : i32
    %dma_start3A = arith.constant 0 : i32
    %dma_start3A_12 = tpu.memref_slice %arg7[%dma_start3A] : memref<600xi32, #tpu.memory_space<vmem>> -> memref<200xi32, #tpu.memory_space<vmem>>
    %dma_start3A_13 = tpu.memref_slice %arg3[%add3A_11] : memref<640000xi32, #tpu.memory_space<hbm>> -> memref<200xi32, #tpu.memory_space<hbm>>
    %dma_start3A_14 = arith.constant 0 : i32
    %dma_start3A_15 = tpu.memref_slice %arg7[%dma_start3A_14] : memref<600xi32, #tpu.memory_space<vmem>> -> memref<200xi32, #tpu.memory_space<vmem>>
    %dma_start3A_16 = tpu.memref_slice %arg3[%add3A_11] : memref<640000xi32, #tpu.memory_space<hbm>> -> memref<200xi32, #tpu.memory_space<hbm>>
    tpu.enqueue_dma source(%dma_start3A_16 : memref<200xi32, #tpu.memory_space<hbm>>) target(%dma_start3A_15 : memref<200xi32, #tpu.memory_space<vmem>>) target_semaphore(%arg11 : memref<!tpu.dma_semaphore, #tpu.memory_space<semaphore_mem>>)
    %add3A_17 = arith.constant 320000 : i32
    %add3A_18 = arith.addi %add3A_17, %add3A_11 : i32
    %dma_start3A_19 = arith.constant 0 : i32
    %dma_start3A_20 = tpu.memref_slice %arg8[%dma_start3A_19] : memref<800xi32, #tpu.memory_space<vmem>> -> memref<200xi32, #tpu.memory_space<vmem>>
    %dma_start3A_21 = tpu.memref_slice %arg3[%add3A_18] : memref<640000xi32, #tpu.memory_space<hbm>> -> memref<200xi32, #tpu.memory_space<hbm>>
    %dma_start3A_22 = arith.constant 0 : i32
    %dma_start3A_23 = tpu.memref_slice %arg8[%dma_start3A_22] : memref<800xi32, #tpu.memory_space<vmem>> -> memref<200xi32, #tpu.memory_space<vmem>>
    %dma_start3A_24 = tpu.memref_slice %arg3[%add3A_18] : memref<640000xi32, #tpu.memory_space<hbm>> -> memref<200xi32, #tpu.memory_space<hbm>>
    tpu.enqueue_dma source(%dma_start3A_24 : memref<200xi32, #tpu.memory_space<hbm>>) target(%dma_start3A_23 : memref<200xi32, #tpu.memory_space<vmem>>) target_semaphore(%arg11 : memref<!tpu.dma_semaphore, #tpu.memory_space<semaphore_mem>>)
    %mul3A_25 = arith.constant 10000 : i32
    %mul3A_26 = arith.muli %add3A, %mul3A_25 : i32
    %add3A_27 = arith.constant 200 : i32
    %add3A_28 = arith.addi %mul3A_26, %add3A_27 : i32
    %dma_start3A_29 = arith.constant 200 : i32
    %dma_start3A_30 = tpu.memref_slice %arg7[%dma_start3A_29] : memref<600xi32, #tpu.memory_space<vmem>> -> memref<200xi32, #tpu.memory_space<vmem>>
    %dma_start3A_31 = tpu.memref_slice %arg3[%add3A_28] : memref<640000xi32, #tpu.memory_space<hbm>> -> memref<200xi32, #tpu.memory_space<hbm>>
    %dma_start3A_32 = arith.constant 200 : i32
    %dma_start3A_33 = tpu.memref_slice %arg7[%dma_start3A_32] : memref<600xi32, #tpu.memory_space<vmem>> -> memref<200xi32, #tpu.memory_space<vmem>>
    %dma_start3A_34 = tpu.memref_slice %arg3[%add3A_28] : memref<640000xi32, #tpu.memory_space<hbm>> -> memref<200xi32, #tpu.memory_space<hbm>>
    tpu.enqueue_dma source(%dma_start3A_34 : memref<200xi32, #tpu.memory_space<hbm>>) target(%dma_start3A_33 : memref<200xi32, #tpu.memory_space<vmem>>) target_semaphore(%arg11 : memref<!tpu.dma_semaphore, #tpu.memory_space<semaphore_mem>>)
    %add3A_35 = arith.constant 320000 : i32
    %add3A_36 = arith.addi %add3A_35, %add3A_28 : i32
    %dma_start3A_37 = arith.constant 200 : i32
    %dma_start3A_38 = tpu.memref_slice %arg8[%dma_start3A_37] : memref<800xi32, #tpu.memory_space<vmem>> -> memref<200xi32, #tpu.memory_space<vmem>>
    %dma_start3A_39 = tpu.memref_slice %arg3[%add3A_36] : memref<640000xi32, #tpu.memory_space<hbm>> -> memref<200xi32, #tpu.memory_space<hbm>>
    %dma_start3A_40 = arith.constant 200 : i32
    %dma_start3A_41 = tpu.memref_slice %arg8[%dma_start3A_40] : memref<800xi32, #tpu.memory_space<vmem>> -> memref<200xi32, #tpu.memory_space<vmem>>
    %dma_start3A_42 = tpu.memref_slice %arg3[%add3A_36] : memref<640000xi32, #tpu.memory_space<hbm>> -> memref<200xi32, #tpu.memory_space<hbm>>
    tpu.enqueue_dma source(%dma_start3A_42 : memref<200xi32, #tpu.memory_space<hbm>>) target(%dma_start3A_41 : memref<200xi32, #tpu.memory_space<vmem>>) target_semaphore(%arg11 : memref<!tpu.dma_semaphore, #tpu.memory_space<semaphore_mem>>)
    %mul3A_43 = arith.constant 10000 : i32
    %mul3A_44 = arith.muli %add3A, %mul3A_43 : i32
    %add3A_45 = arith.constant 400 : i32
    %add3A_46 = arith.addi %mul3A_44, %add3A_45 : i32
    %dma_start3A_47 = arith.constant 400 : i32
    %dma_start3A_48 = tpu.memref_slice %arg7[%dma_start3A_47] : memref<600xi32, #tpu.memory_space<vmem>> -> memref<200xi32, #tpu.memory_space<vmem>>
    %dma_start3A_49 = tpu.memref_slice %arg3[%add3A_46] : memref<640000xi32, #tpu.memory_space<hbm>> -> memref<200xi32, #tpu.memory_space<hbm>>
    %dma_start3A_50 = arith.constant 400 : i32
    %dma_start3A_51 = tpu.memref_slice %arg7[%dma_start3A_50] : memref<600xi32, #tpu.memory_space<vmem>> -> memref<200xi32, #tpu.memory_space<vmem>>
    %dma_start3A_52 = tpu.memref_slice %arg3[%add3A_46] : memref<640000xi32, #tpu.memory_space<hbm>> -> memref<200xi32, #tpu.memory_space<hbm>>
    tpu.enqueue_dma source(%dma_start3A_52 : memref<200xi32, #tpu.memory_space<hbm>>) target(%dma_start3A_51 : memref<200xi32, #tpu.memory_space<vmem>>) target_semaphore(%arg11 : memref<!tpu.dma_semaphore, #tpu.memory_space<semaphore_mem>>)
    %add3A_53 = arith.constant 320000 : i32
    %add3A_54 = arith.addi %add3A_53, %add3A_46 : i32
    %dma_start3A_55 = arith.constant 400 : i32
    %dma_start3A_56 = tpu.memref_slice %arg8[%dma_start3A_55] : memref<800xi32, #tpu.memory_space<vmem>> -> memref<200xi32, #tpu.memory_space<vmem>>
    %dma_start3A_57 = tpu.memref_slice %arg3[%add3A_54] : memref<640000xi32, #tpu.memory_space<hbm>> -> memref<200xi32, #tpu.memory_space<hbm>>
    %dma_start3A_58 = arith.constant 400 : i32
    %dma_start3A_59 = tpu.memref_slice %arg8[%dma_start3A_58] : memref<800xi32, #tpu.memory_space<vmem>> -> memref<200xi32, #tpu.memory_space<vmem>>
    %dma_start3A_60 = tpu.memref_slice %arg3[%add3A_54] : memref<640000xi32, #tpu.memory_space<hbm>> -> memref<200xi32, #tpu.memory_space<hbm>>
    tpu.enqueue_dma source(%dma_start3A_60 : memref<200xi32, #tpu.memory_space<hbm>>) target(%dma_start3A_59 : memref<200xi32, #tpu.memory_space<vmem>>) target_semaphore(%arg11 : memref<!tpu.dma_semaphore, #tpu.memory_space<semaphore_mem>>)
    %dma_wait3A = arith.constant 0 : i32
    %dma_wait3A_61 = tpu.memref_slice %arg7[%dma_wait3A] : memref<600xi32, #tpu.memory_space<vmem>> -> memref<200xi32, #tpu.memory_space<vmem>>
    %dma_wait3A_62 = arith.constant 0 : i32
    %dma_wait3A_63 = tpu.memref_slice %arg3[%dma_wait3A_62] : memref<640000xi32, #tpu.memory_space<hbm>> -> memref<200xi32, #tpu.memory_space<hbm>>
    %dma_wait3A_64 = arith.constant 0 : i32
    %dma_wait3A_65 = tpu.memref_slice %arg7[%dma_wait3A_64] : memref<600xi32, #tpu.memory_space<vmem>> -> memref<200xi32, #tpu.memory_space<vmem>>
    %dma_wait3A_66 = arith.constant 0 : i32
    %dma_wait3A_67 = tpu.memref_slice %arg3[%dma_wait3A_66] : memref<640000xi32, #tpu.memory_space<hbm>> -> memref<200xi32, #tpu.memory_space<hbm>>
    tpu.wait_dma2 semaphore(%arg11 : memref<!tpu.dma_semaphore, #tpu.memory_space<semaphore_mem>>) src(%dma_wait3A_67 : memref<200xi32, #tpu.memory_space<hbm>>) dst(%dma_wait3A_65 : memref<200xi32, #tpu.memory_space<vmem>>)
    %dma_wait3A_68 = arith.constant 0 : i32
    %dma_wait3A_69 = tpu.memref_slice %arg7[%dma_wait3A_68] : memref<600xi32, #tpu.memory_space<vmem>> -> memref<200xi32, #tpu.memory_space<vmem>>
    %dma_wait3A_70 = arith.constant 0 : i32
    %dma_wait3A_71 = tpu.memref_slice %arg3[%dma_wait3A_70] : memref<640000xi32, #tpu.memory_space<hbm>> -> memref<200xi32, #tpu.memory_space<hbm>>
    %dma_wait3A_72 = arith.constant 0 : i32
    %dma_wait3A_73 = tpu.memref_slice %arg7[%dma_wait3A_72] : memref<600xi32, #tpu.memory_space<vmem>> -> memref<200xi32, #tpu.memory_space<vmem>>
    %dma_wait3A_74 = arith.constant 0 : i32
    %dma_wait3A_75 = tpu.memref_slice %arg3[%dma_wait3A_74] : memref<640000xi32, #tpu.memory_space<hbm>> -> memref<200xi32, #tpu.memory_space<hbm>>
    tpu.wait_dma2 semaphore(%arg11 : memref<!tpu.dma_semaphore, #tpu.memory_space<semaphore_mem>>) src(%dma_wait3A_75 : memref<200xi32, #tpu.memory_space<hbm>>) dst(%dma_wait3A_73 : memref<200xi32, #tpu.memory_space<vmem>>)
    %rem3A = arith.constant 0 : i32
    %rem3A_76 = arith.constant 5 : i32
    %rem3A_77 = arith.remsi %rem3A, %rem3A_76 : i32
    %mul3A_78 = arith.constant 40 : i32
    %mul3A_79 = arith.muli %rem3A_77, %mul3A_78 : i32
    %add3A_80 = arith.constant 0 : i32
    %add3A_81 = arith.addi %add3A_80, %mul3A_79 : i32
    %rem3A_82 = arith.constant 0 : i32
    %rem3A_83 = arith.constant 8 : i32
    %rem3A_84 = arith.remsi %rem3A_82, %rem3A_83 : i32
    %dma_start3A_85 = arith.constant 0 : i32
    %dma_start3A_86 = arith.constant 0 : i32
    %dma_start3A_87 = tpu.memref_slice %arg9[%rem3A_84, %dma_start3A_85, %dma_start3A_86] : memref<8x40x128xf32, #tpu.memory_space<vmem>> -> memref<1x40x128xf32, #tpu.memory_space<vmem>>
    %dma_start3A_88 = tpu.memref_squeeze %dma_start3A_87 : memref<1x40x128xf32, #tpu.memory_space<vmem>> -> memref<40x128xf32, #tpu.memory_space<vmem>>
    %dma_start3A_89 = tpu.memref_slice %arg7[%add3A_81] : memref<600xi32, #tpu.memory_space<vmem>> -> memref<40xi32, #tpu.memory_space<vmem>>
    %dma_start3A_90 = arith.constant 0 : i32
    %dma_start3A_91 = arith.constant 0 : i32
    %dma_start3A_92 = tpu.memref_slice %arg2[%dma_start3A_90, %dma_start3A_91] : memref<10240x128xf32, #tpu.memory_space<hbm>> -> memref<10240x128xf32, #tpu.memory_space<hbm>>
    tpu.enqueue_indirect_dma source(%dma_start3A_92 : memref<10240x128xf32, #tpu.memory_space<hbm>>) target(%dma_start3A_88 : memref<40x128xf32, #tpu.memory_space<vmem>>) offsets(%dma_start3A_89 : memref<40xi32, #tpu.memory_space<vmem>>) semaphore(%arg12 : memref<!tpu.dma_semaphore, #tpu.memory_space<semaphore_mem>>)
    %rem3A_93 = arith.constant 1 : i32
    %rem3A_94 = arith.constant 5 : i32
    %rem3A_95 = arith.remsi %rem3A_93, %rem3A_94 : i32
    %mul3A_96 = arith.constant 40 : i32
    %mul3A_97 = arith.muli %rem3A_95, %mul3A_96 : i32
    %add3A_98 = arith.constant 0 : i32
    %add3A_99 = arith.addi %add3A_98, %mul3A_97 : i32
    %rem3A_100 = arith.constant 1 : i32
    %rem3A_101 = arith.constant 8 : i32
    %rem3A_102 = arith.remsi %rem3A_100, %rem3A_101 : i32
    %dma_start3A_103 = arith.constant 0 : i32
    %dma_start3A_104 = arith.constant 0 : i32
    %dma_start3A_105 = tpu.memref_slice %arg9[%rem3A_102, %dma_start3A_103, %dma_start3A_104] : memref<8x40x128xf32, #tpu.memory_space<vmem>> -> memref<1x40x128xf32, #tpu.memory_space<vmem>>
    %dma_start3A_106 = tpu.memref_squeeze %dma_start3A_105 : memref<1x40x128xf32, #tpu.memory_space<vmem>> -> memref<40x128xf32, #tpu.memory_space<vmem>>
    %dma_start3A_107 = tpu.memref_slice %arg7[%add3A_99] : memref<600xi32, #tpu.memory_space<vmem>> -> memref<40xi32, #tpu.memory_space<vmem>>
    %dma_start3A_108 = arith.constant 0 : i32
    %dma_start3A_109 = arith.constant 0 : i32
    %dma_start3A_110 = tpu.memref_slice %arg2[%dma_start3A_108, %dma_start3A_109] : memref<10240x128xf32, #tpu.memory_space<hbm>> -> memref<10240x128xf32, #tpu.memory_space<hbm>>
    tpu.enqueue_indirect_dma source(%dma_start3A_110 : memref<10240x128xf32, #tpu.memory_space<hbm>>) target(%dma_start3A_106 : memref<40x128xf32, #tpu.memory_space<vmem>>) offsets(%dma_start3A_107 : memref<40xi32, #tpu.memory_space<vmem>>) semaphore(%arg12 : memref<!tpu.dma_semaphore, #tpu.memory_space<semaphore_mem>>)
    %rem3A_111 = arith.constant 2 : i32
    %rem3A_112 = arith.constant 5 : i32
    %rem3A_113 = arith.remsi %rem3A_111, %rem3A_112 : i32
    %mul3A_114 = arith.constant 40 : i32
    %mul3A_115 = arith.muli %rem3A_113, %mul3A_114 : i32
    %add3A_116 = arith.constant 0 : i32
    %add3A_117 = arith.addi %add3A_116, %mul3A_115 : i32
    %rem3A_118 = arith.constant 2 : i32
    %rem3A_119 = arith.constant 8 : i32
    %rem3A_120 = arith.remsi %rem3A_118, %rem3A_119 : i32
    %dma_start3A_121 = arith.constant 0 : i32
    %dma_start3A_122 = arith.constant 0 : i32
    %dma_start3A_123 = tpu.memref_slice %arg9[%rem3A_120, %dma_start3A_121, %dma_start3A_122] : memref<8x40x128xf32, #tpu.memory_space<vmem>> -> memref<1x40x128xf32, #tpu.memory_space<vmem>>
    %dma_start3A_124 = tpu.memref_squeeze %dma_start3A_123 : memref<1x40x128xf32, #tpu.memory_space<vmem>> -> memref<40x128xf32, #tpu.memory_space<vmem>>
    %dma_start3A_125 = tpu.memref_slice %arg7[%add3A_117] : memref<600xi32, #tpu.memory_space<vmem>> -> memref<40xi32, #tpu.memory_space<vmem>>
    %dma_start3A_126 = arith.constant 0 : i32
    %dma_start3A_127 = arith.constant 0 : i32
    %dma_start3A_128 = tpu.memref_slice %arg2[%dma_start3A_126, %dma_start3A_127] : memref<10240x128xf32, #tpu.memory_space<hbm>> -> memref<10240x128xf32, #tpu.memory_space<hbm>>
    tpu.enqueue_indirect_dma source(%dma_start3A_128 : memref<10240x128xf32, #tpu.memory_space<hbm>>) target(%dma_start3A_124 : memref<40x128xf32, #tpu.memory_space<vmem>>) offsets(%dma_start3A_125 : memref<40xi32, #tpu.memory_space<vmem>>) semaphore(%arg12 : memref<!tpu.dma_semaphore, #tpu.memory_space<semaphore_mem>>)
    %rem3A_129 = arith.constant 3 : i32
    %rem3A_130 = arith.constant 5 : i32
    %rem3A_131 = arith.remsi %rem3A_129, %rem3A_130 : i32
    %mul3A_132 = arith.constant 40 : i32
    %mul3A_133 = arith.muli %rem3A_131, %mul3A_132 : i32
    %add3A_134 = arith.constant 0 : i32
    %add3A_135 = arith.addi %add3A_134, %mul3A_133 : i32
    %rem3A_136 = arith.constant 3 : i32
    %rem3A_137 = arith.constant 8 : i32
    %rem3A_138 = arith.remsi %rem3A_136, %rem3A_137 : i32
    %dma_start3A_139 = arith.constant 0 : i32
    %dma_start3A_140 = arith.constant 0 : i32
    %dma_start3A_141 = tpu.memref_slice %arg9[%rem3A_138, %dma_start3A_139, %dma_start3A_140] : memref<8x40x128xf32, #tpu.memory_space<vmem>> -> memref<1x40x128xf32, #tpu.memory_space<vmem>>
    %dma_start3A_142 = tpu.memref_squeeze %dma_start3A_141 : memref<1x40x128xf32, #tpu.memory_space<vmem>> -> memref<40x128xf32, #tpu.memory_space<vmem>>
    %dma_start3A_143 = tpu.memref_slice %arg7[%add3A_135] : memref<600xi32, #tpu.memory_space<vmem>> -> memref<40xi32, #tpu.memory_space<vmem>>
    %dma_start3A_144 = arith.constant 0 : i32
    %dma_start3A_145 = arith.constant 0 : i32
    %dma_start3A_146 = tpu.memref_slice %arg2[%dma_start3A_144, %dma_start3A_145] : memref<10240x128xf32, #tpu.memory_space<hbm>> -> memref<10240x128xf32, #tpu.memory_space<hbm>>
    tpu.enqueue_indirect_dma source(%dma_start3A_146 : memref<10240x128xf32, #tpu.memory_space<hbm>>) target(%dma_start3A_142 : memref<40x128xf32, #tpu.memory_space<vmem>>) offsets(%dma_start3A_143 : memref<40xi32, #tpu.memory_space<vmem>>) semaphore(%arg12 : memref<!tpu.dma_semaphore, #tpu.memory_space<semaphore_mem>>)
    %scan3A = arith.constant 0 : i32
    %scan3A_147 = arith.constant 0 : i32
    %scan3A_148 = arith.constant 250 : i32
    %scan3A_149 = arith.addi %scan3A_147, %scan3A_148 : i32
    %scan3A_150 = arith.constant 1 : i32
    %scan3A_151 = scf.for %scan3A_194 = %scan3A_147 to %scan3A_149 step %scan3A_150 iter_args(%scan3A_195 = %scan3A) -> (i32)  : i32 {
      %rem3A_196 = arith.constant 8 : i32
      %rem3A_197 = arith.remsi %scan3A_194, %rem3A_196 : i32
      %dma_wait3A_198 = arith.constant 0 : i32
      %dma_wait3A_199 = arith.constant 0 : i32
      %dma_wait3A_200 = arith.constant 0 : i32
      %dma_wait3A_201 = tpu.memref_slice %arg9[%dma_wait3A_198, %dma_wait3A_199, %dma_wait3A_200] : memref<8x40x128xf32, #tpu.memory_space<vmem>> -> memref<1x40x128xf32, #tpu.memory_space<vmem>>
      %dma_wait3A_202 = tpu.memref_squeeze %dma_wait3A_201 : memref<1x40x128xf32, #tpu.memory_space<vmem>> -> memref<40x128xf32, #tpu.memory_space<vmem>>
      %dma_wait3A_203 = arith.constant 0 : i32
      %dma_wait3A_204 = tpu.memref_slice %arg7[%dma_wait3A_203] : memref<600xi32, #tpu.memory_space<vmem>> -> memref<40xi32, #tpu.memory_space<vmem>>
      %dma_wait3A_205 = arith.constant 0 : i32
      %dma_wait3A_206 = arith.constant 0 : i32
      %dma_wait3A_207 = tpu.memref_slice %arg2[%dma_wait3A_205, %dma_wait3A_206] : memref<10240x128xf32, #tpu.memory_space<hbm>> -> memref<10240x128xf32, #tpu.memory_space<hbm>>
      tpu.wait_indirect_dma semaphore(%arg12 : memref<!tpu.dma_semaphore, #tpu.memory_space<semaphore_mem>>) src(%dma_wait3A_207 : memref<10240x128xf32, #tpu.memory_space<hbm>>) dst(%dma_wait3A_202 : memref<40x128xf32, #tpu.memory_space<vmem>>)
      %div3A = arith.constant 5 : i32
      %div3A_208 = arith.divsi %scan3A_194, %div3A : i32
      %rem3A_209 = arith.constant 5 : i32
      %rem3A_210 = arith.remsi %scan3A_194, %rem3A_209 : i32
      %rem3A_211 = arith.constant 4 : i32
      %rem3A_212 = arith.remsi %div3A_208, %rem3A_211 : i32
      %mul3A_213 = arith.constant 200 : i32
      %mul3A_214 = arith.muli %rem3A_212, %mul3A_213 : i32
      %mul3A_215 = arith.constant 40 : i32
      %mul3A_216 = arith.muli %rem3A_210, %mul3A_215 : i32
      %add3A_217 = arith.addi %mul3A_214, %mul3A_216 : i32
      %dma_start3A_218 = arith.constant 0 : i32
      %dma_start3A_219 = arith.constant 0 : i32
      %dma_start3A_220 = tpu.memref_slice %arg9[%rem3A_197, %dma_start3A_218, %dma_start3A_219] : memref<8x40x128xf32, #tpu.memory_space<vmem>> -> memref<1x40x128xf32, #tpu.memory_space<vmem>>
      %dma_start3A_221 = tpu.memref_squeeze %dma_start3A_220 : memref<1x40x128xf32, #tpu.memory_space<vmem>> -> memref<40x128xf32, #tpu.memory_space<vmem>>
      %dma_start3A_222 = tpu.memref_slice %arg8[%add3A_217] : memref<800xi32, #tpu.memory_space<vmem>> -> memref<40xi32, #tpu.memory_space<vmem>>
      %dma_start3A_223 = arith.constant 0 : i32
      %dma_start3A_224 = arith.constant 0 : i32
      %dma_start3A_225 = tpu.memref_slice %arg10[%dma_start3A_223, %dma_start3A_224] : memref<10240x128xf32, #tpu.memory_space<vmem_shared>> -> memref<10240x128xf32, #tpu.memory_space<vmem_shared>>
      tpu.enqueue_indirect_dma source(%dma_start3A_221 : memref<40x128xf32, #tpu.memory_space<vmem>>) target(%dma_start3A_225 : memref<10240x128xf32, #tpu.memory_space<vmem_shared>>) offsets(%dma_start3A_222 : memref<40xi32, #tpu.memory_space<vmem>>) semaphore(%arg13 : memref<!tpu.dma_semaphore, #tpu.memory_space<semaphore_mem>>) {add = true}
      %ge3A = arith.constant 3 : i32
      %ge3A_226 = arith.cmpi sge, %scan3A_194, %ge3A : i32
      %convert_element_type3A_227 = arith.extui %ge3A_226 : i1 to i32
      %cond3A_228 = arith.constant 0 : i32
      %cond3A_229 = arith.cmpi ne, %convert_element_type3A_227, %cond3A_228 : i32
      scf.if %cond3A_229 {
        %dma_wait3A_250 = arith.constant 0 : i32
        %dma_wait3A_251 = arith.constant 0 : i32
        %dma_wait3A_252 = arith.constant 0 : i32
        %dma_wait3A_253 = tpu.memref_slice %arg9[%dma_wait3A_250, %dma_wait3A_251, %dma_wait3A_252] : memref<8x40x128xf32, #tpu.memory_space<vmem>> -> memref<1x40x128xf32, #tpu.memory_space<vmem>>
        %dma_wait3A_254 = tpu.memref_squeeze %dma_wait3A_253 : memref<1x40x128xf32, #tpu.memory_space<vmem>> -> memref<40x128xf32, #tpu.memory_space<vmem>>
        %dma_wait3A_255 = arith.constant 0 : i32
        %dma_wait3A_256 = tpu.memref_slice %arg8[%dma_wait3A_255] : memref<800xi32, #tpu.memory_space<vmem>> -> memref<40xi32, #tpu.memory_space<vmem>>
        %dma_wait3A_257 = arith.constant 0 : i32
        %dma_wait3A_258 = arith.constant 0 : i32
        %dma_wait3A_259 = tpu.memref_slice %arg10[%dma_wait3A_257, %dma_wait3A_258] : memref<10240x128xf32, #tpu.memory_space<vmem_shared>> -> memref<10240x128xf32, #tpu.memory_space<vmem_shared>>
        tpu.wait_indirect_dma semaphore(%arg13 : memref<!tpu.dma_semaphore, #tpu.memory_space<semaphore_mem>>) src(%dma_wait3A_254 : memref<40x128xf32, #tpu.memory_space<vmem>>) dst(%dma_wait3A_259 : memref<10240x128xf32, #tpu.memory_space<vmem_shared>>)
      } else {
      }
      %div3A_230 = arith.constant 5 : i32
      %div3A_231 = arith.divsi %scan3A_194, %div3A_230 : i32
      %rem3A_232 = arith.constant 5 : i32
      %rem3A_233 = arith.remsi %scan3A_194, %rem3A_232 : i32
      %eq3A_234 = arith.constant 4 : i32
      %eq3A_235 = arith.cmpi eq, %rem3A_233, %eq3A_234 : i32
      %add3A_236 = arith.constant 3 : i32
      %add3A_237 = arith.addi %div3A_231, %add3A_236 : i32
      %lt3A = arith.constant 50 : i32
      %lt3A_238 = arith.cmpi slt, %add3A_237, %lt3A : i32
      %and3A = arith.andi %eq3A_235, %lt3A_238 : i1
      %convert_element_type3A_239 = arith.extui %and3A : i1 to i32
      %cond3A_240 = arith.constant 0 : i32
      %cond3A_241 = arith.cmpi ne, %convert_element_type3A_239, %cond3A_240 : i32
      scf.if %cond3A_241 {
        %add3A_250 = arith.constant 3 : i32
        %add3A_251 = arith.addi %div3A_231, %add3A_250 : i32
        %add3A_252 = arith.constant 3 : i32
        %add3A_253 = arith.addi %div3A_231, %add3A_252 : i32
        %rem3A_254 = arith.constant 3 : i32
        %rem3A_255 = arith.remsi %add3A_253, %rem3A_254 : i32
        %add3A_256 = arith.constant 3 : i32
        %add3A_257 = arith.addi %div3A_231, %add3A_256 : i32
        %rem3A_258 = arith.constant 4 : i32
        %rem3A_259 = arith.remsi %add3A_257, %rem3A_258 : i32
        %mul3A_260 = arith.constant 10000 : i32
        %mul3A_261 = arith.muli %add3A, %mul3A_260 : i32
        %mul3A_262 = arith.constant 200 : i32
        %mul3A_263 = arith.muli %add3A_251, %mul3A_262 : i32
        %add3A_264 = arith.addi %mul3A_261, %mul3A_263 : i32
        %mul3A_265 = arith.constant 200 : i32
        %mul3A_266 = arith.muli %rem3A_255, %mul3A_265 : i32
        %dma_start3A_267 = tpu.memref_slice %arg7[%mul3A_266] : memref<600xi32, #tpu.memory_space<vmem>> -> memref<200xi32, #tpu.memory_space<vmem>>
        %dma_start3A_268 = tpu.memref_slice %arg3[%add3A_264] : memref<640000xi32, #tpu.memory_space<hbm>> -> memref<200xi32, #tpu.memory_space<hbm>>
        %dma_start3A_269 = tpu.memref_slice %arg7[%mul3A_266] : memref<600xi32, #tpu.memory_space<vmem>> -> memref<200xi32, #tpu.memory_space<vmem>>
        %dma_start3A_270 = tpu.memref_slice %arg3[%add3A_264] : memref<640000xi32, #tpu.memory_space<hbm>> -> memref<200xi32, #tpu.memory_space<hbm>>
        tpu.enqueue_dma source(%dma_start3A_270 : memref<200xi32, #tpu.memory_space<hbm>>) target(%dma_start3A_269 : memref<200xi32, #tpu.memory_space<vmem>>) target_semaphore(%arg11 : memref<!tpu.dma_semaphore, #tpu.memory_space<semaphore_mem>>)
        %add3A_271 = arith.constant 320000 : i32
        %add3A_272 = arith.addi %add3A_271, %add3A_264 : i32
        %mul3A_273 = arith.constant 200 : i32
        %mul3A_274 = arith.muli %rem3A_259, %mul3A_273 : i32
        %dma_start3A_275 = tpu.memref_slice %arg8[%mul3A_274] : memref<800xi32, #tpu.memory_space<vmem>> -> memref<200xi32, #tpu.memory_space<vmem>>
        %dma_start3A_276 = tpu.memref_slice %arg3[%add3A_272] : memref<640000xi32, #tpu.memory_space<hbm>> -> memref<200xi32, #tpu.memory_space<hbm>>
        %dma_start3A_277 = tpu.memref_slice %arg8[%mul3A_274] : memref<800xi32, #tpu.memory_space<vmem>> -> memref<200xi32, #tpu.memory_space<vmem>>
        %dma_start3A_278 = tpu.memref_slice %arg3[%add3A_272] : memref<640000xi32, #tpu.memory_space<hbm>> -> memref<200xi32, #tpu.memory_space<hbm>>
        tpu.enqueue_dma source(%dma_start3A_278 : memref<200xi32, #tpu.memory_space<hbm>>) target(%dma_start3A_277 : memref<200xi32, #tpu.memory_space<vmem>>) target_semaphore(%arg11 : memref<!tpu.dma_semaphore, #tpu.memory_space<semaphore_mem>>)
      } else {
      }
      %add3A_242 = arith.constant 4 : i32
      %add3A_243 = arith.addi %scan3A_194, %add3A_242 : i32
      %lt3A_244 = arith.constant 250 : i32
      %lt3A_245 = arith.cmpi slt, %add3A_243, %lt3A_244 : i32
      %convert_element_type3A_246 = arith.extui %lt3A_245 : i1 to i32
      %cond3A_247 = arith.constant 0 : i32
      %cond3A_248 = arith.cmpi ne, %convert_element_type3A_246, %cond3A_247 : i32
      scf.if %cond3A_248 {
        %div3A_250 = arith.constant 5 : i32
        %div3A_251 = arith.divsi %add3A_243, %div3A_250 : i32
        %rem3A_252 = arith.constant 5 : i32
        %rem3A_253 = arith.remsi %add3A_243, %rem3A_252 : i32
        %eq3A_254 = arith.constant 0 : i32
        %eq3A_255 = arith.cmpi eq, %rem3A_253, %eq3A_254 : i32
        %convert_element_type3A_256 = arith.extui %eq3A_255 : i1 to i32
        %cond3A_257 = arith.constant 0 : i32
        %cond3A_258 = arith.cmpi ne, %convert_element_type3A_256, %cond3A_257 : i32
        scf.if %cond3A_258 {
          %dma_wait3A_278 = arith.constant 0 : i32
          %dma_wait3A_279 = tpu.memref_slice %arg7[%dma_wait3A_278] : memref<600xi32, #tpu.memory_space<vmem>> -> memref<200xi32, #tpu.memory_space<vmem>>
          %dma_wait3A_280 = arith.constant 0 : i32
          %dma_wait3A_281 = tpu.memref_slice %arg3[%dma_wait3A_280] : memref<640000xi32, #tpu.memory_space<hbm>> -> memref<200xi32, #tpu.memory_space<hbm>>
          %dma_wait3A_282 = arith.constant 0 : i32
          %dma_wait3A_283 = tpu.memref_slice %arg7[%dma_wait3A_282] : memref<600xi32, #tpu.memory_space<vmem>> -> memref<200xi32, #tpu.memory_space<vmem>>
          %dma_wait3A_284 = arith.constant 0 : i32
          %dma_wait3A_285 = tpu.memref_slice %arg3[%dma_wait3A_284] : memref<640000xi32, #tpu.memory_space<hbm>> -> memref<200xi32, #tpu.memory_space<hbm>>
          tpu.wait_dma2 semaphore(%arg11 : memref<!tpu.dma_semaphore, #tpu.memory_space<semaphore_mem>>) src(%dma_wait3A_285 : memref<200xi32, #tpu.memory_space<hbm>>) dst(%dma_wait3A_283 : memref<200xi32, #tpu.memory_space<vmem>>)
          %dma_wait3A_286 = arith.constant 0 : i32
          %dma_wait3A_287 = tpu.memref_slice %arg7[%dma_wait3A_286] : memref<600xi32, #tpu.memory_space<vmem>> -> memref<200xi32, #tpu.memory_space<vmem>>
          %dma_wait3A_288 = arith.constant 0 : i32
          %dma_wait3A_289 = tpu.memref_slice %arg3[%dma_wait3A_288] : memref<640000xi32, #tpu.memory_space<hbm>> -> memref<200xi32, #tpu.memory_space<hbm>>
          %dma_wait3A_290 = arith.constant 0 : i32
          %dma_wait3A_291 = tpu.memref_slice %arg7[%dma_wait3A_290] : memref<600xi32, #tpu.memory_space<vmem>> -> memref<200xi32, #tpu.memory_space<vmem>>
          %dma_wait3A_292 = arith.constant 0 : i32
          %dma_wait3A_293 = tpu.memref_slice %arg3[%dma_wait3A_292] : memref<640000xi32, #tpu.memory_space<hbm>> -> memref<200xi32, #tpu.memory_space<hbm>>
          tpu.wait_dma2 semaphore(%arg11 : memref<!tpu.dma_semaphore, #tpu.memory_space<semaphore_mem>>) src(%dma_wait3A_293 : memref<200xi32, #tpu.memory_space<hbm>>) dst(%dma_wait3A_291 : memref<200xi32, #tpu.memory_space<vmem>>)
        } else {
        }
        %rem3A_259 = arith.constant 3 : i32
        %rem3A_260 = arith.remsi %div3A_251, %rem3A_259 : i32
        %rem3A_261 = arith.constant 5 : i32
        %rem3A_262 = arith.remsi %add3A_243, %rem3A_261 : i32
        %mul3A_263 = arith.constant 200 : i32
        %mul3A_264 = arith.muli %rem3A_260, %mul3A_263 : i32
        %mul3A_265 = arith.constant 40 : i32
        %mul3A_266 = arith.muli %rem3A_262, %mul3A_265 : i32
        %add3A_267 = arith.addi %mul3A_264, %mul3A_266 : i32
        %rem3A_268 = arith.constant 8 : i32
        %rem3A_269 = arith.remsi %add3A_243, %rem3A_268 : i32
        %dma_start3A_270 = arith.constant 0 : i32
        %dma_start3A_271 = arith.constant 0 : i32
        %dma_start3A_272 = tpu.memref_slice %arg9[%rem3A_269, %dma_start3A_270, %dma_start3A_271] : memref<8x40x128xf32, #tpu.memory_space<vmem>> -> memref<1x40x128xf32, #tpu.memory_space<vmem>>
        %dma_start3A_273 = tpu.memref_squeeze %dma_start3A_272 : memref<1x40x128xf32, #tpu.memory_space<vmem>> -> memref<40x128xf32, #tpu.memory_space<vmem>>
        %dma_start3A_274 = tpu.memref_slice %arg7[%add3A_267] : memref<600xi32, #tpu.memory_space<vmem>> -> memref<40xi32, #tpu.memory_space<vmem>>
        %dma_start3A_275 = arith.constant 0 : i32
        %dma_start3A_276 = arith.constant 0 : i32
        %dma_start3A_277 = tpu.memref_slice %arg2[%dma_start3A_275, %dma_start3A_276] : memref<10240x128xf32, #tpu.memory_space<hbm>> -> memref<10240x128xf32, #tpu.memory_space<hbm>>
        tpu.enqueue_indirect_dma source(%dma_start3A_277 : memref<10240x128xf32, #tpu.memory_space<hbm>>) target(%dma_start3A_273 : memref<40x128xf32, #tpu.memory_space<vmem>>) offsets(%dma_start3A_274 : memref<40xi32, #tpu.memory_space<vmem>>) semaphore(%arg12 : memref<!tpu.dma_semaphore, #tpu.memory_space<semaphore_mem>>)
      } else {
      }
      %scan3A_249 = arith.constant 0 : i32
      scf.yield %scan3A_249 : i32
    }
    %scan3A_152 = arith.constant 250 : i32
    %dma_wait3A_153 = arith.constant 0 : i32
    %dma_wait3A_154 = arith.constant 0 : i32
    %dma_wait3A_155 = arith.constant 0 : i32
    %dma_wait3A_156 = tpu.memref_slice %arg9[%dma_wait3A_153, %dma_wait3A_154, %dma_wait3A_155] : memref<8x40x128xf32, #tpu.memory_space<vmem>> -> memref<1x40x128xf32, #tpu.memory_space<vmem>>
    %dma_wait3A_157 = tpu.memref_squeeze %dma_wait3A_156 : memref<1x40x128xf32, #tpu.memory_space<vmem>> -> memref<40x128xf32, #tpu.memory_space<vmem>>
    %dma_wait3A_158 = arith.constant 0 : i32
    %dma_wait3A_159 = tpu.memref_slice %arg8[%dma_wait3A_158] : memref<800xi32, #tpu.memory_space<vmem>> -> memref<40xi32, #tpu.memory_space<vmem>>
    %dma_wait3A_160 = arith.constant 0 : i32
    %dma_wait3A_161 = arith.constant 0 : i32
    %dma_wait3A_162 = tpu.memref_slice %arg10[%dma_wait3A_160, %dma_wait3A_161] : memref<10240x128xf32, #tpu.memory_space<vmem_shared>> -> memref<10240x128xf32, #tpu.memory_space<vmem_shared>>
    tpu.wait_indirect_dma semaphore(%arg13 : memref<!tpu.dma_semaphore, #tpu.memory_space<semaphore_mem>>) src(%dma_wait3A_157 : memref<40x128xf32, #tpu.memory_space<vmem>>) dst(%dma_wait3A_162 : memref<10240x128xf32, #tpu.memory_space<vmem_shared>>)
    %dma_wait3A_163 = arith.constant 0 : i32
    %dma_wait3A_164 = arith.constant 0 : i32
    %dma_wait3A_165 = arith.constant 0 : i32
    %dma_wait3A_166 = tpu.memref_slice %arg9[%dma_wait3A_163, %dma_wait3A_164, %dma_wait3A_165] : memref<8x40x128xf32, #tpu.memory_space<vmem>> -> memref<1x40x128xf32, #tpu.memory_space<vmem>>
    %dma_wait3A_167 = tpu.memref_squeeze %dma_wait3A_166 : memref<1x40x128xf32, #tpu.memory_space<vmem>> -> memref<40x128xf32, #tpu.memory_space<vmem>>
    %dma_wait3A_168 = arith.constant 0 : i32
    %dma_wait3A_169 = tpu.memref_slice %arg8[%dma_wait3A_168] : memref<800xi32, #tpu.memory_space<vmem>> -> memref<40xi32, #tpu.memory_space<vmem>>
    %dma_wait3A_170 = arith.constant 0 : i32
    %dma_wait3A_171 = arith.constant 0 : i32
    %dma_wait3A_172 = tpu.memref_slice %arg10[%dma_wait3A_170, %dma_wait3A_171] : memref<10240x128xf32, #tpu.memory_space<vmem_shared>> -> memref<10240x128xf32, #tpu.memory_space<vmem_shared>>
    tpu.wait_indirect_dma semaphore(%arg13 : memref<!tpu.dma_semaphore, #tpu.memory_space<semaphore_mem>>) src(%dma_wait3A_167 : memref<40x128xf32, #tpu.memory_space<vmem>>) dst(%dma_wait3A_172 : memref<10240x128xf32, #tpu.memory_space<vmem_shared>>)
    %dma_wait3A_173 = arith.constant 0 : i32
    %dma_wait3A_174 = arith.constant 0 : i32
    %dma_wait3A_175 = arith.constant 0 : i32
    %dma_wait3A_176 = tpu.memref_slice %arg9[%dma_wait3A_173, %dma_wait3A_174, %dma_wait3A_175] : memref<8x40x128xf32, #tpu.memory_space<vmem>> -> memref<1x40x128xf32, #tpu.memory_space<vmem>>
    %dma_wait3A_177 = tpu.memref_squeeze %dma_wait3A_176 : memref<1x40x128xf32, #tpu.memory_space<vmem>> -> memref<40x128xf32, #tpu.memory_space<vmem>>
    %dma_wait3A_178 = arith.constant 0 : i32
    %dma_wait3A_179 = tpu.memref_slice %arg8[%dma_wait3A_178] : memref<800xi32, #tpu.memory_space<vmem>> -> memref<40xi32, #tpu.memory_space<vmem>>
    %dma_wait3A_180 = arith.constant 0 : i32
    %dma_wait3A_181 = arith.constant 0 : i32
    %dma_wait3A_182 = tpu.memref_slice %arg10[%dma_wait3A_180, %dma_wait3A_181] : memref<10240x128xf32, #tpu.memory_space<vmem_shared>> -> memref<10240x128xf32, #tpu.memory_space<vmem_shared>>
    tpu.wait_indirect_dma semaphore(%arg13 : memref<!tpu.dma_semaphore, #tpu.memory_space<semaphore_mem>>) src(%dma_wait3A_177 : memref<40x128xf32, #tpu.memory_space<vmem>>) dst(%dma_wait3A_182 : memref<10240x128xf32, #tpu.memory_space<vmem_shared>>)
    %barrier3A_183 = arith.constant 0 : index
    tpu.barrier barrier_id(%barrier3A_183)
    %eq3A_184 = arith.constant 0 : i32
    %eq3A_185 = arith.cmpi eq, %arg0, %eq3A_184 : i32
    %convert_element_type3A_186 = arith.extui %eq3A_185 : i1 to i32
    %cond3A_187 = arith.constant 0 : i32
    %cond3A_188 = arith.cmpi ne, %convert_element_type3A_186, %cond3A_187 : i32
    scf.if %cond3A_188 {
      %mul3A_194 = arith.constant 640 : i32
      %mul3A_195 = arith.muli %arg1, %mul3A_194 : i32
      %mul3A_196 = arith.constant 640 : i32
      %mul3A_197 = arith.muli %arg1, %mul3A_196 : i32
      "tpu.region"() ({
        %run_scoped3A = tpu.sem_alloc : memref<!tpu.dma_semaphore, #tpu.memory_space<semaphore_mem>>
        %dma_start3A_198 = arith.constant 0 : i32
        %dma_start3A_199 = tpu.memref_slice %arg5[%mul3A_197, %dma_start3A_198] : memref<10240x128xf32, #tpu.memory_space<hbm>> -> memref<640x128xf32, #tpu.memory_space<hbm>>
        %dma_start3A_200 = arith.constant 0 : i32
        %dma_start3A_201 = tpu.memref_slice %arg10[%mul3A_195, %dma_start3A_200] : memref<10240x128xf32, #tpu.memory_space<vmem_shared>> -> memref<640x128xf32, #tpu.memory_space<vmem_shared>>
        tpu.enqueue_dma source(%dma_start3A_201 : memref<640x128xf32, #tpu.memory_space<vmem_shared>>) target(%dma_start3A_199 : memref<640x128xf32, #tpu.memory_space<hbm>>) target_semaphore(%run_scoped3A : memref<!tpu.dma_semaphore, #tpu.memory_space<semaphore_mem>>)
        %dma_wait3A_202 = arith.constant 0 : i32
        %dma_wait3A_203 = tpu.memref_slice %arg5[%mul3A_197, %dma_wait3A_202] : memref<10240x128xf32, #tpu.memory_space<hbm>> -> memref<640x128xf32, #tpu.memory_space<hbm>>
        %dma_wait3A_204 = arith.constant 0 : i32
        %dma_wait3A_205 = tpu.memref_slice %arg10[%mul3A_195, %dma_wait3A_204] : memref<10240x128xf32, #tpu.memory_space<vmem_shared>> -> memref<640x128xf32, #tpu.memory_space<vmem_shared>>
        tpu.wait_dma2 semaphore(%run_scoped3A : memref<!tpu.dma_semaphore, #tpu.memory_space<semaphore_mem>>) src(%dma_wait3A_205 : memref<640x128xf32, #tpu.memory_space<vmem_shared>>) dst(%dma_wait3A_203 : memref<640x128xf32, #tpu.memory_space<hbm>>)
        tpu.yield
      }) : () -> ()
    } else {
    }
    %eq3A_189 = arith.constant 1 : i32
    %eq3A_190 = arith.cmpi eq, %arg0, %eq3A_189 : i32
    %convert_element_type3A_191 = arith.extui %eq3A_190 : i1 to i32
    %cond3A_192 = arith.constant 0 : i32
    %cond3A_193 = arith.cmpi ne, %convert_element_type3A_191, %cond3A_192 : i32
    scf.if %cond3A_193 {
      %mul3A_194 = arith.constant 640 : i32
      %mul3A_195 = arith.muli %arg1, %mul3A_194 : i32
      %mul3A_196 = arith.constant 640 : i32
      %mul3A_197 = arith.muli %arg1, %mul3A_196 : i32
      "tpu.region"() ({
        %run_scoped3A = tpu.sem_alloc : memref<!tpu.dma_semaphore, #tpu.memory_space<semaphore_mem>>
        %dma_start3A_198 = arith.constant 0 : i32
        %dma_start3A_199 = tpu.memref_slice %arg6[%mul3A_197, %dma_start3A_198] : memref<10240x128xf32, #tpu.memory_space<hbm>> -> memref<640x128xf32, #tpu.memory_space<hbm>>
        %dma_start3A_200 = arith.constant 0 : i32
        %dma_start3A_201 = tpu.memref_slice %arg10[%mul3A_195, %dma_start3A_200] : memref<10240x128xf32, #tpu.memory_space<vmem_shared>> -> memref<640x128xf32, #tpu.memory_space<vmem_shared>>
        tpu.enqueue_dma source(%dma_start3A_201 : memref<640x128xf32, #tpu.memory_space<vmem_shared>>) target(%dma_start3A_199 : memref<640x128xf32, #tpu.memory_space<hbm>>) target_semaphore(%run_scoped3A : memref<!tpu.dma_semaphore, #tpu.memory_space<semaphore_mem>>)
        %dma_wait3A_202 = arith.constant 0 : i32
        %dma_wait3A_203 = tpu.memref_slice %arg6[%mul3A_197, %dma_wait3A_202] : memref<10240x128xf32, #tpu.memory_space<hbm>> -> memref<640x128xf32, #tpu.memory_space<hbm>>
        %dma_wait3A_204 = arith.constant 0 : i32
        %dma_wait3A_205 = tpu.memref_slice %arg10[%mul3A_195, %dma_wait3A_204] : memref<10240x128xf32, #tpu.memory_space<vmem_shared>> -> memref<640x128xf32, #tpu.memory_space<vmem_shared>>
        tpu.wait_dma2 semaphore(%run_scoped3A : memref<!tpu.dma_semaphore, #tpu.memory_space<semaphore_mem>>) src(%dma_wait3A_205 : memref<640x128xf32, #tpu.memory_space<vmem_shared>>) dst(%dma_wait3A_203 : memref<640x128xf32, #tpu.memory_space<hbm>>)
        tpu.yield
      }) : () -> ()
    } else {
    }
    return
  }
}

#map = affine_map<(d0, d1) -> (0)>
#map1 = affine_map<(d0, d1) -> (0, 0)>
module attributes {stable_mosaic.version = 14 : i64} {
  func.func @_sc_front(%arg0: i32, %arg1: i32, %arg2: memref<640000xi32, #tpu.memory_space<hbm>>, %arg3: memref<10240xi32, #tpu.memory_space<hbm>>, %arg4: memref<10000x128xf32, #tpu.memory_space<hbm>>, %arg5: memref<1001x128xf32, #tpu.memory_space<hbm>>, %arg6: memref<10240xf32, #tpu.memory_space<hbm>>, %arg7: memref<10240x128xf32, #tpu.memory_space<hbm>>, %arg8: memref<10240x128xf32, #tpu.memory_space<hbm>>, %arg9: memref<20000xi32, #tpu.memory_space<vmem>>, %arg10: memref<80xf32, #tpu.memory_space<vmem>>, %arg11: memref<640xf32, #tpu.memory_space<vmem>>, %arg12: memref<320xi32, #tpu.memory_space<vmem>>, %arg13: memref<320xi32, #tpu.memory_space<vmem>>, %arg14: memref<320xf32, #tpu.memory_space<vmem>>, %arg15: memref<2x320x128xf32, #tpu.memory_space<vmem>>, %arg16: memref<10240xf32, #tpu.memory_space<vmem_shared>>, %arg17: memref<!tpu.dma_semaphore, #tpu.memory_space<semaphore_mem>>, %arg18: memref<!tpu.dma_semaphore, #tpu.memory_space<semaphore_mem>>, %arg19: memref<!tpu.dma_semaphore, #tpu.memory_space<semaphore_mem>>) attributes {dimension_semantics = [#tpu.dimension_semantics<core_parallel>, #tpu.dimension_semantics<subcore_parallel>], iteration_bounds = array<i64: 2, 16>, scalar_prefetch = 0 : i64, scratch_operands = 11 : i64, tpu.core_type = #tpu.core_type<sc_vector_subcore>, window_params = [{transform_indices = #map}, {transform_indices = #map}, {transform_indices = #map1}, {transform_indices = #map1}, {transform_indices = #map}, {transform_indices = #map1}, {transform_indices = #map1}]} {
    %mul3A = arith.constant 20000 : i32
    %mul3A_0 = arith.muli %arg1, %mul3A : i32
    %add3A = arith.constant 320000 : i32
    %add3A_1 = arith.addi %add3A, %mul3A_0 : i32
    "tpu.region"() ({
      %run_scoped3A = tpu.sem_alloc : memref<!tpu.dma_semaphore, #tpu.memory_space<semaphore_mem>>
      %dma_start3A_622 = tpu.memref_slice %arg2[%add3A_1] : memref<640000xi32, #tpu.memory_space<hbm>> -> memref<20000xi32, #tpu.memory_space<hbm>>
      %dma_start3A_623 = tpu.memref_slice %arg2[%add3A_1] : memref<640000xi32, #tpu.memory_space<hbm>> -> memref<20000xi32, #tpu.memory_space<hbm>>
      tpu.enqueue_dma source(%dma_start3A_623 : memref<20000xi32, #tpu.memory_space<hbm>>) target(%arg9 : memref<20000xi32, #tpu.memory_space<vmem>>) target_semaphore(%run_scoped3A : memref<!tpu.dma_semaphore, #tpu.memory_space<semaphore_mem>>)
      %dma_wait3A_624 = tpu.memref_slice %arg2[%add3A_1] : memref<640000xi32, #tpu.memory_space<hbm>> -> memref<20000xi32, #tpu.memory_space<hbm>>
      %dma_wait3A_625 = tpu.memref_slice %arg2[%add3A_1] : memref<640000xi32, #tpu.memory_space<hbm>> -> memref<20000xi32, #tpu.memory_space<hbm>>
      tpu.wait_dma2 semaphore(%run_scoped3A : memref<!tpu.dma_semaphore, #tpu.memory_space<semaphore_mem>>) src(%dma_wait3A_625 : memref<20000xi32, #tpu.memory_space<hbm>>) dst(%arg9 : memref<20000xi32, #tpu.memory_space<vmem>>)
      tpu.yield
    }) : () -> ()
    %broadcast_in_dim3A = arith.constant 1.000000e+00 : f32
    %broadcast_in_dim3A_2 = vector.broadcast %broadcast_in_dim3A : f32 to vector<16xf32>
    %swap3A = arith.constant 0 : index
    %swap3A_3 = tpu.vector_load %arg10[%swap3A] {strides = array<i32>} : memref<80xf32, #tpu.memory_space<vmem>>, vector<16xf32>,
    %swap3A_4 = vector.shape_cast %swap3A_3 : vector<16xf32> to vector<16xf32>
    %swap3A_5 = vector.shape_cast %broadcast_in_dim3A_2 : vector<16xf32> to vector<16xf32>
    tpu.vector_store %arg10[%swap3A], %swap3A_5 {strides = array<i32>} : memref<80xf32, #tpu.memory_space<vmem>>, vector<16xf32>,
    %broadcast_in_dim3A_6 = arith.constant 1.000000e+00 : f32
    %broadcast_in_dim3A_7 = vector.broadcast %broadcast_in_dim3A_6 : f32 to vector<16xf32>
    %swap3A_8 = arith.constant 16 : index
    %swap3A_9 = tpu.vector_load %arg10[%swap3A_8] {strides = array<i32>} : memref<80xf32, #tpu.memory_space<vmem>>, vector<16xf32>,
    %swap3A_10 = vector.shape_cast %swap3A_9 : vector<16xf32> to vector<16xf32>
    %swap3A_11 = vector.shape_cast %broadcast_in_dim3A_7 : vector<16xf32> to vector<16xf32>
    tpu.vector_store %arg10[%swap3A_8], %swap3A_11 {strides = array<i32>} : memref<80xf32, #tpu.memory_space<vmem>>, vector<16xf32>,
    %broadcast_in_dim3A_12 = arith.constant 1.000000e+00 : f32
    %broadcast_in_dim3A_13 = vector.broadcast %broadcast_in_dim3A_12 : f32 to vector<16xf32>
    %swap3A_14 = arith.constant 32 : index
    %swap3A_15 = tpu.vector_load %arg10[%swap3A_14] {strides = array<i32>} : memref<80xf32, #tpu.memory_space<vmem>>, vector<16xf32>,
    %swap3A_16 = vector.shape_cast %swap3A_15 : vector<16xf32> to vector<16xf32>
    %swap3A_17 = vector.shape_cast %broadcast_in_dim3A_13 : vector<16xf32> to vector<16xf32>
    tpu.vector_store %arg10[%swap3A_14], %swap3A_17 {strides = array<i32>} : memref<80xf32, #tpu.memory_space<vmem>>, vector<16xf32>,
    %broadcast_in_dim3A_18 = arith.constant 1.000000e+00 : f32
    %broadcast_in_dim3A_19 = vector.broadcast %broadcast_in_dim3A_18 : f32 to vector<16xf32>
    %swap3A_20 = arith.constant 48 : index
    %swap3A_21 = tpu.vector_load %arg10[%swap3A_20] {strides = array<i32>} : memref<80xf32, #tpu.memory_space<vmem>>, vector<16xf32>,
    %swap3A_22 = vector.shape_cast %swap3A_21 : vector<16xf32> to vector<16xf32>
    %swap3A_23 = vector.shape_cast %broadcast_in_dim3A_19 : vector<16xf32> to vector<16xf32>
    tpu.vector_store %arg10[%swap3A_20], %swap3A_23 {strides = array<i32>} : memref<80xf32, #tpu.memory_space<vmem>>, vector<16xf32>,
    %broadcast_in_dim3A_24 = arith.constant 1.000000e+00 : f32
    %broadcast_in_dim3A_25 = vector.broadcast %broadcast_in_dim3A_24 : f32 to vector<16xf32>
    %swap3A_26 = arith.constant 64 : index
    %swap3A_27 = tpu.vector_load %arg10[%swap3A_26] {strides = array<i32>} : memref<80xf32, #tpu.memory_space<vmem>>, vector<16xf32>,
    %swap3A_28 = vector.shape_cast %swap3A_27 : vector<16xf32> to vector<16xf32>
    %swap3A_29 = vector.shape_cast %broadcast_in_dim3A_25 : vector<16xf32> to vector<16xf32>
    tpu.vector_store %arg10[%swap3A_26], %swap3A_29 {strides = array<i32>} : memref<80xf32, #tpu.memory_space<vmem>>, vector<16xf32>,
    %broadcast_in_dim3A_30 = arith.constant 0.000000e+00 : f32
    %broadcast_in_dim3A_31 = vector.broadcast %broadcast_in_dim3A_30 : f32 to vector<16xf32>
    %swap3A_32 = arith.constant 0 : index
    %swap3A_33 = tpu.vector_load %arg11[%swap3A_32] {strides = array<i32>} : memref<640xf32, #tpu.memory_space<vmem>>, vector<16xf32>,
    %swap3A_34 = vector.shape_cast %swap3A_33 : vector<16xf32> to vector<16xf32>
    %swap3A_35 = vector.shape_cast %broadcast_in_dim3A_31 : vector<16xf32> to vector<16xf32>
    tpu.vector_store %arg11[%swap3A_32], %swap3A_35 {strides = array<i32>} : memref<640xf32, #tpu.memory_space<vmem>>, vector<16xf32>,
    %broadcast_in_dim3A_36 = arith.constant 0.000000e+00 : f32
    %broadcast_in_dim3A_37 = vector.broadcast %broadcast_in_dim3A_36 : f32 to vector<16xf32>
    %swap3A_38 = arith.constant 16 : index
    %swap3A_39 = tpu.vector_load %arg11[%swap3A_38] {strides = array<i32>} : memref<640xf32, #tpu.memory_space<vmem>>, vector<16xf32>,
    %swap3A_40 = vector.shape_cast %swap3A_39 : vector<16xf32> to vector<16xf32>
    %swap3A_41 = vector.shape_cast %broadcast_in_dim3A_37 : vector<16xf32> to vector<16xf32>
    tpu.vector_store %arg11[%swap3A_38], %swap3A_41 {strides = array<i32>} : memref<640xf32, #tpu.memory_space<vmem>>, vector<16xf32>,
    %broadcast_in_dim3A_42 = arith.constant 0.000000e+00 : f32
    %broadcast_in_dim3A_43 = vector.broadcast %broadcast_in_dim3A_42 : f32 to vector<16xf32>
    %swap3A_44 = arith.constant 32 : index
    %swap3A_45 = tpu.vector_load %arg11[%swap3A_44] {strides = array<i32>} : memref<640xf32, #tpu.memory_space<vmem>>, vector<16xf32>,
    %swap3A_46 = vector.shape_cast %swap3A_45 : vector<16xf32> to vector<16xf32>
    %swap3A_47 = vector.shape_cast %broadcast_in_dim3A_43 : vector<16xf32> to vector<16xf32>
    tpu.vector_store %arg11[%swap3A_44], %swap3A_47 {strides = array<i32>} : memref<640xf32, #tpu.memory_space<vmem>>, vector<16xf32>,
    %broadcast_in_dim3A_48 = arith.constant 0.000000e+00 : f32
    %broadcast_in_dim3A_49 = vector.broadcast %broadcast_in_dim3A_48 : f32 to vector<16xf32>
    %swap3A_50 = arith.constant 48 : index
    %swap3A_51 = tpu.vector_load %arg11[%swap3A_50] {strides = array<i32>} : memref<640xf32, #tpu.memory_space<vmem>>, vector<16xf32>,
    %swap3A_52 = vector.shape_cast %swap3A_51 : vector<16xf32> to vector<16xf32>
    %swap3A_53 = vector.shape_cast %broadcast_in_dim3A_49 : vector<16xf32> to vector<16xf32>
    tpu.vector_store %arg11[%swap3A_50], %swap3A_53 {strides = array<i32>} : memref<640xf32, #tpu.memory_space<vmem>>, vector<16xf32>,
    %broadcast_in_dim3A_54 = arith.constant 0.000000e+00 : f32
    %broadcast_in_dim3A_55 = vector.broadcast %broadcast_in_dim3A_54 : f32 to vector<16xf32>
    %swap3A_56 = arith.constant 64 : index
    %swap3A_57 = tpu.vector_load %arg11[%swap3A_56] {strides = array<i32>} : memref<640xf32, #tpu.memory_space<vmem>>, vector<16xf32>,
    %swap3A_58 = vector.shape_cast %swap3A_57 : vector<16xf32> to vector<16xf32>
    %swap3A_59 = vector.shape_cast %broadcast_in_dim3A_55 : vector<16xf32> to vector<16xf32>
    tpu.vector_store %arg11[%swap3A_56], %swap3A_59 {strides = array<i32>} : memref<640xf32, #tpu.memory_space<vmem>>, vector<16xf32>,
    %broadcast_in_dim3A_60 = arith.constant 0.000000e+00 : f32
    %broadcast_in_dim3A_61 = vector.broadcast %broadcast_in_dim3A_60 : f32 to vector<16xf32>
    %swap3A_62 = arith.constant 80 : index
    %swap3A_63 = tpu.vector_load %arg11[%swap3A_62] {strides = array<i32>} : memref<640xf32, #tpu.memory_space<vmem>>, vector<16xf32>,
    %swap3A_64 = vector.shape_cast %swap3A_63 : vector<16xf32> to vector<16xf32>
    %swap3A_65 = vector.shape_cast %broadcast_in_dim3A_61 : vector<16xf32> to vector<16xf32>
    tpu.vector_store %arg11[%swap3A_62], %swap3A_65 {strides = array<i32>} : memref<640xf32, #tpu.memory_space<vmem>>, vector<16xf32>,
    %broadcast_in_dim3A_66 = arith.constant 0.000000e+00 : f32
    %broadcast_in_dim3A_67 = vector.broadcast %broadcast_in_dim3A_66 : f32 to vector<16xf32>
    %swap3A_68 = arith.constant 96 : index
    %swap3A_69 = tpu.vector_load %arg11[%swap3A_68] {strides = array<i32>} : memref<640xf32, #tpu.memory_space<vmem>>, vector<16xf32>,
    %swap3A_70 = vector.shape_cast %swap3A_69 : vector<16xf32> to vector<16xf32>
    %swap3A_71 = vector.shape_cast %broadcast_in_dim3A_67 : vector<16xf32> to vector<16xf32>
    tpu.vector_store %arg11[%swap3A_68], %swap3A_71 {strides = array<i32>} : memref<640xf32, #tpu.memory_space<vmem>>, vector<16xf32>,
    %broadcast_in_dim3A_72 = arith.constant 0.000000e+00 : f32
    %broadcast_in_dim3A_73 = vector.broadcast %broadcast_in_dim3A_72 : f32 to vector<16xf32>
    %swap3A_74 = arith.constant 112 : index
    %swap3A_75 = tpu.vector_load %arg11[%swap3A_74] {strides = array<i32>} : memref<640xf32, #tpu.memory_space<vmem>>, vector<16xf32>,
    %swap3A_76 = vector.shape_cast %swap3A_75 : vector<16xf32> to vector<16xf32>
    %swap3A_77 = vector.shape_cast %broadcast_in_dim3A_73 : vector<16xf32> to vector<16xf32>
    tpu.vector_store %arg11[%swap3A_74], %swap3A_77 {strides = array<i32>} : memref<640xf32, #tpu.memory_space<vmem>>, vector<16xf32>,
    %broadcast_in_dim3A_78 = arith.constant 0.000000e+00 : f32
    %broadcast_in_dim3A_79 = vector.broadcast %broadcast_in_dim3A_78 : f32 to vector<16xf32>
    %swap3A_80 = arith.constant 128 : index
    %swap3A_81 = tpu.vector_load %arg11[%swap3A_80] {strides = array<i32>} : memref<640xf32, #tpu.memory_space<vmem>>, vector<16xf32>,
    %swap3A_82 = vector.shape_cast %swap3A_81 : vector<16xf32> to vector<16xf32>
    %swap3A_83 = vector.shape_cast %broadcast_in_dim3A_79 : vector<16xf32> to vector<16xf32>
    tpu.vector_store %arg11[%swap3A_80], %swap3A_83 {strides = array<i32>} : memref<640xf32, #tpu.memory_space<vmem>>, vector<16xf32>,
    %broadcast_in_dim3A_84 = arith.constant 0.000000e+00 : f32
    %broadcast_in_dim3A_85 = vector.broadcast %broadcast_in_dim3A_84 : f32 to vector<16xf32>
    %swap3A_86 = arith.constant 144 : index
    %swap3A_87 = tpu.vector_load %arg11[%swap3A_86] {strides = array<i32>} : memref<640xf32, #tpu.memory_space<vmem>>, vector<16xf32>,
    %swap3A_88 = vector.shape_cast %swap3A_87 : vector<16xf32> to vector<16xf32>
    %swap3A_89 = vector.shape_cast %broadcast_in_dim3A_85 : vector<16xf32> to vector<16xf32>
    tpu.vector_store %arg11[%swap3A_86], %swap3A_89 {strides = array<i32>} : memref<640xf32, #tpu.memory_space<vmem>>, vector<16xf32>,
    %broadcast_in_dim3A_90 = arith.constant 0.000000e+00 : f32
    %broadcast_in_dim3A_91 = vector.broadcast %broadcast_in_dim3A_90 : f32 to vector<16xf32>
    %swap3A_92 = arith.constant 160 : index
    %swap3A_93 = tpu.vector_load %arg11[%swap3A_92] {strides = array<i32>} : memref<640xf32, #tpu.memory_space<vmem>>, vector<16xf32>,
    %swap3A_94 = vector.shape_cast %swap3A_93 : vector<16xf32> to vector<16xf32>
    %swap3A_95 = vector.shape_cast %broadcast_in_dim3A_91 : vector<16xf32> to vector<16xf32>
    tpu.vector_store %arg11[%swap3A_92], %swap3A_95 {strides = array<i32>} : memref<640xf32, #tpu.memory_space<vmem>>, vector<16xf32>,
    %broadcast_in_dim3A_96 = arith.constant 0.000000e+00 : f32
    %broadcast_in_dim3A_97 = vector.broadcast %broadcast_in_dim3A_96 : f32 to vector<16xf32>
    %swap3A_98 = arith.constant 176 : index
    %swap3A_99 = tpu.vector_load %arg11[%swap3A_98] {strides = array<i32>} : memref<640xf32, #tpu.memory_space<vmem>>, vector<16xf32>,
    %swap3A_100 = vector.shape_cast %swap3A_99 : vector<16xf32> to vector<16xf32>
    %swap3A_101 = vector.shape_cast %broadcast_in_dim3A_97 : vector<16xf32> to vector<16xf32>
    tpu.vector_store %arg11[%swap3A_98], %swap3A_101 {strides = array<i32>} : memref<640xf32, #tpu.memory_space<vmem>>, vector<16xf32>,
    %broadcast_in_dim3A_102 = arith.constant 0.000000e+00 : f32
    %broadcast_in_dim3A_103 = vector.broadcast %broadcast_in_dim3A_102 : f32 to vector<16xf32>
    %swap3A_104 = arith.constant 192 : index
    %swap3A_105 = tpu.vector_load %arg11[%swap3A_104] {strides = array<i32>} : memref<640xf32, #tpu.memory_space<vmem>>, vector<16xf32>,
    %swap3A_106 = vector.shape_cast %swap3A_105 : vector<16xf32> to vector<16xf32>
    %swap3A_107 = vector.shape_cast %broadcast_in_dim3A_103 : vector<16xf32> to vector<16xf32>
    tpu.vector_store %arg11[%swap3A_104], %swap3A_107 {strides = array<i32>} : memref<640xf32, #tpu.memory_space<vmem>>, vector<16xf32>,
    %broadcast_in_dim3A_108 = arith.constant 0.000000e+00 : f32
    %broadcast_in_dim3A_109 = vector.broadcast %broadcast_in_dim3A_108 : f32 to vector<16xf32>
    %swap3A_110 = arith.constant 208 : index
    %swap3A_111 = tpu.vector_load %arg11[%swap3A_110] {strides = array<i32>} : memref<640xf32, #tpu.memory_space<vmem>>, vector<16xf32>,
    %swap3A_112 = vector.shape_cast %swap3A_111 : vector<16xf32> to vector<16xf32>
    %swap3A_113 = vector.shape_cast %broadcast_in_dim3A_109 : vector<16xf32> to vector<16xf32>
    tpu.vector_store %arg11[%swap3A_110], %swap3A_113 {strides = array<i32>} : memref<640xf32, #tpu.memory_space<vmem>>, vector<16xf32>,
    %broadcast_in_dim3A_114 = arith.constant 0.000000e+00 : f32
    %broadcast_in_dim3A_115 = vector.broadcast %broadcast_in_dim3A_114 : f32 to vector<16xf32>
    %swap3A_116 = arith.constant 224 : index
    %swap3A_117 = tpu.vector_load %arg11[%swap3A_116] {strides = array<i32>} : memref<640xf32, #tpu.memory_space<vmem>>, vector<16xf32>,
    %swap3A_118 = vector.shape_cast %swap3A_117 : vector<16xf32> to vector<16xf32>
    %swap3A_119 = vector.shape_cast %broadcast_in_dim3A_115 : vector<16xf32> to vector<16xf32>
    tpu.vector_store %arg11[%swap3A_116], %swap3A_119 {strides = array<i32>} : memref<640xf32, #tpu.memory_space<vmem>>, vector<16xf32>,
    %broadcast_in_dim3A_120 = arith.constant 0.000000e+00 : f32
    %broadcast_in_dim3A_121 = vector.broadcast %broadcast_in_dim3A_120 : f32 to vector<16xf32>
    %swap3A_122 = arith.constant 240 : index
    %swap3A_123 = tpu.vector_load %arg11[%swap3A_122] {strides = array<i32>} : memref<640xf32, #tpu.memory_space<vmem>>, vector<16xf32>,
    %swap3A_124 = vector.shape_cast %swap3A_123 : vector<16xf32> to vector<16xf32>
    %swap3A_125 = vector.shape_cast %broadcast_in_dim3A_121 : vector<16xf32> to vector<16xf32>
    tpu.vector_store %arg11[%swap3A_122], %swap3A_125 {strides = array<i32>} : memref<640xf32, #tpu.memory_space<vmem>>, vector<16xf32>,
    %broadcast_in_dim3A_126 = arith.constant 0.000000e+00 : f32
    %broadcast_in_dim3A_127 = vector.broadcast %broadcast_in_dim3A_126 : f32 to vector<16xf32>
    %swap3A_128 = arith.constant 256 : index
    %swap3A_129 = tpu.vector_load %arg11[%swap3A_128] {strides = array<i32>} : memref<640xf32, #tpu.memory_space<vmem>>, vector<16xf32>,
    %swap3A_130 = vector.shape_cast %swap3A_129 : vector<16xf32> to vector<16xf32>
    %swap3A_131 = vector.shape_cast %broadcast_in_dim3A_127 : vector<16xf32> to vector<16xf32>
    tpu.vector_store %arg11[%swap3A_128], %swap3A_131 {strides = array<i32>} : memref<640xf32, #tpu.memory_space<vmem>>, vector<16xf32>,
    %broadcast_in_dim3A_132 = arith.constant 0.000000e+00 : f32
    %broadcast_in_dim3A_133 = vector.broadcast %broadcast_in_dim3A_132 : f32 to vector<16xf32>
    %swap3A_134 = arith.constant 272 : index
    %swap3A_135 = tpu.vector_load %arg11[%swap3A_134] {strides = array<i32>} : memref<640xf32, #tpu.memory_space<vmem>>, vector<16xf32>,
    %swap3A_136 = vector.shape_cast %swap3A_135 : vector<16xf32> to vector<16xf32>
    %swap3A_137 = vector.shape_cast %broadcast_in_dim3A_133 : vector<16xf32> to vector<16xf32>
    tpu.vector_store %arg11[%swap3A_134], %swap3A_137 {strides = array<i32>} : memref<640xf32, #tpu.memory_space<vmem>>, vector<16xf32>,
    %broadcast_in_dim3A_138 = arith.constant 0.000000e+00 : f32
    %broadcast_in_dim3A_139 = vector.broadcast %broadcast_in_dim3A_138 : f32 to vector<16xf32>
    %swap3A_140 = arith.constant 288 : index
    %swap3A_141 = tpu.vector_load %arg11[%swap3A_140] {strides = array<i32>} : memref<640xf32, #tpu.memory_space<vmem>>, vector<16xf32>,
    %swap3A_142 = vector.shape_cast %swap3A_141 : vector<16xf32> to vector<16xf32>
    %swap3A_143 = vector.shape_cast %broadcast_in_dim3A_139 : vector<16xf32> to vector<16xf32>
    tpu.vector_store %arg11[%swap3A_140], %swap3A_143 {strides = array<i32>} : memref<640xf32, #tpu.memory_space<vmem>>, vector<16xf32>,
    %broadcast_in_dim3A_144 = arith.constant 0.000000e+00 : f32
    %broadcast_in_dim3A_145 = vector.broadcast %broadcast_in_dim3A_144 : f32 to vector<16xf32>
    %swap3A_146 = arith.constant 304 : index
    %swap3A_147 = tpu.vector_load %arg11[%swap3A_146] {strides = array<i32>} : memref<640xf32, #tpu.memory_space<vmem>>, vector<16xf32>,
    %swap3A_148 = vector.shape_cast %swap3A_147 : vector<16xf32> to vector<16xf32>
    %swap3A_149 = vector.shape_cast %broadcast_in_dim3A_145 : vector<16xf32> to vector<16xf32>
    tpu.vector_store %arg11[%swap3A_146], %swap3A_149 {strides = array<i32>} : memref<640xf32, #tpu.memory_space<vmem>>, vector<16xf32>,
    %broadcast_in_dim3A_150 = arith.constant 0.000000e+00 : f32
    %broadcast_in_dim3A_151 = vector.broadcast %broadcast_in_dim3A_150 : f32 to vector<16xf32>
    %swap3A_152 = arith.constant 320 : index
    %swap3A_153 = tpu.vector_load %arg11[%swap3A_152] {strides = array<i32>} : memref<640xf32, #tpu.memory_space<vmem>>, vector<16xf32>,
    %swap3A_154 = vector.shape_cast %swap3A_153 : vector<16xf32> to vector<16xf32>
    %swap3A_155 = vector.shape_cast %broadcast_in_dim3A_151 : vector<16xf32> to vector<16xf32>
    tpu.vector_store %arg11[%swap3A_152], %swap3A_155 {strides = array<i32>} : memref<640xf32, #tpu.memory_space<vmem>>, vector<16xf32>,
    %broadcast_in_dim3A_156 = arith.constant 0.000000e+00 : f32
    %broadcast_in_dim3A_157 = vector.broadcast %broadcast_in_dim3A_156 : f32 to vector<16xf32>
    %swap3A_158 = arith.constant 336 : index
    %swap3A_159 = tpu.vector_load %arg11[%swap3A_158] {strides = array<i32>} : memref<640xf32, #tpu.memory_space<vmem>>, vector<16xf32>,
    %swap3A_160 = vector.shape_cast %swap3A_159 : vector<16xf32> to vector<16xf32>
    %swap3A_161 = vector.shape_cast %broadcast_in_dim3A_157 : vector<16xf32> to vector<16xf32>
    tpu.vector_store %arg11[%swap3A_158], %swap3A_161 {strides = array<i32>} : memref<640xf32, #tpu.memory_space<vmem>>, vector<16xf32>,
    %broadcast_in_dim3A_162 = arith.constant 0.000000e+00 : f32
    %broadcast_in_dim3A_163 = vector.broadcast %broadcast_in_dim3A_162 : f32 to vector<16xf32>
    %swap3A_164 = arith.constant 352 : index
    %swap3A_165 = tpu.vector_load %arg11[%swap3A_164] {strides = array<i32>} : memref<640xf32, #tpu.memory_space<vmem>>, vector<16xf32>,
    %swap3A_166 = vector.shape_cast %swap3A_165 : vector<16xf32> to vector<16xf32>
    %swap3A_167 = vector.shape_cast %broadcast_in_dim3A_163 : vector<16xf32> to vector<16xf32>
    tpu.vector_store %arg11[%swap3A_164], %swap3A_167 {strides = array<i32>} : memref<640xf32, #tpu.memory_space<vmem>>, vector<16xf32>,
    %broadcast_in_dim3A_168 = arith.constant 0.000000e+00 : f32
    %broadcast_in_dim3A_169 = vector.broadcast %broadcast_in_dim3A_168 : f32 to vector<16xf32>
    %swap3A_170 = arith.constant 368 : index
    %swap3A_171 = tpu.vector_load %arg11[%swap3A_170] {strides = array<i32>} : memref<640xf32, #tpu.memory_space<vmem>>, vector<16xf32>,
    %swap3A_172 = vector.shape_cast %swap3A_171 : vector<16xf32> to vector<16xf32>
    %swap3A_173 = vector.shape_cast %broadcast_in_dim3A_169 : vector<16xf32> to vector<16xf32>
    tpu.vector_store %arg11[%swap3A_170], %swap3A_173 {strides = array<i32>} : memref<640xf32, #tpu.memory_space<vmem>>, vector<16xf32>,
    %broadcast_in_dim3A_174 = arith.constant 0.000000e+00 : f32
    %broadcast_in_dim3A_175 = vector.broadcast %broadcast_in_dim3A_174 : f32 to vector<16xf32>
    %swap3A_176 = arith.constant 384 : index
    %swap3A_177 = tpu.vector_load %arg11[%swap3A_176] {strides = array<i32>} : memref<640xf32, #tpu.memory_space<vmem>>, vector<16xf32>,
    %swap3A_178 = vector.shape_cast %swap3A_177 : vector<16xf32> to vector<16xf32>
    %swap3A_179 = vector.shape_cast %broadcast_in_dim3A_175 : vector<16xf32> to vector<16xf32>
    tpu.vector_store %arg11[%swap3A_176], %swap3A_179 {strides = array<i32>} : memref<640xf32, #tpu.memory_space<vmem>>, vector<16xf32>,
    %broadcast_in_dim3A_180 = arith.constant 0.000000e+00 : f32
    %broadcast_in_dim3A_181 = vector.broadcast %broadcast_in_dim3A_180 : f32 to vector<16xf32>
    %swap3A_182 = arith.constant 400 : index
    %swap3A_183 = tpu.vector_load %arg11[%swap3A_182] {strides = array<i32>} : memref<640xf32, #tpu.memory_space<vmem>>, vector<16xf32>,
    %swap3A_184 = vector.shape_cast %swap3A_183 : vector<16xf32> to vector<16xf32>
    %swap3A_185 = vector.shape_cast %broadcast_in_dim3A_181 : vector<16xf32> to vector<16xf32>
    tpu.vector_store %arg11[%swap3A_182], %swap3A_185 {strides = array<i32>} : memref<640xf32, #tpu.memory_space<vmem>>, vector<16xf32>,
    %broadcast_in_dim3A_186 = arith.constant 0.000000e+00 : f32
    %broadcast_in_dim3A_187 = vector.broadcast %broadcast_in_dim3A_186 : f32 to vector<16xf32>
    %swap3A_188 = arith.constant 416 : index
    %swap3A_189 = tpu.vector_load %arg11[%swap3A_188] {strides = array<i32>} : memref<640xf32, #tpu.memory_space<vmem>>, vector<16xf32>,
    %swap3A_190 = vector.shape_cast %swap3A_189 : vector<16xf32> to vector<16xf32>
    %swap3A_191 = vector.shape_cast %broadcast_in_dim3A_187 : vector<16xf32> to vector<16xf32>
    tpu.vector_store %arg11[%swap3A_188], %swap3A_191 {strides = array<i32>} : memref<640xf32, #tpu.memory_space<vmem>>, vector<16xf32>,
    %broadcast_in_dim3A_192 = arith.constant 0.000000e+00 : f32
    %broadcast_in_dim3A_193 = vector.broadcast %broadcast_in_dim3A_192 : f32 to vector<16xf32>
    %swap3A_194 = arith.constant 432 : index
    %swap3A_195 = tpu.vector_load %arg11[%swap3A_194] {strides = array<i32>} : memref<640xf32, #tpu.memory_space<vmem>>, vector<16xf32>,
    %swap3A_196 = vector.shape_cast %swap3A_195 : vector<16xf32> to vector<16xf32>
    %swap3A_197 = vector.shape_cast %broadcast_in_dim3A_193 : vector<16xf32> to vector<16xf32>
    tpu.vector_store %arg11[%swap3A_194], %swap3A_197 {strides = array<i32>} : memref<640xf32, #tpu.memory_space<vmem>>, vector<16xf32>,
    %broadcast_in_dim3A_198 = arith.constant 0.000000e+00 : f32
    %broadcast_in_dim3A_199 = vector.broadcast %broadcast_in_dim3A_198 : f32 to vector<16xf32>
    %swap3A_200 = arith.constant 448 : index
    %swap3A_201 = tpu.vector_load %arg11[%swap3A_200] {strides = array<i32>} : memref<640xf32, #tpu.memory_space<vmem>>, vector<16xf32>,
    %swap3A_202 = vector.shape_cast %swap3A_201 : vector<16xf32> to vector<16xf32>
    %swap3A_203 = vector.shape_cast %broadcast_in_dim3A_199 : vector<16xf32> to vector<16xf32>
    tpu.vector_store %arg11[%swap3A_200], %swap3A_203 {strides = array<i32>} : memref<640xf32, #tpu.memory_space<vmem>>, vector<16xf32>,
    %broadcast_in_dim3A_204 = arith.constant 0.000000e+00 : f32
    %broadcast_in_dim3A_205 = vector.broadcast %broadcast_in_dim3A_204 : f32 to vector<16xf32>
    %swap3A_206 = arith.constant 464 : index
    %swap3A_207 = tpu.vector_load %arg11[%swap3A_206] {strides = array<i32>} : memref<640xf32, #tpu.memory_space<vmem>>, vector<16xf32>,
    %swap3A_208 = vector.shape_cast %swap3A_207 : vector<16xf32> to vector<16xf32>
    %swap3A_209 = vector.shape_cast %broadcast_in_dim3A_205 : vector<16xf32> to vector<16xf32>
    tpu.vector_store %arg11[%swap3A_206], %swap3A_209 {strides = array<i32>} : memref<640xf32, #tpu.memory_space<vmem>>, vector<16xf32>,
    %broadcast_in_dim3A_210 = arith.constant 0.000000e+00 : f32
    %broadcast_in_dim3A_211 = vector.broadcast %broadcast_in_dim3A_210 : f32 to vector<16xf32>
    %swap3A_212 = arith.constant 480 : index
    %swap3A_213 = tpu.vector_load %arg11[%swap3A_212] {strides = array<i32>} : memref<640xf32, #tpu.memory_space<vmem>>, vector<16xf32>,
    %swap3A_214 = vector.shape_cast %swap3A_213 : vector<16xf32> to vector<16xf32>
    %swap3A_215 = vector.shape_cast %broadcast_in_dim3A_211 : vector<16xf32> to vector<16xf32>
    tpu.vector_store %arg11[%swap3A_212], %swap3A_215 {strides = array<i32>} : memref<640xf32, #tpu.memory_space<vmem>>, vector<16xf32>,
    %broadcast_in_dim3A_216 = arith.constant 0.000000e+00 : f32
    %broadcast_in_dim3A_217 = vector.broadcast %broadcast_in_dim3A_216 : f32 to vector<16xf32>
    %swap3A_218 = arith.constant 496 : index
    %swap3A_219 = tpu.vector_load %arg11[%swap3A_218] {strides = array<i32>} : memref<640xf32, #tpu.memory_space<vmem>>, vector<16xf32>,
    %swap3A_220 = vector.shape_cast %swap3A_219 : vector<16xf32> to vector<16xf32>
    %swap3A_221 = vector.shape_cast %broadcast_in_dim3A_217 : vector<16xf32> to vector<16xf32>
    tpu.vector_store %arg11[%swap3A_218], %swap3A_221 {strides = array<i32>} : memref<640xf32, #tpu.memory_space<vmem>>, vector<16xf32>,
    %broadcast_in_dim3A_222 = arith.constant 0.000000e+00 : f32
    %broadcast_in_dim3A_223 = vector.broadcast %broadcast_in_dim3A_222 : f32 to vector<16xf32>
    %swap3A_224 = arith.constant 512 : index
    %swap3A_225 = tpu.vector_load %arg11[%swap3A_224] {strides = array<i32>} : memref<640xf32, #tpu.memory_space<vmem>>, vector<16xf32>,
    %swap3A_226 = vector.shape_cast %swap3A_225 : vector<16xf32> to vector<16xf32>
    %swap3A_227 = vector.shape_cast %broadcast_in_dim3A_223 : vector<16xf32> to vector<16xf32>
    tpu.vector_store %arg11[%swap3A_224], %swap3A_227 {strides = array<i32>} : memref<640xf32, #tpu.memory_space<vmem>>, vector<16xf32>,
    %broadcast_in_dim3A_228 = arith.constant 0.000000e+00 : f32
    %broadcast_in_dim3A_229 = vector.broadcast %broadcast_in_dim3A_228 : f32 to vector<16xf32>
    %swap3A_230 = arith.constant 528 : index
    %swap3A_231 = tpu.vector_load %arg11[%swap3A_230] {strides = array<i32>} : memref<640xf32, #tpu.memory_space<vmem>>, vector<16xf32>,
    %swap3A_232 = vector.shape_cast %swap3A_231 : vector<16xf32> to vector<16xf32>
    %swap3A_233 = vector.shape_cast %broadcast_in_dim3A_229 : vector<16xf32> to vector<16xf32>
    tpu.vector_store %arg11[%swap3A_230], %swap3A_233 {strides = array<i32>} : memref<640xf32, #tpu.memory_space<vmem>>, vector<16xf32>,
    %broadcast_in_dim3A_234 = arith.constant 0.000000e+00 : f32
    %broadcast_in_dim3A_235 = vector.broadcast %broadcast_in_dim3A_234 : f32 to vector<16xf32>
    %swap3A_236 = arith.constant 544 : index
    %swap3A_237 = tpu.vector_load %arg11[%swap3A_236] {strides = array<i32>} : memref<640xf32, #tpu.memory_space<vmem>>, vector<16xf32>,
    %swap3A_238 = vector.shape_cast %swap3A_237 : vector<16xf32> to vector<16xf32>
    %swap3A_239 = vector.shape_cast %broadcast_in_dim3A_235 : vector<16xf32> to vector<16xf32>
    tpu.vector_store %arg11[%swap3A_236], %swap3A_239 {strides = array<i32>} : memref<640xf32, #tpu.memory_space<vmem>>, vector<16xf32>,
    %broadcast_in_dim3A_240 = arith.constant 0.000000e+00 : f32
    %broadcast_in_dim3A_241 = vector.broadcast %broadcast_in_dim3A_240 : f32 to vector<16xf32>
    %swap3A_242 = arith.constant 560 : index
    %swap3A_243 = tpu.vector_load %arg11[%swap3A_242] {strides = array<i32>} : memref<640xf32, #tpu.memory_space<vmem>>, vector<16xf32>,
    %swap3A_244 = vector.shape_cast %swap3A_243 : vector<16xf32> to vector<16xf32>
    %swap3A_245 = vector.shape_cast %broadcast_in_dim3A_241 : vector<16xf32> to vector<16xf32>
    tpu.vector_store %arg11[%swap3A_242], %swap3A_245 {strides = array<i32>} : memref<640xf32, #tpu.memory_space<vmem>>, vector<16xf32>,
    %broadcast_in_dim3A_246 = arith.constant 0.000000e+00 : f32
    %broadcast_in_dim3A_247 = vector.broadcast %broadcast_in_dim3A_246 : f32 to vector<16xf32>
    %swap3A_248 = arith.constant 576 : index
    %swap3A_249 = tpu.vector_load %arg11[%swap3A_248] {strides = array<i32>} : memref<640xf32, #tpu.memory_space<vmem>>, vector<16xf32>,
    %swap3A_250 = vector.shape_cast %swap3A_249 : vector<16xf32> to vector<16xf32>
    %swap3A_251 = vector.shape_cast %broadcast_in_dim3A_247 : vector<16xf32> to vector<16xf32>
    tpu.vector_store %arg11[%swap3A_248], %swap3A_251 {strides = array<i32>} : memref<640xf32, #tpu.memory_space<vmem>>, vector<16xf32>,
    %broadcast_in_dim3A_252 = arith.constant 0.000000e+00 : f32
    %broadcast_in_dim3A_253 = vector.broadcast %broadcast_in_dim3A_252 : f32 to vector<16xf32>
    %swap3A_254 = arith.constant 592 : index
    %swap3A_255 = tpu.vector_load %arg11[%swap3A_254] {strides = array<i32>} : memref<640xf32, #tpu.memory_space<vmem>>, vector<16xf32>,
    %swap3A_256 = vector.shape_cast %swap3A_255 : vector<16xf32> to vector<16xf32>
    %swap3A_257 = vector.shape_cast %broadcast_in_dim3A_253 : vector<16xf32> to vector<16xf32>
    tpu.vector_store %arg11[%swap3A_254], %swap3A_257 {strides = array<i32>} : memref<640xf32, #tpu.memory_space<vmem>>, vector<16xf32>,
    %broadcast_in_dim3A_258 = arith.constant 0.000000e+00 : f32
    %broadcast_in_dim3A_259 = vector.broadcast %broadcast_in_dim3A_258 : f32 to vector<16xf32>
    %swap3A_260 = arith.constant 608 : index
    %swap3A_261 = tpu.vector_load %arg11[%swap3A_260] {strides = array<i32>} : memref<640xf32, #tpu.memory_space<vmem>>, vector<16xf32>,
    %swap3A_262 = vector.shape_cast %swap3A_261 : vector<16xf32> to vector<16xf32>
    %swap3A_263 = vector.shape_cast %broadcast_in_dim3A_259 : vector<16xf32> to vector<16xf32>
    tpu.vector_store %arg11[%swap3A_260], %swap3A_263 {strides = array<i32>} : memref<640xf32, #tpu.memory_space<vmem>>, vector<16xf32>,
    %broadcast_in_dim3A_264 = arith.constant 0.000000e+00 : f32
    %broadcast_in_dim3A_265 = vector.broadcast %broadcast_in_dim3A_264 : f32 to vector<16xf32>
    %swap3A_266 = arith.constant 624 : index
    %swap3A_267 = tpu.vector_load %arg11[%swap3A_266] {strides = array<i32>} : memref<640xf32, #tpu.memory_space<vmem>>, vector<16xf32>,
    %swap3A_268 = vector.shape_cast %swap3A_267 : vector<16xf32> to vector<16xf32>
    %swap3A_269 = vector.shape_cast %broadcast_in_dim3A_265 : vector<16xf32> to vector<16xf32>
    tpu.vector_store %arg11[%swap3A_266], %swap3A_269 {strides = array<i32>} : memref<640xf32, #tpu.memory_space<vmem>>, vector<16xf32>,
    %mul3A_270 = arith.constant 640 : i32
    %mul3A_271 = arith.muli %arg1, %mul3A_270 : i32
    "tpu.region"() ({
      %run_scoped3A = tpu.sem_alloc : memref<!tpu.dma_semaphore, #tpu.memory_space<semaphore_mem>>
      %dma_start3A_622 = tpu.memref_slice %arg16[%mul3A_271] : memref<10240xf32, #tpu.memory_space<vmem_shared>> -> memref<640xf32, #tpu.memory_space<vmem_shared>>
      %dma_start3A_623 = tpu.memref_slice %arg16[%mul3A_271] : memref<10240xf32, #tpu.memory_space<vmem_shared>> -> memref<640xf32, #tpu.memory_space<vmem_shared>>
      tpu.enqueue_dma source(%arg11 : memref<640xf32, #tpu.memory_space<vmem>>) target(%dma_start3A_623 : memref<640xf32, #tpu.memory_space<vmem_shared>>) target_semaphore(%run_scoped3A : memref<!tpu.dma_semaphore, #tpu.memory_space<semaphore_mem>>)
      %dma_wait3A_624 = tpu.memref_slice %arg16[%mul3A_271] : memref<10240xf32, #tpu.memory_space<vmem_shared>> -> memref<640xf32, #tpu.memory_space<vmem_shared>>
      %dma_wait3A_625 = tpu.memref_slice %arg16[%mul3A_271] : memref<10240xf32, #tpu.memory_space<vmem_shared>> -> memref<640xf32, #tpu.memory_space<vmem_shared>>
      tpu.wait_dma2 semaphore(%run_scoped3A : memref<!tpu.dma_semaphore, #tpu.memory_space<semaphore_mem>>) src(%arg11 : memref<640xf32, #tpu.memory_space<vmem>>) dst(%dma_wait3A_625 : memref<640xf32, #tpu.memory_space<vmem_shared>>)
      tpu.yield
    }) : () -> ()
    %barrier3A = arith.constant 0 : index
    tpu.barrier barrier_id(%barrier3A)
    %scan3A = arith.constant 0 : i32
    %scan3A_272 = arith.constant 0 : i32
    %scan3A_273 = arith.constant 250 : i32
    %scan3A_274 = arith.addi %scan3A_272, %scan3A_273 : i32
    %scan3A_275 = arith.constant 1 : i32
    %scan3A_276 = scf.for %scan3A_622 = %scan3A_272 to %scan3A_274 step %scan3A_275 iter_args(%scan3A_623 = %scan3A) -> (i32)  : i32 {
      %mul3A_624 = arith.constant 80 : i32
      %mul3A_625 = arith.muli %scan3A_622, %mul3A_624 : i32
      %dma_start3A_626 = tpu.memref_slice %arg9[%mul3A_625] : memref<20000xi32, #tpu.memory_space<vmem>> -> memref<80xi32, #tpu.memory_space<vmem>>
      %dma_start3A_627 = arith.constant 0 : i32
      %dma_start3A_628 = tpu.memref_slice %arg16[%dma_start3A_627] : memref<10240xf32, #tpu.memory_space<vmem_shared>> -> memref<10240xf32, #tpu.memory_space<vmem_shared>>
      tpu.enqueue_indirect_dma source(%arg10 : memref<80xf32, #tpu.memory_space<vmem>>) target(%dma_start3A_628 : memref<10240xf32, #tpu.memory_space<vmem_shared>>) offsets(%dma_start3A_626 : memref<80xi32, #tpu.memory_space<vmem>>) semaphore(%arg17 : memref<!tpu.dma_semaphore, #tpu.memory_space<semaphore_mem>>) {add = true}
      %ge3A = arith.constant 8 : i32
      %ge3A_629 = arith.cmpi sge, %scan3A_622, %ge3A : i32
      %convert_element_type3A_630 = arith.extui %ge3A_629 : i1 to i32
      %cond3A_631 = arith.constant 0 : i32
      %cond3A_632 = arith.cmpi ne, %convert_element_type3A_630, %cond3A_631 : i32
      scf.if %cond3A_632 {
        %dma_wait3A_634 = arith.constant 0 : i32
        %dma_wait3A_635 = tpu.memref_slice %arg9[%dma_wait3A_634] : memref<20000xi32, #tpu.memory_space<vmem>> -> memref<80xi32, #tpu.memory_space<vmem>>
        %dma_wait3A_636 = arith.constant 0 : i32
        %dma_wait3A_637 = tpu.memref_slice %arg16[%dma_wait3A_636] : memref<10240xf32, #tpu.memory_space<vmem_shared>> -> memref<10240xf32, #tpu.memory_space<vmem_shared>>
        tpu.wait_indirect_dma semaphore(%arg17 : memref<!tpu.dma_semaphore, #tpu.memory_space<semaphore_mem>>) src(%arg10 : memref<80xf32, #tpu.memory_space<vmem>>) dst(%dma_wait3A_637 : memref<10240xf32, #tpu.memory_space<vmem_shared>>)
      } else {
      }
      %scan3A_633 = arith.constant 0 : i32
      scf.yield %scan3A_633 : i32
    }
    %scan3A_277 = arith.constant 250 : i32
    %dma_wait3A = arith.constant 0 : i32
    %dma_wait3A_278 = tpu.memref_slice %arg9[%dma_wait3A] : memref<20000xi32, #tpu.memory_space<vmem>> -> memref<80xi32, #tpu.memory_space<vmem>>
    %dma_wait3A_279 = arith.constant 0 : i32
    %dma_wait3A_280 = tpu.memref_slice %arg16[%dma_wait3A_279] : memref<10240xf32, #tpu.memory_space<vmem_shared>> -> memref<10240xf32, #tpu.memory_space<vmem_shared>>
    tpu.wait_indirect_dma semaphore(%arg17 : memref<!tpu.dma_semaphore, #tpu.memory_space<semaphore_mem>>) src(%arg10 : memref<80xf32, #tpu.memory_space<vmem>>) dst(%dma_wait3A_280 : memref<10240xf32, #tpu.memory_space<vmem_shared>>)
    %dma_wait3A_281 = arith.constant 0 : i32
    %dma_wait3A_282 = tpu.memref_slice %arg9[%dma_wait3A_281] : memref<20000xi32, #tpu.memory_space<vmem>> -> memref<80xi32, #tpu.memory_space<vmem>>
    %dma_wait3A_283 = arith.constant 0 : i32
    %dma_wait3A_284 = tpu.memref_slice %arg16[%dma_wait3A_283] : memref<10240xf32, #tpu.memory_space<vmem_shared>> -> memref<10240xf32, #tpu.memory_space<vmem_shared>>
    tpu.wait_indirect_dma semaphore(%arg17 : memref<!tpu.dma_semaphore, #tpu.memory_space<semaphore_mem>>) src(%arg10 : memref<80xf32, #tpu.memory_space<vmem>>) dst(%dma_wait3A_284 : memref<10240xf32, #tpu.memory_space<vmem_shared>>)
    %dma_wait3A_285 = arith.constant 0 : i32
    %dma_wait3A_286 = tpu.memref_slice %arg9[%dma_wait3A_285] : memref<20000xi32, #tpu.memory_space<vmem>> -> memref<80xi32, #tpu.memory_space<vmem>>
    %dma_wait3A_287 = arith.constant 0 : i32
    %dma_wait3A_288 = tpu.memref_slice %arg16[%dma_wait3A_287] : memref<10240xf32, #tpu.memory_space<vmem_shared>> -> memref<10240xf32, #tpu.memory_space<vmem_shared>>
    tpu.wait_indirect_dma semaphore(%arg17 : memref<!tpu.dma_semaphore, #tpu.memory_space<semaphore_mem>>) src(%arg10 : memref<80xf32, #tpu.memory_space<vmem>>) dst(%dma_wait3A_288 : memref<10240xf32, #tpu.memory_space<vmem_shared>>)
    %dma_wait3A_289 = arith.constant 0 : i32
    %dma_wait3A_290 = tpu.memref_slice %arg9[%dma_wait3A_289] : memref<20000xi32, #tpu.memory_space<vmem>> -> memref<80xi32, #tpu.memory_space<vmem>>
    %dma_wait3A_291 = arith.constant 0 : i32
    %dma_wait3A_292 = tpu.memref_slice %arg16[%dma_wait3A_291] : memref<10240xf32, #tpu.memory_space<vmem_shared>> -> memref<10240xf32, #tpu.memory_space<vmem_shared>>
    tpu.wait_indirect_dma semaphore(%arg17 : memref<!tpu.dma_semaphore, #tpu.memory_space<semaphore_mem>>) src(%arg10 : memref<80xf32, #tpu.memory_space<vmem>>) dst(%dma_wait3A_292 : memref<10240xf32, #tpu.memory_space<vmem_shared>>)
    %dma_wait3A_293 = arith.constant 0 : i32
    %dma_wait3A_294 = tpu.memref_slice %arg9[%dma_wait3A_293] : memref<20000xi32, #tpu.memory_space<vmem>> -> memref<80xi32, #tpu.memory_space<vmem>>
    %dma_wait3A_295 = arith.constant 0 : i32
    %dma_wait3A_296 = tpu.memref_slice %arg16[%dma_wait3A_295] : memref<10240xf32, #tpu.memory_space<vmem_shared>> -> memref<10240xf32, #tpu.memory_space<vmem_shared>>
    tpu.wait_indirect_dma semaphore(%arg17 : memref<!tpu.dma_semaphore, #tpu.memory_space<semaphore_mem>>) src(%arg10 : memref<80xf32, #tpu.memory_space<vmem>>) dst(%dma_wait3A_296 : memref<10240xf32, #tpu.memory_space<vmem_shared>>)
    %dma_wait3A_297 = arith.constant 0 : i32
    %dma_wait3A_298 = tpu.memref_slice %arg9[%dma_wait3A_297] : memref<20000xi32, #tpu.memory_space<vmem>> -> memref<80xi32, #tpu.memory_space<vmem>>
    %dma_wait3A_299 = arith.constant 0 : i32
    %dma_wait3A_300 = tpu.memref_slice %arg16[%dma_wait3A_299] : memref<10240xf32, #tpu.memory_space<vmem_shared>> -> memref<10240xf32, #tpu.memory_space<vmem_shared>>
    tpu.wait_indirect_dma semaphore(%arg17 : memref<!tpu.dma_semaphore, #tpu.memory_space<semaphore_mem>>) src(%arg10 : memref<80xf32, #tpu.memory_space<vmem>>) dst(%dma_wait3A_300 : memref<10240xf32, #tpu.memory_space<vmem_shared>>)
    %dma_wait3A_301 = arith.constant 0 : i32
    %dma_wait3A_302 = tpu.memref_slice %arg9[%dma_wait3A_301] : memref<20000xi32, #tpu.memory_space<vmem>> -> memref<80xi32, #tpu.memory_space<vmem>>
    %dma_wait3A_303 = arith.constant 0 : i32
    %dma_wait3A_304 = tpu.memref_slice %arg16[%dma_wait3A_303] : memref<10240xf32, #tpu.memory_space<vmem_shared>> -> memref<10240xf32, #tpu.memory_space<vmem_shared>>
    tpu.wait_indirect_dma semaphore(%arg17 : memref<!tpu.dma_semaphore, #tpu.memory_space<semaphore_mem>>) src(%arg10 : memref<80xf32, #tpu.memory_space<vmem>>) dst(%dma_wait3A_304 : memref<10240xf32, #tpu.memory_space<vmem_shared>>)
    %dma_wait3A_305 = arith.constant 0 : i32
    %dma_wait3A_306 = tpu.memref_slice %arg9[%dma_wait3A_305] : memref<20000xi32, #tpu.memory_space<vmem>> -> memref<80xi32, #tpu.memory_space<vmem>>
    %dma_wait3A_307 = arith.constant 0 : i32
    %dma_wait3A_308 = tpu.memref_slice %arg16[%dma_wait3A_307] : memref<10240xf32, #tpu.memory_space<vmem_shared>> -> memref<10240xf32, #tpu.memory_space<vmem_shared>>
    tpu.wait_indirect_dma semaphore(%arg17 : memref<!tpu.dma_semaphore, #tpu.memory_space<semaphore_mem>>) src(%arg10 : memref<80xf32, #tpu.memory_space<vmem>>) dst(%dma_wait3A_308 : memref<10240xf32, #tpu.memory_space<vmem_shared>>)
    %barrier3A_309 = arith.constant 0 : index
    tpu.barrier barrier_id(%barrier3A_309)
    %eq3A = arith.constant 0 : i32
    %eq3A_310 = arith.cmpi eq, %arg0, %eq3A : i32
    %convert_element_type3A = arith.extui %eq3A_310 : i1 to i32
    %cond3A = arith.constant 0 : i32
    %cond3A_311 = arith.cmpi ne, %convert_element_type3A, %cond3A : i32
    scf.if %cond3A_311 {
      %mul3A_622 = arith.constant 640 : i32
      %mul3A_623 = arith.muli %arg1, %mul3A_622 : i32
      %mul3A_624 = arith.constant 640 : i32
      %mul3A_625 = arith.muli %arg1, %mul3A_624 : i32
      "tpu.region"() ({
        %run_scoped3A = tpu.sem_alloc : memref<!tpu.dma_semaphore, #tpu.memory_space<semaphore_mem>>
        %dma_start3A_626 = tpu.memref_slice %arg6[%mul3A_625] : memref<10240xf32, #tpu.memory_space<hbm>> -> memref<640xf32, #tpu.memory_space<hbm>>
        %dma_start3A_627 = tpu.memref_slice %arg16[%mul3A_623] : memref<10240xf32, #tpu.memory_space<vmem_shared>> -> memref<640xf32, #tpu.memory_space<vmem_shared>>
        tpu.enqueue_dma source(%dma_start3A_627 : memref<640xf32, #tpu.memory_space<vmem_shared>>) target(%dma_start3A_626 : memref<640xf32, #tpu.memory_space<hbm>>) target_semaphore(%run_scoped3A : memref<!tpu.dma_semaphore, #tpu.memory_space<semaphore_mem>>)
        %dma_wait3A_628 = tpu.memref_slice %arg6[%mul3A_625] : memref<10240xf32, #tpu.memory_space<hbm>> -> memref<640xf32, #tpu.memory_space<hbm>>
        %dma_wait3A_629 = tpu.memref_slice %arg16[%mul3A_623] : memref<10240xf32, #tpu.memory_space<vmem_shared>> -> memref<640xf32, #tpu.memory_space<vmem_shared>>
        tpu.wait_dma2 semaphore(%run_scoped3A : memref<!tpu.dma_semaphore, #tpu.memory_space<semaphore_mem>>) src(%dma_wait3A_629 : memref<640xf32, #tpu.memory_space<vmem_shared>>) dst(%dma_wait3A_628 : memref<640xf32, #tpu.memory_space<hbm>>)
        tpu.yield
      }) : () -> ()
    } else {
    }
    %mul3A_312 = arith.constant 5120 : i32
    %mul3A_313 = arith.muli %arg0, %mul3A_312 : i32
    %mul3A_314 = arith.constant 320 : i32
    %mul3A_315 = arith.muli %arg1, %mul3A_314 : i32
    %add3A_316 = arith.addi %mul3A_313, %mul3A_315 : i32
    "tpu.region"() ({
      %run_scoped3A = tpu.sem_alloc : memref<!tpu.dma_semaphore, #tpu.memory_space<semaphore_mem>>
      %dma_start3A_622 = tpu.memref_slice %arg3[%add3A_316] : memref<10240xi32, #tpu.memory_space<hbm>> -> memref<320xi32, #tpu.memory_space<hbm>>
      %dma_start3A_623 = tpu.memref_slice %arg3[%add3A_316] : memref<10240xi32, #tpu.memory_space<hbm>> -> memref<320xi32, #tpu.memory_space<hbm>>
      tpu.enqueue_dma source(%dma_start3A_623 : memref<320xi32, #tpu.memory_space<hbm>>) target(%arg12 : memref<320xi32, #tpu.memory_space<vmem>>) target_semaphore(%run_scoped3A : memref<!tpu.dma_semaphore, #tpu.memory_space<semaphore_mem>>)
      %dma_wait3A_624 = tpu.memref_slice %arg3[%add3A_316] : memref<10240xi32, #tpu.memory_space<hbm>> -> memref<320xi32, #tpu.memory_space<hbm>>
      %dma_wait3A_625 = tpu.memref_slice %arg3[%add3A_316] : memref<10240xi32, #tpu.memory_space<hbm>> -> memref<320xi32, #tpu.memory_space<hbm>>
      tpu.wait_dma2 semaphore(%run_scoped3A : memref<!tpu.dma_semaphore, #tpu.memory_space<semaphore_mem>>) src(%dma_wait3A_625 : memref<320xi32, #tpu.memory_space<hbm>>) dst(%arg12 : memref<320xi32, #tpu.memory_space<vmem>>)
      tpu.yield
    }) : () -> ()
    "tpu.region"() ({
      %run_scoped3A = tpu.sem_alloc : memref<!tpu.dma_semaphore, #tpu.memory_space<semaphore_mem>>
      %dma_start3A_622 = tpu.memref_slice %arg16[%add3A_316] : memref<10240xf32, #tpu.memory_space<vmem_shared>> -> memref<320xf32, #tpu.memory_space<vmem_shared>>
      %dma_start3A_623 = tpu.memref_slice %arg16[%add3A_316] : memref<10240xf32, #tpu.memory_space<vmem_shared>> -> memref<320xf32, #tpu.memory_space<vmem_shared>>
      tpu.enqueue_dma source(%dma_start3A_623 : memref<320xf32, #tpu.memory_space<vmem_shared>>) target(%arg14 : memref<320xf32, #tpu.memory_space<vmem>>) target_semaphore(%run_scoped3A : memref<!tpu.dma_semaphore, #tpu.memory_space<semaphore_mem>>)
      %dma_wait3A_624 = tpu.memref_slice %arg16[%add3A_316] : memref<10240xf32, #tpu.memory_space<vmem_shared>> -> memref<320xf32, #tpu.memory_space<vmem_shared>>
      %dma_wait3A_625 = tpu.memref_slice %arg16[%add3A_316] : memref<10240xf32, #tpu.memory_space<vmem_shared>> -> memref<320xf32, #tpu.memory_space<vmem_shared>>
      tpu.wait_dma2 semaphore(%run_scoped3A : memref<!tpu.dma_semaphore, #tpu.memory_space<semaphore_mem>>) src(%dma_wait3A_625 : memref<320xf32, #tpu.memory_space<vmem_shared>>) dst(%arg14 : memref<320xf32, #tpu.memory_space<vmem>>)
      tpu.yield
    }) : () -> ()
    %get3A = arith.constant 0 : index
    %get3A_317 = tpu.vector_load %arg14[%get3A] {strides = array<i32>} : memref<320xf32, #tpu.memory_space<vmem>>, vector<16xf32>,
    %get3A_318 = vector.shape_cast %get3A_317 : vector<16xf32> to vector<16xf32>
    %min3A = arith.constant 1.000000e+03 : f32
    %min3A_319 = vector.broadcast %min3A : f32 to vector<16xf32>
    %min3A_320 = arith.minimumf %get3A_318, %min3A_319 : vector<16xf32>
    %convert_element_type3A_321 = arith.fptosi %min3A_320 : vector<16xf32> to vector<16xi32>
    %swap3A_322 = arith.constant 0 : index
    %swap3A_323 = tpu.vector_load %arg13[%swap3A_322] {strides = array<i32>} : memref<320xi32, #tpu.memory_space<vmem>>, vector<16xi32>,
    %swap3A_324 = vector.shape_cast %swap3A_323 : vector<16xi32> to vector<16xi32>
    %swap3A_325 = vector.shape_cast %convert_element_type3A_321 : vector<16xi32> to vector<16xi32>
    tpu.vector_store %arg13[%swap3A_322], %swap3A_325 {strides = array<i32>} : memref<320xi32, #tpu.memory_space<vmem>>, vector<16xi32>,
    %get3A_326 = arith.constant 16 : index
    %get3A_327 = tpu.vector_load %arg14[%get3A_326] {strides = array<i32>} : memref<320xf32, #tpu.memory_space<vmem>>, vector<16xf32>,
    %get3A_328 = vector.shape_cast %get3A_327 : vector<16xf32> to vector<16xf32>
    %min3A_329 = arith.constant 1.000000e+03 : f32
    %min3A_330 = vector.broadcast %min3A_329 : f32 to vector<16xf32>
    %min3A_331 = arith.minimumf %get3A_328, %min3A_330 : vector<16xf32>
    %convert_element_type3A_332 = arith.fptosi %min3A_331 : vector<16xf32> to vector<16xi32>
    %swap3A_333 = arith.constant 16 : index
    %swap3A_334 = tpu.vector_load %arg13[%swap3A_333] {strides = array<i32>} : memref<320xi32, #tpu.memory_space<vmem>>, vector<16xi32>,
    %swap3A_335 = vector.shape_cast %swap3A_334 : vector<16xi32> to vector<16xi32>
    %swap3A_336 = vector.shape_cast %convert_element_type3A_332 : vector<16xi32> to vector<16xi32>
    tpu.vector_store %arg13[%swap3A_333], %swap3A_336 {strides = array<i32>} : memref<320xi32, #tpu.memory_space<vmem>>, vector<16xi32>,
    %get3A_337 = arith.constant 32 : index
    %get3A_338 = tpu.vector_load %arg14[%get3A_337] {strides = array<i32>} : memref<320xf32, #tpu.memory_space<vmem>>, vector<16xf32>,
    %get3A_339 = vector.shape_cast %get3A_338 : vector<16xf32> to vector<16xf32>
    %min3A_340 = arith.constant 1.000000e+03 : f32
    %min3A_341 = vector.broadcast %min3A_340 : f32 to vector<16xf32>
    %min3A_342 = arith.minimumf %get3A_339, %min3A_341 : vector<16xf32>
    %convert_element_type3A_343 = arith.fptosi %min3A_342 : vector<16xf32> to vector<16xi32>
    %swap3A_344 = arith.constant 32 : index
    %swap3A_345 = tpu.vector_load %arg13[%swap3A_344] {strides = array<i32>} : memref<320xi32, #tpu.memory_space<vmem>>, vector<16xi32>,
    %swap3A_346 = vector.shape_cast %swap3A_345 : vector<16xi32> to vector<16xi32>
    %swap3A_347 = vector.shape_cast %convert_element_type3A_343 : vector<16xi32> to vector<16xi32>
    tpu.vector_store %arg13[%swap3A_344], %swap3A_347 {strides = array<i32>} : memref<320xi32, #tpu.memory_space<vmem>>, vector<16xi32>,
    %get3A_348 = arith.constant 48 : index
    %get3A_349 = tpu.vector_load %arg14[%get3A_348] {strides = array<i32>} : memref<320xf32, #tpu.memory_space<vmem>>, vector<16xf32>,
    %get3A_350 = vector.shape_cast %get3A_349 : vector<16xf32> to vector<16xf32>
    %min3A_351 = arith.constant 1.000000e+03 : f32
    %min3A_352 = vector.broadcast %min3A_351 : f32 to vector<16xf32>
    %min3A_353 = arith.minimumf %get3A_350, %min3A_352 : vector<16xf32>
    %convert_element_type3A_354 = arith.fptosi %min3A_353 : vector<16xf32> to vector<16xi32>
    %swap3A_355 = arith.constant 48 : index
    %swap3A_356 = tpu.vector_load %arg13[%swap3A_355] {strides = array<i32>} : memref<320xi32, #tpu.memory_space<vmem>>, vector<16xi32>,
    %swap3A_357 = vector.shape_cast %swap3A_356 : vector<16xi32> to vector<16xi32>
    %swap3A_358 = vector.shape_cast %convert_element_type3A_354 : vector<16xi32> to vector<16xi32>
    tpu.vector_store %arg13[%swap3A_355], %swap3A_358 {strides = array<i32>} : memref<320xi32, #tpu.memory_space<vmem>>, vector<16xi32>,
    %get3A_359 = arith.constant 64 : index
    %get3A_360 = tpu.vector_load %arg14[%get3A_359] {strides = array<i32>} : memref<320xf32, #tpu.memory_space<vmem>>, vector<16xf32>,
    %get3A_361 = vector.shape_cast %get3A_360 : vector<16xf32> to vector<16xf32>
    %min3A_362 = arith.constant 1.000000e+03 : f32
    %min3A_363 = vector.broadcast %min3A_362 : f32 to vector<16xf32>
    %min3A_364 = arith.minimumf %get3A_361, %min3A_363 : vector<16xf32>
    %convert_element_type3A_365 = arith.fptosi %min3A_364 : vector<16xf32> to vector<16xi32>
    %swap3A_366 = arith.constant 64 : index
    %swap3A_367 = tpu.vector_load %arg13[%swap3A_366] {strides = array<i32>} : memref<320xi32, #tpu.memory_space<vmem>>, vector<16xi32>,
    %swap3A_368 = vector.shape_cast %swap3A_367 : vector<16xi32> to vector<16xi32>
    %swap3A_369 = vector.shape_cast %convert_element_type3A_365 : vector<16xi32> to vector<16xi32>
    tpu.vector_store %arg13[%swap3A_366], %swap3A_369 {strides = array<i32>} : memref<320xi32, #tpu.memory_space<vmem>>, vector<16xi32>,
    %get3A_370 = arith.constant 80 : index
    %get3A_371 = tpu.vector_load %arg14[%get3A_370] {strides = array<i32>} : memref<320xf32, #tpu.memory_space<vmem>>, vector<16xf32>,
    %get3A_372 = vector.shape_cast %get3A_371 : vector<16xf32> to vector<16xf32>
    %min3A_373 = arith.constant 1.000000e+03 : f32
    %min3A_374 = vector.broadcast %min3A_373 : f32 to vector<16xf32>
    %min3A_375 = arith.minimumf %get3A_372, %min3A_374 : vector<16xf32>
    %convert_element_type3A_376 = arith.fptosi %min3A_375 : vector<16xf32> to vector<16xi32>
    %swap3A_377 = arith.constant 80 : index
    %swap3A_378 = tpu.vector_load %arg13[%swap3A_377] {strides = array<i32>} : memref<320xi32, #tpu.memory_space<vmem>>, vector<16xi32>,
    %swap3A_379 = vector.shape_cast %swap3A_378 : vector<16xi32> to vector<16xi32>
    %swap3A_380 = vector.shape_cast %convert_element_type3A_376 : vector<16xi32> to vector<16xi32>
    tpu.vector_store %arg13[%swap3A_377], %swap3A_380 {strides = array<i32>} : memref<320xi32, #tpu.memory_space<vmem>>, vector<16xi32>,
    %get3A_381 = arith.constant 96 : index
    %get3A_382 = tpu.vector_load %arg14[%get3A_381] {strides = array<i32>} : memref<320xf32, #tpu.memory_space<vmem>>, vector<16xf32>,
    %get3A_383 = vector.shape_cast %get3A_382 : vector<16xf32> to vector<16xf32>
    %min3A_384 = arith.constant 1.000000e+03 : f32
    %min3A_385 = vector.broadcast %min3A_384 : f32 to vector<16xf32>
    %min3A_386 = arith.minimumf %get3A_383, %min3A_385 : vector<16xf32>
    %convert_element_type3A_387 = arith.fptosi %min3A_386 : vector<16xf32> to vector<16xi32>
    %swap3A_388 = arith.constant 96 : index
    %swap3A_389 = tpu.vector_load %arg13[%swap3A_388] {strides = array<i32>} : memref<320xi32, #tpu.memory_space<vmem>>, vector<16xi32>,
    %swap3A_390 = vector.shape_cast %swap3A_389 : vector<16xi32> to vector<16xi32>
    %swap3A_391 = vector.shape_cast %convert_element_type3A_387 : vector<16xi32> to vector<16xi32>
    tpu.vector_store %arg13[%swap3A_388], %swap3A_391 {strides = array<i32>} : memref<320xi32, #tpu.memory_space<vmem>>, vector<16xi32>,
    %get3A_392 = arith.constant 112 : index
    %get3A_393 = tpu.vector_load %arg14[%get3A_392] {strides = array<i32>} : memref<320xf32, #tpu.memory_space<vmem>>, vector<16xf32>,
    %get3A_394 = vector.shape_cast %get3A_393 : vector<16xf32> to vector<16xf32>
    %min3A_395 = arith.constant 1.000000e+03 : f32
    %min3A_396 = vector.broadcast %min3A_395 : f32 to vector<16xf32>
    %min3A_397 = arith.minimumf %get3A_394, %min3A_396 : vector<16xf32>
    %convert_element_type3A_398 = arith.fptosi %min3A_397 : vector<16xf32> to vector<16xi32>
    %swap3A_399 = arith.constant 112 : index
    %swap3A_400 = tpu.vector_load %arg13[%swap3A_399] {strides = array<i32>} : memref<320xi32, #tpu.memory_space<vmem>>, vector<16xi32>,
    %swap3A_401 = vector.shape_cast %swap3A_400 : vector<16xi32> to vector<16xi32>
    %swap3A_402 = vector.shape_cast %convert_element_type3A_398 : vector<16xi32> to vector<16xi32>
    tpu.vector_store %arg13[%swap3A_399], %swap3A_402 {strides = array<i32>} : memref<320xi32, #tpu.memory_space<vmem>>, vector<16xi32>,
    %get3A_403 = arith.constant 128 : index
    %get3A_404 = tpu.vector_load %arg14[%get3A_403] {strides = array<i32>} : memref<320xf32, #tpu.memory_space<vmem>>, vector<16xf32>,
    %get3A_405 = vector.shape_cast %get3A_404 : vector<16xf32> to vector<16xf32>
    %min3A_406 = arith.constant 1.000000e+03 : f32
    %min3A_407 = vector.broadcast %min3A_406 : f32 to vector<16xf32>
    %min3A_408 = arith.minimumf %get3A_405, %min3A_407 : vector<16xf32>
    %convert_element_type3A_409 = arith.fptosi %min3A_408 : vector<16xf32> to vector<16xi32>
    %swap3A_410 = arith.constant 128 : index
    %swap3A_411 = tpu.vector_load %arg13[%swap3A_410] {strides = array<i32>} : memref<320xi32, #tpu.memory_space<vmem>>, vector<16xi32>,
    %swap3A_412 = vector.shape_cast %swap3A_411 : vector<16xi32> to vector<16xi32>
    %swap3A_413 = vector.shape_cast %convert_element_type3A_409 : vector<16xi32> to vector<16xi32>
    tpu.vector_store %arg13[%swap3A_410], %swap3A_413 {strides = array<i32>} : memref<320xi32, #tpu.memory_space<vmem>>, vector<16xi32>,
    %get3A_414 = arith.constant 144 : index
    %get3A_415 = tpu.vector_load %arg14[%get3A_414] {strides = array<i32>} : memref<320xf32, #tpu.memory_space<vmem>>, vector<16xf32>,
    %get3A_416 = vector.shape_cast %get3A_415 : vector<16xf32> to vector<16xf32>
    %min3A_417 = arith.constant 1.000000e+03 : f32
    %min3A_418 = vector.broadcast %min3A_417 : f32 to vector<16xf32>
    %min3A_419 = arith.minimumf %get3A_416, %min3A_418 : vector<16xf32>
    %convert_element_type3A_420 = arith.fptosi %min3A_419 : vector<16xf32> to vector<16xi32>
    %swap3A_421 = arith.constant 144 : index
    %swap3A_422 = tpu.vector_load %arg13[%swap3A_421] {strides = array<i32>} : memref<320xi32, #tpu.memory_space<vmem>>, vector<16xi32>,
    %swap3A_423 = vector.shape_cast %swap3A_422 : vector<16xi32> to vector<16xi32>
    %swap3A_424 = vector.shape_cast %convert_element_type3A_420 : vector<16xi32> to vector<16xi32>
    tpu.vector_store %arg13[%swap3A_421], %swap3A_424 {strides = array<i32>} : memref<320xi32, #tpu.memory_space<vmem>>, vector<16xi32>,
    %get3A_425 = arith.constant 160 : index
    %get3A_426 = tpu.vector_load %arg14[%get3A_425] {strides = array<i32>} : memref<320xf32, #tpu.memory_space<vmem>>, vector<16xf32>,
    %get3A_427 = vector.shape_cast %get3A_426 : vector<16xf32> to vector<16xf32>
    %min3A_428 = arith.constant 1.000000e+03 : f32
    %min3A_429 = vector.broadcast %min3A_428 : f32 to vector<16xf32>
    %min3A_430 = arith.minimumf %get3A_427, %min3A_429 : vector<16xf32>
    %convert_element_type3A_431 = arith.fptosi %min3A_430 : vector<16xf32> to vector<16xi32>
    %swap3A_432 = arith.constant 160 : index
    %swap3A_433 = tpu.vector_load %arg13[%swap3A_432] {strides = array<i32>} : memref<320xi32, #tpu.memory_space<vmem>>, vector<16xi32>,
    %swap3A_434 = vector.shape_cast %swap3A_433 : vector<16xi32> to vector<16xi32>
    %swap3A_435 = vector.shape_cast %convert_element_type3A_431 : vector<16xi32> to vector<16xi32>
    tpu.vector_store %arg13[%swap3A_432], %swap3A_435 {strides = array<i32>} : memref<320xi32, #tpu.memory_space<vmem>>, vector<16xi32>,
    %get3A_436 = arith.constant 176 : index
    %get3A_437 = tpu.vector_load %arg14[%get3A_436] {strides = array<i32>} : memref<320xf32, #tpu.memory_space<vmem>>, vector<16xf32>,
    %get3A_438 = vector.shape_cast %get3A_437 : vector<16xf32> to vector<16xf32>
    %min3A_439 = arith.constant 1.000000e+03 : f32
    %min3A_440 = vector.broadcast %min3A_439 : f32 to vector<16xf32>
    %min3A_441 = arith.minimumf %get3A_438, %min3A_440 : vector<16xf32>
    %convert_element_type3A_442 = arith.fptosi %min3A_441 : vector<16xf32> to vector<16xi32>
    %swap3A_443 = arith.constant 176 : index
    %swap3A_444 = tpu.vector_load %arg13[%swap3A_443] {strides = array<i32>} : memref<320xi32, #tpu.memory_space<vmem>>, vector<16xi32>,
    %swap3A_445 = vector.shape_cast %swap3A_444 : vector<16xi32> to vector<16xi32>
    %swap3A_446 = vector.shape_cast %convert_element_type3A_442 : vector<16xi32> to vector<16xi32>
    tpu.vector_store %arg13[%swap3A_443], %swap3A_446 {strides = array<i32>} : memref<320xi32, #tpu.memory_space<vmem>>, vector<16xi32>,
    %get3A_447 = arith.constant 192 : index
    %get3A_448 = tpu.vector_load %arg14[%get3A_447] {strides = array<i32>} : memref<320xf32, #tpu.memory_space<vmem>>, vector<16xf32>,
    %get3A_449 = vector.shape_cast %get3A_448 : vector<16xf32> to vector<16xf32>
    %min3A_450 = arith.constant 1.000000e+03 : f32
    %min3A_451 = vector.broadcast %min3A_450 : f32 to vector<16xf32>
    %min3A_452 = arith.minimumf %get3A_449, %min3A_451 : vector<16xf32>
    %convert_element_type3A_453 = arith.fptosi %min3A_452 : vector<16xf32> to vector<16xi32>
    %swap3A_454 = arith.constant 192 : index
    %swap3A_455 = tpu.vector_load %arg13[%swap3A_454] {strides = array<i32>} : memref<320xi32, #tpu.memory_space<vmem>>, vector<16xi32>,
    %swap3A_456 = vector.shape_cast %swap3A_455 : vector<16xi32> to vector<16xi32>
    %swap3A_457 = vector.shape_cast %convert_element_type3A_453 : vector<16xi32> to vector<16xi32>
    tpu.vector_store %arg13[%swap3A_454], %swap3A_457 {strides = array<i32>} : memref<320xi32, #tpu.memory_space<vmem>>, vector<16xi32>,
    %get3A_458 = arith.constant 208 : index
    %get3A_459 = tpu.vector_load %arg14[%get3A_458] {strides = array<i32>} : memref<320xf32, #tpu.memory_space<vmem>>, vector<16xf32>,
    %get3A_460 = vector.shape_cast %get3A_459 : vector<16xf32> to vector<16xf32>
    %min3A_461 = arith.constant 1.000000e+03 : f32
    %min3A_462 = vector.broadcast %min3A_461 : f32 to vector<16xf32>
    %min3A_463 = arith.minimumf %get3A_460, %min3A_462 : vector<16xf32>
    %convert_element_type3A_464 = arith.fptosi %min3A_463 : vector<16xf32> to vector<16xi32>
    %swap3A_465 = arith.constant 208 : index
    %swap3A_466 = tpu.vector_load %arg13[%swap3A_465] {strides = array<i32>} : memref<320xi32, #tpu.memory_space<vmem>>, vector<16xi32>,
    %swap3A_467 = vector.shape_cast %swap3A_466 : vector<16xi32> to vector<16xi32>
    %swap3A_468 = vector.shape_cast %convert_element_type3A_464 : vector<16xi32> to vector<16xi32>
    tpu.vector_store %arg13[%swap3A_465], %swap3A_468 {strides = array<i32>} : memref<320xi32, #tpu.memory_space<vmem>>, vector<16xi32>,
    %get3A_469 = arith.constant 224 : index
    %get3A_470 = tpu.vector_load %arg14[%get3A_469] {strides = array<i32>} : memref<320xf32, #tpu.memory_space<vmem>>, vector<16xf32>,
    %get3A_471 = vector.shape_cast %get3A_470 : vector<16xf32> to vector<16xf32>
    %min3A_472 = arith.constant 1.000000e+03 : f32
    %min3A_473 = vector.broadcast %min3A_472 : f32 to vector<16xf32>
    %min3A_474 = arith.minimumf %get3A_471, %min3A_473 : vector<16xf32>
    %convert_element_type3A_475 = arith.fptosi %min3A_474 : vector<16xf32> to vector<16xi32>
    %swap3A_476 = arith.constant 224 : index
    %swap3A_477 = tpu.vector_load %arg13[%swap3A_476] {strides = array<i32>} : memref<320xi32, #tpu.memory_space<vmem>>, vector<16xi32>,
    %swap3A_478 = vector.shape_cast %swap3A_477 : vector<16xi32> to vector<16xi32>
    %swap3A_479 = vector.shape_cast %convert_element_type3A_475 : vector<16xi32> to vector<16xi32>
    tpu.vector_store %arg13[%swap3A_476], %swap3A_479 {strides = array<i32>} : memref<320xi32, #tpu.memory_space<vmem>>, vector<16xi32>,
    %get3A_480 = arith.constant 240 : index
    %get3A_481 = tpu.vector_load %arg14[%get3A_480] {strides = array<i32>} : memref<320xf32, #tpu.memory_space<vmem>>, vector<16xf32>,
    %get3A_482 = vector.shape_cast %get3A_481 : vector<16xf32> to vector<16xf32>
    %min3A_483 = arith.constant 1.000000e+03 : f32
    %min3A_484 = vector.broadcast %min3A_483 : f32 to vector<16xf32>
    %min3A_485 = arith.minimumf %get3A_482, %min3A_484 : vector<16xf32>
    %convert_element_type3A_486 = arith.fptosi %min3A_485 : vector<16xf32> to vector<16xi32>
    %swap3A_487 = arith.constant 240 : index
    %swap3A_488 = tpu.vector_load %arg13[%swap3A_487] {strides = array<i32>} : memref<320xi32, #tpu.memory_space<vmem>>, vector<16xi32>,
    %swap3A_489 = vector.shape_cast %swap3A_488 : vector<16xi32> to vector<16xi32>
    %swap3A_490 = vector.shape_cast %convert_element_type3A_486 : vector<16xi32> to vector<16xi32>
    tpu.vector_store %arg13[%swap3A_487], %swap3A_490 {strides = array<i32>} : memref<320xi32, #tpu.memory_space<vmem>>, vector<16xi32>,
    %get3A_491 = arith.constant 256 : index
    %get3A_492 = tpu.vector_load %arg14[%get3A_491] {strides = array<i32>} : memref<320xf32, #tpu.memory_space<vmem>>, vector<16xf32>,
    %get3A_493 = vector.shape_cast %get3A_492 : vector<16xf32> to vector<16xf32>
    %min3A_494 = arith.constant 1.000000e+03 : f32
    %min3A_495 = vector.broadcast %min3A_494 : f32 to vector<16xf32>
    %min3A_496 = arith.minimumf %get3A_493, %min3A_495 : vector<16xf32>
    %convert_element_type3A_497 = arith.fptosi %min3A_496 : vector<16xf32> to vector<16xi32>
    %swap3A_498 = arith.constant 256 : index
    %swap3A_499 = tpu.vector_load %arg13[%swap3A_498] {strides = array<i32>} : memref<320xi32, #tpu.memory_space<vmem>>, vector<16xi32>,
    %swap3A_500 = vector.shape_cast %swap3A_499 : vector<16xi32> to vector<16xi32>
    %swap3A_501 = vector.shape_cast %convert_element_type3A_497 : vector<16xi32> to vector<16xi32>
    tpu.vector_store %arg13[%swap3A_498], %swap3A_501 {strides = array<i32>} : memref<320xi32, #tpu.memory_space<vmem>>, vector<16xi32>,
    %get3A_502 = arith.constant 272 : index
    %get3A_503 = tpu.vector_load %arg14[%get3A_502] {strides = array<i32>} : memref<320xf32, #tpu.memory_space<vmem>>, vector<16xf32>,
    %get3A_504 = vector.shape_cast %get3A_503 : vector<16xf32> to vector<16xf32>
    %min3A_505 = arith.constant 1.000000e+03 : f32
    %min3A_506 = vector.broadcast %min3A_505 : f32 to vector<16xf32>
    %min3A_507 = arith.minimumf %get3A_504, %min3A_506 : vector<16xf32>
    %convert_element_type3A_508 = arith.fptosi %min3A_507 : vector<16xf32> to vector<16xi32>
    %swap3A_509 = arith.constant 272 : index
    %swap3A_510 = tpu.vector_load %arg13[%swap3A_509] {strides = array<i32>} : memref<320xi32, #tpu.memory_space<vmem>>, vector<16xi32>,
    %swap3A_511 = vector.shape_cast %swap3A_510 : vector<16xi32> to vector<16xi32>
    %swap3A_512 = vector.shape_cast %convert_element_type3A_508 : vector<16xi32> to vector<16xi32>
    tpu.vector_store %arg13[%swap3A_509], %swap3A_512 {strides = array<i32>} : memref<320xi32, #tpu.memory_space<vmem>>, vector<16xi32>,
    %get3A_513 = arith.constant 288 : index
    %get3A_514 = tpu.vector_load %arg14[%get3A_513] {strides = array<i32>} : memref<320xf32, #tpu.memory_space<vmem>>, vector<16xf32>,
    %get3A_515 = vector.shape_cast %get3A_514 : vector<16xf32> to vector<16xf32>
    %min3A_516 = arith.constant 1.000000e+03 : f32
    %min3A_517 = vector.broadcast %min3A_516 : f32 to vector<16xf32>
    %min3A_518 = arith.minimumf %get3A_515, %min3A_517 : vector<16xf32>
    %convert_element_type3A_519 = arith.fptosi %min3A_518 : vector<16xf32> to vector<16xi32>
    %swap3A_520 = arith.constant 288 : index
    %swap3A_521 = tpu.vector_load %arg13[%swap3A_520] {strides = array<i32>} : memref<320xi32, #tpu.memory_space<vmem>>, vector<16xi32>,
    %swap3A_522 = vector.shape_cast %swap3A_521 : vector<16xi32> to vector<16xi32>
    %swap3A_523 = vector.shape_cast %convert_element_type3A_519 : vector<16xi32> to vector<16xi32>
    tpu.vector_store %arg13[%swap3A_520], %swap3A_523 {strides = array<i32>} : memref<320xi32, #tpu.memory_space<vmem>>, vector<16xi32>,
    %get3A_524 = arith.constant 304 : index
    %get3A_525 = tpu.vector_load %arg14[%get3A_524] {strides = array<i32>} : memref<320xf32, #tpu.memory_space<vmem>>, vector<16xf32>,
    %get3A_526 = vector.shape_cast %get3A_525 : vector<16xf32> to vector<16xf32>
    %min3A_527 = arith.constant 1.000000e+03 : f32
    %min3A_528 = vector.broadcast %min3A_527 : f32 to vector<16xf32>
    %min3A_529 = arith.minimumf %get3A_526, %min3A_528 : vector<16xf32>
    %convert_element_type3A_530 = arith.fptosi %min3A_529 : vector<16xf32> to vector<16xi32>
    %swap3A_531 = arith.constant 304 : index
    %swap3A_532 = tpu.vector_load %arg13[%swap3A_531] {strides = array<i32>} : memref<320xi32, #tpu.memory_space<vmem>>, vector<16xi32>,
    %swap3A_533 = vector.shape_cast %swap3A_532 : vector<16xi32> to vector<16xi32>
    %swap3A_534 = vector.shape_cast %convert_element_type3A_530 : vector<16xi32> to vector<16xi32>
    tpu.vector_store %arg13[%swap3A_531], %swap3A_534 {strides = array<i32>} : memref<320xi32, #tpu.memory_space<vmem>>, vector<16xi32>,
    %dma_start3A = arith.constant 0 : i32
    %dma_start3A_535 = arith.constant 0 : i32
    %dma_start3A_536 = arith.constant 0 : i32
    %dma_start3A_537 = tpu.memref_slice %arg15[%dma_start3A, %dma_start3A_535, %dma_start3A_536] : memref<2x320x128xf32, #tpu.memory_space<vmem>> -> memref<1x320x128xf32, #tpu.memory_space<vmem>>
    %dma_start3A_538 = tpu.memref_squeeze %dma_start3A_537 : memref<1x320x128xf32, #tpu.memory_space<vmem>> -> memref<320x128xf32, #tpu.memory_space<vmem>>
    %dma_start3A_539 = arith.constant 0 : i32
    %dma_start3A_540 = arith.constant 0 : i32
    %dma_start3A_541 = tpu.memref_slice %arg4[%dma_start3A_539, %dma_start3A_540] : memref<10000x128xf32, #tpu.memory_space<hbm>> -> memref<10000x128xf32, #tpu.memory_space<hbm>>
    tpu.enqueue_indirect_dma source(%dma_start3A_541 : memref<10000x128xf32, #tpu.memory_space<hbm>>) target(%dma_start3A_538 : memref<320x128xf32, #tpu.memory_space<vmem>>) offsets(%arg12 : memref<320xi32, #tpu.memory_space<vmem>>) semaphore(%arg18 : memref<!tpu.dma_semaphore, #tpu.memory_space<semaphore_mem>>)
    %dma_start3A_542 = arith.constant 1 : i32
    %dma_start3A_543 = arith.constant 0 : i32
    %dma_start3A_544 = arith.constant 0 : i32
    %dma_start3A_545 = tpu.memref_slice %arg15[%dma_start3A_542, %dma_start3A_543, %dma_start3A_544] : memref<2x320x128xf32, #tpu.memory_space<vmem>> -> memref<1x320x128xf32, #tpu.memory_space<vmem>>
    %dma_start3A_546 = tpu.memref_squeeze %dma_start3A_545 : memref<1x320x128xf32, #tpu.memory_space<vmem>> -> memref<320x128xf32, #tpu.memory_space<vmem>>
    %dma_start3A_547 = arith.constant 0 : i32
    %dma_start3A_548 = arith.constant 0 : i32
    %dma_start3A_549 = tpu.memref_slice %arg5[%dma_start3A_547, %dma_start3A_548] : memref<1001x128xf32, #tpu.memory_space<hbm>> -> memref<1001x128xf32, #tpu.memory_space<hbm>>
    tpu.enqueue_indirect_dma source(%dma_start3A_549 : memref<1001x128xf32, #tpu.memory_space<hbm>>) target(%dma_start3A_546 : memref<320x128xf32, #tpu.memory_space<vmem>>) offsets(%arg13 : memref<320xi32, #tpu.memory_space<vmem>>) semaphore(%arg18 : memref<!tpu.dma_semaphore, #tpu.memory_space<semaphore_mem>>)
    %dma_wait3A_550 = arith.constant 0 : i32
    %dma_wait3A_551 = arith.constant 0 : i32
    %dma_wait3A_552 = arith.constant 0 : i32
    %dma_wait3A_553 = tpu.memref_slice %arg15[%dma_wait3A_550, %dma_wait3A_551, %dma_wait3A_552] : memref<2x320x128xf32, #tpu.memory_space<vmem>> -> memref<1x320x128xf32, #tpu.memory_space<vmem>>
    %dma_wait3A_554 = tpu.memref_squeeze %dma_wait3A_553 : memref<1x320x128xf32, #tpu.memory_space<vmem>> -> memref<320x128xf32, #tpu.memory_space<vmem>>
    %dma_wait3A_555 = arith.constant 0 : i32
    %dma_wait3A_556 = arith.constant 0 : i32
    %dma_wait3A_557 = tpu.memref_slice %arg4[%dma_wait3A_555, %dma_wait3A_556] : memref<10000x128xf32, #tpu.memory_space<hbm>> -> memref<10000x128xf32, #tpu.memory_space<hbm>>
    tpu.wait_indirect_dma semaphore(%arg18 : memref<!tpu.dma_semaphore, #tpu.memory_space<semaphore_mem>>) src(%dma_wait3A_557 : memref<10000x128xf32, #tpu.memory_space<hbm>>) dst(%dma_wait3A_554 : memref<320x128xf32, #tpu.memory_space<vmem>>)
    %dma_start3A_558 = arith.constant 0 : i32
    %dma_start3A_559 = arith.constant 0 : i32
    %dma_start3A_560 = arith.constant 0 : i32
    %dma_start3A_561 = tpu.memref_slice %arg15[%dma_start3A_558, %dma_start3A_559, %dma_start3A_560] : memref<2x320x128xf32, #tpu.memory_space<vmem>> -> memref<1x320x128xf32, #tpu.memory_space<vmem>>
    %dma_start3A_562 = tpu.memref_squeeze %dma_start3A_561 : memref<1x320x128xf32, #tpu.memory_space<vmem>> -> memref<320x128xf32, #tpu.memory_space<vmem>>
    %dma_start3A_563 = arith.constant 0 : i32
    %dma_start3A_564 = tpu.memref_slice %arg7[%add3A_316, %dma_start3A_563] : memref<10240x128xf32, #tpu.memory_space<hbm>> -> memref<320x128xf32, #tpu.memory_space<hbm>>
    %dma_start3A_565 = arith.constant 0 : i32
    %dma_start3A_566 = tpu.memref_slice %arg7[%add3A_316, %dma_start3A_565] : memref<10240x128xf32, #tpu.memory_space<hbm>> -> memref<320x128xf32, #tpu.memory_space<hbm>>
    %dma_start3A_567 = arith.constant 0 : i32
    %dma_start3A_568 = arith.constant 0 : i32
    %dma_start3A_569 = tpu.memref_slice %arg15[%dma_start3A_558, %dma_start3A_567, %dma_start3A_568] : memref<2x320x128xf32, #tpu.memory_space<vmem>> -> memref<1x320x128xf32, #tpu.memory_space<vmem>>
    %dma_start3A_570 = tpu.memref_squeeze %dma_start3A_569 : memref<1x320x128xf32, #tpu.memory_space<vmem>> -> memref<320x128xf32, #tpu.memory_space<vmem>>
    tpu.enqueue_dma source(%dma_start3A_570 : memref<320x128xf32, #tpu.memory_space<vmem>>) target(%dma_start3A_566 : memref<320x128xf32, #tpu.memory_space<hbm>>) target_semaphore(%arg19 : memref<!tpu.dma_semaphore, #tpu.memory_space<semaphore_mem>>)
    %dma_wait3A_571 = arith.constant 0 : i32
    %dma_wait3A_572 = arith.constant 0 : i32
    %dma_wait3A_573 = arith.constant 0 : i32
    %dma_wait3A_574 = tpu.memref_slice %arg15[%dma_wait3A_571, %dma_wait3A_572, %dma_wait3A_573] : memref<2x320x128xf32, #tpu.memory_space<vmem>> -> memref<1x320x128xf32, #tpu.memory_space<vmem>>
    %dma_wait3A_575 = tpu.memref_squeeze %dma_wait3A_574 : memref<1x320x128xf32, #tpu.memory_space<vmem>> -> memref<320x128xf32, #tpu.memory_space<vmem>>
    %dma_wait3A_576 = arith.constant 0 : i32
    %dma_wait3A_577 = arith.constant 0 : i32
    %dma_wait3A_578 = tpu.memref_slice %arg4[%dma_wait3A_576, %dma_wait3A_577] : memref<10000x128xf32, #tpu.memory_space<hbm>> -> memref<10000x128xf32, #tpu.memory_space<hbm>>
    tpu.wait_indirect_dma semaphore(%arg18 : memref<!tpu.dma_semaphore, #tpu.memory_space<semaphore_mem>>) src(%dma_wait3A_578 : memref<10000x128xf32, #tpu.memory_space<hbm>>) dst(%dma_wait3A_575 : memref<320x128xf32, #tpu.memory_space<vmem>>)
    %dma_start3A_579 = arith.constant 1 : i32
    %dma_start3A_580 = arith.constant 0 : i32
    %dma_start3A_581 = arith.constant 0 : i32
    %dma_start3A_582 = tpu.memref_slice %arg15[%dma_start3A_579, %dma_start3A_580, %dma_start3A_581] : memref<2x320x128xf32, #tpu.memory_space<vmem>> -> memref<1x320x128xf32, #tpu.memory_space<vmem>>
    %dma_start3A_583 = tpu.memref_squeeze %dma_start3A_582 : memref<1x320x128xf32, #tpu.memory_space<vmem>> -> memref<320x128xf32, #tpu.memory_space<vmem>>
    %dma_start3A_584 = arith.constant 0 : i32
    %dma_start3A_585 = tpu.memref_slice %arg8[%add3A_316, %dma_start3A_584] : memref<10240x128xf32, #tpu.memory_space<hbm>> -> memref<320x128xf32, #tpu.memory_space<hbm>>
    %dma_start3A_586 = arith.constant 0 : i32
    %dma_start3A_587 = tpu.memref_slice %arg8[%add3A_316, %dma_start3A_586] : memref<10240x128xf32, #tpu.memory_space<hbm>> -> memref<320x128xf32, #tpu.memory_space<hbm>>
    %dma_start3A_588 = arith.constant 0 : i32
    %dma_start3A_589 = arith.constant 0 : i32
    %dma_start3A_590 = tpu.memref_slice %arg15[%dma_start3A_579, %dma_start3A_588, %dma_start3A_589] : memref<2x320x128xf32, #tpu.memory_space<vmem>> -> memref<1x320x128xf32, #tpu.memory_space<vmem>>
    %dma_start3A_591 = tpu.memref_squeeze %dma_start3A_590 : memref<1x320x128xf32, #tpu.memory_space<vmem>> -> memref<320x128xf32, #tpu.memory_space<vmem>>
    tpu.enqueue_dma source(%dma_start3A_591 : memref<320x128xf32, #tpu.memory_space<vmem>>) target(%dma_start3A_587 : memref<320x128xf32, #tpu.memory_space<hbm>>) target_semaphore(%arg19 : memref<!tpu.dma_semaphore, #tpu.memory_space<semaphore_mem>>)
    %dma_wait3A_592 = arith.constant 0 : i32
    %dma_wait3A_593 = arith.constant 0 : i32
    %dma_wait3A_594 = arith.constant 0 : i32
    %dma_wait3A_595 = tpu.memref_slice %arg15[%dma_wait3A_592, %dma_wait3A_593, %dma_wait3A_594] : memref<2x320x128xf32, #tpu.memory_space<vmem>> -> memref<1x320x128xf32, #tpu.memory_space<vmem>>
    %dma_wait3A_596 = tpu.memref_squeeze %dma_wait3A_595 : memref<1x320x128xf32, #tpu.memory_space<vmem>> -> memref<320x128xf32, #tpu.memory_space<vmem>>
    %dma_wait3A_597 = arith.constant 0 : i32
    %dma_wait3A_598 = arith.constant 0 : i32
    %dma_wait3A_599 = tpu.memref_slice %arg7[%dma_wait3A_597, %dma_wait3A_598] : memref<10240x128xf32, #tpu.memory_space<hbm>> -> memref<320x128xf32, #tpu.memory_space<hbm>>
    %dma_wait3A_600 = arith.constant 0 : i32
    %dma_wait3A_601 = arith.constant 0 : i32
    %dma_wait3A_602 = tpu.memref_slice %arg7[%dma_wait3A_600, %dma_wait3A_601] : memref<10240x128xf32, #tpu.memory_space<hbm>> -> memref<320x128xf32, #tpu.memory_space<hbm>>
    %dma_wait3A_603 = arith.constant 0 : i32
    %dma_wait3A_604 = arith.constant 0 : i32
    %dma_wait3A_605 = tpu.memref_slice %arg15[%dma_wait3A_592, %dma_wait3A_603, %dma_wait3A_604] : memref<2x320x128xf32, #tpu.memory_space<vmem>> -> memref<1x320x128xf32, #tpu.memory_space<vmem>>
    %dma_wait3A_606 = tpu.memref_squeeze %dma_wait3A_605 : memref<1x320x128xf32, #tpu.memory_space<vmem>> -> memref<320x128xf32, #tpu.memory_space<vmem>>
    tpu.wait_dma2 semaphore(%arg19 : memref<!tpu.dma_semaphore, #tpu.memory_space<semaphore_mem>>) src(%dma_wait3A_606 : memref<320x128xf32, #tpu.memory_space<vmem>>) dst(%dma_wait3A_602 : memref<320x128xf32, #tpu.memory_space<hbm>>)
    %dma_wait3A_607 = arith.constant 0 : i32
    %dma_wait3A_608 = arith.constant 0 : i32
    %dma_wait3A_609 = arith.constant 0 : i32
    %dma_wait3A_610 = tpu.memref_slice %arg15[%dma_wait3A_607, %dma_wait3A_608, %dma_wait3A_609] : memref<2x320x128xf32, #tpu.memory_space<vmem>> -> memref<1x320x128xf32, #tpu.memory_space<vmem>>
    %dma_wait3A_611 = tpu.memref_squeeze %dma_wait3A_610 : memref<1x320x128xf32, #tpu.memory_space<vmem>> -> memref<320x128xf32, #tpu.memory_space<vmem>>
    %dma_wait3A_612 = arith.constant 0 : i32
    %dma_wait3A_613 = arith.constant 0 : i32
    %dma_wait3A_614 = tpu.memref_slice %arg7[%dma_wait3A_612, %dma_wait3A_613] : memref<10240x128xf32, #tpu.memory_space<hbm>> -> memref<320x128xf32, #tpu.memory_space<hbm>>
    %dma_wait3A_615 = arith.constant 0 : i32
    %dma_wait3A_616 = arith.constant 0 : i32
    %dma_wait3A_617 = tpu.memref_slice %arg7[%dma_wait3A_615, %dma_wait3A_616] : memref<10240x128xf32, #tpu.memory_space<hbm>> -> memref<320x128xf32, #tpu.memory_space<hbm>>
    %dma_wait3A_618 = arith.constant 0 : i32
    %dma_wait3A_619 = arith.constant 0 : i32
    %dma_wait3A_620 = tpu.memref_slice %arg15[%dma_wait3A_607, %dma_wait3A_618, %dma_wait3A_619] : memref<2x320x128xf32, #tpu.memory_space<vmem>> -> memref<1x320x128xf32, #tpu.memory_space<vmem>>
    %dma_wait3A_621 = tpu.memref_squeeze %dma_wait3A_620 : memref<1x320x128xf32, #tpu.memory_space<vmem>> -> memref<320x128xf32, #tpu.memory_space<vmem>>
    tpu.wait_dma2 semaphore(%arg19 : memref<!tpu.dma_semaphore, #tpu.memory_space<semaphore_mem>>) src(%dma_wait3A_621 : memref<320x128xf32, #tpu.memory_space<vmem>>) dst(%dma_wait3A_617 : memref<320x128xf32, #tpu.memory_space<hbm>>)
    return
  }
}

#map = affine_map<(d0, d1) -> (0, 0)>
#map1 = affine_map<(d0, d1) -> (0)>
module attributes {stable_mosaic.version = 14 : i64} {
  func.func @_sc_mp(%arg0: i32, %arg1: i32, %arg2: memref<10240x128xf32, #tpu.memory_space<hbm>>, %arg3: memref<640000xi32, #tpu.memory_space<hbm>>, %arg4: memref<640x128xf32, #tpu.memory_space<hbm>>, %arg5: memref<10240x128xf32, #tpu.memory_space<hbm>>, %arg6: memref<10240x128xf32, #tpu.memory_space<hbm>>, %arg7: memref<600xi32, #tpu.memory_space<vmem>>, %arg8: memref<800xi32, #tpu.memory_space<vmem>>, %arg9: memref<8x40x128xf32, #tpu.memory_space<vmem>>, %arg10: memref<10240x128xf32, #tpu.memory_space<vmem_shared>>, %arg11: memref<!tpu.dma_semaphore, #tpu.memory_space<semaphore_mem>>, %arg12: memref<!tpu.dma_semaphore, #tpu.memory_space<semaphore_mem>>, %arg13: memref<!tpu.dma_semaphore, #tpu.memory_space<semaphore_mem>>) attributes {dimension_semantics = [#tpu.dimension_semantics<core_parallel>, #tpu.dimension_semantics<subcore_parallel>], iteration_bounds = array<i64: 2, 16>, scalar_prefetch = 0 : i64, scratch_operands = 7 : i64, tpu.core_type = #tpu.core_type<sc_vector_subcore>, window_params = [{transform_indices = #map}, {transform_indices = #map1}, {transform_indices = #map}, {transform_indices = #map}, {transform_indices = #map}]} {
    %mul3A = arith.constant 2 : i32
    %mul3A_0 = arith.muli %arg1, %mul3A : i32
    %add3A = arith.addi %mul3A_0, %arg0 : i32
    %eq3A = arith.constant 0 : i32
    %eq3A_1 = arith.cmpi eq, %arg0, %eq3A : i32
    %convert_element_type3A = arith.extui %eq3A_1 : i1 to i32
    %cond3A = arith.constant 0 : i32
    %cond3A_2 = arith.cmpi ne, %convert_element_type3A, %cond3A : i32
    scf.if %cond3A_2 {
      %mul3A_194 = arith.constant 640 : i32
      %mul3A_195 = arith.muli %arg1, %mul3A_194 : i32
      %mul3A_196 = arith.constant 640 : i32
      %mul3A_197 = arith.muli %arg1, %mul3A_196 : i32
      "tpu.region"() ({
        %run_scoped3A = tpu.sem_alloc : memref<!tpu.dma_semaphore, #tpu.memory_space<semaphore_mem>>
        %dma_start3A_198 = arith.constant 0 : i32
        %dma_start3A_199 = tpu.memref_slice %arg10[%mul3A_197, %dma_start3A_198] : memref<10240x128xf32, #tpu.memory_space<vmem_shared>> -> memref<640x128xf32, #tpu.memory_space<vmem_shared>>
        %dma_start3A_200 = arith.constant 0 : i32
        %dma_start3A_201 = tpu.memref_slice %arg2[%mul3A_195, %dma_start3A_200] : memref<10240x128xf32, #tpu.memory_space<hbm>> -> memref<640x128xf32, #tpu.memory_space<hbm>>
        tpu.enqueue_dma source(%dma_start3A_201 : memref<640x128xf32, #tpu.memory_space<hbm>>) target(%dma_start3A_199 : memref<640x128xf32, #tpu.memory_space<vmem_shared>>) target_semaphore(%run_scoped3A : memref<!tpu.dma_semaphore, #tpu.memory_space<semaphore_mem>>)
        %dma_wait3A_202 = arith.constant 0 : i32
        %dma_wait3A_203 = tpu.memref_slice %arg10[%mul3A_197, %dma_wait3A_202] : memref<10240x128xf32, #tpu.memory_space<vmem_shared>> -> memref<640x128xf32, #tpu.memory_space<vmem_shared>>
        %dma_wait3A_204 = arith.constant 0 : i32
        %dma_wait3A_205 = tpu.memref_slice %arg2[%mul3A_195, %dma_wait3A_204] : memref<10240x128xf32, #tpu.memory_space<hbm>> -> memref<640x128xf32, #tpu.memory_space<hbm>>
        tpu.wait_dma2 semaphore(%run_scoped3A : memref<!tpu.dma_semaphore, #tpu.memory_space<semaphore_mem>>) src(%dma_wait3A_205 : memref<640x128xf32, #tpu.memory_space<hbm>>) dst(%dma_wait3A_203 : memref<640x128xf32, #tpu.memory_space<vmem_shared>>)
        tpu.yield
      }) : () -> ()
    } else {
    }
    %eq3A_3 = arith.constant 1 : i32
    %eq3A_4 = arith.cmpi eq, %arg0, %eq3A_3 : i32
    %convert_element_type3A_5 = arith.extui %eq3A_4 : i1 to i32
    %cond3A_6 = arith.constant 0 : i32
    %cond3A_7 = arith.cmpi ne, %convert_element_type3A_5, %cond3A_6 : i32
    scf.if %cond3A_7 {
      %mul3A_194 = arith.constant 640 : i32
      %mul3A_195 = arith.muli %arg1, %mul3A_194 : i32
      "tpu.region"() ({
        %run_scoped3A = tpu.sem_alloc : memref<!tpu.dma_semaphore, #tpu.memory_space<semaphore_mem>>
        %dma_start3A_196 = arith.constant 0 : i32
        %dma_start3A_197 = tpu.memref_slice %arg10[%mul3A_195, %dma_start3A_196] : memref<10240x128xf32, #tpu.memory_space<vmem_shared>> -> memref<640x128xf32, #tpu.memory_space<vmem_shared>>
        tpu.enqueue_dma source(%arg4 : memref<640x128xf32, #tpu.memory_space<hbm>>) target(%dma_start3A_197 : memref<640x128xf32, #tpu.memory_space<vmem_shared>>) target_semaphore(%run_scoped3A : memref<!tpu.dma_semaphore, #tpu.memory_space<semaphore_mem>>)
        %dma_wait3A_198 = arith.constant 0 : i32
        %dma_wait3A_199 = tpu.memref_slice %arg10[%mul3A_195, %dma_wait3A_198] : memref<10240x128xf32, #tpu.memory_space<vmem_shared>> -> memref<640x128xf32, #tpu.memory_space<vmem_shared>>
        tpu.wait_dma2 semaphore(%run_scoped3A : memref<!tpu.dma_semaphore, #tpu.memory_space<semaphore_mem>>) src(%arg4 : memref<640x128xf32, #tpu.memory_space<hbm>>) dst(%dma_wait3A_199 : memref<640x128xf32, #tpu.memory_space<vmem_shared>>)
        tpu.yield
      }) : () -> ()
    } else {
    }
    %barrier3A = arith.constant 0 : index
    tpu.barrier barrier_id(%barrier3A)
    %mul3A_8 = arith.constant 10000 : i32
    %mul3A_9 = arith.muli %add3A, %mul3A_8 : i32
    %add3A_10 = arith.constant 0 : i32
    %add3A_11 = arith.addi %mul3A_9, %add3A_10 : i32
    %dma_start3A = arith.constant 0 : i32
    %dma_start3A_12 = tpu.memref_slice %arg7[%dma_start3A] : memref<600xi32, #tpu.memory_space<vmem>> -> memref<200xi32, #tpu.memory_space<vmem>>
    %dma_start3A_13 = tpu.memref_slice %arg3[%add3A_11] : memref<640000xi32, #tpu.memory_space<hbm>> -> memref<200xi32, #tpu.memory_space<hbm>>
    %dma_start3A_14 = arith.constant 0 : i32
    %dma_start3A_15 = tpu.memref_slice %arg7[%dma_start3A_14] : memref<600xi32, #tpu.memory_space<vmem>> -> memref<200xi32, #tpu.memory_space<vmem>>
    %dma_start3A_16 = tpu.memref_slice %arg3[%add3A_11] : memref<640000xi32, #tpu.memory_space<hbm>> -> memref<200xi32, #tpu.memory_space<hbm>>
    tpu.enqueue_dma source(%dma_start3A_16 : memref<200xi32, #tpu.memory_space<hbm>>) target(%dma_start3A_15 : memref<200xi32, #tpu.memory_space<vmem>>) target_semaphore(%arg11 : memref<!tpu.dma_semaphore, #tpu.memory_space<semaphore_mem>>)
    %add3A_17 = arith.constant 320000 : i32
    %add3A_18 = arith.addi %add3A_17, %add3A_11 : i32
    %dma_start3A_19 = arith.constant 0 : i32
    %dma_start3A_20 = tpu.memref_slice %arg8[%dma_start3A_19] : memref<800xi32, #tpu.memory_space<vmem>> -> memref<200xi32, #tpu.memory_space<vmem>>
    %dma_start3A_21 = tpu.memref_slice %arg3[%add3A_18] : memref<640000xi32, #tpu.memory_space<hbm>> -> memref<200xi32, #tpu.memory_space<hbm>>
    %dma_start3A_22 = arith.constant 0 : i32
    %dma_start3A_23 = tpu.memref_slice %arg8[%dma_start3A_22] : memref<800xi32, #tpu.memory_space<vmem>> -> memref<200xi32, #tpu.memory_space<vmem>>
    %dma_start3A_24 = tpu.memref_slice %arg3[%add3A_18] : memref<640000xi32, #tpu.memory_space<hbm>> -> memref<200xi32, #tpu.memory_space<hbm>>
    tpu.enqueue_dma source(%dma_start3A_24 : memref<200xi32, #tpu.memory_space<hbm>>) target(%dma_start3A_23 : memref<200xi32, #tpu.memory_space<vmem>>) target_semaphore(%arg11 : memref<!tpu.dma_semaphore, #tpu.memory_space<semaphore_mem>>)
    %mul3A_25 = arith.constant 10000 : i32
    %mul3A_26 = arith.muli %add3A, %mul3A_25 : i32
    %add3A_27 = arith.constant 200 : i32
    %add3A_28 = arith.addi %mul3A_26, %add3A_27 : i32
    %dma_start3A_29 = arith.constant 200 : i32
    %dma_start3A_30 = tpu.memref_slice %arg7[%dma_start3A_29] : memref<600xi32, #tpu.memory_space<vmem>> -> memref<200xi32, #tpu.memory_space<vmem>>
    %dma_start3A_31 = tpu.memref_slice %arg3[%add3A_28] : memref<640000xi32, #tpu.memory_space<hbm>> -> memref<200xi32, #tpu.memory_space<hbm>>
    %dma_start3A_32 = arith.constant 200 : i32
    %dma_start3A_33 = tpu.memref_slice %arg7[%dma_start3A_32] : memref<600xi32, #tpu.memory_space<vmem>> -> memref<200xi32, #tpu.memory_space<vmem>>
    %dma_start3A_34 = tpu.memref_slice %arg3[%add3A_28] : memref<640000xi32, #tpu.memory_space<hbm>> -> memref<200xi32, #tpu.memory_space<hbm>>
    tpu.enqueue_dma source(%dma_start3A_34 : memref<200xi32, #tpu.memory_space<hbm>>) target(%dma_start3A_33 : memref<200xi32, #tpu.memory_space<vmem>>) target_semaphore(%arg11 : memref<!tpu.dma_semaphore, #tpu.memory_space<semaphore_mem>>)
    %add3A_35 = arith.constant 320000 : i32
    %add3A_36 = arith.addi %add3A_35, %add3A_28 : i32
    %dma_start3A_37 = arith.constant 200 : i32
    %dma_start3A_38 = tpu.memref_slice %arg8[%dma_start3A_37] : memref<800xi32, #tpu.memory_space<vmem>> -> memref<200xi32, #tpu.memory_space<vmem>>
    %dma_start3A_39 = tpu.memref_slice %arg3[%add3A_36] : memref<640000xi32, #tpu.memory_space<hbm>> -> memref<200xi32, #tpu.memory_space<hbm>>
    %dma_start3A_40 = arith.constant 200 : i32
    %dma_start3A_41 = tpu.memref_slice %arg8[%dma_start3A_40] : memref<800xi32, #tpu.memory_space<vmem>> -> memref<200xi32, #tpu.memory_space<vmem>>
    %dma_start3A_42 = tpu.memref_slice %arg3[%add3A_36] : memref<640000xi32, #tpu.memory_space<hbm>> -> memref<200xi32, #tpu.memory_space<hbm>>
    tpu.enqueue_dma source(%dma_start3A_42 : memref<200xi32, #tpu.memory_space<hbm>>) target(%dma_start3A_41 : memref<200xi32, #tpu.memory_space<vmem>>) target_semaphore(%arg11 : memref<!tpu.dma_semaphore, #tpu.memory_space<semaphore_mem>>)
    %mul3A_43 = arith.constant 10000 : i32
    %mul3A_44 = arith.muli %add3A, %mul3A_43 : i32
    %add3A_45 = arith.constant 400 : i32
    %add3A_46 = arith.addi %mul3A_44, %add3A_45 : i32
    %dma_start3A_47 = arith.constant 400 : i32
    %dma_start3A_48 = tpu.memref_slice %arg7[%dma_start3A_47] : memref<600xi32, #tpu.memory_space<vmem>> -> memref<200xi32, #tpu.memory_space<vmem>>
    %dma_start3A_49 = tpu.memref_slice %arg3[%add3A_46] : memref<640000xi32, #tpu.memory_space<hbm>> -> memref<200xi32, #tpu.memory_space<hbm>>
    %dma_start3A_50 = arith.constant 400 : i32
    %dma_start3A_51 = tpu.memref_slice %arg7[%dma_start3A_50] : memref<600xi32, #tpu.memory_space<vmem>> -> memref<200xi32, #tpu.memory_space<vmem>>
    %dma_start3A_52 = tpu.memref_slice %arg3[%add3A_46] : memref<640000xi32, #tpu.memory_space<hbm>> -> memref<200xi32, #tpu.memory_space<hbm>>
    tpu.enqueue_dma source(%dma_start3A_52 : memref<200xi32, #tpu.memory_space<hbm>>) target(%dma_start3A_51 : memref<200xi32, #tpu.memory_space<vmem>>) target_semaphore(%arg11 : memref<!tpu.dma_semaphore, #tpu.memory_space<semaphore_mem>>)
    %add3A_53 = arith.constant 320000 : i32
    %add3A_54 = arith.addi %add3A_53, %add3A_46 : i32
    %dma_start3A_55 = arith.constant 400 : i32
    %dma_start3A_56 = tpu.memref_slice %arg8[%dma_start3A_55] : memref<800xi32, #tpu.memory_space<vmem>> -> memref<200xi32, #tpu.memory_space<vmem>>
    %dma_start3A_57 = tpu.memref_slice %arg3[%add3A_54] : memref<640000xi32, #tpu.memory_space<hbm>> -> memref<200xi32, #tpu.memory_space<hbm>>
    %dma_start3A_58 = arith.constant 400 : i32
    %dma_start3A_59 = tpu.memref_slice %arg8[%dma_start3A_58] : memref<800xi32, #tpu.memory_space<vmem>> -> memref<200xi32, #tpu.memory_space<vmem>>
    %dma_start3A_60 = tpu.memref_slice %arg3[%add3A_54] : memref<640000xi32, #tpu.memory_space<hbm>> -> memref<200xi32, #tpu.memory_space<hbm>>
    tpu.enqueue_dma source(%dma_start3A_60 : memref<200xi32, #tpu.memory_space<hbm>>) target(%dma_start3A_59 : memref<200xi32, #tpu.memory_space<vmem>>) target_semaphore(%arg11 : memref<!tpu.dma_semaphore, #tpu.memory_space<semaphore_mem>>)
    %dma_wait3A = arith.constant 0 : i32
    %dma_wait3A_61 = tpu.memref_slice %arg7[%dma_wait3A] : memref<600xi32, #tpu.memory_space<vmem>> -> memref<200xi32, #tpu.memory_space<vmem>>
    %dma_wait3A_62 = arith.constant 0 : i32
    %dma_wait3A_63 = tpu.memref_slice %arg3[%dma_wait3A_62] : memref<640000xi32, #tpu.memory_space<hbm>> -> memref<200xi32, #tpu.memory_space<hbm>>
    %dma_wait3A_64 = arith.constant 0 : i32
    %dma_wait3A_65 = tpu.memref_slice %arg7[%dma_wait3A_64] : memref<600xi32, #tpu.memory_space<vmem>> -> memref<200xi32, #tpu.memory_space<vmem>>
    %dma_wait3A_66 = arith.constant 0 : i32
    %dma_wait3A_67 = tpu.memref_slice %arg3[%dma_wait3A_66] : memref<640000xi32, #tpu.memory_space<hbm>> -> memref<200xi32, #tpu.memory_space<hbm>>
    tpu.wait_dma2 semaphore(%arg11 : memref<!tpu.dma_semaphore, #tpu.memory_space<semaphore_mem>>) src(%dma_wait3A_67 : memref<200xi32, #tpu.memory_space<hbm>>) dst(%dma_wait3A_65 : memref<200xi32, #tpu.memory_space<vmem>>)
    %dma_wait3A_68 = arith.constant 0 : i32
    %dma_wait3A_69 = tpu.memref_slice %arg7[%dma_wait3A_68] : memref<600xi32, #tpu.memory_space<vmem>> -> memref<200xi32, #tpu.memory_space<vmem>>
    %dma_wait3A_70 = arith.constant 0 : i32
    %dma_wait3A_71 = tpu.memref_slice %arg3[%dma_wait3A_70] : memref<640000xi32, #tpu.memory_space<hbm>> -> memref<200xi32, #tpu.memory_space<hbm>>
    %dma_wait3A_72 = arith.constant 0 : i32
    %dma_wait3A_73 = tpu.memref_slice %arg7[%dma_wait3A_72] : memref<600xi32, #tpu.memory_space<vmem>> -> memref<200xi32, #tpu.memory_space<vmem>>
    %dma_wait3A_74 = arith.constant 0 : i32
    %dma_wait3A_75 = tpu.memref_slice %arg3[%dma_wait3A_74] : memref<640000xi32, #tpu.memory_space<hbm>> -> memref<200xi32, #tpu.memory_space<hbm>>
    tpu.wait_dma2 semaphore(%arg11 : memref<!tpu.dma_semaphore, #tpu.memory_space<semaphore_mem>>) src(%dma_wait3A_75 : memref<200xi32, #tpu.memory_space<hbm>>) dst(%dma_wait3A_73 : memref<200xi32, #tpu.memory_space<vmem>>)
    %rem3A = arith.constant 0 : i32
    %rem3A_76 = arith.constant 5 : i32
    %rem3A_77 = arith.remsi %rem3A, %rem3A_76 : i32
    %mul3A_78 = arith.constant 40 : i32
    %mul3A_79 = arith.muli %rem3A_77, %mul3A_78 : i32
    %add3A_80 = arith.constant 0 : i32
    %add3A_81 = arith.addi %add3A_80, %mul3A_79 : i32
    %rem3A_82 = arith.constant 0 : i32
    %rem3A_83 = arith.constant 8 : i32
    %rem3A_84 = arith.remsi %rem3A_82, %rem3A_83 : i32
    %dma_start3A_85 = arith.constant 0 : i32
    %dma_start3A_86 = arith.constant 0 : i32
    %dma_start3A_87 = tpu.memref_slice %arg9[%rem3A_84, %dma_start3A_85, %dma_start3A_86] : memref<8x40x128xf32, #tpu.memory_space<vmem>> -> memref<1x40x128xf32, #tpu.memory_space<vmem>>
    %dma_start3A_88 = tpu.memref_squeeze %dma_start3A_87 : memref<1x40x128xf32, #tpu.memory_space<vmem>> -> memref<40x128xf32, #tpu.memory_space<vmem>>
    %dma_start3A_89 = tpu.memref_slice %arg7[%add3A_81] : memref<600xi32, #tpu.memory_space<vmem>> -> memref<40xi32, #tpu.memory_space<vmem>>
    %dma_start3A_90 = arith.constant 0 : i32
    %dma_start3A_91 = arith.constant 0 : i32
    %dma_start3A_92 = tpu.memref_slice %arg2[%dma_start3A_90, %dma_start3A_91] : memref<10240x128xf32, #tpu.memory_space<hbm>> -> memref<10240x128xf32, #tpu.memory_space<hbm>>
    tpu.enqueue_indirect_dma source(%dma_start3A_92 : memref<10240x128xf32, #tpu.memory_space<hbm>>) target(%dma_start3A_88 : memref<40x128xf32, #tpu.memory_space<vmem>>) offsets(%dma_start3A_89 : memref<40xi32, #tpu.memory_space<vmem>>) semaphore(%arg12 : memref<!tpu.dma_semaphore, #tpu.memory_space<semaphore_mem>>)
    %rem3A_93 = arith.constant 1 : i32
    %rem3A_94 = arith.constant 5 : i32
    %rem3A_95 = arith.remsi %rem3A_93, %rem3A_94 : i32
    %mul3A_96 = arith.constant 40 : i32
    %mul3A_97 = arith.muli %rem3A_95, %mul3A_96 : i32
    %add3A_98 = arith.constant 0 : i32
    %add3A_99 = arith.addi %add3A_98, %mul3A_97 : i32
    %rem3A_100 = arith.constant 1 : i32
    %rem3A_101 = arith.constant 8 : i32
    %rem3A_102 = arith.remsi %rem3A_100, %rem3A_101 : i32
    %dma_start3A_103 = arith.constant 0 : i32
    %dma_start3A_104 = arith.constant 0 : i32
    %dma_start3A_105 = tpu.memref_slice %arg9[%rem3A_102, %dma_start3A_103, %dma_start3A_104] : memref<8x40x128xf32, #tpu.memory_space<vmem>> -> memref<1x40x128xf32, #tpu.memory_space<vmem>>
    %dma_start3A_106 = tpu.memref_squeeze %dma_start3A_105 : memref<1x40x128xf32, #tpu.memory_space<vmem>> -> memref<40x128xf32, #tpu.memory_space<vmem>>
    %dma_start3A_107 = tpu.memref_slice %arg7[%add3A_99] : memref<600xi32, #tpu.memory_space<vmem>> -> memref<40xi32, #tpu.memory_space<vmem>>
    %dma_start3A_108 = arith.constant 0 : i32
    %dma_start3A_109 = arith.constant 0 : i32
    %dma_start3A_110 = tpu.memref_slice %arg2[%dma_start3A_108, %dma_start3A_109] : memref<10240x128xf32, #tpu.memory_space<hbm>> -> memref<10240x128xf32, #tpu.memory_space<hbm>>
    tpu.enqueue_indirect_dma source(%dma_start3A_110 : memref<10240x128xf32, #tpu.memory_space<hbm>>) target(%dma_start3A_106 : memref<40x128xf32, #tpu.memory_space<vmem>>) offsets(%dma_start3A_107 : memref<40xi32, #tpu.memory_space<vmem>>) semaphore(%arg12 : memref<!tpu.dma_semaphore, #tpu.memory_space<semaphore_mem>>)
    %rem3A_111 = arith.constant 2 : i32
    %rem3A_112 = arith.constant 5 : i32
    %rem3A_113 = arith.remsi %rem3A_111, %rem3A_112 : i32
    %mul3A_114 = arith.constant 40 : i32
    %mul3A_115 = arith.muli %rem3A_113, %mul3A_114 : i32
    %add3A_116 = arith.constant 0 : i32
    %add3A_117 = arith.addi %add3A_116, %mul3A_115 : i32
    %rem3A_118 = arith.constant 2 : i32
    %rem3A_119 = arith.constant 8 : i32
    %rem3A_120 = arith.remsi %rem3A_118, %rem3A_119 : i32
    %dma_start3A_121 = arith.constant 0 : i32
    %dma_start3A_122 = arith.constant 0 : i32
    %dma_start3A_123 = tpu.memref_slice %arg9[%rem3A_120, %dma_start3A_121, %dma_start3A_122] : memref<8x40x128xf32, #tpu.memory_space<vmem>> -> memref<1x40x128xf32, #tpu.memory_space<vmem>>
    %dma_start3A_124 = tpu.memref_squeeze %dma_start3A_123 : memref<1x40x128xf32, #tpu.memory_space<vmem>> -> memref<40x128xf32, #tpu.memory_space<vmem>>
    %dma_start3A_125 = tpu.memref_slice %arg7[%add3A_117] : memref<600xi32, #tpu.memory_space<vmem>> -> memref<40xi32, #tpu.memory_space<vmem>>
    %dma_start3A_126 = arith.constant 0 : i32
    %dma_start3A_127 = arith.constant 0 : i32
    %dma_start3A_128 = tpu.memref_slice %arg2[%dma_start3A_126, %dma_start3A_127] : memref<10240x128xf32, #tpu.memory_space<hbm>> -> memref<10240x128xf32, #tpu.memory_space<hbm>>
    tpu.enqueue_indirect_dma source(%dma_start3A_128 : memref<10240x128xf32, #tpu.memory_space<hbm>>) target(%dma_start3A_124 : memref<40x128xf32, #tpu.memory_space<vmem>>) offsets(%dma_start3A_125 : memref<40xi32, #tpu.memory_space<vmem>>) semaphore(%arg12 : memref<!tpu.dma_semaphore, #tpu.memory_space<semaphore_mem>>)
    %rem3A_129 = arith.constant 3 : i32
    %rem3A_130 = arith.constant 5 : i32
    %rem3A_131 = arith.remsi %rem3A_129, %rem3A_130 : i32
    %mul3A_132 = arith.constant 40 : i32
    %mul3A_133 = arith.muli %rem3A_131, %mul3A_132 : i32
    %add3A_134 = arith.constant 0 : i32
    %add3A_135 = arith.addi %add3A_134, %mul3A_133 : i32
    %rem3A_136 = arith.constant 3 : i32
    %rem3A_137 = arith.constant 8 : i32
    %rem3A_138 = arith.remsi %rem3A_136, %rem3A_137 : i32
    %dma_start3A_139 = arith.constant 0 : i32
    %dma_start3A_140 = arith.constant 0 : i32
    %dma_start3A_141 = tpu.memref_slice %arg9[%rem3A_138, %dma_start3A_139, %dma_start3A_140] : memref<8x40x128xf32, #tpu.memory_space<vmem>> -> memref<1x40x128xf32, #tpu.memory_space<vmem>>
    %dma_start3A_142 = tpu.memref_squeeze %dma_start3A_141 : memref<1x40x128xf32, #tpu.memory_space<vmem>> -> memref<40x128xf32, #tpu.memory_space<vmem>>
    %dma_start3A_143 = tpu.memref_slice %arg7[%add3A_135] : memref<600xi32, #tpu.memory_space<vmem>> -> memref<40xi32, #tpu.memory_space<vmem>>
    %dma_start3A_144 = arith.constant 0 : i32
    %dma_start3A_145 = arith.constant 0 : i32
    %dma_start3A_146 = tpu.memref_slice %arg2[%dma_start3A_144, %dma_start3A_145] : memref<10240x128xf32, #tpu.memory_space<hbm>> -> memref<10240x128xf32, #tpu.memory_space<hbm>>
    tpu.enqueue_indirect_dma source(%dma_start3A_146 : memref<10240x128xf32, #tpu.memory_space<hbm>>) target(%dma_start3A_142 : memref<40x128xf32, #tpu.memory_space<vmem>>) offsets(%dma_start3A_143 : memref<40xi32, #tpu.memory_space<vmem>>) semaphore(%arg12 : memref<!tpu.dma_semaphore, #tpu.memory_space<semaphore_mem>>)
    %scan3A = arith.constant 0 : i32
    %scan3A_147 = arith.constant 0 : i32
    %scan3A_148 = arith.constant 250 : i32
    %scan3A_149 = arith.addi %scan3A_147, %scan3A_148 : i32
    %scan3A_150 = arith.constant 1 : i32
    %scan3A_151 = scf.for %scan3A_194 = %scan3A_147 to %scan3A_149 step %scan3A_150 iter_args(%scan3A_195 = %scan3A) -> (i32)  : i32 {
      %rem3A_196 = arith.constant 8 : i32
      %rem3A_197 = arith.remsi %scan3A_194, %rem3A_196 : i32
      %dma_wait3A_198 = arith.constant 0 : i32
      %dma_wait3A_199 = arith.constant 0 : i32
      %dma_wait3A_200 = arith.constant 0 : i32
      %dma_wait3A_201 = tpu.memref_slice %arg9[%dma_wait3A_198, %dma_wait3A_199, %dma_wait3A_200] : memref<8x40x128xf32, #tpu.memory_space<vmem>> -> memref<1x40x128xf32, #tpu.memory_space<vmem>>
      %dma_wait3A_202 = tpu.memref_squeeze %dma_wait3A_201 : memref<1x40x128xf32, #tpu.memory_space<vmem>> -> memref<40x128xf32, #tpu.memory_space<vmem>>
      %dma_wait3A_203 = arith.constant 0 : i32
      %dma_wait3A_204 = tpu.memref_slice %arg7[%dma_wait3A_203] : memref<600xi32, #tpu.memory_space<vmem>> -> memref<40xi32, #tpu.memory_space<vmem>>
      %dma_wait3A_205 = arith.constant 0 : i32
      %dma_wait3A_206 = arith.constant 0 : i32
      %dma_wait3A_207 = tpu.memref_slice %arg2[%dma_wait3A_205, %dma_wait3A_206] : memref<10240x128xf32, #tpu.memory_space<hbm>> -> memref<10240x128xf32, #tpu.memory_space<hbm>>
      tpu.wait_indirect_dma semaphore(%arg12 : memref<!tpu.dma_semaphore, #tpu.memory_space<semaphore_mem>>) src(%dma_wait3A_207 : memref<10240x128xf32, #tpu.memory_space<hbm>>) dst(%dma_wait3A_202 : memref<40x128xf32, #tpu.memory_space<vmem>>)
      %div3A = arith.constant 5 : i32
      %div3A_208 = arith.divsi %scan3A_194, %div3A : i32
      %rem3A_209 = arith.constant 5 : i32
      %rem3A_210 = arith.remsi %scan3A_194, %rem3A_209 : i32
      %rem3A_211 = arith.constant 4 : i32
      %rem3A_212 = arith.remsi %div3A_208, %rem3A_211 : i32
      %mul3A_213 = arith.constant 200 : i32
      %mul3A_214 = arith.muli %rem3A_212, %mul3A_213 : i32
      %mul3A_215 = arith.constant 40 : i32
      %mul3A_216 = arith.muli %rem3A_210, %mul3A_215 : i32
      %add3A_217 = arith.addi %mul3A_214, %mul3A_216 : i32
      %dma_start3A_218 = arith.constant 0 : i32
      %dma_start3A_219 = arith.constant 0 : i32
      %dma_start3A_220 = tpu.memref_slice %arg9[%rem3A_197, %dma_start3A_218, %dma_start3A_219] : memref<8x40x128xf32, #tpu.memory_space<vmem>> -> memref<1x40x128xf32, #tpu.memory_space<vmem>>
      %dma_start3A_221 = tpu.memref_squeeze %dma_start3A_220 : memref<1x40x128xf32, #tpu.memory_space<vmem>> -> memref<40x128xf32, #tpu.memory_space<vmem>>
      %dma_start3A_222 = tpu.memref_slice %arg8[%add3A_217] : memref<800xi32, #tpu.memory_space<vmem>> -> memref<40xi32, #tpu.memory_space<vmem>>
      %dma_start3A_223 = arith.constant 0 : i32
      %dma_start3A_224 = arith.constant 0 : i32
      %dma_start3A_225 = tpu.memref_slice %arg10[%dma_start3A_223, %dma_start3A_224] : memref<10240x128xf32, #tpu.memory_space<vmem_shared>> -> memref<10240x128xf32, #tpu.memory_space<vmem_shared>>
      tpu.enqueue_indirect_dma source(%dma_start3A_221 : memref<40x128xf32, #tpu.memory_space<vmem>>) target(%dma_start3A_225 : memref<10240x128xf32, #tpu.memory_space<vmem_shared>>) offsets(%dma_start3A_222 : memref<40xi32, #tpu.memory_space<vmem>>) semaphore(%arg13 : memref<!tpu.dma_semaphore, #tpu.memory_space<semaphore_mem>>) {add = true}
      %ge3A = arith.constant 3 : i32
      %ge3A_226 = arith.cmpi sge, %scan3A_194, %ge3A : i32
      %convert_element_type3A_227 = arith.extui %ge3A_226 : i1 to i32
      %cond3A_228 = arith.constant 0 : i32
      %cond3A_229 = arith.cmpi ne, %convert_element_type3A_227, %cond3A_228 : i32
      scf.if %cond3A_229 {
        %dma_wait3A_250 = arith.constant 0 : i32
        %dma_wait3A_251 = arith.constant 0 : i32
        %dma_wait3A_252 = arith.constant 0 : i32
        %dma_wait3A_253 = tpu.memref_slice %arg9[%dma_wait3A_250, %dma_wait3A_251, %dma_wait3A_252] : memref<8x40x128xf32, #tpu.memory_space<vmem>> -> memref<1x40x128xf32, #tpu.memory_space<vmem>>
        %dma_wait3A_254 = tpu.memref_squeeze %dma_wait3A_253 : memref<1x40x128xf32, #tpu.memory_space<vmem>> -> memref<40x128xf32, #tpu.memory_space<vmem>>
        %dma_wait3A_255 = arith.constant 0 : i32
        %dma_wait3A_256 = tpu.memref_slice %arg8[%dma_wait3A_255] : memref<800xi32, #tpu.memory_space<vmem>> -> memref<40xi32, #tpu.memory_space<vmem>>
        %dma_wait3A_257 = arith.constant 0 : i32
        %dma_wait3A_258 = arith.constant 0 : i32
        %dma_wait3A_259 = tpu.memref_slice %arg10[%dma_wait3A_257, %dma_wait3A_258] : memref<10240x128xf32, #tpu.memory_space<vmem_shared>> -> memref<10240x128xf32, #tpu.memory_space<vmem_shared>>
        tpu.wait_indirect_dma semaphore(%arg13 : memref<!tpu.dma_semaphore, #tpu.memory_space<semaphore_mem>>) src(%dma_wait3A_254 : memref<40x128xf32, #tpu.memory_space<vmem>>) dst(%dma_wait3A_259 : memref<10240x128xf32, #tpu.memory_space<vmem_shared>>)
      } else {
      }
      %div3A_230 = arith.constant 5 : i32
      %div3A_231 = arith.divsi %scan3A_194, %div3A_230 : i32
      %rem3A_232 = arith.constant 5 : i32
      %rem3A_233 = arith.remsi %scan3A_194, %rem3A_232 : i32
      %eq3A_234 = arith.constant 4 : i32
      %eq3A_235 = arith.cmpi eq, %rem3A_233, %eq3A_234 : i32
      %add3A_236 = arith.constant 3 : i32
      %add3A_237 = arith.addi %div3A_231, %add3A_236 : i32
      %lt3A = arith.constant 50 : i32
      %lt3A_238 = arith.cmpi slt, %add3A_237, %lt3A : i32
      %and3A = arith.andi %eq3A_235, %lt3A_238 : i1
      %convert_element_type3A_239 = arith.extui %and3A : i1 to i32
      %cond3A_240 = arith.constant 0 : i32
      %cond3A_241 = arith.cmpi ne, %convert_element_type3A_239, %cond3A_240 : i32
      scf.if %cond3A_241 {
        %add3A_250 = arith.constant 3 : i32
        %add3A_251 = arith.addi %div3A_231, %add3A_250 : i32
        %add3A_252 = arith.constant 3 : i32
        %add3A_253 = arith.addi %div3A_231, %add3A_252 : i32
        %rem3A_254 = arith.constant 3 : i32
        %rem3A_255 = arith.remsi %add3A_253, %rem3A_254 : i32
        %add3A_256 = arith.constant 3 : i32
        %add3A_257 = arith.addi %div3A_231, %add3A_256 : i32
        %rem3A_258 = arith.constant 4 : i32
        %rem3A_259 = arith.remsi %add3A_257, %rem3A_258 : i32
        %mul3A_260 = arith.constant 10000 : i32
        %mul3A_261 = arith.muli %add3A, %mul3A_260 : i32
        %mul3A_262 = arith.constant 200 : i32
        %mul3A_263 = arith.muli %add3A_251, %mul3A_262 : i32
        %add3A_264 = arith.addi %mul3A_261, %mul3A_263 : i32
        %mul3A_265 = arith.constant 200 : i32
        %mul3A_266 = arith.muli %rem3A_255, %mul3A_265 : i32
        %dma_start3A_267 = tpu.memref_slice %arg7[%mul3A_266] : memref<600xi32, #tpu.memory_space<vmem>> -> memref<200xi32, #tpu.memory_space<vmem>>
        %dma_start3A_268 = tpu.memref_slice %arg3[%add3A_264] : memref<640000xi32, #tpu.memory_space<hbm>> -> memref<200xi32, #tpu.memory_space<hbm>>
        %dma_start3A_269 = tpu.memref_slice %arg7[%mul3A_266] : memref<600xi32, #tpu.memory_space<vmem>> -> memref<200xi32, #tpu.memory_space<vmem>>
        %dma_start3A_270 = tpu.memref_slice %arg3[%add3A_264] : memref<640000xi32, #tpu.memory_space<hbm>> -> memref<200xi32, #tpu.memory_space<hbm>>
        tpu.enqueue_dma source(%dma_start3A_270 : memref<200xi32, #tpu.memory_space<hbm>>) target(%dma_start3A_269 : memref<200xi32, #tpu.memory_space<vmem>>) target_semaphore(%arg11 : memref<!tpu.dma_semaphore, #tpu.memory_space<semaphore_mem>>)
        %add3A_271 = arith.constant 320000 : i32
        %add3A_272 = arith.addi %add3A_271, %add3A_264 : i32
        %mul3A_273 = arith.constant 200 : i32
        %mul3A_274 = arith.muli %rem3A_259, %mul3A_273 : i32
        %dma_start3A_275 = tpu.memref_slice %arg8[%mul3A_274] : memref<800xi32, #tpu.memory_space<vmem>> -> memref<200xi32, #tpu.memory_space<vmem>>
        %dma_start3A_276 = tpu.memref_slice %arg3[%add3A_272] : memref<640000xi32, #tpu.memory_space<hbm>> -> memref<200xi32, #tpu.memory_space<hbm>>
        %dma_start3A_277 = tpu.memref_slice %arg8[%mul3A_274] : memref<800xi32, #tpu.memory_space<vmem>> -> memref<200xi32, #tpu.memory_space<vmem>>
        %dma_start3A_278 = tpu.memref_slice %arg3[%add3A_272] : memref<640000xi32, #tpu.memory_space<hbm>> -> memref<200xi32, #tpu.memory_space<hbm>>
        tpu.enqueue_dma source(%dma_start3A_278 : memref<200xi32, #tpu.memory_space<hbm>>) target(%dma_start3A_277 : memref<200xi32, #tpu.memory_space<vmem>>) target_semaphore(%arg11 : memref<!tpu.dma_semaphore, #tpu.memory_space<semaphore_mem>>)
      } else {
      }
      %add3A_242 = arith.constant 4 : i32
      %add3A_243 = arith.addi %scan3A_194, %add3A_242 : i32
      %lt3A_244 = arith.constant 250 : i32
      %lt3A_245 = arith.cmpi slt, %add3A_243, %lt3A_244 : i32
      %convert_element_type3A_246 = arith.extui %lt3A_245 : i1 to i32
      %cond3A_247 = arith.constant 0 : i32
      %cond3A_248 = arith.cmpi ne, %convert_element_type3A_246, %cond3A_247 : i32
      scf.if %cond3A_248 {
        %div3A_250 = arith.constant 5 : i32
        %div3A_251 = arith.divsi %add3A_243, %div3A_250 : i32
        %rem3A_252 = arith.constant 5 : i32
        %rem3A_253 = arith.remsi %add3A_243, %rem3A_252 : i32
        %eq3A_254 = arith.constant 0 : i32
        %eq3A_255 = arith.cmpi eq, %rem3A_253, %eq3A_254 : i32
        %convert_element_type3A_256 = arith.extui %eq3A_255 : i1 to i32
        %cond3A_257 = arith.constant 0 : i32
        %cond3A_258 = arith.cmpi ne, %convert_element_type3A_256, %cond3A_257 : i32
        scf.if %cond3A_258 {
          %dma_wait3A_278 = arith.constant 0 : i32
          %dma_wait3A_279 = tpu.memref_slice %arg7[%dma_wait3A_278] : memref<600xi32, #tpu.memory_space<vmem>> -> memref<200xi32, #tpu.memory_space<vmem>>
          %dma_wait3A_280 = arith.constant 0 : i32
          %dma_wait3A_281 = tpu.memref_slice %arg3[%dma_wait3A_280] : memref<640000xi32, #tpu.memory_space<hbm>> -> memref<200xi32, #tpu.memory_space<hbm>>
          %dma_wait3A_282 = arith.constant 0 : i32
          %dma_wait3A_283 = tpu.memref_slice %arg7[%dma_wait3A_282] : memref<600xi32, #tpu.memory_space<vmem>> -> memref<200xi32, #tpu.memory_space<vmem>>
          %dma_wait3A_284 = arith.constant 0 : i32
          %dma_wait3A_285 = tpu.memref_slice %arg3[%dma_wait3A_284] : memref<640000xi32, #tpu.memory_space<hbm>> -> memref<200xi32, #tpu.memory_space<hbm>>
          tpu.wait_dma2 semaphore(%arg11 : memref<!tpu.dma_semaphore, #tpu.memory_space<semaphore_mem>>) src(%dma_wait3A_285 : memref<200xi32, #tpu.memory_space<hbm>>) dst(%dma_wait3A_283 : memref<200xi32, #tpu.memory_space<vmem>>)
          %dma_wait3A_286 = arith.constant 0 : i32
          %dma_wait3A_287 = tpu.memref_slice %arg7[%dma_wait3A_286] : memref<600xi32, #tpu.memory_space<vmem>> -> memref<200xi32, #tpu.memory_space<vmem>>
          %dma_wait3A_288 = arith.constant 0 : i32
          %dma_wait3A_289 = tpu.memref_slice %arg3[%dma_wait3A_288] : memref<640000xi32, #tpu.memory_space<hbm>> -> memref<200xi32, #tpu.memory_space<hbm>>
          %dma_wait3A_290 = arith.constant 0 : i32
          %dma_wait3A_291 = tpu.memref_slice %arg7[%dma_wait3A_290] : memref<600xi32, #tpu.memory_space<vmem>> -> memref<200xi32, #tpu.memory_space<vmem>>
          %dma_wait3A_292 = arith.constant 0 : i32
          %dma_wait3A_293 = tpu.memref_slice %arg3[%dma_wait3A_292] : memref<640000xi32, #tpu.memory_space<hbm>> -> memref<200xi32, #tpu.memory_space<hbm>>
          tpu.wait_dma2 semaphore(%arg11 : memref<!tpu.dma_semaphore, #tpu.memory_space<semaphore_mem>>) src(%dma_wait3A_293 : memref<200xi32, #tpu.memory_space<hbm>>) dst(%dma_wait3A_291 : memref<200xi32, #tpu.memory_space<vmem>>)
        } else {
        }
        %rem3A_259 = arith.constant 3 : i32
        %rem3A_260 = arith.remsi %div3A_251, %rem3A_259 : i32
        %rem3A_261 = arith.constant 5 : i32
        %rem3A_262 = arith.remsi %add3A_243, %rem3A_261 : i32
        %mul3A_263 = arith.constant 200 : i32
        %mul3A_264 = arith.muli %rem3A_260, %mul3A_263 : i32
        %mul3A_265 = arith.constant 40 : i32
        %mul3A_266 = arith.muli %rem3A_262, %mul3A_265 : i32
        %add3A_267 = arith.addi %mul3A_264, %mul3A_266 : i32
        %rem3A_268 = arith.constant 8 : i32
        %rem3A_269 = arith.remsi %add3A_243, %rem3A_268 : i32
        %dma_start3A_270 = arith.constant 0 : i32
        %dma_start3A_271 = arith.constant 0 : i32
        %dma_start3A_272 = tpu.memref_slice %arg9[%rem3A_269, %dma_start3A_270, %dma_start3A_271] : memref<8x40x128xf32, #tpu.memory_space<vmem>> -> memref<1x40x128xf32, #tpu.memory_space<vmem>>
        %dma_start3A_273 = tpu.memref_squeeze %dma_start3A_272 : memref<1x40x128xf32, #tpu.memory_space<vmem>> -> memref<40x128xf32, #tpu.memory_space<vmem>>
        %dma_start3A_274 = tpu.memref_slice %arg7[%add3A_267] : memref<600xi32, #tpu.memory_space<vmem>> -> memref<40xi32, #tpu.memory_space<vmem>>
        %dma_start3A_275 = arith.constant 0 : i32
        %dma_start3A_276 = arith.constant 0 : i32
        %dma_start3A_277 = tpu.memref_slice %arg2[%dma_start3A_275, %dma_start3A_276] : memref<10240x128xf32, #tpu.memory_space<hbm>> -> memref<10240x128xf32, #tpu.memory_space<hbm>>
        tpu.enqueue_indirect_dma source(%dma_start3A_277 : memref<10240x128xf32, #tpu.memory_space<hbm>>) target(%dma_start3A_273 : memref<40x128xf32, #tpu.memory_space<vmem>>) offsets(%dma_start3A_274 : memref<40xi32, #tpu.memory_space<vmem>>) semaphore(%arg12 : memref<!tpu.dma_semaphore, #tpu.memory_space<semaphore_mem>>)
      } else {
      }
      %scan3A_249 = arith.constant 0 : i32
      scf.yield %scan3A_249 : i32
    }
    %scan3A_152 = arith.constant 250 : i32
    %dma_wait3A_153 = arith.constant 0 : i32
    %dma_wait3A_154 = arith.constant 0 : i32
    %dma_wait3A_155 = arith.constant 0 : i32
    %dma_wait3A_156 = tpu.memref_slice %arg9[%dma_wait3A_153, %dma_wait3A_154, %dma_wait3A_155] : memref<8x40x128xf32, #tpu.memory_space<vmem>> -> memref<1x40x128xf32, #tpu.memory_space<vmem>>
    %dma_wait3A_157 = tpu.memref_squeeze %dma_wait3A_156 : memref<1x40x128xf32, #tpu.memory_space<vmem>> -> memref<40x128xf32, #tpu.memory_space<vmem>>
    %dma_wait3A_158 = arith.constant 0 : i32
    %dma_wait3A_159 = tpu.memref_slice %arg8[%dma_wait3A_158] : memref<800xi32, #tpu.memory_space<vmem>> -> memref<40xi32, #tpu.memory_space<vmem>>
    %dma_wait3A_160 = arith.constant 0 : i32
    %dma_wait3A_161 = arith.constant 0 : i32
    %dma_wait3A_162 = tpu.memref_slice %arg10[%dma_wait3A_160, %dma_wait3A_161] : memref<10240x128xf32, #tpu.memory_space<vmem_shared>> -> memref<10240x128xf32, #tpu.memory_space<vmem_shared>>
    tpu.wait_indirect_dma semaphore(%arg13 : memref<!tpu.dma_semaphore, #tpu.memory_space<semaphore_mem>>) src(%dma_wait3A_157 : memref<40x128xf32, #tpu.memory_space<vmem>>) dst(%dma_wait3A_162 : memref<10240x128xf32, #tpu.memory_space<vmem_shared>>)
    %dma_wait3A_163 = arith.constant 0 : i32
    %dma_wait3A_164 = arith.constant 0 : i32
    %dma_wait3A_165 = arith.constant 0 : i32
    %dma_wait3A_166 = tpu.memref_slice %arg9[%dma_wait3A_163, %dma_wait3A_164, %dma_wait3A_165] : memref<8x40x128xf32, #tpu.memory_space<vmem>> -> memref<1x40x128xf32, #tpu.memory_space<vmem>>
    %dma_wait3A_167 = tpu.memref_squeeze %dma_wait3A_166 : memref<1x40x128xf32, #tpu.memory_space<vmem>> -> memref<40x128xf32, #tpu.memory_space<vmem>>
    %dma_wait3A_168 = arith.constant 0 : i32
    %dma_wait3A_169 = tpu.memref_slice %arg8[%dma_wait3A_168] : memref<800xi32, #tpu.memory_space<vmem>> -> memref<40xi32, #tpu.memory_space<vmem>>
    %dma_wait3A_170 = arith.constant 0 : i32
    %dma_wait3A_171 = arith.constant 0 : i32
    %dma_wait3A_172 = tpu.memref_slice %arg10[%dma_wait3A_170, %dma_wait3A_171] : memref<10240x128xf32, #tpu.memory_space<vmem_shared>> -> memref<10240x128xf32, #tpu.memory_space<vmem_shared>>
    tpu.wait_indirect_dma semaphore(%arg13 : memref<!tpu.dma_semaphore, #tpu.memory_space<semaphore_mem>>) src(%dma_wait3A_167 : memref<40x128xf32, #tpu.memory_space<vmem>>) dst(%dma_wait3A_172 : memref<10240x128xf32, #tpu.memory_space<vmem_shared>>)
    %dma_wait3A_173 = arith.constant 0 : i32
    %dma_wait3A_174 = arith.constant 0 : i32
    %dma_wait3A_175 = arith.constant 0 : i32
    %dma_wait3A_176 = tpu.memref_slice %arg9[%dma_wait3A_173, %dma_wait3A_174, %dma_wait3A_175] : memref<8x40x128xf32, #tpu.memory_space<vmem>> -> memref<1x40x128xf32, #tpu.memory_space<vmem>>
    %dma_wait3A_177 = tpu.memref_squeeze %dma_wait3A_176 : memref<1x40x128xf32, #tpu.memory_space<vmem>> -> memref<40x128xf32, #tpu.memory_space<vmem>>
    %dma_wait3A_178 = arith.constant 0 : i32
    %dma_wait3A_179 = tpu.memref_slice %arg8[%dma_wait3A_178] : memref<800xi32, #tpu.memory_space<vmem>> -> memref<40xi32, #tpu.memory_space<vmem>>
    %dma_wait3A_180 = arith.constant 0 : i32
    %dma_wait3A_181 = arith.constant 0 : i32
    %dma_wait3A_182 = tpu.memref_slice %arg10[%dma_wait3A_180, %dma_wait3A_181] : memref<10240x128xf32, #tpu.memory_space<vmem_shared>> -> memref<10240x128xf32, #tpu.memory_space<vmem_shared>>
    tpu.wait_indirect_dma semaphore(%arg13 : memref<!tpu.dma_semaphore, #tpu.memory_space<semaphore_mem>>) src(%dma_wait3A_177 : memref<40x128xf32, #tpu.memory_space<vmem>>) dst(%dma_wait3A_182 : memref<10240x128xf32, #tpu.memory_space<vmem_shared>>)
    %barrier3A_183 = arith.constant 0 : index
    tpu.barrier barrier_id(%barrier3A_183)
    %eq3A_184 = arith.constant 0 : i32
    %eq3A_185 = arith.cmpi eq, %arg0, %eq3A_184 : i32
    %convert_element_type3A_186 = arith.extui %eq3A_185 : i1 to i32
    %cond3A_187 = arith.constant 0 : i32
    %cond3A_188 = arith.cmpi ne, %convert_element_type3A_186, %cond3A_187 : i32
    scf.if %cond3A_188 {
      %mul3A_194 = arith.constant 640 : i32
      %mul3A_195 = arith.muli %arg1, %mul3A_194 : i32
      %mul3A_196 = arith.constant 640 : i32
      %mul3A_197 = arith.muli %arg1, %mul3A_196 : i32
      "tpu.region"() ({
        %run_scoped3A = tpu.sem_alloc : memref<!tpu.dma_semaphore, #tpu.memory_space<semaphore_mem>>
        %dma_start3A_198 = arith.constant 0 : i32
        %dma_start3A_199 = tpu.memref_slice %arg5[%mul3A_197, %dma_start3A_198] : memref<10240x128xf32, #tpu.memory_space<hbm>> -> memref<640x128xf32, #tpu.memory_space<hbm>>
        %dma_start3A_200 = arith.constant 0 : i32
        %dma_start3A_201 = tpu.memref_slice %arg10[%mul3A_195, %dma_start3A_200] : memref<10240x128xf32, #tpu.memory_space<vmem_shared>> -> memref<640x128xf32, #tpu.memory_space<vmem_shared>>
        tpu.enqueue_dma source(%dma_start3A_201 : memref<640x128xf32, #tpu.memory_space<vmem_shared>>) target(%dma_start3A_199 : memref<640x128xf32, #tpu.memory_space<hbm>>) target_semaphore(%run_scoped3A : memref<!tpu.dma_semaphore, #tpu.memory_space<semaphore_mem>>)
        %dma_wait3A_202 = arith.constant 0 : i32
        %dma_wait3A_203 = tpu.memref_slice %arg5[%mul3A_197, %dma_wait3A_202] : memref<10240x128xf32, #tpu.memory_space<hbm>> -> memref<640x128xf32, #tpu.memory_space<hbm>>
        %dma_wait3A_204 = arith.constant 0 : i32
        %dma_wait3A_205 = tpu.memref_slice %arg10[%mul3A_195, %dma_wait3A_204] : memref<10240x128xf32, #tpu.memory_space<vmem_shared>> -> memref<640x128xf32, #tpu.memory_space<vmem_shared>>
        tpu.wait_dma2 semaphore(%run_scoped3A : memref<!tpu.dma_semaphore, #tpu.memory_space<semaphore_mem>>) src(%dma_wait3A_205 : memref<640x128xf32, #tpu.memory_space<vmem_shared>>) dst(%dma_wait3A_203 : memref<640x128xf32, #tpu.memory_space<hbm>>)
        tpu.yield
      }) : () -> ()
    } else {
    }
    %eq3A_189 = arith.constant 1 : i32
    %eq3A_190 = arith.cmpi eq, %arg0, %eq3A_189 : i32
    %convert_element_type3A_191 = arith.extui %eq3A_190 : i1 to i32
    %cond3A_192 = arith.constant 0 : i32
    %cond3A_193 = arith.cmpi ne, %convert_element_type3A_191, %cond3A_192 : i32
    scf.if %cond3A_193 {
      %mul3A_194 = arith.constant 640 : i32
      %mul3A_195 = arith.muli %arg1, %mul3A_194 : i32
      %mul3A_196 = arith.constant 640 : i32
      %mul3A_197 = arith.muli %arg1, %mul3A_196 : i32
      "tpu.region"() ({
        %run_scoped3A = tpu.sem_alloc : memref<!tpu.dma_semaphore, #tpu.memory_space<semaphore_mem>>
        %dma_start3A_198 = arith.constant 0 : i32
        %dma_start3A_199 = tpu.memref_slice %arg6[%mul3A_197, %dma_start3A_198] : memref<10240x128xf32, #tpu.memory_space<hbm>> -> memref<640x128xf32, #tpu.memory_space<hbm>>
        %dma_start3A_200 = arith.constant 0 : i32
        %dma_start3A_201 = tpu.memref_slice %arg10[%mul3A_195, %dma_start3A_200] : memref<10240x128xf32, #tpu.memory_space<vmem_shared>> -> memref<640x128xf32, #tpu.memory_space<vmem_shared>>
        tpu.enqueue_dma source(%dma_start3A_201 : memref<640x128xf32, #tpu.memory_space<vmem_shared>>) target(%dma_start3A_199 : memref<640x128xf32, #tpu.memory_space<hbm>>) target_semaphore(%run_scoped3A : memref<!tpu.dma_semaphore, #tpu.memory_space<semaphore_mem>>)
        %dma_wait3A_202 = arith.constant 0 : i32
        %dma_wait3A_203 = tpu.memref_slice %arg6[%mul3A_197, %dma_wait3A_202] : memref<10240x128xf32, #tpu.memory_space<hbm>> -> memref<640x128xf32, #tpu.memory_space<hbm>>
        %dma_wait3A_204 = arith.constant 0 : i32
        %dma_wait3A_205 = tpu.memref_slice %arg10[%mul3A_195, %dma_wait3A_204] : memref<10240x128xf32, #tpu.memory_space<vmem_shared>> -> memref<640x128xf32, #tpu.memory_space<vmem_shared>>
        tpu.wait_dma2 semaphore(%run_scoped3A : memref<!tpu.dma_semaphore, #tpu.memory_space<semaphore_mem>>) src(%dma_wait3A_205 : memref<640x128xf32, #tpu.memory_space<vmem_shared>>) dst(%dma_wait3A_203 : memref<640x128xf32, #tpu.memory_space<hbm>>)
        tpu.yield
      }) : () -> ()
    } else {
    }
    return
  }
}

#map = affine_map<(d0, d1) -> (0, 0)>
#map1 = affine_map<(d0, d1) -> (0)>
module attributes {stable_mosaic.version = 14 : i64} {
  func.func @_sc_mp(%arg0: i32, %arg1: i32, %arg2: memref<10240x128xf32, #tpu.memory_space<hbm>>, %arg3: memref<640000xi32, #tpu.memory_space<hbm>>, %arg4: memref<640x128xf32, #tpu.memory_space<hbm>>, %arg5: memref<10240x128xf32, #tpu.memory_space<hbm>>, %arg6: memref<10240x128xf32, #tpu.memory_space<hbm>>, %arg7: memref<600xi32, #tpu.memory_space<vmem>>, %arg8: memref<800xi32, #tpu.memory_space<vmem>>, %arg9: memref<8x40x128xf32, #tpu.memory_space<vmem>>, %arg10: memref<10240x128xf32, #tpu.memory_space<vmem_shared>>, %arg11: memref<!tpu.dma_semaphore, #tpu.memory_space<semaphore_mem>>, %arg12: memref<!tpu.dma_semaphore, #tpu.memory_space<semaphore_mem>>, %arg13: memref<!tpu.dma_semaphore, #tpu.memory_space<semaphore_mem>>) attributes {dimension_semantics = [#tpu.dimension_semantics<core_parallel>, #tpu.dimension_semantics<subcore_parallel>], iteration_bounds = array<i64: 2, 16>, scalar_prefetch = 0 : i64, scratch_operands = 7 : i64, tpu.core_type = #tpu.core_type<sc_vector_subcore>, window_params = [{transform_indices = #map}, {transform_indices = #map1}, {transform_indices = #map}, {transform_indices = #map}, {transform_indices = #map}]} {
    %mul3A = arith.constant 2 : i32
    %mul3A_0 = arith.muli %arg1, %mul3A : i32
    %add3A = arith.addi %mul3A_0, %arg0 : i32
    %eq3A = arith.constant 0 : i32
    %eq3A_1 = arith.cmpi eq, %arg0, %eq3A : i32
    %convert_element_type3A = arith.extui %eq3A_1 : i1 to i32
    %cond3A = arith.constant 0 : i32
    %cond3A_2 = arith.cmpi ne, %convert_element_type3A, %cond3A : i32
    scf.if %cond3A_2 {
      %mul3A_194 = arith.constant 640 : i32
      %mul3A_195 = arith.muli %arg1, %mul3A_194 : i32
      %mul3A_196 = arith.constant 640 : i32
      %mul3A_197 = arith.muli %arg1, %mul3A_196 : i32
      "tpu.region"() ({
        %run_scoped3A = tpu.sem_alloc : memref<!tpu.dma_semaphore, #tpu.memory_space<semaphore_mem>>
        %dma_start3A_198 = arith.constant 0 : i32
        %dma_start3A_199 = tpu.memref_slice %arg10[%mul3A_197, %dma_start3A_198] : memref<10240x128xf32, #tpu.memory_space<vmem_shared>> -> memref<640x128xf32, #tpu.memory_space<vmem_shared>>
        %dma_start3A_200 = arith.constant 0 : i32
        %dma_start3A_201 = tpu.memref_slice %arg2[%mul3A_195, %dma_start3A_200] : memref<10240x128xf32, #tpu.memory_space<hbm>> -> memref<640x128xf32, #tpu.memory_space<hbm>>
        tpu.enqueue_dma source(%dma_start3A_201 : memref<640x128xf32, #tpu.memory_space<hbm>>) target(%dma_start3A_199 : memref<640x128xf32, #tpu.memory_space<vmem_shared>>) target_semaphore(%run_scoped3A : memref<!tpu.dma_semaphore, #tpu.memory_space<semaphore_mem>>)
        %dma_wait3A_202 = arith.constant 0 : i32
        %dma_wait3A_203 = tpu.memref_slice %arg10[%mul3A_197, %dma_wait3A_202] : memref<10240x128xf32, #tpu.memory_space<vmem_shared>> -> memref<640x128xf32, #tpu.memory_space<vmem_shared>>
        %dma_wait3A_204 = arith.constant 0 : i32
        %dma_wait3A_205 = tpu.memref_slice %arg2[%mul3A_195, %dma_wait3A_204] : memref<10240x128xf32, #tpu.memory_space<hbm>> -> memref<640x128xf32, #tpu.memory_space<hbm>>
        tpu.wait_dma2 semaphore(%run_scoped3A : memref<!tpu.dma_semaphore, #tpu.memory_space<semaphore_mem>>) src(%dma_wait3A_205 : memref<640x128xf32, #tpu.memory_space<hbm>>) dst(%dma_wait3A_203 : memref<640x128xf32, #tpu.memory_space<vmem_shared>>)
        tpu.yield
      }) : () -> ()
    } else {
    }
    %eq3A_3 = arith.constant 1 : i32
    %eq3A_4 = arith.cmpi eq, %arg0, %eq3A_3 : i32
    %convert_element_type3A_5 = arith.extui %eq3A_4 : i1 to i32
    %cond3A_6 = arith.constant 0 : i32
    %cond3A_7 = arith.cmpi ne, %convert_element_type3A_5, %cond3A_6 : i32
    scf.if %cond3A_7 {
      %mul3A_194 = arith.constant 640 : i32
      %mul3A_195 = arith.muli %arg1, %mul3A_194 : i32
      "tpu.region"() ({
        %run_scoped3A = tpu.sem_alloc : memref<!tpu.dma_semaphore, #tpu.memory_space<semaphore_mem>>
        %dma_start3A_196 = arith.constant 0 : i32
        %dma_start3A_197 = tpu.memref_slice %arg10[%mul3A_195, %dma_start3A_196] : memref<10240x128xf32, #tpu.memory_space<vmem_shared>> -> memref<640x128xf32, #tpu.memory_space<vmem_shared>>
        tpu.enqueue_dma source(%arg4 : memref<640x128xf32, #tpu.memory_space<hbm>>) target(%dma_start3A_197 : memref<640x128xf32, #tpu.memory_space<vmem_shared>>) target_semaphore(%run_scoped3A : memref<!tpu.dma_semaphore, #tpu.memory_space<semaphore_mem>>)
        %dma_wait3A_198 = arith.constant 0 : i32
        %dma_wait3A_199 = tpu.memref_slice %arg10[%mul3A_195, %dma_wait3A_198] : memref<10240x128xf32, #tpu.memory_space<vmem_shared>> -> memref<640x128xf32, #tpu.memory_space<vmem_shared>>
        tpu.wait_dma2 semaphore(%run_scoped3A : memref<!tpu.dma_semaphore, #tpu.memory_space<semaphore_mem>>) src(%arg4 : memref<640x128xf32, #tpu.memory_space<hbm>>) dst(%dma_wait3A_199 : memref<640x128xf32, #tpu.memory_space<vmem_shared>>)
        tpu.yield
      }) : () -> ()
    } else {
    }
    %barrier3A = arith.constant 0 : index
    tpu.barrier barrier_id(%barrier3A)
    %mul3A_8 = arith.constant 10000 : i32
    %mul3A_9 = arith.muli %add3A, %mul3A_8 : i32
    %add3A_10 = arith.constant 0 : i32
    %add3A_11 = arith.addi %mul3A_9, %add3A_10 : i32
    %dma_start3A = arith.constant 0 : i32
    %dma_start3A_12 = tpu.memref_slice %arg7[%dma_start3A] : memref<600xi32, #tpu.memory_space<vmem>> -> memref<200xi32, #tpu.memory_space<vmem>>
    %dma_start3A_13 = tpu.memref_slice %arg3[%add3A_11] : memref<640000xi32, #tpu.memory_space<hbm>> -> memref<200xi32, #tpu.memory_space<hbm>>
    %dma_start3A_14 = arith.constant 0 : i32
    %dma_start3A_15 = tpu.memref_slice %arg7[%dma_start3A_14] : memref<600xi32, #tpu.memory_space<vmem>> -> memref<200xi32, #tpu.memory_space<vmem>>
    %dma_start3A_16 = tpu.memref_slice %arg3[%add3A_11] : memref<640000xi32, #tpu.memory_space<hbm>> -> memref<200xi32, #tpu.memory_space<hbm>>
    tpu.enqueue_dma source(%dma_start3A_16 : memref<200xi32, #tpu.memory_space<hbm>>) target(%dma_start3A_15 : memref<200xi32, #tpu.memory_space<vmem>>) target_semaphore(%arg11 : memref<!tpu.dma_semaphore, #tpu.memory_space<semaphore_mem>>)
    %add3A_17 = arith.constant 320000 : i32
    %add3A_18 = arith.addi %add3A_17, %add3A_11 : i32
    %dma_start3A_19 = arith.constant 0 : i32
    %dma_start3A_20 = tpu.memref_slice %arg8[%dma_start3A_19] : memref<800xi32, #tpu.memory_space<vmem>> -> memref<200xi32, #tpu.memory_space<vmem>>
    %dma_start3A_21 = tpu.memref_slice %arg3[%add3A_18] : memref<640000xi32, #tpu.memory_space<hbm>> -> memref<200xi32, #tpu.memory_space<hbm>>
    %dma_start3A_22 = arith.constant 0 : i32
    %dma_start3A_23 = tpu.memref_slice %arg8[%dma_start3A_22] : memref<800xi32, #tpu.memory_space<vmem>> -> memref<200xi32, #tpu.memory_space<vmem>>
    %dma_start3A_24 = tpu.memref_slice %arg3[%add3A_18] : memref<640000xi32, #tpu.memory_space<hbm>> -> memref<200xi32, #tpu.memory_space<hbm>>
    tpu.enqueue_dma source(%dma_start3A_24 : memref<200xi32, #tpu.memory_space<hbm>>) target(%dma_start3A_23 : memref<200xi32, #tpu.memory_space<vmem>>) target_semaphore(%arg11 : memref<!tpu.dma_semaphore, #tpu.memory_space<semaphore_mem>>)
    %mul3A_25 = arith.constant 10000 : i32
    %mul3A_26 = arith.muli %add3A, %mul3A_25 : i32
    %add3A_27 = arith.constant 200 : i32
    %add3A_28 = arith.addi %mul3A_26, %add3A_27 : i32
    %dma_start3A_29 = arith.constant 200 : i32
    %dma_start3A_30 = tpu.memref_slice %arg7[%dma_start3A_29] : memref<600xi32, #tpu.memory_space<vmem>> -> memref<200xi32, #tpu.memory_space<vmem>>
    %dma_start3A_31 = tpu.memref_slice %arg3[%add3A_28] : memref<640000xi32, #tpu.memory_space<hbm>> -> memref<200xi32, #tpu.memory_space<hbm>>
    %dma_start3A_32 = arith.constant 200 : i32
    %dma_start3A_33 = tpu.memref_slice %arg7[%dma_start3A_32] : memref<600xi32, #tpu.memory_space<vmem>> -> memref<200xi32, #tpu.memory_space<vmem>>
    %dma_start3A_34 = tpu.memref_slice %arg3[%add3A_28] : memref<640000xi32, #tpu.memory_space<hbm>> -> memref<200xi32, #tpu.memory_space<hbm>>
    tpu.enqueue_dma source(%dma_start3A_34 : memref<200xi32, #tpu.memory_space<hbm>>) target(%dma_start3A_33 : memref<200xi32, #tpu.memory_space<vmem>>) target_semaphore(%arg11 : memref<!tpu.dma_semaphore, #tpu.memory_space<semaphore_mem>>)
    %add3A_35 = arith.constant 320000 : i32
    %add3A_36 = arith.addi %add3A_35, %add3A_28 : i32
    %dma_start3A_37 = arith.constant 200 : i32
    %dma_start3A_38 = tpu.memref_slice %arg8[%dma_start3A_37] : memref<800xi32, #tpu.memory_space<vmem>> -> memref<200xi32, #tpu.memory_space<vmem>>
    %dma_start3A_39 = tpu.memref_slice %arg3[%add3A_36] : memref<640000xi32, #tpu.memory_space<hbm>> -> memref<200xi32, #tpu.memory_space<hbm>>
    %dma_start3A_40 = arith.constant 200 : i32
    %dma_start3A_41 = tpu.memref_slice %arg8[%dma_start3A_40] : memref<800xi32, #tpu.memory_space<vmem>> -> memref<200xi32, #tpu.memory_space<vmem>>
    %dma_start3A_42 = tpu.memref_slice %arg3[%add3A_36] : memref<640000xi32, #tpu.memory_space<hbm>> -> memref<200xi32, #tpu.memory_space<hbm>>
    tpu.enqueue_dma source(%dma_start3A_42 : memref<200xi32, #tpu.memory_space<hbm>>) target(%dma_start3A_41 : memref<200xi32, #tpu.memory_space<vmem>>) target_semaphore(%arg11 : memref<!tpu.dma_semaphore, #tpu.memory_space<semaphore_mem>>)
    %mul3A_43 = arith.constant 10000 : i32
    %mul3A_44 = arith.muli %add3A, %mul3A_43 : i32
    %add3A_45 = arith.constant 400 : i32
    %add3A_46 = arith.addi %mul3A_44, %add3A_45 : i32
    %dma_start3A_47 = arith.constant 400 : i32
    %dma_start3A_48 = tpu.memref_slice %arg7[%dma_start3A_47] : memref<600xi32, #tpu.memory_space<vmem>> -> memref<200xi32, #tpu.memory_space<vmem>>
    %dma_start3A_49 = tpu.memref_slice %arg3[%add3A_46] : memref<640000xi32, #tpu.memory_space<hbm>> -> memref<200xi32, #tpu.memory_space<hbm>>
    %dma_start3A_50 = arith.constant 400 : i32
    %dma_start3A_51 = tpu.memref_slice %arg7[%dma_start3A_50] : memref<600xi32, #tpu.memory_space<vmem>> -> memref<200xi32, #tpu.memory_space<vmem>>
    %dma_start3A_52 = tpu.memref_slice %arg3[%add3A_46] : memref<640000xi32, #tpu.memory_space<hbm>> -> memref<200xi32, #tpu.memory_space<hbm>>
    tpu.enqueue_dma source(%dma_start3A_52 : memref<200xi32, #tpu.memory_space<hbm>>) target(%dma_start3A_51 : memref<200xi32, #tpu.memory_space<vmem>>) target_semaphore(%arg11 : memref<!tpu.dma_semaphore, #tpu.memory_space<semaphore_mem>>)
    %add3A_53 = arith.constant 320000 : i32
    %add3A_54 = arith.addi %add3A_53, %add3A_46 : i32
    %dma_start3A_55 = arith.constant 400 : i32
    %dma_start3A_56 = tpu.memref_slice %arg8[%dma_start3A_55] : memref<800xi32, #tpu.memory_space<vmem>> -> memref<200xi32, #tpu.memory_space<vmem>>
    %dma_start3A_57 = tpu.memref_slice %arg3[%add3A_54] : memref<640000xi32, #tpu.memory_space<hbm>> -> memref<200xi32, #tpu.memory_space<hbm>>
    %dma_start3A_58 = arith.constant 400 : i32
    %dma_start3A_59 = tpu.memref_slice %arg8[%dma_start3A_58] : memref<800xi32, #tpu.memory_space<vmem>> -> memref<200xi32, #tpu.memory_space<vmem>>
    %dma_start3A_60 = tpu.memref_slice %arg3[%add3A_54] : memref<640000xi32, #tpu.memory_space<hbm>> -> memref<200xi32, #tpu.memory_space<hbm>>
    tpu.enqueue_dma source(%dma_start3A_60 : memref<200xi32, #tpu.memory_space<hbm>>) target(%dma_start3A_59 : memref<200xi32, #tpu.memory_space<vmem>>) target_semaphore(%arg11 : memref<!tpu.dma_semaphore, #tpu.memory_space<semaphore_mem>>)
    %dma_wait3A = arith.constant 0 : i32
    %dma_wait3A_61 = tpu.memref_slice %arg7[%dma_wait3A] : memref<600xi32, #tpu.memory_space<vmem>> -> memref<200xi32, #tpu.memory_space<vmem>>
    %dma_wait3A_62 = arith.constant 0 : i32
    %dma_wait3A_63 = tpu.memref_slice %arg3[%dma_wait3A_62] : memref<640000xi32, #tpu.memory_space<hbm>> -> memref<200xi32, #tpu.memory_space<hbm>>
    %dma_wait3A_64 = arith.constant 0 : i32
    %dma_wait3A_65 = tpu.memref_slice %arg7[%dma_wait3A_64] : memref<600xi32, #tpu.memory_space<vmem>> -> memref<200xi32, #tpu.memory_space<vmem>>
    %dma_wait3A_66 = arith.constant 0 : i32
    %dma_wait3A_67 = tpu.memref_slice %arg3[%dma_wait3A_66] : memref<640000xi32, #tpu.memory_space<hbm>> -> memref<200xi32, #tpu.memory_space<hbm>>
    tpu.wait_dma2 semaphore(%arg11 : memref<!tpu.dma_semaphore, #tpu.memory_space<semaphore_mem>>) src(%dma_wait3A_67 : memref<200xi32, #tpu.memory_space<hbm>>) dst(%dma_wait3A_65 : memref<200xi32, #tpu.memory_space<vmem>>)
    %dma_wait3A_68 = arith.constant 0 : i32
    %dma_wait3A_69 = tpu.memref_slice %arg7[%dma_wait3A_68] : memref<600xi32, #tpu.memory_space<vmem>> -> memref<200xi32, #tpu.memory_space<vmem>>
    %dma_wait3A_70 = arith.constant 0 : i32
    %dma_wait3A_71 = tpu.memref_slice %arg3[%dma_wait3A_70] : memref<640000xi32, #tpu.memory_space<hbm>> -> memref<200xi32, #tpu.memory_space<hbm>>
    %dma_wait3A_72 = arith.constant 0 : i32
    %dma_wait3A_73 = tpu.memref_slice %arg7[%dma_wait3A_72] : memref<600xi32, #tpu.memory_space<vmem>> -> memref<200xi32, #tpu.memory_space<vmem>>
    %dma_wait3A_74 = arith.constant 0 : i32
    %dma_wait3A_75 = tpu.memref_slice %arg3[%dma_wait3A_74] : memref<640000xi32, #tpu.memory_space<hbm>> -> memref<200xi32, #tpu.memory_space<hbm>>
    tpu.wait_dma2 semaphore(%arg11 : memref<!tpu.dma_semaphore, #tpu.memory_space<semaphore_mem>>) src(%dma_wait3A_75 : memref<200xi32, #tpu.memory_space<hbm>>) dst(%dma_wait3A_73 : memref<200xi32, #tpu.memory_space<vmem>>)
    %rem3A = arith.constant 0 : i32
    %rem3A_76 = arith.constant 5 : i32
    %rem3A_77 = arith.remsi %rem3A, %rem3A_76 : i32
    %mul3A_78 = arith.constant 40 : i32
    %mul3A_79 = arith.muli %rem3A_77, %mul3A_78 : i32
    %add3A_80 = arith.constant 0 : i32
    %add3A_81 = arith.addi %add3A_80, %mul3A_79 : i32
    %rem3A_82 = arith.constant 0 : i32
    %rem3A_83 = arith.constant 8 : i32
    %rem3A_84 = arith.remsi %rem3A_82, %rem3A_83 : i32
    %dma_start3A_85 = arith.constant 0 : i32
    %dma_start3A_86 = arith.constant 0 : i32
    %dma_start3A_87 = tpu.memref_slice %arg9[%rem3A_84, %dma_start3A_85, %dma_start3A_86] : memref<8x40x128xf32, #tpu.memory_space<vmem>> -> memref<1x40x128xf32, #tpu.memory_space<vmem>>
    %dma_start3A_88 = tpu.memref_squeeze %dma_start3A_87 : memref<1x40x128xf32, #tpu.memory_space<vmem>> -> memref<40x128xf32, #tpu.memory_space<vmem>>
    %dma_start3A_89 = tpu.memref_slice %arg7[%add3A_81] : memref<600xi32, #tpu.memory_space<vmem>> -> memref<40xi32, #tpu.memory_space<vmem>>
    %dma_start3A_90 = arith.constant 0 : i32
    %dma_start3A_91 = arith.constant 0 : i32
    %dma_start3A_92 = tpu.memref_slice %arg2[%dma_start3A_90, %dma_start3A_91] : memref<10240x128xf32, #tpu.memory_space<hbm>> -> memref<10240x128xf32, #tpu.memory_space<hbm>>
    tpu.enqueue_indirect_dma source(%dma_start3A_92 : memref<10240x128xf32, #tpu.memory_space<hbm>>) target(%dma_start3A_88 : memref<40x128xf32, #tpu.memory_space<vmem>>) offsets(%dma_start3A_89 : memref<40xi32, #tpu.memory_space<vmem>>) semaphore(%arg12 : memref<!tpu.dma_semaphore, #tpu.memory_space<semaphore_mem>>)
    %rem3A_93 = arith.constant 1 : i32
    %rem3A_94 = arith.constant 5 : i32
    %rem3A_95 = arith.remsi %rem3A_93, %rem3A_94 : i32
    %mul3A_96 = arith.constant 40 : i32
    %mul3A_97 = arith.muli %rem3A_95, %mul3A_96 : i32
    %add3A_98 = arith.constant 0 : i32
    %add3A_99 = arith.addi %add3A_98, %mul3A_97 : i32
    %rem3A_100 = arith.constant 1 : i32
    %rem3A_101 = arith.constant 8 : i32
    %rem3A_102 = arith.remsi %rem3A_100, %rem3A_101 : i32
    %dma_start3A_103 = arith.constant 0 : i32
    %dma_start3A_104 = arith.constant 0 : i32
    %dma_start3A_105 = tpu.memref_slice %arg9[%rem3A_102, %dma_start3A_103, %dma_start3A_104] : memref<8x40x128xf32, #tpu.memory_space<vmem>> -> memref<1x40x128xf32, #tpu.memory_space<vmem>>
    %dma_start3A_106 = tpu.memref_squeeze %dma_start3A_105 : memref<1x40x128xf32, #tpu.memory_space<vmem>> -> memref<40x128xf32, #tpu.memory_space<vmem>>
    %dma_start3A_107 = tpu.memref_slice %arg7[%add3A_99] : memref<600xi32, #tpu.memory_space<vmem>> -> memref<40xi32, #tpu.memory_space<vmem>>
    %dma_start3A_108 = arith.constant 0 : i32
    %dma_start3A_109 = arith.constant 0 : i32
    %dma_start3A_110 = tpu.memref_slice %arg2[%dma_start3A_108, %dma_start3A_109] : memref<10240x128xf32, #tpu.memory_space<hbm>> -> memref<10240x128xf32, #tpu.memory_space<hbm>>
    tpu.enqueue_indirect_dma source(%dma_start3A_110 : memref<10240x128xf32, #tpu.memory_space<hbm>>) target(%dma_start3A_106 : memref<40x128xf32, #tpu.memory_space<vmem>>) offsets(%dma_start3A_107 : memref<40xi32, #tpu.memory_space<vmem>>) semaphore(%arg12 : memref<!tpu.dma_semaphore, #tpu.memory_space<semaphore_mem>>)
    %rem3A_111 = arith.constant 2 : i32
    %rem3A_112 = arith.constant 5 : i32
    %rem3A_113 = arith.remsi %rem3A_111, %rem3A_112 : i32
    %mul3A_114 = arith.constant 40 : i32
    %mul3A_115 = arith.muli %rem3A_113, %mul3A_114 : i32
    %add3A_116 = arith.constant 0 : i32
    %add3A_117 = arith.addi %add3A_116, %mul3A_115 : i32
    %rem3A_118 = arith.constant 2 : i32
    %rem3A_119 = arith.constant 8 : i32
    %rem3A_120 = arith.remsi %rem3A_118, %rem3A_119 : i32
    %dma_start3A_121 = arith.constant 0 : i32
    %dma_start3A_122 = arith.constant 0 : i32
    %dma_start3A_123 = tpu.memref_slice %arg9[%rem3A_120, %dma_start3A_121, %dma_start3A_122] : memref<8x40x128xf32, #tpu.memory_space<vmem>> -> memref<1x40x128xf32, #tpu.memory_space<vmem>>
    %dma_start3A_124 = tpu.memref_squeeze %dma_start3A_123 : memref<1x40x128xf32, #tpu.memory_space<vmem>> -> memref<40x128xf32, #tpu.memory_space<vmem>>
    %dma_start3A_125 = tpu.memref_slice %arg7[%add3A_117] : memref<600xi32, #tpu.memory_space<vmem>> -> memref<40xi32, #tpu.memory_space<vmem>>
    %dma_start3A_126 = arith.constant 0 : i32
    %dma_start3A_127 = arith.constant 0 : i32
    %dma_start3A_128 = tpu.memref_slice %arg2[%dma_start3A_126, %dma_start3A_127] : memref<10240x128xf32, #tpu.memory_space<hbm>> -> memref<10240x128xf32, #tpu.memory_space<hbm>>
    tpu.enqueue_indirect_dma source(%dma_start3A_128 : memref<10240x128xf32, #tpu.memory_space<hbm>>) target(%dma_start3A_124 : memref<40x128xf32, #tpu.memory_space<vmem>>) offsets(%dma_start3A_125 : memref<40xi32, #tpu.memory_space<vmem>>) semaphore(%arg12 : memref<!tpu.dma_semaphore, #tpu.memory_space<semaphore_mem>>)
    %rem3A_129 = arith.constant 3 : i32
    %rem3A_130 = arith.constant 5 : i32
    %rem3A_131 = arith.remsi %rem3A_129, %rem3A_130 : i32
    %mul3A_132 = arith.constant 40 : i32
    %mul3A_133 = arith.muli %rem3A_131, %mul3A_132 : i32
    %add3A_134 = arith.constant 0 : i32
    %add3A_135 = arith.addi %add3A_134, %mul3A_133 : i32
    %rem3A_136 = arith.constant 3 : i32
    %rem3A_137 = arith.constant 8 : i32
    %rem3A_138 = arith.remsi %rem3A_136, %rem3A_137 : i32
    %dma_start3A_139 = arith.constant 0 : i32
    %dma_start3A_140 = arith.constant 0 : i32
    %dma_start3A_141 = tpu.memref_slice %arg9[%rem3A_138, %dma_start3A_139, %dma_start3A_140] : memref<8x40x128xf32, #tpu.memory_space<vmem>> -> memref<1x40x128xf32, #tpu.memory_space<vmem>>
    %dma_start3A_142 = tpu.memref_squeeze %dma_start3A_141 : memref<1x40x128xf32, #tpu.memory_space<vmem>> -> memref<40x128xf32, #tpu.memory_space<vmem>>
    %dma_start3A_143 = tpu.memref_slice %arg7[%add3A_135] : memref<600xi32, #tpu.memory_space<vmem>> -> memref<40xi32, #tpu.memory_space<vmem>>
    %dma_start3A_144 = arith.constant 0 : i32
    %dma_start3A_145 = arith.constant 0 : i32
    %dma_start3A_146 = tpu.memref_slice %arg2[%dma_start3A_144, %dma_start3A_145] : memref<10240x128xf32, #tpu.memory_space<hbm>> -> memref<10240x128xf32, #tpu.memory_space<hbm>>
    tpu.enqueue_indirect_dma source(%dma_start3A_146 : memref<10240x128xf32, #tpu.memory_space<hbm>>) target(%dma_start3A_142 : memref<40x128xf32, #tpu.memory_space<vmem>>) offsets(%dma_start3A_143 : memref<40xi32, #tpu.memory_space<vmem>>) semaphore(%arg12 : memref<!tpu.dma_semaphore, #tpu.memory_space<semaphore_mem>>)
    %scan3A = arith.constant 0 : i32
    %scan3A_147 = arith.constant 0 : i32
    %scan3A_148 = arith.constant 250 : i32
    %scan3A_149 = arith.addi %scan3A_147, %scan3A_148 : i32
    %scan3A_150 = arith.constant 1 : i32
    %scan3A_151 = scf.for %scan3A_194 = %scan3A_147 to %scan3A_149 step %scan3A_150 iter_args(%scan3A_195 = %scan3A) -> (i32)  : i32 {
      %rem3A_196 = arith.constant 8 : i32
      %rem3A_197 = arith.remsi %scan3A_194, %rem3A_196 : i32
      %dma_wait3A_198 = arith.constant 0 : i32
      %dma_wait3A_199 = arith.constant 0 : i32
      %dma_wait3A_200 = arith.constant 0 : i32
      %dma_wait3A_201 = tpu.memref_slice %arg9[%dma_wait3A_198, %dma_wait3A_199, %dma_wait3A_200] : memref<8x40x128xf32, #tpu.memory_space<vmem>> -> memref<1x40x128xf32, #tpu.memory_space<vmem>>
      %dma_wait3A_202 = tpu.memref_squeeze %dma_wait3A_201 : memref<1x40x128xf32, #tpu.memory_space<vmem>> -> memref<40x128xf32, #tpu.memory_space<vmem>>
      %dma_wait3A_203 = arith.constant 0 : i32
      %dma_wait3A_204 = tpu.memref_slice %arg7[%dma_wait3A_203] : memref<600xi32, #tpu.memory_space<vmem>> -> memref<40xi32, #tpu.memory_space<vmem>>
      %dma_wait3A_205 = arith.constant 0 : i32
      %dma_wait3A_206 = arith.constant 0 : i32
      %dma_wait3A_207 = tpu.memref_slice %arg2[%dma_wait3A_205, %dma_wait3A_206] : memref<10240x128xf32, #tpu.memory_space<hbm>> -> memref<10240x128xf32, #tpu.memory_space<hbm>>
      tpu.wait_indirect_dma semaphore(%arg12 : memref<!tpu.dma_semaphore, #tpu.memory_space<semaphore_mem>>) src(%dma_wait3A_207 : memref<10240x128xf32, #tpu.memory_space<hbm>>) dst(%dma_wait3A_202 : memref<40x128xf32, #tpu.memory_space<vmem>>)
      %div3A = arith.constant 5 : i32
      %div3A_208 = arith.divsi %scan3A_194, %div3A : i32
      %rem3A_209 = arith.constant 5 : i32
      %rem3A_210 = arith.remsi %scan3A_194, %rem3A_209 : i32
      %rem3A_211 = arith.constant 4 : i32
      %rem3A_212 = arith.remsi %div3A_208, %rem3A_211 : i32
      %mul3A_213 = arith.constant 200 : i32
      %mul3A_214 = arith.muli %rem3A_212, %mul3A_213 : i32
      %mul3A_215 = arith.constant 40 : i32
      %mul3A_216 = arith.muli %rem3A_210, %mul3A_215 : i32
      %add3A_217 = arith.addi %mul3A_214, %mul3A_216 : i32
      %dma_start3A_218 = arith.constant 0 : i32
      %dma_start3A_219 = arith.constant 0 : i32
      %dma_start3A_220 = tpu.memref_slice %arg9[%rem3A_197, %dma_start3A_218, %dma_start3A_219] : memref<8x40x128xf32, #tpu.memory_space<vmem>> -> memref<1x40x128xf32, #tpu.memory_space<vmem>>
      %dma_start3A_221 = tpu.memref_squeeze %dma_start3A_220 : memref<1x40x128xf32, #tpu.memory_space<vmem>> -> memref<40x128xf32, #tpu.memory_space<vmem>>
      %dma_start3A_222 = tpu.memref_slice %arg8[%add3A_217] : memref<800xi32, #tpu.memory_space<vmem>> -> memref<40xi32, #tpu.memory_space<vmem>>
      %dma_start3A_223 = arith.constant 0 : i32
      %dma_start3A_224 = arith.constant 0 : i32
      %dma_start3A_225 = tpu.memref_slice %arg10[%dma_start3A_223, %dma_start3A_224] : memref<10240x128xf32, #tpu.memory_space<vmem_shared>> -> memref<10240x128xf32, #tpu.memory_space<vmem_shared>>
      tpu.enqueue_indirect_dma source(%dma_start3A_221 : memref<40x128xf32, #tpu.memory_space<vmem>>) target(%dma_start3A_225 : memref<10240x128xf32, #tpu.memory_space<vmem_shared>>) offsets(%dma_start3A_222 : memref<40xi32, #tpu.memory_space<vmem>>) semaphore(%arg13 : memref<!tpu.dma_semaphore, #tpu.memory_space<semaphore_mem>>) {add = true}
      %ge3A = arith.constant 3 : i32
      %ge3A_226 = arith.cmpi sge, %scan3A_194, %ge3A : i32
      %convert_element_type3A_227 = arith.extui %ge3A_226 : i1 to i32
      %cond3A_228 = arith.constant 0 : i32
      %cond3A_229 = arith.cmpi ne, %convert_element_type3A_227, %cond3A_228 : i32
      scf.if %cond3A_229 {
        %dma_wait3A_250 = arith.constant 0 : i32
        %dma_wait3A_251 = arith.constant 0 : i32
        %dma_wait3A_252 = arith.constant 0 : i32
        %dma_wait3A_253 = tpu.memref_slice %arg9[%dma_wait3A_250, %dma_wait3A_251, %dma_wait3A_252] : memref<8x40x128xf32, #tpu.memory_space<vmem>> -> memref<1x40x128xf32, #tpu.memory_space<vmem>>
        %dma_wait3A_254 = tpu.memref_squeeze %dma_wait3A_253 : memref<1x40x128xf32, #tpu.memory_space<vmem>> -> memref<40x128xf32, #tpu.memory_space<vmem>>
        %dma_wait3A_255 = arith.constant 0 : i32
        %dma_wait3A_256 = tpu.memref_slice %arg8[%dma_wait3A_255] : memref<800xi32, #tpu.memory_space<vmem>> -> memref<40xi32, #tpu.memory_space<vmem>>
        %dma_wait3A_257 = arith.constant 0 : i32
        %dma_wait3A_258 = arith.constant 0 : i32
        %dma_wait3A_259 = tpu.memref_slice %arg10[%dma_wait3A_257, %dma_wait3A_258] : memref<10240x128xf32, #tpu.memory_space<vmem_shared>> -> memref<10240x128xf32, #tpu.memory_space<vmem_shared>>
        tpu.wait_indirect_dma semaphore(%arg13 : memref<!tpu.dma_semaphore, #tpu.memory_space<semaphore_mem>>) src(%dma_wait3A_254 : memref<40x128xf32, #tpu.memory_space<vmem>>) dst(%dma_wait3A_259 : memref<10240x128xf32, #tpu.memory_space<vmem_shared>>)
      } else {
      }
      %div3A_230 = arith.constant 5 : i32
      %div3A_231 = arith.divsi %scan3A_194, %div3A_230 : i32
      %rem3A_232 = arith.constant 5 : i32
      %rem3A_233 = arith.remsi %scan3A_194, %rem3A_232 : i32
      %eq3A_234 = arith.constant 4 : i32
      %eq3A_235 = arith.cmpi eq, %rem3A_233, %eq3A_234 : i32
      %add3A_236 = arith.constant 3 : i32
      %add3A_237 = arith.addi %div3A_231, %add3A_236 : i32
      %lt3A = arith.constant 50 : i32
      %lt3A_238 = arith.cmpi slt, %add3A_237, %lt3A : i32
      %and3A = arith.andi %eq3A_235, %lt3A_238 : i1
      %convert_element_type3A_239 = arith.extui %and3A : i1 to i32
      %cond3A_240 = arith.constant 0 : i32
      %cond3A_241 = arith.cmpi ne, %convert_element_type3A_239, %cond3A_240 : i32
      scf.if %cond3A_241 {
        %add3A_250 = arith.constant 3 : i32
        %add3A_251 = arith.addi %div3A_231, %add3A_250 : i32
        %add3A_252 = arith.constant 3 : i32
        %add3A_253 = arith.addi %div3A_231, %add3A_252 : i32
        %rem3A_254 = arith.constant 3 : i32
        %rem3A_255 = arith.remsi %add3A_253, %rem3A_254 : i32
        %add3A_256 = arith.constant 3 : i32
        %add3A_257 = arith.addi %div3A_231, %add3A_256 : i32
        %rem3A_258 = arith.constant 4 : i32
        %rem3A_259 = arith.remsi %add3A_257, %rem3A_258 : i32
        %mul3A_260 = arith.constant 10000 : i32
        %mul3A_261 = arith.muli %add3A, %mul3A_260 : i32
        %mul3A_262 = arith.constant 200 : i32
        %mul3A_263 = arith.muli %add3A_251, %mul3A_262 : i32
        %add3A_264 = arith.addi %mul3A_261, %mul3A_263 : i32
        %mul3A_265 = arith.constant 200 : i32
        %mul3A_266 = arith.muli %rem3A_255, %mul3A_265 : i32
        %dma_start3A_267 = tpu.memref_slice %arg7[%mul3A_266] : memref<600xi32, #tpu.memory_space<vmem>> -> memref<200xi32, #tpu.memory_space<vmem>>
        %dma_start3A_268 = tpu.memref_slice %arg3[%add3A_264] : memref<640000xi32, #tpu.memory_space<hbm>> -> memref<200xi32, #tpu.memory_space<hbm>>
        %dma_start3A_269 = tpu.memref_slice %arg7[%mul3A_266] : memref<600xi32, #tpu.memory_space<vmem>> -> memref<200xi32, #tpu.memory_space<vmem>>
        %dma_start3A_270 = tpu.memref_slice %arg3[%add3A_264] : memref<640000xi32, #tpu.memory_space<hbm>> -> memref<200xi32, #tpu.memory_space<hbm>>
        tpu.enqueue_dma source(%dma_start3A_270 : memref<200xi32, #tpu.memory_space<hbm>>) target(%dma_start3A_269 : memref<200xi32, #tpu.memory_space<vmem>>) target_semaphore(%arg11 : memref<!tpu.dma_semaphore, #tpu.memory_space<semaphore_mem>>)
        %add3A_271 = arith.constant 320000 : i32
        %add3A_272 = arith.addi %add3A_271, %add3A_264 : i32
        %mul3A_273 = arith.constant 200 : i32
        %mul3A_274 = arith.muli %rem3A_259, %mul3A_273 : i32
        %dma_start3A_275 = tpu.memref_slice %arg8[%mul3A_274] : memref<800xi32, #tpu.memory_space<vmem>> -> memref<200xi32, #tpu.memory_space<vmem>>
        %dma_start3A_276 = tpu.memref_slice %arg3[%add3A_272] : memref<640000xi32, #tpu.memory_space<hbm>> -> memref<200xi32, #tpu.memory_space<hbm>>
        %dma_start3A_277 = tpu.memref_slice %arg8[%mul3A_274] : memref<800xi32, #tpu.memory_space<vmem>> -> memref<200xi32, #tpu.memory_space<vmem>>
        %dma_start3A_278 = tpu.memref_slice %arg3[%add3A_272] : memref<640000xi32, #tpu.memory_space<hbm>> -> memref<200xi32, #tpu.memory_space<hbm>>
        tpu.enqueue_dma source(%dma_start3A_278 : memref<200xi32, #tpu.memory_space<hbm>>) target(%dma_start3A_277 : memref<200xi32, #tpu.memory_space<vmem>>) target_semaphore(%arg11 : memref<!tpu.dma_semaphore, #tpu.memory_space<semaphore_mem>>)
      } else {
      }
      %add3A_242 = arith.constant 4 : i32
      %add3A_243 = arith.addi %scan3A_194, %add3A_242 : i32
      %lt3A_244 = arith.constant 250 : i32
      %lt3A_245 = arith.cmpi slt, %add3A_243, %lt3A_244 : i32
      %convert_element_type3A_246 = arith.extui %lt3A_245 : i1 to i32
      %cond3A_247 = arith.constant 0 : i32
      %cond3A_248 = arith.cmpi ne, %convert_element_type3A_246, %cond3A_247 : i32
      scf.if %cond3A_248 {
        %div3A_250 = arith.constant 5 : i32
        %div3A_251 = arith.divsi %add3A_243, %div3A_250 : i32
        %rem3A_252 = arith.constant 5 : i32
        %rem3A_253 = arith.remsi %add3A_243, %rem3A_252 : i32
        %eq3A_254 = arith.constant 0 : i32
        %eq3A_255 = arith.cmpi eq, %rem3A_253, %eq3A_254 : i32
        %convert_element_type3A_256 = arith.extui %eq3A_255 : i1 to i32
        %cond3A_257 = arith.constant 0 : i32
        %cond3A_258 = arith.cmpi ne, %convert_element_type3A_256, %cond3A_257 : i32
        scf.if %cond3A_258 {
          %dma_wait3A_278 = arith.constant 0 : i32
          %dma_wait3A_279 = tpu.memref_slice %arg7[%dma_wait3A_278] : memref<600xi32, #tpu.memory_space<vmem>> -> memref<200xi32, #tpu.memory_space<vmem>>
          %dma_wait3A_280 = arith.constant 0 : i32
          %dma_wait3A_281 = tpu.memref_slice %arg3[%dma_wait3A_280] : memref<640000xi32, #tpu.memory_space<hbm>> -> memref<200xi32, #tpu.memory_space<hbm>>
          %dma_wait3A_282 = arith.constant 0 : i32
          %dma_wait3A_283 = tpu.memref_slice %arg7[%dma_wait3A_282] : memref<600xi32, #tpu.memory_space<vmem>> -> memref<200xi32, #tpu.memory_space<vmem>>
          %dma_wait3A_284 = arith.constant 0 : i32
          %dma_wait3A_285 = tpu.memref_slice %arg3[%dma_wait3A_284] : memref<640000xi32, #tpu.memory_space<hbm>> -> memref<200xi32, #tpu.memory_space<hbm>>
          tpu.wait_dma2 semaphore(%arg11 : memref<!tpu.dma_semaphore, #tpu.memory_space<semaphore_mem>>) src(%dma_wait3A_285 : memref<200xi32, #tpu.memory_space<hbm>>) dst(%dma_wait3A_283 : memref<200xi32, #tpu.memory_space<vmem>>)
          %dma_wait3A_286 = arith.constant 0 : i32
          %dma_wait3A_287 = tpu.memref_slice %arg7[%dma_wait3A_286] : memref<600xi32, #tpu.memory_space<vmem>> -> memref<200xi32, #tpu.memory_space<vmem>>
          %dma_wait3A_288 = arith.constant 0 : i32
          %dma_wait3A_289 = tpu.memref_slice %arg3[%dma_wait3A_288] : memref<640000xi32, #tpu.memory_space<hbm>> -> memref<200xi32, #tpu.memory_space<hbm>>
          %dma_wait3A_290 = arith.constant 0 : i32
          %dma_wait3A_291 = tpu.memref_slice %arg7[%dma_wait3A_290] : memref<600xi32, #tpu.memory_space<vmem>> -> memref<200xi32, #tpu.memory_space<vmem>>
          %dma_wait3A_292 = arith.constant 0 : i32
          %dma_wait3A_293 = tpu.memref_slice %arg3[%dma_wait3A_292] : memref<640000xi32, #tpu.memory_space<hbm>> -> memref<200xi32, #tpu.memory_space<hbm>>
          tpu.wait_dma2 semaphore(%arg11 : memref<!tpu.dma_semaphore, #tpu.memory_space<semaphore_mem>>) src(%dma_wait3A_293 : memref<200xi32, #tpu.memory_space<hbm>>) dst(%dma_wait3A_291 : memref<200xi32, #tpu.memory_space<vmem>>)
        } else {
        }
        %rem3A_259 = arith.constant 3 : i32
        %rem3A_260 = arith.remsi %div3A_251, %rem3A_259 : i32
        %rem3A_261 = arith.constant 5 : i32
        %rem3A_262 = arith.remsi %add3A_243, %rem3A_261 : i32
        %mul3A_263 = arith.constant 200 : i32
        %mul3A_264 = arith.muli %rem3A_260, %mul3A_263 : i32
        %mul3A_265 = arith.constant 40 : i32
        %mul3A_266 = arith.muli %rem3A_262, %mul3A_265 : i32
        %add3A_267 = arith.addi %mul3A_264, %mul3A_266 : i32
        %rem3A_268 = arith.constant 8 : i32
        %rem3A_269 = arith.remsi %add3A_243, %rem3A_268 : i32
        %dma_start3A_270 = arith.constant 0 : i32
        %dma_start3A_271 = arith.constant 0 : i32
        %dma_start3A_272 = tpu.memref_slice %arg9[%rem3A_269, %dma_start3A_270, %dma_start3A_271] : memref<8x40x128xf32, #tpu.memory_space<vmem>> -> memref<1x40x128xf32, #tpu.memory_space<vmem>>
        %dma_start3A_273 = tpu.memref_squeeze %dma_start3A_272 : memref<1x40x128xf32, #tpu.memory_space<vmem>> -> memref<40x128xf32, #tpu.memory_space<vmem>>
        %dma_start3A_274 = tpu.memref_slice %arg7[%add3A_267] : memref<600xi32, #tpu.memory_space<vmem>> -> memref<40xi32, #tpu.memory_space<vmem>>
        %dma_start3A_275 = arith.constant 0 : i32
        %dma_start3A_276 = arith.constant 0 : i32
        %dma_start3A_277 = tpu.memref_slice %arg2[%dma_start3A_275, %dma_start3A_276] : memref<10240x128xf32, #tpu.memory_space<hbm>> -> memref<10240x128xf32, #tpu.memory_space<hbm>>
        tpu.enqueue_indirect_dma source(%dma_start3A_277 : memref<10240x128xf32, #tpu.memory_space<hbm>>) target(%dma_start3A_273 : memref<40x128xf32, #tpu.memory_space<vmem>>) offsets(%dma_start3A_274 : memref<40xi32, #tpu.memory_space<vmem>>) semaphore(%arg12 : memref<!tpu.dma_semaphore, #tpu.memory_space<semaphore_mem>>)
      } else {
      }
      %scan3A_249 = arith.constant 0 : i32
      scf.yield %scan3A_249 : i32
    }
    %scan3A_152 = arith.constant 250 : i32
    %dma_wait3A_153 = arith.constant 0 : i32
    %dma_wait3A_154 = arith.constant 0 : i32
    %dma_wait3A_155 = arith.constant 0 : i32
    %dma_wait3A_156 = tpu.memref_slice %arg9[%dma_wait3A_153, %dma_wait3A_154, %dma_wait3A_155] : memref<8x40x128xf32, #tpu.memory_space<vmem>> -> memref<1x40x128xf32, #tpu.memory_space<vmem>>
    %dma_wait3A_157 = tpu.memref_squeeze %dma_wait3A_156 : memref<1x40x128xf32, #tpu.memory_space<vmem>> -> memref<40x128xf32, #tpu.memory_space<vmem>>
    %dma_wait3A_158 = arith.constant 0 : i32
    %dma_wait3A_159 = tpu.memref_slice %arg8[%dma_wait3A_158] : memref<800xi32, #tpu.memory_space<vmem>> -> memref<40xi32, #tpu.memory_space<vmem>>
    %dma_wait3A_160 = arith.constant 0 : i32
    %dma_wait3A_161 = arith.constant 0 : i32
    %dma_wait3A_162 = tpu.memref_slice %arg10[%dma_wait3A_160, %dma_wait3A_161] : memref<10240x128xf32, #tpu.memory_space<vmem_shared>> -> memref<10240x128xf32, #tpu.memory_space<vmem_shared>>
    tpu.wait_indirect_dma semaphore(%arg13 : memref<!tpu.dma_semaphore, #tpu.memory_space<semaphore_mem>>) src(%dma_wait3A_157 : memref<40x128xf32, #tpu.memory_space<vmem>>) dst(%dma_wait3A_162 : memref<10240x128xf32, #tpu.memory_space<vmem_shared>>)
    %dma_wait3A_163 = arith.constant 0 : i32
    %dma_wait3A_164 = arith.constant 0 : i32
    %dma_wait3A_165 = arith.constant 0 : i32
    %dma_wait3A_166 = tpu.memref_slice %arg9[%dma_wait3A_163, %dma_wait3A_164, %dma_wait3A_165] : memref<8x40x128xf32, #tpu.memory_space<vmem>> -> memref<1x40x128xf32, #tpu.memory_space<vmem>>
    %dma_wait3A_167 = tpu.memref_squeeze %dma_wait3A_166 : memref<1x40x128xf32, #tpu.memory_space<vmem>> -> memref<40x128xf32, #tpu.memory_space<vmem>>
    %dma_wait3A_168 = arith.constant 0 : i32
    %dma_wait3A_169 = tpu.memref_slice %arg8[%dma_wait3A_168] : memref<800xi32, #tpu.memory_space<vmem>> -> memref<40xi32, #tpu.memory_space<vmem>>
    %dma_wait3A_170 = arith.constant 0 : i32
    %dma_wait3A_171 = arith.constant 0 : i32
    %dma_wait3A_172 = tpu.memref_slice %arg10[%dma_wait3A_170, %dma_wait3A_171] : memref<10240x128xf32, #tpu.memory_space<vmem_shared>> -> memref<10240x128xf32, #tpu.memory_space<vmem_shared>>
    tpu.wait_indirect_dma semaphore(%arg13 : memref<!tpu.dma_semaphore, #tpu.memory_space<semaphore_mem>>) src(%dma_wait3A_167 : memref<40x128xf32, #tpu.memory_space<vmem>>) dst(%dma_wait3A_172 : memref<10240x128xf32, #tpu.memory_space<vmem_shared>>)
    %dma_wait3A_173 = arith.constant 0 : i32
    %dma_wait3A_174 = arith.constant 0 : i32
    %dma_wait3A_175 = arith.constant 0 : i32
    %dma_wait3A_176 = tpu.memref_slice %arg9[%dma_wait3A_173, %dma_wait3A_174, %dma_wait3A_175] : memref<8x40x128xf32, #tpu.memory_space<vmem>> -> memref<1x40x128xf32, #tpu.memory_space<vmem>>
    %dma_wait3A_177 = tpu.memref_squeeze %dma_wait3A_176 : memref<1x40x128xf32, #tpu.memory_space<vmem>> -> memref<40x128xf32, #tpu.memory_space<vmem>>
    %dma_wait3A_178 = arith.constant 0 : i32
    %dma_wait3A_179 = tpu.memref_slice %arg8[%dma_wait3A_178] : memref<800xi32, #tpu.memory_space<vmem>> -> memref<40xi32, #tpu.memory_space<vmem>>
    %dma_wait3A_180 = arith.constant 0 : i32
    %dma_wait3A_181 = arith.constant 0 : i32
    %dma_wait3A_182 = tpu.memref_slice %arg10[%dma_wait3A_180, %dma_wait3A_181] : memref<10240x128xf32, #tpu.memory_space<vmem_shared>> -> memref<10240x128xf32, #tpu.memory_space<vmem_shared>>
    tpu.wait_indirect_dma semaphore(%arg13 : memref<!tpu.dma_semaphore, #tpu.memory_space<semaphore_mem>>) src(%dma_wait3A_177 : memref<40x128xf32, #tpu.memory_space<vmem>>) dst(%dma_wait3A_182 : memref<10240x128xf32, #tpu.memory_space<vmem_shared>>)
    %barrier3A_183 = arith.constant 0 : index
    tpu.barrier barrier_id(%barrier3A_183)
    %eq3A_184 = arith.constant 0 : i32
    %eq3A_185 = arith.cmpi eq, %arg0, %eq3A_184 : i32
    %convert_element_type3A_186 = arith.extui %eq3A_185 : i1 to i32
    %cond3A_187 = arith.constant 0 : i32
    %cond3A_188 = arith.cmpi ne, %convert_element_type3A_186, %cond3A_187 : i32
    scf.if %cond3A_188 {
      %mul3A_194 = arith.constant 640 : i32
      %mul3A_195 = arith.muli %arg1, %mul3A_194 : i32
      %mul3A_196 = arith.constant 640 : i32
      %mul3A_197 = arith.muli %arg1, %mul3A_196 : i32
      "tpu.region"() ({
        %run_scoped3A = tpu.sem_alloc : memref<!tpu.dma_semaphore, #tpu.memory_space<semaphore_mem>>
        %dma_start3A_198 = arith.constant 0 : i32
        %dma_start3A_199 = tpu.memref_slice %arg5[%mul3A_197, %dma_start3A_198] : memref<10240x128xf32, #tpu.memory_space<hbm>> -> memref<640x128xf32, #tpu.memory_space<hbm>>
        %dma_start3A_200 = arith.constant 0 : i32
        %dma_start3A_201 = tpu.memref_slice %arg10[%mul3A_195, %dma_start3A_200] : memref<10240x128xf32, #tpu.memory_space<vmem_shared>> -> memref<640x128xf32, #tpu.memory_space<vmem_shared>>
        tpu.enqueue_dma source(%dma_start3A_201 : memref<640x128xf32, #tpu.memory_space<vmem_shared>>) target(%dma_start3A_199 : memref<640x128xf32, #tpu.memory_space<hbm>>) target_semaphore(%run_scoped3A : memref<!tpu.dma_semaphore, #tpu.memory_space<semaphore_mem>>)
        %dma_wait3A_202 = arith.constant 0 : i32
        %dma_wait3A_203 = tpu.memref_slice %arg5[%mul3A_197, %dma_wait3A_202] : memref<10240x128xf32, #tpu.memory_space<hbm>> -> memref<640x128xf32, #tpu.memory_space<hbm>>
        %dma_wait3A_204 = arith.constant 0 : i32
        %dma_wait3A_205 = tpu.memref_slice %arg10[%mul3A_195, %dma_wait3A_204] : memref<10240x128xf32, #tpu.memory_space<vmem_shared>> -> memref<640x128xf32, #tpu.memory_space<vmem_shared>>
        tpu.wait_dma2 semaphore(%run_scoped3A : memref<!tpu.dma_semaphore, #tpu.memory_space<semaphore_mem>>) src(%dma_wait3A_205 : memref<640x128xf32, #tpu.memory_space<vmem_shared>>) dst(%dma_wait3A_203 : memref<640x128xf32, #tpu.memory_space<hbm>>)
        tpu.yield
      }) : () -> ()
    } else {
    }
    %eq3A_189 = arith.constant 1 : i32
    %eq3A_190 = arith.cmpi eq, %arg0, %eq3A_189 : i32
    %convert_element_type3A_191 = arith.extui %eq3A_190 : i1 to i32
    %cond3A_192 = arith.constant 0 : i32
    %cond3A_193 = arith.cmpi ne, %convert_element_type3A_191, %cond3A_192 : i32
    scf.if %cond3A_193 {
      %mul3A_194 = arith.constant 640 : i32
      %mul3A_195 = arith.muli %arg1, %mul3A_194 : i32
      %mul3A_196 = arith.constant 640 : i32
      %mul3A_197 = arith.muli %arg1, %mul3A_196 : i32
      "tpu.region"() ({
        %run_scoped3A = tpu.sem_alloc : memref<!tpu.dma_semaphore, #tpu.memory_space<semaphore_mem>>
        %dma_start3A_198 = arith.constant 0 : i32
        %dma_start3A_199 = tpu.memref_slice %arg6[%mul3A_197, %dma_start3A_198] : memref<10240x128xf32, #tpu.memory_space<hbm>> -> memref<640x128xf32, #tpu.memory_space<hbm>>
        %dma_start3A_200 = arith.constant 0 : i32
        %dma_start3A_201 = tpu.memref_slice %arg10[%mul3A_195, %dma_start3A_200] : memref<10240x128xf32, #tpu.memory_space<vmem_shared>> -> memref<640x128xf32, #tpu.memory_space<vmem_shared>>
        tpu.enqueue_dma source(%dma_start3A_201 : memref<640x128xf32, #tpu.memory_space<vmem_shared>>) target(%dma_start3A_199 : memref<640x128xf32, #tpu.memory_space<hbm>>) target_semaphore(%run_scoped3A : memref<!tpu.dma_semaphore, #tpu.memory_space<semaphore_mem>>)
        %dma_wait3A_202 = arith.constant 0 : i32
        %dma_wait3A_203 = tpu.memref_slice %arg6[%mul3A_197, %dma_wait3A_202] : memref<10240x128xf32, #tpu.memory_space<hbm>> -> memref<640x128xf32, #tpu.memory_space<hbm>>
        %dma_wait3A_204 = arith.constant 0 : i32
        %dma_wait3A_205 = tpu.memref_slice %arg10[%mul3A_195, %dma_wait3A_204] : memref<10240x128xf32, #tpu.memory_space<vmem_shared>> -> memref<640x128xf32, #tpu.memory_space<vmem_shared>>
        tpu.wait_dma2 semaphore(%run_scoped3A : memref<!tpu.dma_semaphore, #tpu.memory_space<semaphore_mem>>) src(%dma_wait3A_205 : memref<640x128xf32, #tpu.memory_space<vmem_shared>>) dst(%dma_wait3A_203 : memref<640x128xf32, #tpu.memory_space<hbm>>)
        tpu.yield
      }) : () -> ()
    } else {
    }
    return
  }
}

module attributes {stable_mosaic.version = 14 : i64} {
  func.func @_prep_body(%arg0: i32, %arg1: memref<1000x128xf32, #tpu.memory_space<vmem>>, %arg2: memref<1000x128xf32, #tpu.memory_space<vmem>>, %arg3: memref<1000x1xf32, #tpu.memory_space<vmem>>, %arg4: memref<1x128xf32, #tpu.memory_space<vmem>>, %arg5: memref<1000x128xf32, #tpu.memory_space<vmem>>, %arg6: memref<1000x1xf32, #tpu.memory_space<vmem>>) attributes {dimension_semantics = [#tpu.dimension_semantics<arbitrary>], iteration_bounds = array<i64: 10>, scalar_prefetch = 0 : i64, scratch_operands = 0 : i64, tpu.core_type = #tpu.core_type<tc>, window_params = [{transform_indices = @transform_0, window_bounds = array<i64: 1000, 128>}, {transform_indices = @transform_1, window_bounds = array<i64: 1000, 128>}, {transform_indices = @transform_2, window_bounds = array<i64: 1000, 1>}, {pipeline_mode = #tpu.pipeline_mode<synchronous>, transform_indices = @transform_3, window_bounds = array<i64: 1, 128>}, {transform_indices = @transform_4, window_bounds = array<i64: 1000, 128>}, {transform_indices = @transform_5, window_bounds = array<i64: 1000, 1>}]} {
    %get3A = arith.constant 0 : index
    %get3A_0 = arith.constant 0 : index
    %get3A_1 = vector.load %arg3[%get3A, %get3A_0] : memref<1000x1xf32, #tpu.memory_space<vmem>>, vector<1000x1xf32>
    %add3A = arith.constant 1.000000e+00 : f32
    %add3A_2 = vector.broadcast %add3A : f32 to vector<1000x1xf32>
    %add3A_3 = arith.addf %get3A_1, %add3A_2 : vector<1000x1xf32>
    %rsqrt3A = math.rsqrt %add3A_3 : vector<1000x1xf32>
    %get3A_4 = arith.constant 0 : index
    %get3A_5 = arith.constant 0 : index
    %get3A_6 = vector.load %arg1[%get3A_4, %get3A_5] : memref<1000x128xf32, #tpu.memory_space<vmem>>, vector<1000x128xf32>
    %get3A_7 = arith.constant 0 : index
    %get3A_8 = arith.constant 0 : index
    %get3A_9 = vector.load %arg2[%get3A_7, %get3A_8] : memref<1000x128xf32, #tpu.memory_space<vmem>>, vector<1000x128xf32>
    %add3A_10 = arith.addf %get3A_6, %get3A_9 : vector<1000x128xf32>
    %get3A_11 = arith.constant 0 : index
    %get3A_12 = arith.constant 0 : index
    %get3A_13 = vector.load %arg4[%get3A_11, %get3A_12] : memref<1x128xf32, #tpu.memory_space<vmem>>, vector<1x128xf32>
    %add3A_14 = vector.broadcast %get3A_13 : vector<1x128xf32> to vector<1000x128xf32>
    %add3A_15 = arith.addf %add3A_10, %add3A_14 : vector<1000x128xf32>
    %mul3A = vector.broadcast %rsqrt3A : vector<1000x1xf32> to vector<1000x128xf32>
    %mul3A_16 = arith.mulf %add3A_15, %mul3A : vector<1000x128xf32>
    %swap3A = arith.constant 0 : index
    %swap3A_17 = arith.constant 0 : index
    %swap3A_18 = vector.load %arg5[%swap3A, %swap3A_17] : memref<1000x128xf32, #tpu.memory_space<vmem>>, vector<1000x128xf32>
    tpu.vector_store %arg5[%swap3A, %swap3A_17], %mul3A_16 {strides = array<i32>} : memref<1000x128xf32, #tpu.memory_space<vmem>>, vector<1000x128xf32>,
    %swap3A_19 = arith.constant 0 : index
    %swap3A_20 = arith.constant 0 : index
    %swap3A_21 = vector.load %arg6[%swap3A_19, %swap3A_20] : memref<1000x1xf32, #tpu.memory_space<vmem>>, vector<1000x1xf32>
    tpu.vector_store %arg6[%swap3A_19, %swap3A_20], %rsqrt3A {strides = array<i32>} : memref<1000x1xf32, #tpu.memory_space<vmem>>, vector<1000x1xf32>,
    return
  }
  func.func @transform_0(%arg0: i32) -> (i32, i32) {
    %c0_i32 = arith.constant 0 : i32
    %c0_i32_0 = arith.constant 0 : i32
    return %arg0, %c0_i32 : i32, i32
  }
  func.func @transform_1(%arg0: i32) -> (i32, i32) {
    %c0_i32 = arith.constant 0 : i32
    %c0_i32_0 = arith.constant 0 : i32
    return %arg0, %c0_i32 : i32, i32
  }
  func.func @transform_2(%arg0: i32) -> (i32, i32) {
    %c0_i32 = arith.constant 0 : i32
    %c0_i32_0 = arith.constant 0 : i32
    return %arg0, %c0_i32 : i32, i32
  }
  func.func @transform_3(%arg0: i32) -> (i32, i32) {
    %c0_i32 = arith.constant 0 : i32
    %c0_i32_0 = arith.constant 0 : i32
    %c0_i32_1 = arith.constant 0 : i32
    return %c0_i32, %c0_i32_0 : i32, i32
  }
  func.func @transform_4(%arg0: i32) -> (i32, i32) {
    %c0_i32 = arith.constant 0 : i32
    %c0_i32_0 = arith.constant 0 : i32
    return %arg0, %c0_i32 : i32, i32
  }
  func.func @transform_5(%arg0: i32) -> (i32, i32) {
    %c0_i32 = arith.constant 0 : i32
    %c0_i32_0 = arith.constant 0 : i32
    return %arg0, %c0_i32 : i32, i32
  }
}

module attributes {stable_mosaic.version = 14 : i64} {
  func.func @_flayer_body(%arg0: i32, %arg1: i32, %arg2: memref<2000x128xf32, #tpu.memory_space<vmem>>, %arg3: memref<2000x128xf32, #tpu.memory_space<vmem>>, %arg4: memref<2000x1xf32, #tpu.memory_space<vmem>>, %arg5: memref<128x128xf32, #tpu.memory_space<vmem>>, %arg6: memref<1x128xf32, #tpu.memory_space<vmem>>, %arg7: memref<1x128xf32, #tpu.memory_space<vmem>>, %arg8: memref<1x128xf32, #tpu.memory_space<vmem>>, %arg9: memref<2000x128xf32, #tpu.memory_space<vmem>>, %arg10: memref<10000x128xf32, #tpu.memory_space<vmem>>, %arg11: memref<1x128xf32, #tpu.memory_space<vmem>>, %arg12: memref<1x128xf32, #tpu.memory_space<vmem>>) attributes {dimension_semantics = [#tpu.dimension_semantics<arbitrary>, #tpu.dimension_semantics<arbitrary>], iteration_bounds = array<i64: 2, 5>, scalar_prefetch = 0 : i64, scratch_operands = 3 : i64, tpu.core_type = #tpu.core_type<tc>, window_params = [{transform_indices = @transform_0, window_bounds = array<i64: 2000, 128>}, {transform_indices = @transform_1, window_bounds = array<i64: 2000, 128>}, {transform_indices = @transform_2, window_bounds = array<i64: 2000, 1>}, {pipeline_mode = #tpu.pipeline_mode<synchronous>, transform_indices = @transform_3, window_bounds = array<i64: 128, 128>}, {pipeline_mode = #tpu.pipeline_mode<synchronous>, transform_indices = @transform_4, window_bounds = array<i64: 1, 128>}, {pipeline_mode = #tpu.pipeline_mode<synchronous>, transform_indices = @transform_5, window_bounds = array<i64: 1, 128>}, {pipeline_mode = #tpu.pipeline_mode<synchronous>, transform_indices = @transform_6, window_bounds = array<i64: 1, 128>}, {transform_indices = @transform_7, window_bounds = array<i64: 2000, 128>}]} {
    %eq3A = arith.constant 0 : i32
    %eq3A_0 = arith.cmpi eq, %arg0, %eq3A : i32
    %convert_element_type3A = arith.extui %eq3A_0 : i1 to i32
    %cond3A = arith.constant 0 : i32
    %cond3A_1 = arith.cmpi ne, %convert_element_type3A, %cond3A : i32
    scf.if %cond3A_1 {
      %get3A = arith.constant 0 : index
      %get3A_7 = arith.constant 0 : index
      %get3A_8 = vector.load %arg2[%get3A, %get3A_7] : memref<2000x128xf32, #tpu.memory_space<vmem>>, vector<2000x128xf32>
      %get3A_9 = arith.constant 0 : index
      %get3A_10 = arith.constant 0 : index
      %get3A_11 = vector.load %arg3[%get3A_9, %get3A_10] : memref<2000x128xf32, #tpu.memory_space<vmem>>, vector<2000x128xf32>
      %add3A = arith.addf %get3A_8, %get3A_11 : vector<2000x128xf32>
      %get3A_12 = arith.constant 0 : index
      %get3A_13 = arith.constant 0 : index
      %get3A_14 = vector.load %arg4[%get3A_12, %get3A_13] : memref<2000x1xf32, #tpu.memory_space<vmem>>, vector<2000x1xf32>
      %mul3A = vector.broadcast %get3A_14 : vector<2000x1xf32> to vector<2000x128xf32>
      %mul3A_15 = arith.mulf %add3A, %mul3A : vector<2000x128xf32>
      %get3A_16 = arith.constant 0 : index
      %get3A_17 = arith.constant 0 : index
      %get3A_18 = vector.load %arg5[%get3A_16, %get3A_17] : memref<128x128xf32, #tpu.memory_space<vmem>>, vector<128x128xf32>
      %dot_general3A = arith.constant dense<0.000000e+00> : vector<2000x128xf32>
      %dot_general3A_19 = tpu.matmul %mul3A_15, %get3A_18, %dot_general3A {dimension_numbers = #tpu.dot_dimension_numbers<[1], [0], [0], [1], [0, 0, 1, 1], [], []>, transpose_lhs_hint = false} : vector<2000x128xf32>, vector<128x128xf32>, vector<2000x128xf32> -> vector<2000x128xf32>
      %get3A_20 = arith.constant 0 : index
      %get3A_21 = arith.constant 0 : index
      %get3A_22 = vector.load %arg6[%get3A_20, %get3A_21] : memref<1x128xf32, #tpu.memory_space<vmem>>, vector<1x128xf32>
      %add3A_23 = vector.broadcast %get3A_22 : vector<1x128xf32> to vector<2000x128xf32>
      %add3A_24 = arith.addf %dot_general3A_19, %add3A_23 : vector<2000x128xf32>
      %mul3A_25 = arith.constant 2000 : i32
      %mul3A_26 = arith.muli %arg1, %mul3A_25 : i32
      %swap3A = arith.index_cast %mul3A_26 : i32 to index
      %swap3A_27 = arith.constant 0 : index
      %swap3A_28 = vector.load %arg10[%swap3A, %swap3A_27] : memref<10000x128xf32, #tpu.memory_space<vmem>>, vector<2000x128xf32>
      tpu.vector_store %arg10[%swap3A, %swap3A_27], %add3A_24 {strides = array<i32>} : memref<10000x128xf32, #tpu.memory_space<vmem>>, vector<2000x128xf32>,
      %eq3A_29 = arith.constant 0 : i32
      %eq3A_30 = arith.cmpi eq, %arg1, %eq3A_29 : i32
      %convert_element_type3A_31 = arith.extui %eq3A_30 : i1 to i32
      %cond3A_32 = arith.constant 0 : i32
      %cond3A_33 = arith.cmpi ne, %convert_element_type3A_31, %cond3A_32 : i32
      scf.if %cond3A_33 {
        %broadcast_in_dim3A_53 = arith.constant 0.000000e+00 : f32
        %broadcast_in_dim3A_54 = vector.broadcast %broadcast_in_dim3A_53 : f32 to vector<1x128xf32>
        %swap3A_55 = arith.constant 0 : index
        %swap3A_56 = arith.constant 0 : index
        %swap3A_57 = vector.load %arg11[%swap3A_55, %swap3A_56] : memref<1x128xf32, #tpu.memory_space<vmem>>, vector<1x128xf32>
        tpu.vector_store %arg11[%swap3A_55, %swap3A_56], %broadcast_in_dim3A_54 {strides = array<i32>} : memref<1x128xf32, #tpu.memory_space<vmem>>, vector<1x128xf32>,
        %broadcast_in_dim3A_58 = arith.constant 0.000000e+00 : f32
        %broadcast_in_dim3A_59 = vector.broadcast %broadcast_in_dim3A_58 : f32 to vector<1x128xf32>
        %swap3A_60 = arith.constant 0 : index
        %swap3A_61 = arith.constant 0 : index
        %swap3A_62 = vector.load %arg12[%swap3A_60, %swap3A_61] : memref<1x128xf32, #tpu.memory_space<vmem>>, vector<1x128xf32>
        tpu.vector_store %arg12[%swap3A_60, %swap3A_61], %broadcast_in_dim3A_59 {strides = array<i32>} : memref<1x128xf32, #tpu.memory_space<vmem>>, vector<1x128xf32>,
      } else {
      }
      %get3A_34 = arith.constant 0 : index
      %get3A_35 = arith.constant 0 : index
      %get3A_36 = vector.load %arg11[%get3A_34, %get3A_35] : memref<1x128xf32, #tpu.memory_space<vmem>>, vector<1x128xf32>
      %reduce_sum3A = arith.constant dense<0.000000e+00> : vector<128xf32>
      %reduce_sum3A_37 = vector.multi_reduction <add>, %add3A_24, %reduce_sum3A [0] : vector<2000x128xf32> to vector<128xf32>
      %broadcast_in_dim3A = vector.shape_cast %reduce_sum3A_37 : vector<128xf32> to vector<1x128xf32>
      %add3A_38 = arith.addf %get3A_36, %broadcast_in_dim3A : vector<1x128xf32>
      %swap3A_39 = arith.constant 0 : index
      %swap3A_40 = arith.constant 0 : index
      %swap3A_41 = vector.load %arg11[%swap3A_39, %swap3A_40] : memref<1x128xf32, #tpu.memory_space<vmem>>, vector<1x128xf32>
      tpu.vector_store %arg11[%swap3A_39, %swap3A_40], %add3A_38 {strides = array<i32>} : memref<1x128xf32, #tpu.memory_space<vmem>>, vector<1x128xf32>,
      %get3A_42 = arith.constant 0 : index
      %get3A_43 = arith.constant 0 : index
      %get3A_44 = vector.load %arg12[%get3A_42, %get3A_43] : memref<1x128xf32, #tpu.memory_space<vmem>>, vector<1x128xf32>
      %mul3A_45 = arith.mulf %add3A_24, %add3A_24 : vector<2000x128xf32>
      %reduce_sum3A_46 = arith.constant dense<0.000000e+00> : vector<128xf32>
      %reduce_sum3A_47 = vector.multi_reduction <add>, %mul3A_45, %reduce_sum3A_46 [0] : vector<2000x128xf32> to vector<128xf32>
      %broadcast_in_dim3A_48 = vector.shape_cast %reduce_sum3A_47 : vector<128xf32> to vector<1x128xf32>
      %add3A_49 = arith.addf %get3A_44, %broadcast_in_dim3A_48 : vector<1x128xf32>
      %swap3A_50 = arith.constant 0 : index
      %swap3A_51 = arith.constant 0 : index
      %swap3A_52 = vector.load %arg12[%swap3A_50, %swap3A_51] : memref<1x128xf32, #tpu.memory_space<vmem>>, vector<1x128xf32>
      tpu.vector_store %arg12[%swap3A_50, %swap3A_51], %add3A_49 {strides = array<i32>} : memref<1x128xf32, #tpu.memory_space<vmem>>, vector<1x128xf32>,
    } else {
    }
    %eq3A_2 = arith.constant 1 : i32
    %eq3A_3 = arith.cmpi eq, %arg0, %eq3A_2 : i32
    %convert_element_type3A_4 = arith.extui %eq3A_3 : i1 to i32
    %cond3A_5 = arith.constant 0 : i32
    %cond3A_6 = arith.cmpi ne, %convert_element_type3A_4, %cond3A_5 : i32
    scf.if %cond3A_6 {
      %get3A = arith.constant 0 : index
      %get3A_7 = arith.constant 0 : index
      %get3A_8 = vector.load %arg11[%get3A, %get3A_7] : memref<1x128xf32, #tpu.memory_space<vmem>>, vector<1x128xf32>
      %mul3A = arith.constant 9.99999974E-5 : f32
      %mul3A_9 = vector.broadcast %mul3A : f32 to vector<1x128xf32>
      %mul3A_10 = arith.mulf %get3A_8, %mul3A_9 : vector<1x128xf32>
      %get3A_11 = arith.constant 0 : index
      %get3A_12 = arith.constant 0 : index
      %get3A_13 = vector.load %arg12[%get3A_11, %get3A_12] : memref<1x128xf32, #tpu.memory_space<vmem>>, vector<1x128xf32>
      %mul3A_14 = arith.constant 9.99999974E-5 : f32
      %mul3A_15 = vector.broadcast %mul3A_14 : f32 to vector<1x128xf32>
      %mul3A_16 = arith.mulf %get3A_13, %mul3A_15 : vector<1x128xf32>
      %mul3A_17 = arith.mulf %mul3A_10, %mul3A_10 : vector<1x128xf32>
      %sub3A = arith.subf %mul3A_16, %mul3A_17 : vector<1x128xf32>
      %add3A = arith.constant 9.99999974E-6 : f32
      %add3A_18 = vector.broadcast %add3A : f32 to vector<1x128xf32>
      %add3A_19 = arith.addf %sub3A, %add3A_18 : vector<1x128xf32>
      %rsqrt3A = math.rsqrt %add3A_19 : vector<1x128xf32>
      %mul3A_20 = arith.constant 2000 : i32
      %mul3A_21 = arith.muli %arg1, %mul3A_20 : i32
      %get3A_22 = arith.index_cast %mul3A_21 : i32 to index
      %get3A_23 = arith.constant 0 : index
      %get3A_24 = vector.load %arg10[%get3A_22, %get3A_23] : memref<10000x128xf32, #tpu.memory_space<vmem>>, vector<2000x128xf32>
      %sub3A_25 = vector.broadcast %mul3A_10 : vector<1x128xf32> to vector<2000x128xf32>
      %sub3A_26 = arith.subf %get3A_24, %sub3A_25 : vector<2000x128xf32>
      %get3A_27 = arith.constant 0 : index
      %get3A_28 = arith.constant 0 : index
      %get3A_29 = vector.load %arg7[%get3A_27, %get3A_28] : memref<1x128xf32, #tpu.memory_space<vmem>>, vector<1x128xf32>
      %mul3A_30 = arith.mulf %rsqrt3A, %get3A_29 : vector<1x128xf32>
      %mul3A_31 = vector.broadcast %mul3A_30 : vector<1x128xf32> to vector<2000x128xf32>
      %mul3A_32 = arith.mulf %sub3A_26, %mul3A_31 : vector<2000x128xf32>
      %get3A_33 = arith.constant 0 : index
      %get3A_34 = arith.constant 0 : index
      %get3A_35 = vector.load %arg8[%get3A_33, %get3A_34] : memref<1x128xf32, #tpu.memory_space<vmem>>, vector<1x128xf32>
      %add3A_36 = vector.broadcast %get3A_35 : vector<1x128xf32> to vector<2000x128xf32>
      %add3A_37 = arith.addf %mul3A_32, %add3A_36 : vector<2000x128xf32>
      %max3A = arith.constant 0.000000e+00 : f32
      %max3A_38 = vector.broadcast %max3A : f32 to vector<2000x128xf32>
      %max3A_39 = arith.maximumf %add3A_37, %max3A_38 : vector<2000x128xf32>
      %get3A_40 = arith.constant 0 : index
      %get3A_41 = arith.constant 0 : index
      %get3A_42 = vector.load %arg4[%get3A_40, %get3A_41] : memref<2000x1xf32, #tpu.memory_space<vmem>>, vector<2000x1xf32>
      %mul3A_43 = vector.broadcast %get3A_42 : vector<2000x1xf32> to vector<2000x128xf32>
      %mul3A_44 = arith.mulf %max3A_39, %mul3A_43 : vector<2000x128xf32>
      %swap3A = arith.constant 0 : index
      %swap3A_45 = arith.constant 0 : index
      %swap3A_46 = vector.load %arg9[%swap3A, %swap3A_45] : memref<2000x128xf32, #tpu.memory_space<vmem>>, vector<2000x128xf32>
      tpu.vector_store %arg9[%swap3A, %swap3A_45], %mul3A_44 {strides = array<i32>} : memref<2000x128xf32, #tpu.memory_space<vmem>>, vector<2000x128xf32>,
    } else {
    }
    return
  }
  func.func @transform_0(%arg0: i32, %arg1: i32) -> (i32, i32) {
    %eq3A = arith.constant 0 : i32
    %eq3A_0 = arith.cmpi eq, %arg0, %eq3A : i32
    %jit3A = arith.constant 4 : i32
    %select_n3A = arith.select %eq3A_0, %arg1, %jit3A : i32
    %c0_i32 = arith.constant 0 : i32
    %c0_i32_1 = arith.constant 0 : i32
    return %select_n3A, %c0_i32 : i32, i32
  }
  func.func @transform_1(%arg0: i32, %arg1: i32) -> (i32, i32) {
    %eq3A = arith.constant 0 : i32
    %eq3A_0 = arith.cmpi eq, %arg0, %eq3A : i32
    %jit3A = arith.constant 4 : i32
    %select_n3A = arith.select %eq3A_0, %arg1, %jit3A : i32
    %c0_i32 = arith.constant 0 : i32
    %c0_i32_1 = arith.constant 0 : i32
    return %select_n3A, %c0_i32 : i32, i32
  }
  func.func @transform_2(%arg0: i32, %arg1: i32) -> (i32, i32) {
    %c0_i32 = arith.constant 0 : i32
    %c0_i32_0 = arith.constant 0 : i32
    return %arg1, %c0_i32 : i32, i32
  }
  func.func @transform_3(%arg0: i32, %arg1: i32) -> (i32, i32) {
    %c0_i32 = arith.constant 0 : i32
    %c0_i32_0 = arith.constant 0 : i32
    %c0_i32_1 = arith.constant 0 : i32
    return %c0_i32, %c0_i32_0 : i32, i32
  }
  func.func @transform_4(%arg0: i32, %arg1: i32) -> (i32, i32) {
    %c0_i32 = arith.constant 0 : i32
    %c0_i32_0 = arith.constant 0 : i32
    %c0_i32_1 = arith.constant 0 : i32
    return %c0_i32, %c0_i32_0 : i32, i32
  }
  func.func @transform_5(%arg0: i32, %arg1: i32) -> (i32, i32) {
    %c0_i32 = arith.constant 0 : i32
    %c0_i32_0 = arith.constant 0 : i32
    %c0_i32_1 = arith.constant 0 : i32
    return %c0_i32, %c0_i32_0 : i32, i32
  }
  func.func @transform_6(%arg0: i32, %arg1: i32) -> (i32, i32) {
    %c0_i32 = arith.constant 0 : i32
    %c0_i32_0 = arith.constant 0 : i32
    %c0_i32_1 = arith.constant 0 : i32
    return %c0_i32, %c0_i32_0 : i32, i32
  }
  func.func @transform_7(%arg0: i32, %arg1: i32) -> (i32, i32) {
    %eq3A = arith.constant 0 : i32
    %eq3A_0 = arith.cmpi eq, %arg0, %eq3A : i32
    %jit3A = arith.constant 0 : i32
    %select_n3A = arith.select %eq3A_0, %jit3A, %arg1 : i32
    %c0_i32 = arith.constant 0 : i32
    %c0_i32_1 = arith.constant 0 : i32
    return %select_n3A, %c0_i32 : i32, i32
  }
}

module attributes {stable_mosaic.version = 14 : i64} {
  func.func @_ffinal_body(%arg0: i32, %arg1: i32, %arg2: memref<2000x128xf32, #tpu.memory_space<vmem>>, %arg3: memref<2000x128xf32, #tpu.memory_space<vmem>>, %arg4: memref<2000x1xf32, #tpu.memory_space<vmem>>, %arg5: memref<128x128xf32, #tpu.memory_space<vmem>>, %arg6: memref<1x128xf32, #tpu.memory_space<vmem>>, %arg7: memref<1x128xf32, #tpu.memory_space<vmem>>, %arg8: memref<1x128xf32, #tpu.memory_space<vmem>>, %arg9: memref<2000x1xi32, #tpu.memory_space<vmem>>, %arg10: memref<2000x128xf32, #tpu.memory_space<vmem>>, %arg11: memref<64x128xf32, #tpu.memory_space<vmem>>, %arg12: memref<10000x128xf32, #tpu.memory_space<vmem>>, %arg13: memref<1x128xf32, #tpu.memory_space<vmem>>, %arg14: memref<1x128xf32, #tpu.memory_space<vmem>>, %arg15: memref<64x128xf32, #tpu.memory_space<vmem>>, %arg16: memref<64x128xf32, #tpu.memory_space<vmem>>) attributes {dimension_semantics = [#tpu.dimension_semantics<arbitrary>, #tpu.dimension_semantics<arbitrary>], iteration_bounds = array<i64: 2, 5>, scalar_prefetch = 0 : i64, scratch_operands = 5 : i64, tpu.core_type = #tpu.core_type<tc>, window_params = [{transform_indices = @transform_0, window_bounds = array<i64: 2000, 128>}, {transform_indices = @transform_1, window_bounds = array<i64: 2000, 128>}, {transform_indices = @transform_2, window_bounds = array<i64: 2000, 1>}, {pipeline_mode = #tpu.pipeline_mode<synchronous>, transform_indices = @transform_3, window_bounds = array<i64: 128, 128>}, {pipeline_mode = #tpu.pipeline_mode<synchronous>, transform_indices = @transform_4, window_bounds = array<i64: 1, 128>}, {pipeline_mode = #tpu.pipeline_mode<synchronous>, transform_indices = @transform_5, window_bounds = array<i64: 1, 128>}, {pipeline_mode = #tpu.pipeline_mode<synchronous>, transform_indices = @transform_6, window_bounds = array<i64: 1, 128>}, {transform_indices = @transform_7, window_bounds = array<i64: 2000, 1>}, {transform_indices = @transform_8, window_bounds = array<i64: 2000, 128>}, {pipeline_mode = #tpu.pipeline_mode<synchronous>, transform_indices = @transform_9, window_bounds = array<i64: 64, 128>}]} {
    %eq3A = arith.constant 0 : i32
    %eq3A_0 = arith.cmpi eq, %arg0, %eq3A : i32
    %convert_element_type3A = arith.extui %eq3A_0 : i1 to i32
    %cond3A = arith.constant 0 : i32
    %cond3A_1 = arith.cmpi ne, %convert_element_type3A, %cond3A : i32
    scf.if %cond3A_1 {
      %get3A = arith.constant 0 : index
      %get3A_7 = arith.constant 0 : index
      %get3A_8 = vector.load %arg2[%get3A, %get3A_7] : memref<2000x128xf32, #tpu.memory_space<vmem>>, vector<2000x128xf32>
      %get3A_9 = arith.constant 0 : index
      %get3A_10 = arith.constant 0 : index
      %get3A_11 = vector.load %arg3[%get3A_9, %get3A_10] : memref<2000x128xf32, #tpu.memory_space<vmem>>, vector<2000x128xf32>
      %add3A = arith.addf %get3A_8, %get3A_11 : vector<2000x128xf32>
      %get3A_12 = arith.constant 0 : index
      %get3A_13 = arith.constant 0 : index
      %get3A_14 = vector.load %arg4[%get3A_12, %get3A_13] : memref<2000x1xf32, #tpu.memory_space<vmem>>, vector<2000x1xf32>
      %mul3A = vector.broadcast %get3A_14 : vector<2000x1xf32> to vector<2000x128xf32>
      %mul3A_15 = arith.mulf %add3A, %mul3A : vector<2000x128xf32>
      %get3A_16 = arith.constant 0 : index
      %get3A_17 = arith.constant 0 : index
      %get3A_18 = vector.load %arg5[%get3A_16, %get3A_17] : memref<128x128xf32, #tpu.memory_space<vmem>>, vector<128x128xf32>
      %dot_general3A = arith.constant dense<0.000000e+00> : vector<2000x128xf32>
      %dot_general3A_19 = tpu.matmul %mul3A_15, %get3A_18, %dot_general3A {dimension_numbers = #tpu.dot_dimension_numbers<[1], [0], [0], [1], [0, 0, 1, 1], [], []>, transpose_lhs_hint = false} : vector<2000x128xf32>, vector<128x128xf32>, vector<2000x128xf32> -> vector<2000x128xf32>
      %get3A_20 = arith.constant 0 : index
      %get3A_21 = arith.constant 0 : index
      %get3A_22 = vector.load %arg6[%get3A_20, %get3A_21] : memref<1x128xf32, #tpu.memory_space<vmem>>, vector<1x128xf32>
      %add3A_23 = vector.broadcast %get3A_22 : vector<1x128xf32> to vector<2000x128xf32>
      %add3A_24 = arith.addf %dot_general3A_19, %add3A_23 : vector<2000x128xf32>
      %mul3A_25 = arith.constant 2000 : i32
      %mul3A_26 = arith.muli %arg1, %mul3A_25 : i32
      %swap3A = arith.index_cast %mul3A_26 : i32 to index
      %swap3A_27 = arith.constant 0 : index
      %swap3A_28 = vector.load %arg12[%swap3A, %swap3A_27] : memref<10000x128xf32, #tpu.memory_space<vmem>>, vector<2000x128xf32>
      tpu.vector_store %arg12[%swap3A, %swap3A_27], %add3A_24 {strides = array<i32>} : memref<10000x128xf32, #tpu.memory_space<vmem>>, vector<2000x128xf32>,
      %eq3A_29 = arith.constant 0 : i32
      %eq3A_30 = arith.cmpi eq, %arg1, %eq3A_29 : i32
      %convert_element_type3A_31 = arith.extui %eq3A_30 : i1 to i32
      %cond3A_32 = arith.constant 0 : i32
      %cond3A_33 = arith.cmpi ne, %convert_element_type3A_31, %cond3A_32 : i32
      scf.if %cond3A_33 {
        %broadcast_in_dim3A_53 = arith.constant 0.000000e+00 : f32
        %broadcast_in_dim3A_54 = vector.broadcast %broadcast_in_dim3A_53 : f32 to vector<1x128xf32>
        %swap3A_55 = arith.constant 0 : index
        %swap3A_56 = arith.constant 0 : index
        %swap3A_57 = vector.load %arg13[%swap3A_55, %swap3A_56] : memref<1x128xf32, #tpu.memory_space<vmem>>, vector<1x128xf32>
        tpu.vector_store %arg13[%swap3A_55, %swap3A_56], %broadcast_in_dim3A_54 {strides = array<i32>} : memref<1x128xf32, #tpu.memory_space<vmem>>, vector<1x128xf32>,
        %broadcast_in_dim3A_58 = arith.constant 0.000000e+00 : f32
        %broadcast_in_dim3A_59 = vector.broadcast %broadcast_in_dim3A_58 : f32 to vector<1x128xf32>
        %swap3A_60 = arith.constant 0 : index
        %swap3A_61 = arith.constant 0 : index
        %swap3A_62 = vector.load %arg14[%swap3A_60, %swap3A_61] : memref<1x128xf32, #tpu.memory_space<vmem>>, vector<1x128xf32>
        tpu.vector_store %arg14[%swap3A_60, %swap3A_61], %broadcast_in_dim3A_59 {strides = array<i32>} : memref<1x128xf32, #tpu.memory_space<vmem>>, vector<1x128xf32>,
        %broadcast_in_dim3A_63 = arith.constant 0.000000e+00 : f32
        %broadcast_in_dim3A_64 = vector.broadcast %broadcast_in_dim3A_63 : f32 to vector<64x128xf32>
        %swap3A_65 = arith.constant 0 : index
        %swap3A_66 = arith.constant 0 : index
        %swap3A_67 = vector.load %arg15[%swap3A_65, %swap3A_66] : memref<64x128xf32, #tpu.memory_space<vmem>>, vector<64x128xf32>
        tpu.vector_store %arg15[%swap3A_65, %swap3A_66], %broadcast_in_dim3A_64 {strides = array<i32>} : memref<64x128xf32, #tpu.memory_space<vmem>>, vector<64x128xf32>,
        %broadcast_in_dim3A_68 = arith.constant 0.000000e+00 : f32
        %broadcast_in_dim3A_69 = vector.broadcast %broadcast_in_dim3A_68 : f32 to vector<64x128xf32>
        %swap3A_70 = arith.constant 0 : index
        %swap3A_71 = arith.constant 0 : index
        %swap3A_72 = vector.load %arg16[%swap3A_70, %swap3A_71] : memref<64x128xf32, #tpu.memory_space<vmem>>, vector<64x128xf32>
        tpu.vector_store %arg16[%swap3A_70, %swap3A_71], %broadcast_in_dim3A_69 {strides = array<i32>} : memref<64x128xf32, #tpu.memory_space<vmem>>, vector<64x128xf32>,
      } else {
      }
      %get3A_34 = arith.constant 0 : index
      %get3A_35 = arith.constant 0 : index
      %get3A_36 = vector.load %arg13[%get3A_34, %get3A_35] : memref<1x128xf32, #tpu.memory_space<vmem>>, vector<1x128xf32>
      %reduce_sum3A = arith.constant dense<0.000000e+00> : vector<128xf32>
      %reduce_sum3A_37 = vector.multi_reduction <add>, %add3A_24, %reduce_sum3A [0] : vector<2000x128xf32> to vector<128xf32>
      %broadcast_in_dim3A = vector.shape_cast %reduce_sum3A_37 : vector<128xf32> to vector<1x128xf32>
      %add3A_38 = arith.addf %get3A_36, %broadcast_in_dim3A : vector<1x128xf32>
      %swap3A_39 = arith.constant 0 : index
      %swap3A_40 = arith.constant 0 : index
      %swap3A_41 = vector.load %arg13[%swap3A_39, %swap3A_40] : memref<1x128xf32, #tpu.memory_space<vmem>>, vector<1x128xf32>
      tpu.vector_store %arg13[%swap3A_39, %swap3A_40], %add3A_38 {strides = array<i32>} : memref<1x128xf32, #tpu.memory_space<vmem>>, vector<1x128xf32>,
      %get3A_42 = arith.constant 0 : index
      %get3A_43 = arith.constant 0 : index
      %get3A_44 = vector.load %arg14[%get3A_42, %get3A_43] : memref<1x128xf32, #tpu.memory_space<vmem>>, vector<1x128xf32>
      %mul3A_45 = arith.mulf %add3A_24, %add3A_24 : vector<2000x128xf32>
      %reduce_sum3A_46 = arith.constant dense<0.000000e+00> : vector<128xf32>
      %reduce_sum3A_47 = vector.multi_reduction <add>, %mul3A_45, %reduce_sum3A_46 [0] : vector<2000x128xf32> to vector<128xf32>
      %broadcast_in_dim3A_48 = vector.shape_cast %reduce_sum3A_47 : vector<128xf32> to vector<1x128xf32>
      %add3A_49 = arith.addf %get3A_44, %broadcast_in_dim3A_48 : vector<1x128xf32>
      %swap3A_50 = arith.constant 0 : index
      %swap3A_51 = arith.constant 0 : index
      %swap3A_52 = vector.load %arg14[%swap3A_50, %swap3A_51] : memref<1x128xf32, #tpu.memory_space<vmem>>, vector<1x128xf32>
      tpu.vector_store %arg14[%swap3A_50, %swap3A_51], %add3A_49 {strides = array<i32>} : memref<1x128xf32, #tpu.memory_space<vmem>>, vector<1x128xf32>,
    } else {
    }
    %eq3A_2 = arith.constant 1 : i32
    %eq3A_3 = arith.cmpi eq, %arg0, %eq3A_2 : i32
    %convert_element_type3A_4 = arith.extui %eq3A_3 : i1 to i32
    %cond3A_5 = arith.constant 0 : i32
    %cond3A_6 = arith.cmpi ne, %convert_element_type3A_4, %cond3A_5 : i32
    scf.if %cond3A_6 {
      %get3A = arith.constant 0 : index
      %get3A_7 = arith.constant 0 : index
      %get3A_8 = vector.load %arg13[%get3A, %get3A_7] : memref<1x128xf32, #tpu.memory_space<vmem>>, vector<1x128xf32>
      %mul3A = arith.constant 9.99999974E-5 : f32
      %mul3A_9 = vector.broadcast %mul3A : f32 to vector<1x128xf32>
      %mul3A_10 = arith.mulf %get3A_8, %mul3A_9 : vector<1x128xf32>
      %get3A_11 = arith.constant 0 : index
      %get3A_12 = arith.constant 0 : index
      %get3A_13 = vector.load %arg14[%get3A_11, %get3A_12] : memref<1x128xf32, #tpu.memory_space<vmem>>, vector<1x128xf32>
      %mul3A_14 = arith.constant 9.99999974E-5 : f32
      %mul3A_15 = vector.broadcast %mul3A_14 : f32 to vector<1x128xf32>
      %mul3A_16 = arith.mulf %get3A_13, %mul3A_15 : vector<1x128xf32>
      %mul3A_17 = arith.mulf %mul3A_10, %mul3A_10 : vector<1x128xf32>
      %sub3A = arith.subf %mul3A_16, %mul3A_17 : vector<1x128xf32>
      %add3A = arith.constant 9.99999974E-6 : f32
      %add3A_18 = vector.broadcast %add3A : f32 to vector<1x128xf32>
      %add3A_19 = arith.addf %sub3A, %add3A_18 : vector<1x128xf32>
      %rsqrt3A = math.rsqrt %add3A_19 : vector<1x128xf32>
      %mul3A_20 = arith.constant 2000 : i32
      %mul3A_21 = arith.muli %arg1, %mul3A_20 : i32
      %get3A_22 = arith.index_cast %mul3A_21 : i32 to index
      %get3A_23 = arith.constant 0 : index
      %get3A_24 = vector.load %arg12[%get3A_22, %get3A_23] : memref<10000x128xf32, #tpu.memory_space<vmem>>, vector<2000x128xf32>
      %sub3A_25 = vector.broadcast %mul3A_10 : vector<1x128xf32> to vector<2000x128xf32>
      %sub3A_26 = arith.subf %get3A_24, %sub3A_25 : vector<2000x128xf32>
      %get3A_27 = arith.constant 0 : index
      %get3A_28 = arith.constant 0 : index
      %get3A_29 = vector.load %arg7[%get3A_27, %get3A_28] : memref<1x128xf32, #tpu.memory_space<vmem>>, vector<1x128xf32>
      %mul3A_30 = arith.mulf %rsqrt3A, %get3A_29 : vector<1x128xf32>
      %mul3A_31 = vector.broadcast %mul3A_30 : vector<1x128xf32> to vector<2000x128xf32>
      %mul3A_32 = arith.mulf %sub3A_26, %mul3A_31 : vector<2000x128xf32>
      %get3A_33 = arith.constant 0 : index
      %get3A_34 = arith.constant 0 : index
      %get3A_35 = vector.load %arg8[%get3A_33, %get3A_34] : memref<1x128xf32, #tpu.memory_space<vmem>>, vector<1x128xf32>
      %add3A_36 = vector.broadcast %get3A_35 : vector<1x128xf32> to vector<2000x128xf32>
      %add3A_37 = arith.addf %mul3A_32, %add3A_36 : vector<2000x128xf32>
      %max3A = arith.constant 0.000000e+00 : f32
      %max3A_38 = vector.broadcast %max3A : f32 to vector<2000x128xf32>
      %max3A_39 = arith.maximumf %add3A_37, %max3A_38 : vector<2000x128xf32>
      %swap3A = arith.constant 0 : index
      %swap3A_40 = arith.constant 0 : index
      %swap3A_41 = vector.load %arg10[%swap3A, %swap3A_40] : memref<2000x128xf32, #tpu.memory_space<vmem>>, vector<2000x128xf32>
      tpu.vector_store %arg10[%swap3A, %swap3A_40], %max3A_39 {strides = array<i32>} : memref<2000x128xf32, #tpu.memory_space<vmem>>, vector<2000x128xf32>,
      %iota3A = tpu.iota {dimensions = array<i32: 1>} : vector<1x64xi32>
      %get3A_42 = arith.constant 0 : index
      %get3A_43 = arith.constant 0 : index
      %get3A_44 = vector.load %arg9[%get3A_42, %get3A_43] : memref<2000x1xi32, #tpu.memory_space<vmem>>, vector<2000x1xi32>
      %eq3A_45 = vector.broadcast %get3A_44 : vector<2000x1xi32> to vector<2000x64xi32>
      %eq3A_46 = vector.broadcast %iota3A : vector<1x64xi32> to vector<2000x64xi32>
      %eq3A_47 = arith.cmpi eq, %eq3A_45, %eq3A_46 : vector<2000x64xi32>
      %convert_element_type3A_48 = arith.extui %eq3A_47 : vector<2000x64xi1> to vector<2000x64xi32>
      %convert_element_type3A_49 = arith.sitofp %convert_element_type3A_48 : vector<2000x64xi32> to vector<2000x64xf32>
      %get3A_50 = arith.constant 0 : index
      %get3A_51 = arith.constant 0 : index
      %get3A_52 = vector.load %arg15[%get3A_50, %get3A_51] : memref<64x128xf32, #tpu.memory_space<vmem>>, vector<64x128xf32>
      %dot_general3A = arith.constant dense<0.000000e+00> : vector<64x128xf32>
      %dot_general3A_53 = tpu.matmul %convert_element_type3A_49, %max3A_39, %dot_general3A {dimension_numbers = #tpu.dot_dimension_numbers<[0], [0], [1], [1], [0, 1, 1, 1], [], []>, transpose_lhs_hint = false} : vector<2000x64xf32>, vector<2000x128xf32>, vector<64x128xf32> -> vector<64x128xf32>
      %add3A_54 = arith.addf %get3A_52, %dot_general3A_53 : vector<64x128xf32>
      %swap3A_55 = arith.constant 0 : index
      %swap3A_56 = arith.constant 0 : index
      %swap3A_57 = vector.load %arg15[%swap3A_55, %swap3A_56] : memref<64x128xf32, #tpu.memory_space<vmem>>, vector<64x128xf32>
      tpu.vector_store %arg15[%swap3A_55, %swap3A_56], %add3A_54 {strides = array<i32>} : memref<64x128xf32, #tpu.memory_space<vmem>>, vector<64x128xf32>,
      %get3A_58 = arith.constant 0 : index
      %get3A_59 = arith.constant 0 : index
      %get3A_60 = vector.load %arg16[%get3A_58, %get3A_59] : memref<64x128xf32, #tpu.memory_space<vmem>>, vector<64x128xf32>
      %broadcast_in_dim3A = arith.constant 1.000000e+00 : f32
      %broadcast_in_dim3A_61 = vector.broadcast %broadcast_in_dim3A : f32 to vector<2000x128xf32>
      %dot_general3A_62 = arith.constant dense<0.000000e+00> : vector<64x128xf32>
      %dot_general3A_63 = tpu.matmul %convert_element_type3A_49, %broadcast_in_dim3A_61, %dot_general3A_62 {dimension_numbers = #tpu.dot_dimension_numbers<[0], [0], [1], [1], [0, 1, 1, 1], [], []>, transpose_lhs_hint = false} : vector<2000x64xf32>, vector<2000x128xf32>, vector<64x128xf32> -> vector<64x128xf32>
      %add3A_64 = arith.addf %get3A_60, %dot_general3A_63 : vector<64x128xf32>
      %swap3A_65 = arith.constant 0 : index
      %swap3A_66 = arith.constant 0 : index
      %swap3A_67 = vector.load %arg16[%swap3A_65, %swap3A_66] : memref<64x128xf32, #tpu.memory_space<vmem>>, vector<64x128xf32>
      tpu.vector_store %arg16[%swap3A_65, %swap3A_66], %add3A_64 {strides = array<i32>} : memref<64x128xf32, #tpu.memory_space<vmem>>, vector<64x128xf32>,
      %eq3A_68 = arith.constant 4 : i32
      %eq3A_69 = arith.cmpi eq, %arg1, %eq3A_68 : i32
      %convert_element_type3A_70 = arith.extui %eq3A_69 : i1 to i32
      %cond3A_71 = arith.constant 0 : i32
      %cond3A_72 = arith.cmpi ne, %convert_element_type3A_70, %cond3A_71 : i32
      scf.if %cond3A_72 {
        %get3A_73 = arith.constant 0 : index
        %get3A_74 = arith.constant 0 : index
        %get3A_75 = vector.load %arg15[%get3A_73, %get3A_74] : memref<64x128xf32, #tpu.memory_space<vmem>>, vector<64x128xf32>
        %get3A_76 = arith.constant 0 : index
        %get3A_77 = arith.constant 0 : index
        %get3A_78 = vector.load %arg16[%get3A_76, %get3A_77] : memref<64x128xf32, #tpu.memory_space<vmem>>, vector<64x128xf32>
        %max3A_79 = arith.constant 1.000000e+00 : f32
        %max3A_80 = vector.broadcast %max3A_79 : f32 to vector<64x128xf32>
        %max3A_81 = arith.maximumf %get3A_78, %max3A_80 : vector<64x128xf32>
        %div3A = arith.divf %get3A_75, %max3A_81 : vector<64x128xf32>
        %swap3A_82 = arith.constant 0 : index
        %swap3A_83 = arith.constant 0 : index
        %swap3A_84 = vector.load %arg11[%swap3A_82, %swap3A_83] : memref<64x128xf32, #tpu.memory_space<vmem>>, vector<64x128xf32>
        tpu.vector_store %arg11[%swap3A_82, %swap3A_83], %div3A {strides = array<i32>} : memref<64x128xf32, #tpu.memory_space<vmem>>, vector<64x128xf32>,
      } else {
      }
    } else {
    }
    return
  }
  func.func @transform_0(%arg0: i32, %arg1: i32) -> (i32, i32) {
    %eq3A = arith.constant 0 : i32
    %eq3A_0 = arith.cmpi eq, %arg0, %eq3A : i32
    %jit3A = arith.constant 4 : i32
    %select_n3A = arith.select %eq3A_0, %arg1, %jit3A : i32
    %c0_i32 = arith.constant 0 : i32
    %c0_i32_1 = arith.constant 0 : i32
    return %select_n3A, %c0_i32 : i32, i32
  }
  func.func @transform_1(%arg0: i32, %arg1: i32) -> (i32, i32) {
    %eq3A = arith.constant 0 : i32
    %eq3A_0 = arith.cmpi eq, %arg0, %eq3A : i32
    %jit3A = arith.constant 4 : i32
    %select_n3A = arith.select %eq3A_0, %arg1, %jit3A : i32
    %c0_i32 = arith.constant 0 : i32
    %c0_i32_1 = arith.constant 0 : i32
    return %select_n3A, %c0_i32 : i32, i32
  }
  func.func @transform_2(%arg0: i32, %arg1: i32) -> (i32, i32) {
    %c0_i32 = arith.constant 0 : i32
    %c0_i32_0 = arith.constant 0 : i32
    return %arg1, %c0_i32 : i32, i32
  }
  func.func @transform_3(%arg0: i32, %arg1: i32) -> (i32, i32) {
    %c0_i32 = arith.constant 0 : i32
    %c0_i32_0 = arith.constant 0 : i32
    %c0_i32_1 = arith.constant 0 : i32
    return %c0_i32, %c0_i32_0 : i32, i32
  }
  func.func @transform_4(%arg0: i32, %arg1: i32) -> (i32, i32) {
    %c0_i32 = arith.constant 0 : i32
    %c0_i32_0 = arith.constant 0 : i32
    %c0_i32_1 = arith.constant 0 : i32
    return %c0_i32, %c0_i32_0 : i32, i32
  }
  func.func @transform_5(%arg0: i32, %arg1: i32) -> (i32, i32) {
    %c0_i32 = arith.constant 0 : i32
    %c0_i32_0 = arith.constant 0 : i32
    %c0_i32_1 = arith.constant 0 : i32
    return %c0_i32, %c0_i32_0 : i32, i32
  }
  func.func @transform_6(%arg0: i32, %arg1: i32) -> (i32, i32) {
    %c0_i32 = arith.constant 0 : i32
    %c0_i32_0 = arith.constant 0 : i32
    %c0_i32_1 = arith.constant 0 : i32
    return %c0_i32, %c0_i32_0 : i32, i32
  }
  func.func @transform_7(%arg0: i32, %arg1: i32) -> (i32, i32) {
    %c0_i32 = arith.constant 0 : i32
    %c0_i32_0 = arith.constant 0 : i32
    return %arg1, %c0_i32 : i32, i32
  }
  func.func @transform_8(%arg0: i32, %arg1: i32) -> (i32, i32) {
    %eq3A = arith.constant 0 : i32
    %eq3A_0 = arith.cmpi eq, %arg0, %eq3A : i32
    %jit3A = arith.constant 0 : i32
    %select_n3A = arith.select %eq3A_0, %jit3A, %arg1 : i32
    %c0_i32 = arith.constant 0 : i32
    %c0_i32_1 = arith.constant 0 : i32
    return %select_n3A, %c0_i32 : i32, i32
  }
  func.func @transform_9(%arg0: i32, %arg1: i32) -> (i32, i32) {
    %c0_i32 = arith.constant 0 : i32
    %c0_i32_0 = arith.constant 0 : i32
    %c0_i32_1 = arith.constant 0 : i32
    return %c0_i32, %c0_i32_0 : i32, i32
  }
}

</mosaic_0001>

<sc_bundles>
// kernel: kernel.10.cloned.1.call-start
scs
__scs_entry_jumppad:
0x0: {  	(pc) =	sbr.rel $0x88, $3  }
0x1: {  	(tag) =	ssettag $0x0;
	lr =	simm.s32 $0x1  }
0x2: {  	[smem:$0x3F8F] =	sst lr;
	_ =	strace $0xD0000000  }
0x3: {  	_ = 	snop  }
0x4: {  	_ = 	snop  }
0x5: {  	_ = 	snop  }
0x6: {  	_ = 	snop  }
0x7: {  	_ = 	snop  }
__scs_overlays_trampoline_lowered:
0x8: {  	[smem:$0x3F9E] =	sst s0  }
0x9: {  	[smem:$0x3F9F] =	sst s1  }
0xa: {  	[smem:$0x3FA0] =	sst s2  }
0xb: {  	[smem:$0x3FA1] =	sst s3  }
0xc: {  	[smem:$0x3FA2] =	sst s4  }
0xd: {  	[smem:$0x3FA3] =	sst s5  }
0xe: {  	[smem:$0x3FA4] =	sst s6  }
0xf: {  	[smem:$0x3FA5] =	sst s7  }
0x10: {  	[smem:$0x3FA6] =	sst s8  }
0x11: {  	[smem:$0x3FA7] =	sst s9;
	s0 =	simm.s32 @!p0 $0x0  }
0x12: {  	s1 =	sld [smem:$0x3F8D];
	s0 =	simm.s32 @p0 $0x1  }
0x13: {  	[smem:$0x3FA8] =	sst s0;
	s0 =	simm.s32 @!p1 $0x0  }
0x14: {  	s2 =	sld [smem:$0x3F8C];
	s0 =	simm.s32 @p1 $0x1  }
0x15: {  	[smem:$0x3FA9] =	sst s0;
	s0 =	simm.s32 @!p2 $0x0  }
0x16: {  	s3 =	sld [smem:$0x3FDB];
	s0 =	simm.s32 @p2 $0x1  }
0x17: {  	s4 =	simm.s32 $0x1BF5;
	[smem:$0x3FAB] =	sst s0  }
0x18: {  	s0 =	sld [smem:$0x3F8E];
	_ =	swait.ge [sflag:s4], $0x0  }
0x19: {  	s7 =	sld [smem:$0x3F8F]  }
0x1a: {  	s8 =	sadd.s32 $0xFFFFE003, lr  }
0x1b: {  	s9 =	sadd.s32 $0xFFFFFEF7, lr;
	s5 =	simm.s32 $0xFFFFFFFF;
	p2 =	slt.u32 s8, $0xFFFFF086  }
0x1c: {  	p1 =	slt.u32 s9, $0xF7A;
	s5 =	simm.s32 @!p2 $0x0  }
0x1d: {  	s5 =	simm.s32 @p1 $0x1;
	p0 =	seq.s32 s7, s2  }
0x1e: {  	s7 =	smul.u32 @!p0 $0xF7A, s2;
	p2 =	seq.s32 @!p0 s5, $0x0  }
0x1f: {  	s9 =	smul.u32 $0xF7A, s1;
	s8 =	simm.s32 @!p0 $0x1BF5;
	p2 =	por !p2, p0  }
0x20: {  	[sflag:s8] =	ssyncset.s32 @!p0 $0xFFFFF086;
	s6 =	sadd.s32 @!p0 s3, s7;
	s7 =	simm.s32 @!p0 $0x108  }
0x21: {  	s3 =	sadd.s32 s3, s9;
	s6 =	sadd.s32 @!p0 $0x88, s6;
	s7 =	simm.s32 @p2 $0x1082  }
0x22: {  	[simem:s7], [sflag:s8] =	dma.local @!p0 [hbm:s6], $0xF7A  }
0x23: {  	s9 =	sor.u32 $0xD0000000, s2;
	s6 =	simm.s32 $0x108;
	_ =	swait.ge @!p0 [sflag:s8], $0x0  }
0x24: {  	s3 =	sadd.s32 $0x88, s3;
	s6 =	simm.s32 @!p1 $0x1082;
	[sflag:s4] =	ssyncset.s32 $0xFFFFF086  }
0x25: {  	[simem:s6], [sflag:s4] =	dma.local [hbm:s3], $0xF7A  }
0x26: {  	[smem:$0x3F8F] =	sst s1;
	(tag) =	ssettag s2;
	_ =	strace s9  }
0x27: {  	s1 =	sld [smem:$0x3F9F]  }
0x28: {  	s2 =	sld [smem:$0x3FA0]  }
0x29: {  	s4 =	sld [smem:$0x3FA2]  }
0x2a: {  	p0 =	seq.s32 s5, $0x0;
	s5 =	sld [smem:$0x3FA3]  }
0x2b: {  	s6 =	sld [smem:$0x3FA4]  }
0x2c: {  	s7 =	sld [smem:$0x3FA5]  }
0x2d: {  	s3 =	simm.s32 $0x108;
	s8 =	sld [smem:$0x3FA6]  }
0x2e: {  	s3 =	simm.s32 @!p0 $0x1082;
	s9 =	sld [smem:$0x3FA7]  }
0x2f: {  	lr =	sadd.s32 s0, s3;
	s0 =	sld [smem:$0x3F9E]  }
0x30: {  	s3 =	sld [smem:$0x3FA1]  }
0x31: {  	[smem:$0x3FAA] =	sst s10  }
0x32: {  	s10 =	sld [smem:$0x3FA8];
	_ =	sdelay $0x3  }
0x33: {  	p0 =	seq.s32 s10, $0x1;
	s10 =	sld [smem:$0x3FAA];
	_ =	sdelay $0x3  }
0x34: {  	[smem:$0x3FAA] =	sst s10  }
0x35: {  	s10 =	sld [smem:$0x3FA9];
	_ =	sdelay $0x3  }
0x36: {  	p1 =	seq.s32 s10, $0x1;
	s10 =	sld [smem:$0x3FAA];
	_ =	sdelay $0x3  }
0x37: {  	[smem:$0x3FAA] =	sst s10  }
0x38: {  	s10 =	sld [smem:$0x3FAB]  }
0x39: {  	_ = 	snop;
	(pc) =	sbr.ind lr, $3  }
0x3a: {  	_ = 	snop  }
0x3b: {  	_ = 	snop  }
0x3c: {  	p2 =	seq.s32 s10, $0x1;
	s10 =	sld [smem:$0x3FAA]  }
0x3d: {  	_ =	shalt  }
0x3e: {  	_ =	shalt  }
0x3f: {  	_ =	shalt  }
0x40: {  	_ =	shalt  }
0x41: {  	_ =	shalt  }
0x42: {  	_ =	shalt  }
0x43: {  	_ =	shalt  }
0x44: {  	_ =	shalt  }
0x45: {  	_ =	shalt  }
0x46: {  	_ =	shalt  }
0x47: {  	_ =	shalt  }
0x48: {  	_ =	shalt  }
0x49: {  	_ =	shalt  }
0x4a: {  	_ =	shalt  }
0x4b: {  	_ =	shalt  }
0x4c: {  	_ =	shalt  }
0x4d: {  	_ =	shalt  }
0x4e: {  	_ =	shalt  }
0x4f: {  	_ =	shalt  }
0x50: {  	_ =	shalt  }
0x51: {  	_ =	shalt  }
0x52: {  	_ =	shalt  }
0x53: {  	_ =	shalt  }
0x54: {  	_ =	shalt  }
0x55: {  	_ =	shalt  }
0x56: {  	_ =	shalt  }
0x57: {  	_ =	shalt  }
0x58: {  	_ =	shalt  }
0x59: {  	_ =	shalt  }
0x5a: {  	_ =	shalt  }
0x5b: {  	_ =	shalt  }
0x5c: {  	_ =	shalt  }
0x5d: {  	_ =	shalt  }
0x5e: {  	_ =	shalt  }
0x5f: {  	_ =	shalt  }
0x60: {  	_ =	shalt  }
0x61: {  	_ =	shalt  }
0x62: {  	_ =	shalt  }
0x63: {  	_ =	shalt  }
0x64: {  	_ =	shalt  }
0x65: {  	_ =	shalt  }
0x66: {  	_ =	shalt  }
0x67: {  	_ =	shalt  }
0x68: {  	_ =	shalt  }
0x69: {  	_ =	shalt  }
0x6a: {  	_ =	shalt  }
0x6b: {  	_ =	shalt  }
0x6c: {  	_ =	shalt  }
0x6d: {  	_ =	shalt  }
0x6e: {  	_ =	shalt  }
0x6f: {  	_ =	shalt  }
0x70: {  	_ =	shalt  }
0x71: {  	_ =	shalt  }
0x72: {  	_ =	shalt  }
0x73: {  	_ =	shalt  }
0x74: {  	_ =	shalt  }
0x75: {  	_ =	shalt  }
0x76: {  	_ =	shalt  }
0x77: {  	_ =	shalt  }
0x78: {  	_ =	shalt  }
0x79: {  	_ =	shalt  }
0x7a: {  	_ =	shalt  }
0x7b: {  	_ =	shalt  }
0x7c: {  	_ =	shalt  }
0x7d: {  	_ =	shalt  }
0x7e: {  	_ =	shalt  }
0x7f: {  	_ =	shalt  }
0x80: {  	_ =	shalt  }
0x81: {  	_ =	shalt  }
0x82: {  	_ =	shalt  }
0x83: {  	_ =	shalt  }
0x84: {  	_ =	shalt  }
0x85: {  	_ =	shalt  }
0x86: {  	_ =	shalt  }
0x87: {  	_ =	shalt  }
.Lfunc_end0:
.L_simem_size_0:
called_computation_lowered:
.L_overlay_start_0:
0x88: {  	s2 =	sld [smem:$0x3FD9]  }
0x89: {  	s3 =	sld [smem:$0x3FFE];
	_ =	sdelay $0x1  }
0x8a: {  	s1 =	srdreg.scid  }
0x8b: {  	s0 =	sand.u32 $0x1, s1  }
0x8c: {  	s14 =	sshll.u32 s0, $0xA;
	s2 =	sadd.s32 s3, s2  }
0x8d: {  	s2 =	sadd.s32 s2, s14  }
0x8e: {  	[smem:$0x3FB6] =	sst s2  }
0x8f: {  	_ = 	snop  }
0x90: {  	s2 =	sld [smem:$0x3FD0];
	_ =	sdelay $0x1  }
0x91: {  	s15 =	sld [smem:$0x3FC6]  }
0x92: {  	s5 =	simm.s32 $0xA;
	s6 =	simm.s32 $0x10;
	s4 =	sld [smem:$0x3FC4]  }
0x93: {  	[smem:s6], [sflag:s5] =	dma.local [hbm:s2], $0x1  }
0x94: {  	_ =	swait.eq [sflag:s5], $0x1  }
0x95: {  	[sflag:s5] =	ssyncset.done $0x0  }
0x96: {  	[sflag:s5] =	ssyncadd.s32 $0xFFFFFFFF  }
0x97: {  	s16 =	sld [smem:$0x11];
	(tm) =	ssettm $0x1  }
0x98: {  	s17 =	sld [smem:$0x3FFB];
	_ =	sdelay $0x3  }
0x99: {  	_ =	strace s17  }
0x9a: {  	s5 =	sld [smem:$0x3FFC];
	_ =	sdelay $0x3  }
0x9b: {  	_ =	strace s5  }
0x9c: {  	s5 =	sld [smem:$0x3FFD];
	_ =	sdelay $0x3  }
0x9d: {  	_ =	strace s5  }
0x9e: {  	_ =	strace $0x8FFFFFFF  }
0x9f: {  	s18 =	sld [smem:$0x3FDB];
	_ =	sdelay $0x1  }
0xa0: {  	s19 =	simm.s32 $_scs_section_size  }
0xa1: {  	s7 =	simm.s32 $_size__tile_overlayer_lowered;
	s8 =	simm.s32 $_tile_overlayer_lowered  }
0xa2: {  	s22 =	simm.s32 $0x1BFF;
	s21 =	sshll.u32 s8, $0x1;
	s5 =	sadd.s32 s19, s18  }
0xa3: {  	s9 =	simm.s32 $0x0;
	s20 =	sshll.u32 s7, $0x1;
	s7 =	sadd.s32 s21, s5  }
0xa4: {  	[timem:s9], [sflag:s22] =	dma.local [hbm:s7], s20  }
0xa5: {  	_ =	swait.ge [sflag:s22], s20  }
0xa6: {  	s6 =	ssub.s32 $0x0, s20;
	[sflag:s22] =	ssyncset.done $0x0  }
0xa7: {  	[sflag:s22] =	ssyncadd.s32 s6;
	_ =	sdelay $0x1  }
0xa8: {  	s23 =	simm.s32 $0x1B8B  }
0xa9: {  	_ =	swait.ge [sflag:s23], $0x1  }
0xaa: {  	[sflag:s23] =	ssyncset.done $0x0  }
0xab: {  	s25 =	simm.s32 $0x1B8E;
	s24 =	sld [smem:$0x3FFE];
	[sflag:s23] =	ssyncadd.s32 $0xFFFFFFFF  }
0xac: {  	s26 =	simm.s32 $execute0_lowered;
	[smem:$0x3FD2] =	sst s25  }
0xad: {  	s7 =	sshll.u32 s26, $0x1;
	_ =	strace $0x80000046;
	[dreg:$0x1] =	wrdreg $0xFFFFFFFF  }
0xae: {  	s28 =	simm.s32 $_size_execute0_lowered;
	s5 =	sadd.s32 s5, s7;
	[dreg:$0x0] =	wrdreg $0x0  }
0xaf: {  	s7 =	sshll.u32 s28, $0x1;
	[dreg:$0x2] =	wrdreg s5  }
0xb0: {  	[dreg:$0x3] =	wrdreg s7  }
0xb1: {  	[dreg:$0x4] =	wrdreg $0xC0  }
0xb2: {  	_ =	task [dreg:s9], $0x5FFFF  }
0xb3: {  	[dreg:$0x1] =	wrdreg $0xFFFFFFFF  }
0xb4: {  	[dreg:$0x0] =	wrdreg $0x60  }
0xb5: {  	[dreg:$0x2] =	wrdreg s16  }
0xb6: {  	[dreg:$0x3] =	wrdreg s24  }
0xb7: {  	[dreg:$0x4] =	wrdreg s15  }
0xb8: {  	[dreg:$0x5] =	wrdreg s4  }
0xb9: {  	[dreg:$0x6] =	wrdreg $0x196000  }
0xba: {  	[dreg:$0x7] =	wrdreg $0x9  }
0xbb: {  	_ =	task.clear_ibuf [dreg:s9], $0x8FFFF;
	_ =	strace $0x90000046  }
0xbc: {  	s29 =	simm.s32 $0x9;
	_ =	strace $0x80000048  }
0xbd: {  	_ =	swait.ge [sflag:s29], $0x1  }
0xbe: {  	[sflag:s29] =	ssyncadd.s32 $0xFFFFFFFF  }
0xbf: {  	_ =	strace $0x90000048  }
0xc0: {  	_ =	sfence  }
0xc1: {  	s30 =	sld [smem:$0x0];
	_ =	sdelay $0x2  }
0xc2: {  	s31 =	sshll.u32 s1, $0xD;
	s1 =	sshrl.u32 s1, $0x2  }
0xc3: {  	s3 =	sand.u32 $0x4000, s31;
	s1 =	sadd.s32 s1, s30  }
0xc4: {  	s0 =	sor.u32 s3, s0;
	s1 =	sshll.u32 s1, $0x11  }
0xc5: {  	s0 =	sor.u32 s1, s0  }
0xc6: {  	s0 =	sadd.s32 $0x8F2B, s0  }
0xc7: {  	[sflag:s0] =	ssyncadd.remote.s32 $0x1  }
0xc8: {  	_ =	sfence.sel $0xFFFF  }
0xc9: {  	[dreg:$0x0] =	wrdreg $0xFFFFFFFF;
	(pc) =	sbr.abs _section_cstart, $3  }
0xca: {  	[dreg:$0x1] =	wrdreg $0xFFFFFFFF  }
0xcb: {  	_ =	task.clear_ibuf [dreg:s9], $0x2FFFF;
	_ =	strace $0x9FFFFFFF  }
0xcc: {  	(tm) =	ssettm $0x7FFFFFFF  }
0xcd: {  	_ =	shalt  }
tec
execute0_lowered:
.L_overlay_start_1:
0x0: {  	(tag) =	ssettag $0x1  }
0x1: {  	s0 =	rddreg [dreg:$0x0]  }
0x2: {  	s2 =	rddreg [dreg:$0x1]  }
0x3: {  	s1 =	rddreg [dreg:$0x2]  }
0x4: {  	s4 =	srdreg.scid;
	s3 =	rddreg [dreg:$0x3]  }
0x5: {  	s18 =	stileid.u32;
	s5 =	simm.s32 $0x0;
	s14 =	simm.s32 $0x4  }
0x6: {  	s15 =	simm.s32 $0x4F00;
	s17 =	simm.s32 $0x4E80;
	s21 =	simm.s32 $0x5180  }
0x7: {  	s22 =	simm.s32 $0x5480;
	s23 =	simm.s32 $0x140;
	s7 =	smul.u32 $0x140, s18  }
0x8: {  	s28 =	simm.s32 $0x2;
	s29 =	simm.s32 $0x3;
	s8 =	smul.u32 $0x280, s18  }
0x9: {  	s16 =	sand.u32 $0x1, s4;
	s4 =	rddreg [dreg:$0x4];
	s9 =	smul.u32 $0x4E20, s18  }
0xa: {  	s30 =	simm.s32 $0x0;
	[smem:$0x7FF] =	sst s5;
	s6 =	smul.u32 $0x1400, s16  }
0xb: {  	_ =	strace $0x80000047;
	s26 =	ssub.s32 $0x2, s16;
	p0 =	sne.s32 s16, $0x0  }
0xc: {  	s16 =	simm.s32 $0x50;
	s24 =	sshrl.u32 s8, $0x3;
	s9 =	sshrl.u32 s9, $0x3  }
0xd: {  	s31 =	sshrl.u32 s26, $0x1;
	s10 =	sadd.s32 s7, s6;
	s12 =	sadd.s32 s24, s2  }
0xe: {  	s0 =	sadd.s32 s0, s9;
	s13 =	ssub.s32 s26, s31;
	s7 =	sadd.s32 s8, s4  }
0xf: {  	s24 =	simm.s32 $0x5600;
	s26 =	simm.s32 $0xF600;
	s6 =	sshrl.u32 s10, $0x3  }
0x10: {  	s25 =	sshll.u32 s10, $0x4;
	s8 =	sadd.s32 $0x5A00, s12;
	s10 =	sadd.s32 s10, s4  }
0x11: {  	s13 =	smax.u32 s13, $0x1;
	s20 =	sshrl.u32 @!p0 s7, $0x3;
	s11 =	sadd.s32 s6, s2  }
0x12: {  	s2 =	sadd.s32 s25, s2;
	s6 =	sadd.s32 $0x9C40, s0;
	s0 =	sshll.u32 @!p0 s18, $0x6  }
0x13: {  	s18 =	simm.s32 $0x1;
	s25 =	simm.s32 $0x5300;
	s9 =	sadd.s32 $0x5400, s11  }
0x14: {  	v0 =	vimm.f32 $1.000000000e+00;
	v1 =	vimm.f32 $0.0e+00;
	s11 =	sadd.s32 $0x6000, s2;
	s12 =	sadd.s32 $0x2E000, s2;
	s19 =	sor.u32 @!p0 $0x1C04, s0  }
.LBB2_1:
0x15: {  	[tilespmem:s5], [sflag:$0x4] =	stream.linear.gather [hbm4b:s6+s5], $0x4E20, $0x38;
	[tilespmem:$0x19880] =	vst v63  }
0x16: {  	_ =	swait.ge [sflag:s14], $0x4E20  }
0x17: {  	[sflag:s14] =	ssyncset.done $0x0  }
0x18: {  	[sflag:s14] =	ssyncadd.s32 $0xFFFFB1E0  }
0x19: {  	[tilespmem:$0x4E80] =	vst v0  }
0x1a: {  	[tilespmem:$0x4E90] =	vst v0  }
0x1b: {  	[tilespmem:$0x4EA0] =	vst v0  }
0x1c: {  	[tilespmem:$0x4EB0] =	vst v0  }
0x1d: {  	[tilespmem:$0x4EC0] =	vst v0  }
0x1e: {  	[tilespmem:$0x4F00] =	vst v1  }
0x1f: {  	[tilespmem:$0x4F10] =	vst v1  }
0x20: {  	[tilespmem:$0x4F20] =	vst v1  }
0x21: {  	[tilespmem:$0x4F30] =	vst v1  }
0x22: {  	[tilespmem:$0x4F40] =	vst v1  }
0x23: {  	[tilespmem:$0x4F50] =	vst v1  }
0x24: {  	[tilespmem:$0x4F60] =	vst v1  }
0x25: {  	[tilespmem:$0x4F70] =	vst v1  }
0x26: {  	[tilespmem:$0x4F80] =	vst v1  }
0x27: {  	[tilespmem:$0x4F90] =	vst v1  }
0x28: {  	[tilespmem:$0x4FA0] =	vst v1  }
0x29: {  	[tilespmem:$0x4FB0] =	vst v1  }
0x2a: {  	[tilespmem:$0x4FC0] =	vst v1  }
0x2b: {  	[tilespmem:$0x4FD0] =	vst v1  }
0x2c: {  	[tilespmem:$0x4FE0] =	vst v1  }
0x2d: {  	[tilespmem:$0x4FF0] =	vst v1  }
0x2e: {  	[tilespmem:$0x5000] =	vst v1  }
0x2f: {  	[tilespmem:$0x5010] =	vst v1  }
0x30: {  	[tilespmem:$0x5020] =	vst v1  }
0x31: {  	[tilespmem:$0x5030] =	vst v1  }
0x32: {  	[tilespmem:$0x5040] =	vst v1  }
0x33: {  	[tilespmem:$0x5050] =	vst v1  }
0x34: {  	[tilespmem:$0x5060] =	vst v1  }
0x35: {  	[tilespmem:$0x5070] =	vst v1  }
0x36: {  	[tilespmem:$0x5080] =	vst v1  }
0x37: {  	[tilespmem:$0x5090] =	vst v1  }
0x38: {  	[tilespmem:$0x50A0] =	vst v1  }
0x39: {  	[tilespmem:$0x50B0] =	vst v1  }
0x3a: {  	[tilespmem:$0x50C0] =	vst v1  }
0x3b: {  	[tilespmem:$0x50D0] =	vst v1  }
0x3c: {  	[tilespmem:$0x50E0] =	vst v1  }
0x3d: {  	[tilespmem:$0x50F0] =	vst v1  }
0x3e: {  	[tilespmem:$0x5100] =	vst v1  }
0x3f: {  	[tilespmem:$0x5110] =	vst v1  }
0x40: {  	[tilespmem:$0x5120] =	vst v1  }
0x41: {  	[tilespmem:$0x5130] =	vst v1  }
0x42: {  	[tilespmem:$0x5140] =	vst v1  }
0x43: {  	[tilespmem:$0x5150] =	vst v1  }
0x44: {  	[tilespmem:$0x5160] =	vst v1  }
0x45: {  	[tilespmem:$0x5170] =	vst v1  }
0x46: {  	[spmem:s7] =	stream.linear.scatter [tilespmem:s15], [sflag:$0x4], $0x280, $0x38;
	[tilespmem:$0x19880] =	vst v63  }
0x47: {  	_ =	swait.ge [sflag:s14], $0x280  }
0x48: {  	[sflag:s14] =	ssyncset.done $0x0  }
0x49: {  	p1 =	por $0x1, $0x1;
	[sflag:s14] =	ssyncadd.s32 $0xFFFFFD80  }
0x4a: {  	s0 =	simm.s32 @!p1 $0x1;
	[bflag:$0x0] =	sbarrier.arrive $0xFFFF  }
0x4b: {  	[spmem:s4] =	stream.indirect.scatter.add.f32 [tilespmem:s17], [sflag:$0x1], $0x1, s5, s16, $0xb8;
	[tilespmem:$0x19880] =	vst v63  }
0x4c: {  	_ =	swait.ge @!p1 [sflag:s0], $0x50  }
0x4d: {  	s31 =	simm.s32 $0x1;
	s2 =	simm.s32 $0x0;
	[sflag:s0] =	ssyncset.done @!p1 $0x0  }
.LBB2_2:
0x4e: {  	[sflag:s0] =	ssyncadd.s32 @!p1 $0xFFFFFFB0  }
0x4f: {  	s2 =	sadd.s32 $0x50, s2;
	s0 =	smov.u32 s31;
	s31 =	sadd.s32 $0x1, s31  }
0x50: {  	p2 =	sne.s32 s31, $0xFA  }
0x51: {  	[spmem:s4] =	stream.indirect.scatter.add.f32 [tilespmem:s17], [sflag:$0x1], $0x1, s2, s16, $0xb8;
	[tilespmem:$0x19880] =	vst v63  }
.Ltmp0:
0x52: {  	_ = 	snop;
	(pc) =	sbr.rel @p2 .LBB2_2-.Ltmp0, $4  }
0x53: {  	p1 =	slt.u32 s0, $0x8  }
0x54: {  	s0 =	simm.s32 @!p1 $0x1  }
0x55: {  	_ =	swait.ge @!p1 [sflag:s0], $0x50  }
0x56: {  	[sflag:s0] =	ssyncset.done @!p1 $0x0  }
0x57: {  	[sflag:s0] =	ssyncadd.s32 @!p1 $0xFFFFFFB0  }
0x58: {  	_ =	swait.ge [sflag:s18], $0x50  }
0x59: {  	[sflag:s18] =	ssyncset.done $0x0  }
0x5a: {  	[sflag:s18] =	ssyncadd.s32 $0xFFFFFFB0  }
0x5b: {  	_ =	swait.ge [sflag:s18], $0x50  }
0x5c: {  	[sflag:s18] =	ssyncset.done $0x0  }
0x5d: {  	[sflag:s18] =	ssyncadd.s32 $0xFFFFFFB0  }
0x5e: {  	_ =	swait.ge [sflag:s18], $0x50  }
0x5f: {  	[sflag:s18] =	ssyncset.done $0x0  }
0x60: {  	[sflag:s18] =	ssyncadd.s32 $0xFFFFFFB0  }
0x61: {  	_ =	swait.ge [sflag:s18], $0x50  }
0x62: {  	[sflag:s18] =	ssyncset.done $0x0  }
0x63: {  	[sflag:s18] =	ssyncadd.s32 $0xFFFFFFB0  }
0x64: {  	_ =	swait.ge [sflag:s18], $0x50  }
0x65: {  	[sflag:s18] =	ssyncset.done $0x0  }
0x66: {  	[sflag:s18] =	ssyncadd.s32 $0xFFFFFFB0  }
0x67: {  	_ =	swait.ge [sflag:s18], $0x50  }
0x68: {  	[sflag:s18] =	ssyncset.done $0x0  }
0x69: {  	[sflag:s18] =	ssyncadd.s32 $0xFFFFFFB0  }
0x6a: {  	_ =	swait.ge [sflag:s18], $0x50  }
0x6b: {  	[sflag:s18] =	ssyncset.done $0x0  }
0x6c: {  	[sflag:s18] =	ssyncadd.s32 $0xFFFFFFB0  }
0x6d: {  	_ =	swait.ge [sflag:s18], $0x50  }
0x6e: {  	[sflag:s18] =	ssyncset.done $0x0  }
0x6f: {  	[sflag:s18] =	ssyncadd.s32 $0xFFFFFFB0  }
0x70: {  	s0 =	simm.s32 @!p0 $0x4;
	[bflag:$0x0] =	sbarrier.arrive $0xFFFF  }
0x71: {  	[hbm:s8], [sflag:s19] =	dma.local @!p0 [spmem:s20], $0x50  }
0x72: {  	_ =	swait.ge @!p0 [sflag:s0], $0x50  }
0x73: {  	[sflag:s0] =	ssyncset.done @!p0 $0x0  }
0x74: {  	[sflag:s0] =	ssyncadd.s32 @!p0 $0xFFFFFFB0  }
0x75: {  	[tilespmem:s21], [sflag:$0x4] =	stream.linear.gather [hbm4b:s9+s5], $0x140, $0x38;
	[tilespmem:$0x19880] =	vst v63  }
0x76: {  	_ =	swait.ge [sflag:s14], $0x140  }
0x77: {  	[sflag:s14] =	ssyncset.done $0x0  }
0x78: {  	[sflag:s14] =	ssyncadd.s32 $0xFFFFFEC0  }
0x79: {  	[tilespmem:s22], [sflag:$0x4] =	stream.linear.gather [spmem:s10], $0x140, $0x38;
	[tilespmem:$0x19880] =	vst v63  }
0x7a: {  	_ =	swait.ge [sflag:s14], $0x140  }
0x7b: {  	[sflag:s14] =	ssyncset.done $0x0  }
0x7c: {  	[sflag:s14] =	ssyncadd.s32 $0xFFFFFEC0  }
0x7d: {  	v2 =	vld [tilespmem:$0x5480]  }
0x7e: {  	v3 =	vld [tilespmem:$0x5490]  }
0x7f: {  	v4 =	vld [tilespmem:$0x54A0]  }
0x80: {  	v5 =	vld [tilespmem:$0x54B0]  }
0x81: {  	v6 =	vld [tilespmem:$0x54C0]  }
0x82: {  	v7 =	vld [tilespmem:$0x54D0];
	v2 =	vmin.f32 v2, $1.000000000e+03  }
0x83: {  	v8 =	vld [tilespmem:$0x54E0];
	v3 =	vmin.f32 v3, $1.000000000e+03;
	v2 =	vtrunc.f32 v2  }
0x84: {  	v9 =	vld [tilespmem:$0x54F0];
	v4 =	vmin.f32 v4, $1.000000000e+03;
	v3 =	vtrunc.f32 v3;
	v2 =	vcvt.f32.s32 v2  }
0x85: {  	v10 =	vld [tilespmem:$0x5500];
	v5 =	vmin.f32 v5, $1.000000000e+03;
	v4 =	vtrunc.f32 v4;
	v3 =	vcvt.f32.s32 v3  }
0x86: {  	v22 =	vld [tilespmem:$0x5510];
	v21 =	vmin.f32 v6, $1.000000000e+03;
	v20 =	vtrunc.f32 v5;
	[tilespmem:$0x5300] =	vst v2;
	v2 =	vcvt.f32.s32 v4  }
0x87: {  	v25 =	vld [tilespmem:$0x5520];
	v24 =	vmin.f32 v7, $1.000000000e+03;
	v23 =	vtrunc.f32 v21;
	[tilespmem:$0x5310] =	vst v3;
	v3 =	vcvt.f32.s32 v20  }
0x88: {  	v28 =	vld [tilespmem:$0x5530];
	v27 =	vmin.f32 v8, $1.000000000e+03;
	v26 =	vtrunc.f32 v24;
	[tilespmem:$0x5320] =	vst v2;
	v2 =	vcvt.f32.s32 v23  }
0x89: {  	v31 =	vld [tilespmem:$0x5540];
	v30 =	vmin.f32 v9, $1.000000000e+03;
	v29 =	vtrunc.f32 v27;
	[tilespmem:$0x5330] =	vst v3;
	v3 =	vcvt.f32.s32 v26  }
0x8a: {  	v34 =	vld [tilespmem:$0x5550];
	v33 =	vmin.f32 v10, $1.000000000e+03;
	v32 =	vtrunc.f32 v30;
	[tilespmem:$0x5340] =	vst v2;
	v2 =	vcvt.f32.s32 v29  }
0x8b: {  	v37 =	vld [tilespmem:$0x5560];
	v36 =	vmin.f32 v22, $1.000000000e+03;
	v35 =	vtrunc.f32 v33;
	[tilespmem:$0x5350] =	vst v3;
	v3 =	vcvt.f32.s32 v32  }
0x8c: {  	v40 =	vld [tilespmem:$0x5570];
	v39 =	vmin.f32 v25, $1.000000000e+03;
	v38 =	vtrunc.f32 v36;
	[tilespmem:$0x5360] =	vst v2;
	v2 =	vcvt.f32.s32 v35  }
0x8d: {  	v43 =	vld [tilespmem:$0x5580];
	v42 =	vmin.f32 v28, $1.000000000e+03;
	v41 =	vtrunc.f32 v39;
	[tilespmem:$0x5370] =	vst v3;
	v3 =	vcvt.f32.s32 v38  }
0x8e: {  	v46 =	vld [tilespmem:$0x5590];
	v45 =	vmin.f32 v31, $1.000000000e+03;
	v44 =	vtrunc.f32 v42;
	[tilespmem:$0x5380] =	vst v2;
	v2 =	vcvt.f32.s32 v41  }
0x8f: {  	v49 =	vld [tilespmem:$0x55A0];
	v48 =	vmin.f32 v34, $1.000000000e+03;
	v47 =	vtrunc.f32 v45;
	[tilespmem:$0x5390] =	vst v3;
	v3 =	vcvt.f32.s32 v44  }
0x90: {  	v52 =	vld [tilespmem:$0x55B0];
	v51 =	vmin.f32 v37, $1.000000000e+03;
	v50 =	vtrunc.f32 v48;
	[tilespmem:$0x53A0] =	vst v2;
	v2 =	vcvt.f32.s32 v47  }
0x91: {  	v54 =	vmin.f32 v40, $1.000000000e+03;
	v53 =	vtrunc.f32 v51;
	[tilespmem:$0x53B0] =	vst v3;
	v3 =	vcvt.f32.s32 v50  }
0x92: {  	v56 =	vmin.f32 v43, $1.000000000e+03;
	v55 =	vtrunc.f32 v54;
	[tilespmem:$0x53C0] =	vst v2;
	v2 =	vcvt.f32.s32 v53  }
0x93: {  	v58 =	vmin.f32 v46, $1.000000000e+03;
	v57 =	vtrunc.f32 v56;
	[tilespmem:$0x53D0] =	vst v3;
	v3 =	vcvt.f32.s32 v55  }
0x94: {  	v60 =	vmin.f32 v49, $1.000000000e+03;
	v59 =	vtrunc.f32 v58;
	[tilespmem:$0x53E0] =	vst v2;
	v2 =	vcvt.f32.s32 v57  }
0x95: {  	v62 =	vmin.f32 v52, $1.000000000e+03;
	v61 =	vtrunc.f32 v60;
	[tilespmem:$0x53F0] =	vst v3;
	v3 =	vcvt.f32.s32 v59  }
0x96: {  	v63 =	vtrunc.f32 v62;
	[tilespmem:$0x5400] =	vst v2;
	v2 =	vcvt.f32.s32 v61  }
0x97: {  	[tilespmem:$0x5410] =	vst v3;
	v3 =	vcvt.f32.s32 v63  }
0x98: {  	[tilespmem:$0x5420] =	vst v2  }
0x99: {  	[tilespmem:$0x5430] =	vst v3  }
0x9a: {  	[tilespmem:s24], [sflag:$0x2] =	stream.indirect.gather [hbm4b:s1+s23], $0x80, s21, s23, $0xb8;
	[tilespmem:$0x19880] =	vst v63  }
0x9b: {  	_ = 	snop  }
0x9c: {  	[tilespmem:s26], [sflag:$0x2] =	stream.indirect.gather [hbm4b:s3+s23], $0x80, s25, s23, $0xb8;
	[tilespmem:$0x19880] =	vst v63  }
0x9d: {  	_ =	swait.ge [sflag:s28], $0xA000  }
0x9e: {  	[sflag:s28] =	ssyncset.done $0x0  }
0x9f: {  	[sflag:s28] =	ssyncadd.s32 $0xFFFF6000  }
0xa0: {  	[hbm4b:s11+s5] =	stream.linear.scatter [tilespmem:s24], [sflag:$0x3], $0xA000, $0x38;
	[tilespmem:$0x19880] =	vst v63  }
0xa1: {  	_ =	swait.ge [sflag:s28], $0xA000  }
0xa2: {  	[sflag:s28] =	ssyncset.done $0x0  }
0xa3: {  	s30 =	sadd.s32 $0x1, s30;
	[sflag:s28] =	ssyncadd.s32 $0xFFFF6000  }
0xa4: {  	[hbm4b:s12+s5] =	stream.linear.scatter [tilespmem:s26], [sflag:$0x3], $0xA000, $0x38;
	[tilespmem:$0x19880] =	vst v63  }
0xa5: {  	p1 =	sne.s32 s30, s13;
	_ =	swait.ge [sflag:s29], $0xA000  }
.Ltmp1:
0xa6: {  	[sflag:s29] =	ssyncset.done $0x0;
	(pc) =	sbr.rel @p1 .LBB2_1-.Ltmp1, $4  }
0xa7: {  	[sflag:s29] =	ssyncadd.s32 $0xFFFF6000  }
0xa8: {  	_ =	swait.ge [sflag:s29], $0xA000  }
0xa9: {  	[sflag:s29] =	ssyncset.done $0x0  }
0xaa: {  	[sflag:s29] =	ssyncadd.s32 $0xFFFF6000  }
0xab: {  	_ =	sfence.sel $0x180000  }
0xac: {  	[bflag:$0x0] =	sbarrier.arrive $0xFFFF  }
0xad: {  	_ =	strace $0x90000047  }
0xae: {  	s0 =	stileid.u32;
	[bflag:$0x2] =	sbarrier.arrive $0xFFFF  }
0xaf: {  	p0 =	sne.s32 s0, $0x0;
	s0 =	rddreg [dreg:$0x5]  }
0xb0: {  	s0 =	sadd.s32 @!p0 $0x100000, s0  }
0xb1: {  	[sflag:s0] =	ssyncadd.tile.s32 @!p0 $0x1;
	_ =	shalt  }
.Lfunc_end2:
_tile_overlayer_lowered:
.L_overlay_start_2:
0xb2: {  	(tag) =	ssettag $0x2  }
0xb3: {  	s0 =	rddreg [dreg:$0x0];
	s2 =	stileid.u32  }
0xb4: {  	s1 =	rddreg [dreg:$0x1];
	p0 =	sne.s32 s2, $0x0  }
0xb5: {  	s3 =	rddreg [dreg:$0x2];
	[bflag:$0x3] =	sbarrier.arrive $0xFFFF;
	s2 =	simm.s32 @!p0 $0x1C04  }
0xb6: {  	[timem:s3], [sflag:s2] =	dma.local @!p0 [hbm:s0], s1  }
0xb7: {  	s0 =	simm.s32 @!p0 $0x4  }
0xb8: {  	_ =	swait.ge @!p0 [sflag:s0], s1  }
0xb9: {  	s1 =	ssub.s32 @!p0 $0x0, s1;
	[sflag:s0] =	ssyncset.done @!p0 $0x0  }
0xba: {  	[sflag:s0] =	ssyncadd.s32 @!p0 s1  }
0xbb: {  	[bflag:$0x3] =	sbarrier.arrive $0xFFFF  }
0xbc: {  	_ =	shalt  }

// kernel: kernel.13.cloned.1.call-start
scs
__scs_entry_jumppad:
0x0: {  	(pc) =	sbr.rel $0x88, $3  }
0x1: {  	(tag) =	ssettag $0x0;
	lr =	simm.s32 $0x1  }
0x2: {  	[smem:$0x3F8F] =	sst lr;
	_ =	strace $0xD0000000  }
0x3: {  	_ = 	snop  }
0x4: {  	_ = 	snop  }
0x5: {  	_ = 	snop  }
0x6: {  	_ = 	snop  }
0x7: {  	_ = 	snop  }
__scs_overlays_trampoline_lowered:
0x8: {  	[smem:$0x3F9E] =	sst s0  }
0x9: {  	[smem:$0x3F9F] =	sst s1  }
0xa: {  	[smem:$0x3FA0] =	sst s2  }
0xb: {  	[smem:$0x3FA1] =	sst s3  }
0xc: {  	[smem:$0x3FA2] =	sst s4  }
0xd: {  	[smem:$0x3FA3] =	sst s5  }
0xe: {  	[smem:$0x3FA4] =	sst s6  }
0xf: {  	[smem:$0x3FA5] =	sst s7  }
0x10: {  	[smem:$0x3FA6] =	sst s8  }
0x11: {  	[smem:$0x3FA7] =	sst s9;
	s0 =	simm.s32 @!p0 $0x0  }
0x12: {  	s1 =	sld [smem:$0x3F8D];
	s0 =	simm.s32 @p0 $0x1  }
0x13: {  	[smem:$0x3FA8] =	sst s0;
	s0 =	simm.s32 @!p1 $0x0  }
0x14: {  	s2 =	sld [smem:$0x3F8C];
	s0 =	simm.s32 @p1 $0x1  }
0x15: {  	[smem:$0x3FA9] =	sst s0;
	s0 =	simm.s32 @!p2 $0x0  }
0x16: {  	s3 =	sld [smem:$0x3FDB];
	s0 =	simm.s32 @p2 $0x1  }
0x17: {  	s4 =	simm.s32 $0x1BF5;
	[smem:$0x3FAB] =	sst s0  }
0x18: {  	s0 =	sld [smem:$0x3F8E];
	_ =	swait.ge [sflag:s4], $0x0  }
0x19: {  	s7 =	sld [smem:$0x3F8F]  }
0x1a: {  	s8 =	sadd.s32 $0xFFFFE003, lr  }
0x1b: {  	s9 =	sadd.s32 $0xFFFFFEF7, lr;
	s5 =	simm.s32 $0xFFFFFFFF;
	p2 =	slt.u32 s8, $0xFFFFF086  }
0x1c: {  	p1 =	slt.u32 s9, $0xF7A;
	s5 =	simm.s32 @!p2 $0x0  }
0x1d: {  	s5 =	simm.s32 @p1 $0x1;
	p0 =	seq.s32 s7, s2  }
0x1e: {  	s7 =	smul.u32 @!p0 $0xF7A, s2;
	p2 =	seq.s32 @!p0 s5, $0x0  }
0x1f: {  	s9 =	smul.u32 $0xF7A, s1;
	s8 =	simm.s32 @!p0 $0x1BF5;
	p2 =	por !p2, p0  }
0x20: {  	[sflag:s8] =	ssyncset.s32 @!p0 $0xFFFFF086;
	s6 =	sadd.s32 @!p0 s3, s7;
	s7 =	simm.s32 @!p0 $0x108  }
0x21: {  	s3 =	sadd.s32 s3, s9;
	s6 =	sadd.s32 @!p0 $0x88, s6;
	s7 =	simm.s32 @p2 $0x1082  }
0x22: {  	[simem:s7], [sflag:s8] =	dma.local @!p0 [hbm:s6], $0xF7A  }
0x23: {  	s9 =	sor.u32 $0xD0000000, s2;
	s6 =	simm.s32 $0x108;
	_ =	swait.ge @!p0 [sflag:s8], $0x0  }
0x24: {  	s3 =	sadd.s32 $0x88, s3;
	s6 =	simm.s32 @!p1 $0x1082;
	[sflag:s4] =	ssyncset.s32 $0xFFFFF086  }
0x25: {  	[simem:s6], [sflag:s4] =	dma.local [hbm:s3], $0xF7A  }
0x26: {  	[smem:$0x3F8F] =	sst s1;
	(tag) =	ssettag s2;
	_ =	strace s9  }
0x27: {  	s1 =	sld [smem:$0x3F9F]  }
0x28: {  	s2 =	sld [smem:$0x3FA0]  }
0x29: {  	s4 =	sld [smem:$0x3FA2]  }
0x2a: {  	p0 =	seq.s32 s5, $0x0;
	s5 =	sld [smem:$0x3FA3]  }
0x2b: {  	s6 =	sld [smem:$0x3FA4]  }
0x2c: {  	s7 =	sld [smem:$0x3FA5]  }
0x2d: {  	s3 =	simm.s32 $0x108;
	s8 =	sld [smem:$0x3FA6]  }
0x2e: {  	s3 =	simm.s32 @!p0 $0x1082;
	s9 =	sld [smem:$0x3FA7]  }
0x2f: {  	lr =	sadd.s32 s0, s3;
	s0 =	sld [smem:$0x3F9E]  }
0x30: {  	s3 =	sld [smem:$0x3FA1]  }
0x31: {  	[smem:$0x3FAA] =	sst s10  }
0x32: {  	s10 =	sld [smem:$0x3FA8];
	_ =	sdelay $0x3  }
0x33: {  	p0 =	seq.s32 s10, $0x1;
	s10 =	sld [smem:$0x3FAA];
	_ =	sdelay $0x3  }
0x34: {  	[smem:$0x3FAA] =	sst s10  }
0x35: {  	s10 =	sld [smem:$0x3FA9];
	_ =	sdelay $0x3  }
0x36: {  	p1 =	seq.s32 s10, $0x1;
	s10 =	sld [smem:$0x3FAA];
	_ =	sdelay $0x3  }
0x37: {  	[smem:$0x3FAA] =	sst s10  }
0x38: {  	s10 =	sld [smem:$0x3FAB]  }
0x39: {  	_ = 	snop;
	(pc) =	sbr.ind lr, $3  }
0x3a: {  	_ = 	snop  }
0x3b: {  	_ = 	snop  }
0x3c: {  	p2 =	seq.s32 s10, $0x1;
	s10 =	sld [smem:$0x3FAA]  }
0x3d: {  	_ =	shalt  }
0x3e: {  	_ =	shalt  }
0x3f: {  	_ =	shalt  }
0x40: {  	_ =	shalt  }
0x41: {  	_ =	shalt  }
0x42: {  	_ =	shalt  }
0x43: {  	_ =	shalt  }
0x44: {  	_ =	shalt  }
0x45: {  	_ =	shalt  }
0x46: {  	_ =	shalt  }
0x47: {  	_ =	shalt  }
0x48: {  	_ =	shalt  }
0x49: {  	_ =	shalt  }
0x4a: {  	_ =	shalt  }
0x4b: {  	_ =	shalt  }
0x4c: {  	_ =	shalt  }
0x4d: {  	_ =	shalt  }
0x4e: {  	_ =	shalt  }
0x4f: {  	_ =	shalt  }
0x50: {  	_ =	shalt  }
0x51: {  	_ =	shalt  }
0x52: {  	_ =	shalt  }
0x53: {  	_ =	shalt  }
0x54: {  	_ =	shalt  }
0x55: {  	_ =	shalt  }
0x56: {  	_ =	shalt  }
0x57: {  	_ =	shalt  }
0x58: {  	_ =	shalt  }
0x59: {  	_ =	shalt  }
0x5a: {  	_ =	shalt  }
0x5b: {  	_ =	shalt  }
0x5c: {  	_ =	shalt  }
0x5d: {  	_ =	shalt  }
0x5e: {  	_ =	shalt  }
0x5f: {  	_ =	shalt  }
0x60: {  	_ =	shalt  }
0x61: {  	_ =	shalt  }
0x62: {  	_ =	shalt  }
0x63: {  	_ =	shalt  }
0x64: {  	_ =	shalt  }
0x65: {  	_ =	shalt  }
0x66: {  	_ =	shalt  }
0x67: {  	_ =	shalt  }
0x68: {  	_ =	shalt  }
0x69: {  	_ =	shalt  }
0x6a: {  	_ =	shalt  }
0x6b: {  	_ =	shalt  }
0x6c: {  	_ =	shalt  }
0x6d: {  	_ =	shalt  }
0x6e: {  	_ =	shalt  }
0x6f: {  	_ =	shalt  }
0x70: {  	_ =	shalt  }
0x71: {  	_ =	shalt  }
0x72: {  	_ =	shalt  }
0x73: {  	_ =	shalt  }
0x74: {  	_ =	shalt  }
0x75: {  	_ =	shalt  }
0x76: {  	_ =	shalt  }
0x77: {  	_ =	shalt  }
0x78: {  	_ =	shalt  }
0x79: {  	_ =	shalt  }
0x7a: {  	_ =	shalt  }
0x7b: {  	_ =	shalt  }
0x7c: {  	_ =	shalt  }
0x7d: {  	_ =	shalt  }
0x7e: {  	_ =	shalt  }
0x7f: {  	_ =	shalt  }
0x80: {  	_ =	shalt  }
0x81: {  	_ =	shalt  }
0x82: {  	_ =	shalt  }
0x83: {  	_ =	shalt  }
0x84: {  	_ =	shalt  }
0x85: {  	_ =	shalt  }
0x86: {  	_ =	shalt  }
0x87: {  	_ =	shalt  }
.Lfunc_end0:
.L_simem_size_0:
called_computation.1_lowered:
.L_overlay_start_0:
0x88: {  	s2 =	sld [smem:$0x3FD9]  }
0x89: {  	s3 =	sld [smem:$0x3FFE];
	_ =	sdelay $0x1  }
0x8a: {  	s1 =	srdreg.scid  }
0x8b: {  	s0 =	sand.u32 $0x1, s1  }
0x8c: {  	s14 =	sshll.u32 s0, $0xA;
	s2 =	sadd.s32 s3, s2  }
0x8d: {  	s2 =	sadd.s32 s2, s14  }
0x8e: {  	[smem:$0x3FB6] =	sst s2  }
0x8f: {  	_ = 	snop  }
0x90: {  	s2 =	sld [smem:$0x3FD0];
	_ =	sdelay $0x2  }
0x91: {  	s15 =	simm.s32 $0xA;
	s4 =	simm.s32 $0x10  }
0x92: {  	[smem:s4], [sflag:s15] =	dma.local [hbm:s2], $0x1  }
0x93: {  	_ =	swait.eq [sflag:s15], $0x1  }
0x94: {  	[sflag:s15] =	ssyncset.done $0x0  }
0x95: {  	[sflag:s15] =	ssyncadd.s32 $0xFFFFFFFF  }
0x96: {  	s16 =	sld [smem:$0x11];
	(tm) =	ssettm $0x1  }
0x97: {  	s17 =	sld [smem:$0x3FFB];
	_ =	sdelay $0x3  }
0x98: {  	_ =	strace s17  }
0x99: {  	s3 =	sld [smem:$0x3FFC];
	_ =	sdelay $0x3  }
0x9a: {  	_ =	strace s3  }
0x9b: {  	s3 =	sld [smem:$0x3FFD];
	_ =	sdelay $0x3  }
0x9c: {  	_ =	strace s3  }
0x9d: {  	_ =	strace $0x8FFFFFFF  }
0x9e: {  	s18 =	sld [smem:$0x3FDB];
	_ =	sdelay $0x1  }
0x9f: {  	s19 =	simm.s32 $_scs_section_size  }
0xa0: {  	s5 =	simm.s32 $_size__tile_overlayer_lowered;
	s6 =	simm.s32 $_tile_overlayer_lowered  }
0xa1: {  	s22 =	simm.s32 $0x1BFF;
	s21 =	sshll.u32 s6, $0x1;
	s3 =	sadd.s32 s19, s18  }
0xa2: {  	s7 =	simm.s32 $0x0;
	s20 =	sshll.u32 s5, $0x1;
	s5 =	sadd.s32 s21, s3  }
0xa3: {  	[timem:s7], [sflag:s22] =	dma.local [hbm:s5], s20  }
0xa4: {  	_ =	swait.ge [sflag:s22], s20  }
0xa5: {  	s4 =	ssub.s32 $0x0, s20;
	[sflag:s22] =	ssyncset.done $0x0  }
0xa6: {  	[sflag:s22] =	ssyncadd.s32 s4;
	_ =	sdelay $0x1  }
0xa7: {  	s23 =	simm.s32 $0x1B8B  }
0xa8: {  	_ =	swait.ge [sflag:s23], $0x1  }
0xa9: {  	[sflag:s23] =	ssyncset.done $0x0  }
0xaa: {  	s25 =	simm.s32 $0x1B8E;
	s24 =	sld [smem:$0x3FFE];
	[sflag:s23] =	ssyncadd.s32 $0xFFFFFFFF  }
0xab: {  	s26 =	simm.s32 $execute0_lowered;
	[smem:$0x3FD2] =	sst s25  }
0xac: {  	s5 =	sshll.u32 s26, $0x1;
	_ =	strace $0x80000049;
	[dreg:$0x1] =	wrdreg $0xFFFFFFFF  }
0xad: {  	s28 =	simm.s32 $_size_execute0_lowered;
	s3 =	sadd.s32 s3, s5;
	[dreg:$0x0] =	wrdreg $0x0  }
0xae: {  	s5 =	sshll.u32 s28, $0x1;
	[dreg:$0x2] =	wrdreg s3  }
0xaf: {  	[dreg:$0x3] =	wrdreg s5  }
0xb0: {  	[dreg:$0x4] =	wrdreg $0xC0  }
0xb1: {  	_ =	task [dreg:s7], $0x5FFFF  }
0xb2: {  	[dreg:$0x1] =	wrdreg $0xFFFFFFFF  }
0xb3: {  	[dreg:$0x0] =	wrdreg $0x60  }
0xb4: {  	[dreg:$0x2] =	wrdreg s24  }
0xb5: {  	[dreg:$0x3] =	wrdreg s16  }
0xb6: {  	[dreg:$0x4] =	wrdreg $0xA6000  }
0xb7: {  	[dreg:$0x5] =	wrdreg $0x9  }
0xb8: {  	_ =	task.clear_ibuf [dreg:s7], $0x6FFFF;
	_ =	strace $0x90000049  }
0xb9: {  	s29 =	simm.s32 $0x9;
	_ =	strace $0x8000004B  }
0xba: {  	_ =	swait.ge [sflag:s29], $0x1  }
0xbb: {  	[sflag:s29] =	ssyncadd.s32 $0xFFFFFFFF  }
0xbc: {  	_ =	strace $0x9000004B  }
0xbd: {  	_ =	sfence  }
0xbe: {  	s30 =	sld [smem:$0x0];
	_ =	sdelay $0x2  }
0xbf: {  	s31 =	sshll.u32 s1, $0xD;
	s1 =	sshrl.u32 s1, $0x2  }
0xc0: {  	s3 =	sand.u32 $0x4000, s31;
	s1 =	sadd.s32 s1, s30  }
0xc1: {  	s0 =	sor.u32 s3, s0;
	s1 =	sshll.u32 s1, $0x11  }
0xc2: {  	s0 =	sor.u32 s1, s0  }
0xc3: {  	s0 =	sadd.s32 $0x8F2B, s0  }
0xc4: {  	[sflag:s0] =	ssyncadd.remote.s32 $0x1  }
0xc5: {  	_ =	sfence.sel $0xFFFF  }
0xc6: {  	[dreg:$0x0] =	wrdreg $0xFFFFFFFF;
	(pc) =	sbr.abs _section_cstart, $3  }
0xc7: {  	[dreg:$0x1] =	wrdreg $0xFFFFFFFF  }
0xc8: {  	_ =	task.clear_ibuf [dreg:s7], $0x2FFFF;
	_ =	strace $0x9FFFFFFF  }
0xc9: {  	(tm) =	ssettm $0x7FFFFFFF  }
tec
execute0_lowered:
.L_overlay_start_1:
0x0: {  	(tag) =	ssettag $0x1  }
0x1: {  	s0 =	rddreg [dreg:$0x0]  }
0x2: {  	s1 =	rddreg [dreg:$0x1]  }
0x3: {  	s2 =	rddreg [dreg:$0x2];
	s3 =	simm.s32 $0x0;
	s6 =	srdreg.scid  }
0x4: {  	s19 =	stileid.u32;
	s18 =	simm.s32 $0x2FC00;
	s23 =	simm.s32 $0x1  }
0x5: {  	s24 =	simm.s32 $0x28;
	s30 =	simm.s32 $0x78;
	s31 =	simm.s32 $0x4200  }
0x6: {  	[smem:$0x7FF] =	sst s3;
	s5 =	sadd.s32 $0x5400, s0;
	s4 =	sadd.s32 $0x2D400, s0  }
0x7: {  	s15 =	sand.u32 $0x1, s6;
	s25 =	sshll.u32 s19, $0x1;
	s7 =	smul.u32 $0x50000, s19  }
0x8: {  	s16 =	smul.u32 $0x2800, s19;
	s29 =	sshll.u32 s19, $0x6;
	s19 =	simm.s32 $0x0  }
0x9: {  	_ =	strace $0x8000004A;
	s8 =	ssub.s32 $0x2, s15;
	s6 =	sor.u32 s15, s25  }
0xa: {  	p0 =	seq.s32 s15, $0x0;
	s9 =	sshrl.u32 s8, $0x1;
	s7 =	sshrl.u32 s7, $0x2  }
0xb: {  	s6 =	smul.u32 $0x2710, s6;
	s18 =	simm.s32 @!p0 $0x57C00;
	p0 =	sne.s32 s15, $0x0  }
0xc: {  	s14 =	ssub.s32 s8, s9;
	s17 =	sadd.s32 s7, s2;
	s7 =	sadd.s32 s5, s16  }
0xd: {  	s0 =	sadd.s32 s18, s0;
	s18 =	simm.s32 $0x4;
	s26 =	sshrl.u32 s6, $0x3  }
0xe: {  	s28 =	sadd.s32 $0xC8, s6;
	s11 =	sadd.s32 $0x4E2C8, s6;
	s14 =	smax.u32 s14, $0x1  }
.Ltmp0:
0xf: {  	s15 =	sadd.s32 s0, s16;
	s7 =	smov.u32 @p0 s4;
	(pc) =	sbr.rel .LBB2_1-.Ltmp0, $4  }
0x10: {  	s16 =	sor.u32 $0x1C04, s29;
	s17 =	sshrl.u32 s17, $0x3;
	s0 =	simm.s32 $0x2  }
0x11: {  	s4 =	simm.s32 $0x3;
	s8 =	sadd.s32 s1, s26;
	s10 =	sshrl.u32 s28, $0x3  }
0x12: {  	s11 =	sshrl.u32 s11, $0x3;
	s9 =	sadd.s32 $0x9C40, s8;
	s10 =	sadd.s32 s1, s10  }
0x13: {  	s11 =	sadd.s32 s1, s11;
	s12 =	sadd.s32 $0x32, s8;
	s13 =	sadd.s32 $0x9C72, s8  }
.LBB2_7:
0x14: {  	_ =	swait.ge [sflag:s4], $0x1400  }
0x15: {  	[sflag:s4] =	ssyncset.done $0x0  }
0x16: {  	[sflag:s4] =	ssyncadd.s32 $0xFFFFEC00  }
0x17: {  	_ =	swait.ge [sflag:s4], $0x1400  }
0x18: {  	[sflag:s4] =	ssyncset.done $0x0  }
0x19: {  	[sflag:s4] =	ssyncadd.s32 $0xFFFFEC00  }
0x1a: {  	_ =	swait.ge [sflag:s4], $0x1400  }
0x1b: {  	s19 =	sadd.s32 $0x1, s19;
	[sflag:s4] =	ssyncset.done $0x0  }
0x1c: {  	p0 =	sne.s32 s19, s14;
	[sflag:s4] =	ssyncadd.s32 $0xFFFFEC00  }
.Ltmp1:
0x1d: {  	[bflag:$0x0] =	sbarrier.arrive $0xFFFF;
	(pc) =	sbr.rel @!p0 .LBB2_8-.Ltmp1, $4  }
0x1e: {  	[hbm:s15], [sflag:s16] =	dma.local [spmem:s17], $0x2800  }
0x1f: {  	_ =	swait.ge [sflag:s18], $0x2800  }
0x20: {  	[sflag:s18] =	ssyncset.done $0x0  }
0x21: {  	[sflag:s18] =	ssyncadd.s32 $0xFFFFD800  }
.LBB2_1:
0x22: {  	[spmem:s17], [sflag:s16] =	dma.local [hbm:s7], $0x2800  }
0x23: {  	_ =	swait.ge [sflag:s18], $0x2800  }
0x24: {  	[sflag:s18] =	ssyncset.done $0x0  }
0x25: {  	[sflag:s18] =	ssyncadd.s32 $0xFFFFD800  }
0x26: {  	[bflag:$0x0] =	sbarrier.arrive $0xFFFF  }
0x27: {  	[tilespmem:s3], [sflag:$0x1] =	stream.linear.gather [hbm4b:s8+s3], $0xC8, $0x38;
	[tilespmem:$0x1E600] =	vst v63  }
0x28: {  	s20 =	simm.s32 $0x280  }
0x29: {  	[tilespmem:s20], [sflag:$0x1] =	stream.linear.gather [hbm4b:s9+s3], $0xC8, $0x38;
	[tilespmem:$0x1E600] =	vst v63  }
0x2a: {  	s29 =	simm.s32 $0xC8  }
0x2b: {  	[tilespmem:s29], [sflag:$0x1] =	stream.linear.gather [hbm4b:s10+s3], $0xC8, $0x38;
	[tilespmem:$0x1E600] =	vst v63  }
0x2c: {  	s21 =	simm.s32 $0x348  }
0x2d: {  	[tilespmem:s21], [sflag:$0x1] =	stream.linear.gather [hbm4b:s11+s3], $0xC8, $0x38;
	[tilespmem:$0x1E600] =	vst v63  }
0x2e: {  	s22 =	simm.s32 $0x190  }
0x2f: {  	[tilespmem:s22], [sflag:$0x1] =	stream.linear.gather [hbm4b:s12+s3], $0xC8, $0x38;
	[tilespmem:$0x1E600] =	vst v63  }
0x30: {  	s25 =	simm.s32 $0x410  }
0x31: {  	[tilespmem:s25], [sflag:$0x1] =	stream.linear.gather [hbm4b:s13+s3], $0xC8, $0x38;
	[tilespmem:$0x1E600] =	vst v63  }
0x32: {  	_ =	swait.ge [sflag:s23], $0xC8  }
0x33: {  	[sflag:s23] =	ssyncset.done $0x0  }
0x34: {  	[sflag:s23] =	ssyncadd.s32 $0xFFFFFF38  }
0x35: {  	_ =	swait.ge [sflag:s23], $0xC8  }
0x36: {  	[sflag:s23] =	ssyncset.done $0x0  }
0x37: {  	s26 =	simm.s32 $0x600;
	[sflag:s23] =	ssyncadd.s32 $0xFFFFFF38  }
0x38: {  	[tilespmem:s26], [sflag:$0x2] =	stream.indirect.gather [hbm4b:s5+s24], $0x80, s3, s24, $0xb8;
	[tilespmem:$0x1E600] =	vst v63  }
0x39: {  	s28 =	simm.s32 $0x1A00  }
0x3a: {  	[tilespmem:s28], [sflag:$0x2] =	stream.indirect.gather [hbm4b:s5+s24], $0x80, s24, s24, $0xb8;
	[tilespmem:$0x1E600] =	vst v63  }
.Ltmp2:
0x3b: {  	_ = 	snop;
	(pc) =	sbr.rel .LBB2_2-.Ltmp2, $4  }
0x3c: {  	s29 =	simm.s32 $0x50;
	s21 =	simm.s32 $0x2E00  }
0x3d: {  	[tilespmem:s21], [sflag:$0x2] =	stream.indirect.gather [hbm4b:s5+s24], $0x80, s29, s24, $0xb8;
	[tilespmem:$0x1E600] =	vst v63  }
0x3e: {  	s20 =	simm.s32 $0x4  }
0x3f: {  	[tilespmem:s31], [sflag:$0x2] =	stream.indirect.gather [hbm4b:s5+s24], $0x80, s30, s24, $0xb8;
	[tilespmem:$0x1E600] =	vst v63  }
.LBB2_3:
0x40: {  	s21 =	sadd.s32 $0x3, s22  }
0x41: {  	s22 =	smul.u32 $0x56, s21;
	_ =	sdelay $0x1  }
0x42: {  	s22 =	sshrl.u32 s22, $0x8  }
0x43: {  	s22 =	smul.u32 $0x3, s22;
	_ =	sdelay $0x1  }
0x44: {  	s25 =	smul.u32 $0xC8, s21;
	s22 =	ssub.s32 s21, s22;
	s21 =	sand.u32 $0x3, s21  }
0x45: {  	s22 =	sand.u32 $0xFF, s22;
	s21 =	smul.u32 $0x320, s21  }
0x46: {  	s25 =	sadd.s32 s6, s25;
	s22 =	smul.u32 $0x320, s22  }
0x47: {  	s25 =	sshrl.u32 s25, $0x3  }
0x48: {  	s25 =	sadd.s32 s1, s25;
	s21 =	sshrl.u32 s21, $0x2;
	s22 =	sshrl.u32 s22, $0x2  }
0x49: {  	[tilespmem:s22], [sflag:$0x1] =	stream.linear.gather [hbm4b:s25+s3], $0xC8, $0x38;
	[tilespmem:$0x1E600] =	vst v63  }
0x4a: {  	s29 =	sadd.s32 $0x9C40, s25;
	s21 =	sadd.s32 $0x280, s21  }
0x4b: {  	[tilespmem:s21], [sflag:$0x1] =	stream.linear.gather [hbm4b:s29+s3], $0xC8, $0x38;
	[tilespmem:$0x1E600] =	vst v63  }
.LBB2_5:
0x4c: {  	s21 =	smul.u32 $0xCD, s20;
	_ =	sdelay $0x1  }
0x4d: {  	s21 =	sshrl.u32 s21, $0xA  }
0x4e: {  	s21 =	sand.u32 $0x3F, s21  }
0x4f: {  	s22 =	smul.u32 $0x5, s21  }
0x50: {  	s25 =	smul.u32 $0x56, s21  }
0x51: {  	s22 =	ssub.s32 s20, s22  }
0x52: {  	s25 =	sshrl.u32 s25, $0x8;
	s22 =	sand.u32 $0xFF, s22  }
0x53: {  	s25 =	smul.u32 $0x3, s25;
	p0 =	sne.s32 s22, $0x0  }
0x54: {  	s29 =	sand.u32 $0x7, s20;
	s26 =	simm.s32 @!p0 $0x1  }
0x55: {  	s22 =	smul.u32 $0xA0, s22;
	s21 =	ssub.s32 s21, s25;
	_ =	swait.ge @!p0 [sflag:s26], $0xC8  }
0x56: {  	s25 =	smul.u32 $0x5000, s29;
	s21 =	sand.u32 $0xFF, s21;
	[sflag:s26] =	ssyncset.done @!p0 $0x0  }
0x57: {  	s21 =	smul.u32 $0x320, s21;
	[sflag:s26] =	ssyncadd.s32 @!p0 $0xFFFFFF38  }
0x58: {  	s22 =	sshrl.u32 s22, $0x2;
	_ =	swait.ge @!p0 [sflag:s26], $0xC8  }
0x59: {  	s25 =	sshrl.u32 s25, $0x2;
	s21 =	sshrl.u32 s21, $0x2;
	[sflag:s26] =	ssyncset.done @!p0 $0x0  }
0x5a: {  	s25 =	sadd.s32 $0x600, s25;
	s21 =	sadd.s32 s22, s21;
	[sflag:s26] =	ssyncadd.s32 @!p0 $0xFFFFFF38  }
0x5b: {  	[tilespmem:s25], [sflag:$0x2] =	stream.indirect.gather [hbm4b:s5+s24], $0x80, s21, s24, $0xb8;
	[tilespmem:$0x1E600] =	vst v63  }
.LBB2_6:
0x5c: {  	s20 =	sadd.s32 $0x1, s20  }
0x5d: {  	p0 =	sne.s32 s20, $0xFE  }
.Ltmp3:
0x5e: {  	_ = 	snop;
	(pc) =	sbr.rel @!p0 .LBB2_7-.Ltmp3, $1  }
0x5f: {  	_ =	sdelay $0x3  }
.LBB2_2:
0x60: {  	s21 =	sadd.s32 $0xFFFFFFFC, s20  }
0x61: {  	s22 =	smul.u32 $0xCD, s21;
	_ =	sdelay $0x1  }
0x62: {  	s25 =	sshrl.u32 s22, $0xA  }
0x63: {  	s22 =	sand.u32 $0x3F, s25  }
0x64: {  	s26 =	smul.u32 $0x5, s22;
	_ =	sdelay $0x1  }
0x65: {  	s25 =	sand.u32 $0x3, s25;
	s26 =	ssub.s32 s21, s26  }
0x66: {  	_ =	swait.ge [sflag:s0], $0x1400;
	s25 =	smul.u32 $0x320, s25;
	s28 =	sand.u32 $0xFF, s26  }
0x67: {  	s29 =	sand.u32 $0x7, s21;
	[sflag:s0] =	ssyncset.done $0x0;
	s28 =	smul.u32 $0xA0, s28  }
0x68: {  	p1 =	sgt.u32 s21, $0xEA;
	s29 =	smul.u32 $0x5000, s29;
	[sflag:s0] =	ssyncadd.s32 $0xFFFFEC00  }
0x69: {  	s25 =	sshrl.u32 s25, $0x2;
	s26 =	sand.u32 @!p1 $0xFF, s26;
	s28 =	sshrl.u32 s28, $0x2  }
0x6a: {  	s29 =	sshrl.u32 s29, $0x2;
	p2 =	sne.s32 @!p1 s26, $0x4;
	s25 =	sadd.s32 s28, s25  }
0x6b: {  	s29 =	sadd.s32 $0x600, s29;
	p1 =	por p1, p2;
	s25 =	sadd.s32 $0x280, s25  }
0x6c: {  	[spmem:s2] =	stream.indirect.scatter.add.f32 [tilespmem:s29], [sflag:$0x3], $0x80, s25, s24, $0xb8;
	[tilespmem:$0x1E600] =	vst v63  }
.Ltmp4:
0x6d: {  	p0 =	slt.u32 s21, $0x3;
	(pc) =	sbr.rel @!p1 .LBB2_3-.Ltmp4, $4  }
0x6e: {  	s25 =	simm.s32 @!p0 $0x3  }
0x6f: {  	_ =	swait.ge @!p0 [sflag:s25], $0x1400  }
0x70: {  	[sflag:s25] =	ssyncset.done @!p0 $0x0  }
0x71: {  	[sflag:s25] =	ssyncadd.s32 @!p0 $0xFFFFEC00  }
0x72: {  	p0 =	sgt.u32 s21, $0xF5  }
.Ltmp5:
0x73: {  	_ = 	snop;
	(pc) =	sbr.rel @p0 .LBB2_6-.Ltmp5, $4  }
.Ltmp6:
0x74: {  	_ = 	snop;
	(pc) =	sbr.rel @!p0 .LBB2_5-.Ltmp6, $4  }
0x75: {  	_ = 	snop  }
0x76: {  	_ = 	snop  }
0x77: {  	_ = 	snop  }
0x78: {  	_ = 	snop  }
.LBB2_8:
0x79: {  	_ =	sfence.sel $0x180000  }
0x7a: {  	[bflag:$0x0] =	sbarrier.arrive $0xFFFF  }
0x7b: {  	_ =	strace $0x9000004A  }
0x7c: {  	s0 =	stileid.u32;
	[bflag:$0x2] =	sbarrier.arrive $0xFFFF  }
0x7d: {  	p0 =	sne.s32 s0, $0x0;
	s0 =	rddreg [dreg:$0x3]  }
0x7e: {  	s0 =	sadd.s32 @!p0 $0x100000, s0  }
0x7f: {  	[sflag:s0] =	ssyncadd.tile.s32 @!p0 $0x1;
	_ =	shalt  }
.Lfunc_end2:
_tile_overlayer_lowered:
.L_overlay_start_2:
0x80: {  	(tag) =	ssettag $0x2  }
0x81: {  	s0 =	rddreg [dreg:$0x0];
	s2 =	stileid.u32  }
0x82: {  	s1 =	rddreg [dreg:$0x1];
	p0 =	sne.s32 s2, $0x0  }
0x83: {  	s3 =	rddreg [dreg:$0x2];
	[bflag:$0x3] =	sbarrier.arrive $0xFFFF;
	s2 =	simm.s32 @!p0 $0x1C04  }
0x84: {  	[timem:s3], [sflag:s2] =	dma.local @!p0 [hbm:s0], s1  }
0x85: {  	s0 =	simm.s32 @!p0 $0x4  }
0x86: {  	_ =	swait.ge @!p0 [sflag:s0], s1  }
0x87: {  	s1 =	ssub.s32 @!p0 $0x0, s1;
	[sflag:s0] =	ssyncset.done @!p0 $0x0  }
0x88: {  	[sflag:s0] =	ssyncadd.s32 @!p0 s1  }
0x89: {  	[bflag:$0x3] =	sbarrier.arrive $0xFFFF  }
0x8a: {  	_ =	shalt  }

// kernel: kernel.16.cloned.1.call-start
scs
__scs_entry_jumppad:
0x0: {  	(pc) =	sbr.rel $0x88, $3  }
0x1: {  	(tag) =	ssettag $0x0;
	lr =	simm.s32 $0x1  }
0x2: {  	[smem:$0x3F8F] =	sst lr;
	_ =	strace $0xD0000000  }
0x3: {  	_ = 	snop  }
0x4: {  	_ = 	snop  }
0x5: {  	_ = 	snop  }
0x6: {  	_ = 	snop  }
0x7: {  	_ = 	snop  }
__scs_overlays_trampoline_lowered:
0x8: {  	[smem:$0x3F9E] =	sst s0  }
0x9: {  	[smem:$0x3F9F] =	sst s1  }
0xa: {  	[smem:$0x3FA0] =	sst s2  }
0xb: {  	[smem:$0x3FA1] =	sst s3  }
0xc: {  	[smem:$0x3FA2] =	sst s4  }
0xd: {  	[smem:$0x3FA3] =	sst s5  }
0xe: {  	[smem:$0x3FA4] =	sst s6  }
0xf: {  	[smem:$0x3FA5] =	sst s7  }
0x10: {  	[smem:$0x3FA6] =	sst s8  }
0x11: {  	[smem:$0x3FA7] =	sst s9;
	s0 =	simm.s32 @!p0 $0x0  }
0x12: {  	s1 =	sld [smem:$0x3F8D];
	s0 =	simm.s32 @p0 $0x1  }
0x13: {  	[smem:$0x3FA8] =	sst s0;
	s0 =	simm.s32 @!p1 $0x0  }
0x14: {  	s2 =	sld [smem:$0x3F8C];
	s0 =	simm.s32 @p1 $0x1  }
0x15: {  	[smem:$0x3FA9] =	sst s0;
	s0 =	simm.s32 @!p2 $0x0  }
0x16: {  	s3 =	sld [smem:$0x3FDB];
	s0 =	simm.s32 @p2 $0x1  }
0x17: {  	s4 =	simm.s32 $0x1BF5;
	[smem:$0x3FAB] =	sst s0  }
0x18: {  	s0 =	sld [smem:$0x3F8E];
	_ =	swait.ge [sflag:s4], $0x0  }
0x19: {  	s7 =	sld [smem:$0x3F8F]  }
0x1a: {  	s8 =	sadd.s32 $0xFFFFE003, lr  }
0x1b: {  	s9 =	sadd.s32 $0xFFFFFEF7, lr;
	s5 =	simm.s32 $0xFFFFFFFF;
	p2 =	slt.u32 s8, $0xFFFFF086  }
0x1c: {  	p1 =	slt.u32 s9, $0xF7A;
	s5 =	simm.s32 @!p2 $0x0  }
0x1d: {  	s5 =	simm.s32 @p1 $0x1;
	p0 =	seq.s32 s7, s2  }
0x1e: {  	s7 =	smul.u32 @!p0 $0xF7A, s2;
	p2 =	seq.s32 @!p0 s5, $0x0  }
0x1f: {  	s9 =	smul.u32 $0xF7A, s1;
	s8 =	simm.s32 @!p0 $0x1BF5;
	p2 =	por !p2, p0  }
0x20: {  	[sflag:s8] =	ssyncset.s32 @!p0 $0xFFFFF086;
	s6 =	sadd.s32 @!p0 s3, s7;
	s7 =	simm.s32 @!p0 $0x108  }
0x21: {  	s3 =	sadd.s32 s3, s9;
	s6 =	sadd.s32 @!p0 $0x88, s6;
	s7 =	simm.s32 @p2 $0x1082  }
0x22: {  	[simem:s7], [sflag:s8] =	dma.local @!p0 [hbm:s6], $0xF7A  }
0x23: {  	s9 =	sor.u32 $0xD0000000, s2;
	s6 =	simm.s32 $0x108;
	_ =	swait.ge @!p0 [sflag:s8], $0x0  }
0x24: {  	s3 =	sadd.s32 $0x88, s3;
	s6 =	simm.s32 @!p1 $0x1082;
	[sflag:s4] =	ssyncset.s32 $0xFFFFF086  }
0x25: {  	[simem:s6], [sflag:s4] =	dma.local [hbm:s3], $0xF7A  }
0x26: {  	[smem:$0x3F8F] =	sst s1;
	(tag) =	ssettag s2;
	_ =	strace s9  }
0x27: {  	s1 =	sld [smem:$0x3F9F]  }
0x28: {  	s2 =	sld [smem:$0x3FA0]  }
0x29: {  	s4 =	sld [smem:$0x3FA2]  }
0x2a: {  	p0 =	seq.s32 s5, $0x0;
	s5 =	sld [smem:$0x3FA3]  }
0x2b: {  	s6 =	sld [smem:$0x3FA4]  }
0x2c: {  	s7 =	sld [smem:$0x3FA5]  }
0x2d: {  	s3 =	simm.s32 $0x108;
	s8 =	sld [smem:$0x3FA6]  }
0x2e: {  	s3 =	simm.s32 @!p0 $0x1082;
	s9 =	sld [smem:$0x3FA7]  }
0x2f: {  	lr =	sadd.s32 s0, s3;
	s0 =	sld [smem:$0x3F9E]  }
0x30: {  	s3 =	sld [smem:$0x3FA1]  }
0x31: {  	[smem:$0x3FAA] =	sst s10  }
0x32: {  	s10 =	sld [smem:$0x3FA8];
	_ =	sdelay $0x3  }
0x33: {  	p0 =	seq.s32 s10, $0x1;
	s10 =	sld [smem:$0x3FAA];
	_ =	sdelay $0x3  }
0x34: {  	[smem:$0x3FAA] =	sst s10  }
0x35: {  	s10 =	sld [smem:$0x3FA9];
	_ =	sdelay $0x3  }
0x36: {  	p1 =	seq.s32 s10, $0x1;
	s10 =	sld [smem:$0x3FAA];
	_ =	sdelay $0x3  }
0x37: {  	[smem:$0x3FAA] =	sst s10  }
0x38: {  	s10 =	sld [smem:$0x3FAB]  }
0x39: {  	_ = 	snop;
	(pc) =	sbr.ind lr, $3  }
0x3a: {  	_ = 	snop  }
0x3b: {  	_ = 	snop  }
0x3c: {  	p2 =	seq.s32 s10, $0x1;
	s10 =	sld [smem:$0x3FAA]  }
0x3d: {  	_ =	shalt  }
0x3e: {  	_ =	shalt  }
0x3f: {  	_ =	shalt  }
0x40: {  	_ =	shalt  }
0x41: {  	_ =	shalt  }
0x42: {  	_ =	shalt  }
0x43: {  	_ =	shalt  }
0x44: {  	_ =	shalt  }
0x45: {  	_ =	shalt  }
0x46: {  	_ =	shalt  }
0x47: {  	_ =	shalt  }
0x48: {  	_ =	shalt  }
0x49: {  	_ =	shalt  }
0x4a: {  	_ =	shalt  }
0x4b: {  	_ =	shalt  }
0x4c: {  	_ =	shalt  }
0x4d: {  	_ =	shalt  }
0x4e: {  	_ =	shalt  }
0x4f: {  	_ =	shalt  }
0x50: {  	_ =	shalt  }
0x51: {  	_ =	shalt  }
0x52: {  	_ =	shalt  }
0x53: {  	_ =	shalt  }
0x54: {  	_ =	shalt  }
0x55: {  	_ =	shalt  }
0x56: {  	_ =	shalt  }
0x57: {  	_ =	shalt  }
0x58: {  	_ =	shalt  }
0x59: {  	_ =	shalt  }
0x5a: {  	_ =	shalt  }
0x5b: {  	_ =	shalt  }
0x5c: {  	_ =	shalt  }
0x5d: {  	_ =	shalt  }
0x5e: {  	_ =	shalt  }
0x5f: {  	_ =	shalt  }
0x60: {  	_ =	shalt  }
0x61: {  	_ =	shalt  }
0x62: {  	_ =	shalt  }
0x63: {  	_ =	shalt  }
0x64: {  	_ =	shalt  }
0x65: {  	_ =	shalt  }
0x66: {  	_ =	shalt  }
0x67: {  	_ =	shalt  }
0x68: {  	_ =	shalt  }
0x69: {  	_ =	shalt  }
0x6a: {  	_ =	shalt  }
0x6b: {  	_ =	shalt  }
0x6c: {  	_ =	shalt  }
0x6d: {  	_ =	shalt  }
0x6e: {  	_ =	shalt  }
0x6f: {  	_ =	shalt  }
0x70: {  	_ =	shalt  }
0x71: {  	_ =	shalt  }
0x72: {  	_ =	shalt  }
0x73: {  	_ =	shalt  }
0x74: {  	_ =	shalt  }
0x75: {  	_ =	shalt  }
0x76: {  	_ =	shalt  }
0x77: {  	_ =	shalt  }
0x78: {  	_ =	shalt  }
0x79: {  	_ =	shalt  }
0x7a: {  	_ =	shalt  }
0x7b: {  	_ =	shalt  }
0x7c: {  	_ =	shalt  }
0x7d: {  	_ =	shalt  }
0x7e: {  	_ =	shalt  }
0x7f: {  	_ =	shalt  }
0x80: {  	_ =	shalt  }
0x81: {  	_ =	shalt  }
0x82: {  	_ =	shalt  }
0x83: {  	_ =	shalt  }
0x84: {  	_ =	shalt  }
0x85: {  	_ =	shalt  }
0x86: {  	_ =	shalt  }
0x87: {  	_ =	shalt  }
.Lfunc_end0:
.L_simem_size_0:
called_computation.2_lowered:
.L_overlay_start_0:
0x88: {  	s2 =	sld [smem:$0x3FD9]  }
0x89: {  	s3 =	sld [smem:$0x3FFE];
	_ =	sdelay $0x1  }
0x8a: {  	s1 =	srdreg.scid  }
0x8b: {  	s0 =	sand.u32 $0x1, s1  }
0x8c: {  	s14 =	sshll.u32 s0, $0xA;
	s2 =	sadd.s32 s3, s2  }
0x8d: {  	s2 =	sadd.s32 s2, s14  }
0x8e: {  	[smem:$0x3FB6] =	sst s2  }
0x8f: {  	_ = 	snop  }
0x90: {  	s2 =	sld [smem:$0x3FD0];
	_ =	sdelay $0x2  }
0x91: {  	s15 =	simm.s32 $0xA;
	s4 =	simm.s32 $0x10  }
0x92: {  	[smem:s4], [sflag:s15] =	dma.local [hbm:s2], $0x1  }
0x93: {  	_ =	swait.eq [sflag:s15], $0x1  }
0x94: {  	[sflag:s15] =	ssyncset.done $0x0  }
0x95: {  	[sflag:s15] =	ssyncadd.s32 $0xFFFFFFFF  }
0x96: {  	s16 =	sld [smem:$0x11];
	(tm) =	ssettm $0x1  }
0x97: {  	s17 =	sld [smem:$0x3FFB];
	_ =	sdelay $0x3  }
0x98: {  	_ =	strace s17  }
0x99: {  	s3 =	sld [smem:$0x3FFC];
	_ =	sdelay $0x3  }
0x9a: {  	_ =	strace s3  }
0x9b: {  	s3 =	sld [smem:$0x3FFD];
	_ =	sdelay $0x3  }
0x9c: {  	_ =	strace s3  }
0x9d: {  	_ =	strace $0x8FFFFFFF  }
0x9e: {  	s18 =	sld [smem:$0x3FDB];
	_ =	sdelay $0x1  }
0x9f: {  	s19 =	simm.s32 $_scs_section_size  }
0xa0: {  	s5 =	simm.s32 $_size__tile_overlayer_lowered;
	s6 =	simm.s32 $_tile_overlayer_lowered  }
0xa1: {  	s22 =	simm.s32 $0x1BFF;
	s21 =	sshll.u32 s6, $0x1;
	s3 =	sadd.s32 s19, s18  }
0xa2: {  	s7 =	simm.s32 $0x0;
	s20 =	sshll.u32 s5, $0x1;
	s5 =	sadd.s32 s21, s3  }
0xa3: {  	[timem:s7], [sflag:s22] =	dma.local [hbm:s5], s20  }
0xa4: {  	_ =	swait.ge [sflag:s22], s20  }
0xa5: {  	s4 =	ssub.s32 $0x0, s20;
	[sflag:s22] =	ssyncset.done $0x0  }
0xa6: {  	[sflag:s22] =	ssyncadd.s32 s4;
	_ =	sdelay $0x1  }
0xa7: {  	s23 =	simm.s32 $0x1B8B  }
0xa8: {  	_ =	swait.ge [sflag:s23], $0x1  }
0xa9: {  	[sflag:s23] =	ssyncset.done $0x0  }
0xaa: {  	s25 =	simm.s32 $0x1B8E;
	s24 =	sld [smem:$0x3FFE];
	[sflag:s23] =	ssyncadd.s32 $0xFFFFFFFF  }
0xab: {  	s26 =	simm.s32 $execute0_lowered;
	[smem:$0x3FD2] =	sst s25  }
0xac: {  	s5 =	sshll.u32 s26, $0x1;
	_ =	strace $0x8000004C;
	[dreg:$0x1] =	wrdreg $0xFFFFFFFF  }
0xad: {  	s28 =	simm.s32 $_size_execute0_lowered;
	s3 =	sadd.s32 s3, s5;
	[dreg:$0x0] =	wrdreg $0x0  }
0xae: {  	s5 =	sshll.u32 s28, $0x1;
	[dreg:$0x2] =	wrdreg s3  }
0xaf: {  	[dreg:$0x3] =	wrdreg s5  }
0xb0: {  	[dreg:$0x4] =	wrdreg $0xC0  }
0xb1: {  	_ =	task [dreg:s7], $0x5FFFF  }
0xb2: {  	[dreg:$0x1] =	wrdreg $0xFFFFFFFF  }
0xb3: {  	[dreg:$0x0] =	wrdreg $0x60  }
0xb4: {  	[dreg:$0x2] =	wrdreg s24  }
0xb5: {  	[dreg:$0x3] =	wrdreg s16  }
0xb6: {  	[dreg:$0x4] =	wrdreg $0xA6000  }
0xb7: {  	[dreg:$0x5] =	wrdreg $0x9  }
0xb8: {  	_ =	task.clear_ibuf [dreg:s7], $0x6FFFF;
	_ =	strace $0x9000004C  }
0xb9: {  	s29 =	simm.s32 $0x9;
	_ =	strace $0x8000004E  }
0xba: {  	_ =	swait.ge [sflag:s29], $0x1  }
0xbb: {  	[sflag:s29] =	ssyncadd.s32 $0xFFFFFFFF  }
0xbc: {  	_ =	strace $0x9000004E  }
0xbd: {  	_ =	sfence  }
0xbe: {  	s30 =	sld [smem:$0x0];
	_ =	sdelay $0x2  }
0xbf: {  	s31 =	sshll.u32 s1, $0xD;
	s1 =	sshrl.u32 s1, $0x2  }
0xc0: {  	s3 =	sand.u32 $0x4000, s31;
	s1 =	sadd.s32 s1, s30  }
0xc1: {  	s0 =	sor.u32 s3, s0;
	s1 =	sshll.u32 s1, $0x11  }
0xc2: {  	s0 =	sor.u32 s1, s0  }
0xc3: {  	s0 =	sadd.s32 $0x8F2B, s0  }
0xc4: {  	[sflag:s0] =	ssyncadd.remote.s32 $0x1  }
0xc5: {  	_ =	sfence.sel $0xFFFF  }
0xc6: {  	[dreg:$0x0] =	wrdreg $0xFFFFFFFF;
	(pc) =	sbr.abs _section_cstart, $3  }
0xc7: {  	[dreg:$0x1] =	wrdreg $0xFFFFFFFF  }
0xc8: {  	_ =	task.clear_ibuf [dreg:s7], $0x2FFFF;
	_ =	strace $0x9FFFFFFF  }
0xc9: {  	(tm) =	ssettm $0x7FFFFFFF  }
tec
execute0_lowered:
.L_overlay_start_1:
0x0: {  	(tag) =	ssettag $0x1  }
0x1: {  	s0 =	rddreg [dreg:$0x0]  }
0x2: {  	s1 =	rddreg [dreg:$0x1]  }
0x3: {  	s2 =	rddreg [dreg:$0x2];
	s3 =	simm.s32 $0x0;
	s6 =	srdreg.scid  }
0x4: {  	s19 =	stileid.u32;
	s18 =	simm.s32 $0x2FC00;
	s23 =	simm.s32 $0x1  }
0x5: {  	s24 =	simm.s32 $0x28;
	s30 =	simm.s32 $0x78;
	s31 =	simm.s32 $0x4200  }
0x6: {  	[smem:$0x7FF] =	sst s3;
	s5 =	sadd.s32 $0x5400, s0;
	s4 =	sadd.s32 $0x2D400, s0  }
0x7: {  	s15 =	sand.u32 $0x1, s6;
	s25 =	sshll.u32 s19, $0x1;
	s7 =	smul.u32 $0x50000, s19  }
0x8: {  	s16 =	smul.u32 $0x2800, s19;
	s29 =	sshll.u32 s19, $0x6;
	s19 =	simm.s32 $0x0  }
0x9: {  	_ =	strace $0x8000004D;
	s8 =	ssub.s32 $0x2, s15;
	s6 =	sor.u32 s15, s25  }
0xa: {  	p0 =	seq.s32 s15, $0x0;
	s9 =	sshrl.u32 s8, $0x1;
	s7 =	sshrl.u32 s7, $0x2  }
0xb: {  	s6 =	smul.u32 $0x2710, s6;
	s18 =	simm.s32 @!p0 $0x57C00;
	p0 =	sne.s32 s15, $0x0  }
0xc: {  	s14 =	ssub.s32 s8, s9;
	s17 =	sadd.s32 s7, s2;
	s7 =	sadd.s32 s5, s16  }
0xd: {  	s0 =	sadd.s32 s18, s0;
	s18 =	simm.s32 $0x4;
	s26 =	sshrl.u32 s6, $0x3  }
0xe: {  	s28 =	sadd.s32 $0xC8, s6;
	s11 =	sadd.s32 $0x4E2C8, s6;
	s14 =	smax.u32 s14, $0x1  }
.Ltmp0:
0xf: {  	s15 =	sadd.s32 s0, s16;
	s7 =	smov.u32 @p0 s4;
	(pc) =	sbr.rel .LBB2_1-.Ltmp0, $4  }
0x10: {  	s16 =	sor.u32 $0x1C04, s29;
	s17 =	sshrl.u32 s17, $0x3;
	s0 =	simm.s32 $0x2  }
0x11: {  	s4 =	simm.s32 $0x3;
	s8 =	sadd.s32 s1, s26;
	s10 =	sshrl.u32 s28, $0x3  }
0x12: {  	s11 =	sshrl.u32 s11, $0x3;
	s9 =	sadd.s32 $0x9C40, s8;
	s10 =	sadd.s32 s1, s10  }
0x13: {  	s11 =	sadd.s32 s1, s11;
	s12 =	sadd.s32 $0x32, s8;
	s13 =	sadd.s32 $0x9C72, s8  }
.LBB2_7:
0x14: {  	_ =	swait.ge [sflag:s4], $0x1400  }
0x15: {  	[sflag:s4] =	ssyncset.done $0x0  }
0x16: {  	[sflag:s4] =	ssyncadd.s32 $0xFFFFEC00  }
0x17: {  	_ =	swait.ge [sflag:s4], $0x1400  }
0x18: {  	[sflag:s4] =	ssyncset.done $0x0  }
0x19: {  	[sflag:s4] =	ssyncadd.s32 $0xFFFFEC00  }
0x1a: {  	_ =	swait.ge [sflag:s4], $0x1400  }
0x1b: {  	s19 =	sadd.s32 $0x1, s19;
	[sflag:s4] =	ssyncset.done $0x0  }
0x1c: {  	p0 =	sne.s32 s19, s14;
	[sflag:s4] =	ssyncadd.s32 $0xFFFFEC00  }
.Ltmp1:
0x1d: {  	[bflag:$0x0] =	sbarrier.arrive $0xFFFF;
	(pc) =	sbr.rel @!p0 .LBB2_8-.Ltmp1, $4  }
0x1e: {  	[hbm:s15], [sflag:s16] =	dma.local [spmem:s17], $0x2800  }
0x1f: {  	_ =	swait.ge [sflag:s18], $0x2800  }
0x20: {  	[sflag:s18] =	ssyncset.done $0x0  }
0x21: {  	[sflag:s18] =	ssyncadd.s32 $0xFFFFD800  }
.LBB2_1:
0x22: {  	[spmem:s17], [sflag:s16] =	dma.local [hbm:s7], $0x2800  }
0x23: {  	_ =	swait.ge [sflag:s18], $0x2800  }
0x24: {  	[sflag:s18] =	ssyncset.done $0x0  }
0x25: {  	[sflag:s18] =	ssyncadd.s32 $0xFFFFD800  }
0x26: {  	[bflag:$0x0] =	sbarrier.arrive $0xFFFF  }
0x27: {  	[tilespmem:s3], [sflag:$0x1] =	stream.linear.gather [hbm4b:s8+s3], $0xC8, $0x38;
	[tilespmem:$0x1E600] =	vst v63  }
0x28: {  	s20 =	simm.s32 $0x280  }
0x29: {  	[tilespmem:s20], [sflag:$0x1] =	stream.linear.gather [hbm4b:s9+s3], $0xC8, $0x38;
	[tilespmem:$0x1E600] =	vst v63  }
0x2a: {  	s29 =	simm.s32 $0xC8  }
0x2b: {  	[tilespmem:s29], [sflag:$0x1] =	stream.linear.gather [hbm4b:s10+s3], $0xC8, $0x38;
	[tilespmem:$0x1E600] =	vst v63  }
0x2c: {  	s21 =	simm.s32 $0x348  }
0x2d: {  	[tilespmem:s21], [sflag:$0x1] =	stream.linear.gather [hbm4b:s11+s3], $0xC8, $0x38;
	[tilespmem:$0x1E600] =	vst v63  }
0x2e: {  	s22 =	simm.s32 $0x190  }
0x2f: {  	[tilespmem:s22], [sflag:$0x1] =	stream.linear.gather [hbm4b:s12+s3], $0xC8, $0x38;
	[tilespmem:$0x1E600] =	vst v63  }
0x30: {  	s25 =	simm.s32 $0x410  }
0x31: {  	[tilespmem:s25], [sflag:$0x1] =	stream.linear.gather [hbm4b:s13+s3], $0xC8, $0x38;
	[tilespmem:$0x1E600] =	vst v63  }
0x32: {  	_ =	swait.ge [sflag:s23], $0xC8  }
0x33: {  	[sflag:s23] =	ssyncset.done $0x0  }
0x34: {  	[sflag:s23] =	ssyncadd.s32 $0xFFFFFF38  }
0x35: {  	_ =	swait.ge [sflag:s23], $0xC8  }
0x36: {  	[sflag:s23] =	ssyncset.done $0x0  }
0x37: {  	s26 =	simm.s32 $0x600;
	[sflag:s23] =	ssyncadd.s32 $0xFFFFFF38  }
0x38: {  	[tilespmem:s26], [sflag:$0x2] =	stream.indirect.gather [hbm4b:s5+s24], $0x80, s3, s24, $0xb8;
	[tilespmem:$0x1E600] =	vst v63  }
0x39: {  	s28 =	simm.s32 $0x1A00  }
0x3a: {  	[tilespmem:s28], [sflag:$0x2] =	stream.indirect.gather [hbm4b:s5+s24], $0x80, s24, s24, $0xb8;
	[tilespmem:$0x1E600] =	vst v63  }
.Ltmp2:
0x3b: {  	_ = 	snop;
	(pc) =	sbr.rel .LBB2_2-.Ltmp2, $4  }
0x3c: {  	s29 =	simm.s32 $0x50;
	s21 =	simm.s32 $0x2E00  }
0x3d: {  	[tilespmem:s21], [sflag:$0x2] =	stream.indirect.gather [hbm4b:s5+s24], $0x80, s29, s24, $0xb8;
	[tilespmem:$0x1E600] =	vst v63  }
0x3e: {  	s20 =	simm.s32 $0x4  }
0x3f: {  	[tilespmem:s31], [sflag:$0x2] =	stream.indirect.gather [hbm4b:s5+s24], $0x80, s30, s24, $0xb8;
	[tilespmem:$0x1E600] =	vst v63  }
.LBB2_3:
0x40: {  	s21 =	sadd.s32 $0x3, s22  }
0x41: {  	s22 =	smul.u32 $0x56, s21;
	_ =	sdelay $0x1  }
0x42: {  	s22 =	sshrl.u32 s22, $0x8  }
0x43: {  	s22 =	smul.u32 $0x3, s22;
	_ =	sdelay $0x1  }
0x44: {  	s25 =	smul.u32 $0xC8, s21;
	s22 =	ssub.s32 s21, s22;
	s21 =	sand.u32 $0x3, s21  }
0x45: {  	s22 =	sand.u32 $0xFF, s22;
	s21 =	smul.u32 $0x320, s21  }
0x46: {  	s25 =	sadd.s32 s6, s25;
	s22 =	smul.u32 $0x320, s22  }
0x47: {  	s25 =	sshrl.u32 s25, $0x3  }
0x48: {  	s25 =	sadd.s32 s1, s25;
	s21 =	sshrl.u32 s21, $0x2;
	s22 =	sshrl.u32 s22, $0x2  }
0x49: {  	[tilespmem:s22], [sflag:$0x1] =	stream.linear.gather [hbm4b:s25+s3], $0xC8, $0x38;
	[tilespmem:$0x1E600] =	vst v63  }
0x4a: {  	s29 =	sadd.s32 $0x9C40, s25;
	s21 =	sadd.s32 $0x280, s21  }
0x4b: {  	[tilespmem:s21], [sflag:$0x1] =	stream.linear.gather [hbm4b:s29+s3], $0xC8, $0x38;
	[tilespmem:$0x1E600] =	vst v63  }
.LBB2_5:
0x4c: {  	s21 =	smul.u32 $0xCD, s20;
	_ =	sdelay $0x1  }
0x4d: {  	s21 =	sshrl.u32 s21, $0xA  }
0x4e: {  	s21 =	sand.u32 $0x3F, s21  }
0x4f: {  	s22 =	smul.u32 $0x5, s21  }
0x50: {  	s25 =	smul.u32 $0x56, s21  }
0x51: {  	s22 =	ssub.s32 s20, s22  }
0x52: {  	s25 =	sshrl.u32 s25, $0x8;
	s22 =	sand.u32 $0xFF, s22  }
0x53: {  	s25 =	smul.u32 $0x3, s25;
	p0 =	sne.s32 s22, $0x0  }
0x54: {  	s29 =	sand.u32 $0x7, s20;
	s26 =	simm.s32 @!p0 $0x1  }
0x55: {  	s22 =	smul.u32 $0xA0, s22;
	s21 =	ssub.s32 s21, s25;
	_ =	swait.ge @!p0 [sflag:s26], $0xC8  }
0x56: {  	s25 =	smul.u32 $0x5000, s29;
	s21 =	sand.u32 $0xFF, s21;
	[sflag:s26] =	ssyncset.done @!p0 $0x0  }
0x57: {  	s21 =	smul.u32 $0x320, s21;
	[sflag:s26] =	ssyncadd.s32 @!p0 $0xFFFFFF38  }
0x58: {  	s22 =	sshrl.u32 s22, $0x2;
	_ =	swait.ge @!p0 [sflag:s26], $0xC8  }
0x59: {  	s25 =	sshrl.u32 s25, $0x2;
	s21 =	sshrl.u32 s21, $0x2;
	[sflag:s26] =	ssyncset.done @!p0 $0x0  }
0x5a: {  	s25 =	sadd.s32 $0x600, s25;
	s21 =	sadd.s32 s22, s21;
	[sflag:s26] =	ssyncadd.s32 @!p0 $0xFFFFFF38  }
0x5b: {  	[tilespmem:s25], [sflag:$0x2] =	stream.indirect.gather [hbm4b:s5+s24], $0x80, s21, s24, $0xb8;
	[tilespmem:$0x1E600] =	vst v63  }
.LBB2_6:
0x5c: {  	s20 =	sadd.s32 $0x1, s20  }
0x5d: {  	p0 =	sne.s32 s20, $0xFE  }
.Ltmp3:
0x5e: {  	_ = 	snop;
	(pc) =	sbr.rel @!p0 .LBB2_7-.Ltmp3, $1  }
0x5f: {  	_ =	sdelay $0x3  }
.LBB2_2:
0x60: {  	s21 =	sadd.s32 $0xFFFFFFFC, s20  }
0x61: {  	s22 =	smul.u32 $0xCD, s21;
	_ =	sdelay $0x1  }
0x62: {  	s25 =	sshrl.u32 s22, $0xA  }
0x63: {  	s22 =	sand.u32 $0x3F, s25  }
0x64: {  	s26 =	smul.u32 $0x5, s22;
	_ =	sdelay $0x1  }
0x65: {  	s25 =	sand.u32 $0x3, s25;
	s26 =	ssub.s32 s21, s26  }
0x66: {  	_ =	swait.ge [sflag:s0], $0x1400;
	s25 =	smul.u32 $0x320, s25;
	s28 =	sand.u32 $0xFF, s26  }
0x67: {  	s29 =	sand.u32 $0x7, s21;
	[sflag:s0] =	ssyncset.done $0x0;
	s28 =	smul.u32 $0xA0, s28  }
0x68: {  	p1 =	sgt.u32 s21, $0xEA;
	s29 =	smul.u32 $0x5000, s29;
	[sflag:s0] =	ssyncadd.s32 $0xFFFFEC00  }
0x69: {  	s25 =	sshrl.u32 s25, $0x2;
	s26 =	sand.u32 @!p1 $0xFF, s26;
	s28 =	sshrl.u32 s28, $0x2  }
0x6a: {  	s29 =	sshrl.u32 s29, $0x2;
	p2 =	sne.s32 @!p1 s26, $0x4;
	s25 =	sadd.s32 s28, s25  }
0x6b: {  	s29 =	sadd.s32 $0x600, s29;
	p1 =	por p1, p2;
	s25 =	sadd.s32 $0x280, s25  }
0x6c: {  	[spmem:s2] =	stream.indirect.scatter.add.f32 [tilespmem:s29], [sflag:$0x3], $0x80, s25, s24, $0xb8;
	[tilespmem:$0x1E600] =	vst v63  }
.Ltmp4:
0x6d: {  	p0 =	slt.u32 s21, $0x3;
	(pc) =	sbr.rel @!p1 .LBB2_3-.Ltmp4, $4  }
0x6e: {  	s25 =	simm.s32 @!p0 $0x3  }
0x6f: {  	_ =	swait.ge @!p0 [sflag:s25], $0x1400  }
0x70: {  	[sflag:s25] =	ssyncset.done @!p0 $0x0  }
0x71: {  	[sflag:s25] =	ssyncadd.s32 @!p0 $0xFFFFEC00  }
0x72: {  	p0 =	sgt.u32 s21, $0xF5  }
.Ltmp5:
0x73: {  	_ = 	snop;
	(pc) =	sbr.rel @p0 .LBB2_6-.Ltmp5, $4  }
.Ltmp6:
0x74: {  	_ = 	snop;
	(pc) =	sbr.rel @!p0 .LBB2_5-.Ltmp6, $4  }
0x75: {  	_ = 	snop  }
0x76: {  	_ = 	snop  }
0x77: {  	_ = 	snop  }
0x78: {  	_ = 	snop  }
.LBB2_8:
0x79: {  	_ =	sfence.sel $0x180000  }
0x7a: {  	[bflag:$0x0] =	sbarrier.arrive $0xFFFF  }
0x7b: {  	_ =	strace $0x9000004D  }
0x7c: {  	s0 =	stileid.u32;
	[bflag:$0x2] =	sbarrier.arrive $0xFFFF  }
0x7d: {  	p0 =	sne.s32 s0, $0x0;
	s0 =	rddreg [dreg:$0x3]  }
0x7e: {  	s0 =	sadd.s32 @!p0 $0x100000, s0  }
0x7f: {  	[sflag:s0] =	ssyncadd.tile.s32 @!p0 $0x1;
	_ =	shalt  }
.Lfunc_end2:
_tile_overlayer_lowered:
.L_overlay_start_2:
0x80: {  	(tag) =	ssettag $0x2  }
0x81: {  	s0 =	rddreg [dreg:$0x0];
	s2 =	stileid.u32  }
0x82: {  	s1 =	rddreg [dreg:$0x1];
	p0 =	sne.s32 s2, $0x0  }
0x83: {  	s3 =	rddreg [dreg:$0x2];
	[bflag:$0x3] =	sbarrier.arrive $0xFFFF;
	s2 =	simm.s32 @!p0 $0x1C04  }
0x84: {  	[timem:s3], [sflag:s2] =	dma.local @!p0 [hbm:s0], s1  }
0x85: {  	s0 =	simm.s32 @!p0 $0x4  }
0x86: {  	_ =	swait.ge @!p0 [sflag:s0], s1  }
0x87: {  	s1 =	ssub.s32 @!p0 $0x0, s1;
	[sflag:s0] =	ssyncset.done @!p0 $0x0  }
0x88: {  	[sflag:s0] =	ssyncadd.s32 @!p0 s1  }
0x89: {  	[bflag:$0x3] =	sbarrier.arrive $0xFFFF  }
0x8a: {  	_ =	shalt  }

// kernel: kernel.19.cloned.1.call-start
scs
__scs_entry_jumppad:
0x0: {  	(pc) =	sbr.rel $0x88, $3  }
0x1: {  	(tag) =	ssettag $0x0;
	lr =	simm.s32 $0x1  }
0x2: {  	[smem:$0x3F8F] =	sst lr;
	_ =	strace $0xD0000000  }
0x3: {  	_ = 	snop  }
0x4: {  	_ = 	snop  }
0x5: {  	_ = 	snop  }
0x6: {  	_ = 	snop  }
0x7: {  	_ = 	snop  }
__scs_overlays_trampoline_lowered:
0x8: {  	[smem:$0x3F9E] =	sst s0  }
0x9: {  	[smem:$0x3F9F] =	sst s1  }
0xa: {  	[smem:$0x3FA0] =	sst s2  }
0xb: {  	[smem:$0x3FA1] =	sst s3  }
0xc: {  	[smem:$0x3FA2] =	sst s4  }
0xd: {  	[smem:$0x3FA3] =	sst s5  }
0xe: {  	[smem:$0x3FA4] =	sst s6  }
0xf: {  	[smem:$0x3FA5] =	sst s7  }
0x10: {  	[smem:$0x3FA6] =	sst s8  }
0x11: {  	[smem:$0x3FA7] =	sst s9;
	s0 =	simm.s32 @!p0 $0x0  }
0x12: {  	s1 =	sld [smem:$0x3F8D];
	s0 =	simm.s32 @p0 $0x1  }
0x13: {  	[smem:$0x3FA8] =	sst s0;
	s0 =	simm.s32 @!p1 $0x0  }
0x14: {  	s2 =	sld [smem:$0x3F8C];
	s0 =	simm.s32 @p1 $0x1  }
0x15: {  	[smem:$0x3FA9] =	sst s0;
	s0 =	simm.s32 @!p2 $0x0  }
0x16: {  	s3 =	sld [smem:$0x3FDB];
	s0 =	simm.s32 @p2 $0x1  }
0x17: {  	s4 =	simm.s32 $0x1BF5;
	[smem:$0x3FAB] =	sst s0  }
0x18: {  	s0 =	sld [smem:$0x3F8E];
	_ =	swait.ge [sflag:s4], $0x0  }
0x19: {  	s7 =	sld [smem:$0x3F8F]  }
0x1a: {  	s8 =	sadd.s32 $0xFFFFE003, lr  }
0x1b: {  	s9 =	sadd.s32 $0xFFFFFEF7, lr;
	s5 =	simm.s32 $0xFFFFFFFF;
	p2 =	slt.u32 s8, $0xFFFFF086  }
0x1c: {  	p1 =	slt.u32 s9, $0xF7A;
	s5 =	simm.s32 @!p2 $0x0  }
0x1d: {  	s5 =	simm.s32 @p1 $0x1;
	p0 =	seq.s32 s7, s2  }
0x1e: {  	s7 =	smul.u32 @!p0 $0xF7A, s2;
	p2 =	seq.s32 @!p0 s5, $0x0  }
0x1f: {  	s9 =	smul.u32 $0xF7A, s1;
	s8 =	simm.s32 @!p0 $0x1BF5;
	p2 =	por !p2, p0  }
0x20: {  	[sflag:s8] =	ssyncset.s32 @!p0 $0xFFFFF086;
	s6 =	sadd.s32 @!p0 s3, s7;
	s7 =	simm.s32 @!p0 $0x108  }
0x21: {  	s3 =	sadd.s32 s3, s9;
	s6 =	sadd.s32 @!p0 $0x88, s6;
	s7 =	simm.s32 @p2 $0x1082  }
0x22: {  	[simem:s7], [sflag:s8] =	dma.local @!p0 [hbm:s6], $0xF7A  }
0x23: {  	s9 =	sor.u32 $0xD0000000, s2;
	s6 =	simm.s32 $0x108;
	_ =	swait.ge @!p0 [sflag:s8], $0x0  }
0x24: {  	s3 =	sadd.s32 $0x88, s3;
	s6 =	simm.s32 @!p1 $0x1082;
	[sflag:s4] =	ssyncset.s32 $0xFFFFF086  }
0x25: {  	[simem:s6], [sflag:s4] =	dma.local [hbm:s3], $0xF7A  }
0x26: {  	[smem:$0x3F8F] =	sst s1;
	(tag) =	ssettag s2;
	_ =	strace s9  }
0x27: {  	s1 =	sld [smem:$0x3F9F]  }
0x28: {  	s2 =	sld [smem:$0x3FA0]  }
0x29: {  	s4 =	sld [smem:$0x3FA2]  }
0x2a: {  	p0 =	seq.s32 s5, $0x0;
	s5 =	sld [smem:$0x3FA3]  }
0x2b: {  	s6 =	sld [smem:$0x3FA4]  }
0x2c: {  	s7 =	sld [smem:$0x3FA5]  }
0x2d: {  	s3 =	simm.s32 $0x108;
	s8 =	sld [smem:$0x3FA6]  }
0x2e: {  	s3 =	simm.s32 @!p0 $0x1082;
	s9 =	sld [smem:$0x3FA7]  }
0x2f: {  	lr =	sadd.s32 s0, s3;
	s0 =	sld [smem:$0x3F9E]  }
0x30: {  	s3 =	sld [smem:$0x3FA1]  }
0x31: {  	[smem:$0x3FAA] =	sst s10  }
0x32: {  	s10 =	sld [smem:$0x3FA8];
	_ =	sdelay $0x3  }
0x33: {  	p0 =	seq.s32 s10, $0x1;
	s10 =	sld [smem:$0x3FAA];
	_ =	sdelay $0x3  }
0x34: {  	[smem:$0x3FAA] =	sst s10  }
0x35: {  	s10 =	sld [smem:$0x3FA9];
	_ =	sdelay $0x3  }
0x36: {  	p1 =	seq.s32 s10, $0x1;
	s10 =	sld [smem:$0x3FAA];
	_ =	sdelay $0x3  }
0x37: {  	[smem:$0x3FAA] =	sst s10  }
0x38: {  	s10 =	sld [smem:$0x3FAB]  }
0x39: {  	_ = 	snop;
	(pc) =	sbr.ind lr, $3  }
0x3a: {  	_ = 	snop  }
0x3b: {  	_ = 	snop  }
0x3c: {  	p2 =	seq.s32 s10, $0x1;
	s10 =	sld [smem:$0x3FAA]  }
0x3d: {  	_ =	shalt  }
0x3e: {  	_ =	shalt  }
0x3f: {  	_ =	shalt  }
0x40: {  	_ =	shalt  }
0x41: {  	_ =	shalt  }
0x42: {  	_ =	shalt  }
0x43: {  	_ =	shalt  }
0x44: {  	_ =	shalt  }
0x45: {  	_ =	shalt  }
0x46: {  	_ =	shalt  }
0x47: {  	_ =	shalt  }
0x48: {  	_ =	shalt  }
0x49: {  	_ =	shalt  }
0x4a: {  	_ =	shalt  }
0x4b: {  	_ =	shalt  }
0x4c: {  	_ =	shalt  }
0x4d: {  	_ =	shalt  }
0x4e: {  	_ =	shalt  }
0x4f: {  	_ =	shalt  }
0x50: {  	_ =	shalt  }
0x51: {  	_ =	shalt  }
0x52: {  	_ =	shalt  }
0x53: {  	_ =	shalt  }
0x54: {  	_ =	shalt  }
0x55: {  	_ =	shalt  }
0x56: {  	_ =	shalt  }
0x57: {  	_ =	shalt  }
0x58: {  	_ =	shalt  }
0x59: {  	_ =	shalt  }
0x5a: {  	_ =	shalt  }
0x5b: {  	_ =	shalt  }
0x5c: {  	_ =	shalt  }
0x5d: {  	_ =	shalt  }
0x5e: {  	_ =	shalt  }
0x5f: {  	_ =	shalt  }
0x60: {  	_ =	shalt  }
0x61: {  	_ =	shalt  }
0x62: {  	_ =	shalt  }
0x63: {  	_ =	shalt  }
0x64: {  	_ =	shalt  }
0x65: {  	_ =	shalt  }
0x66: {  	_ =	shalt  }
0x67: {  	_ =	shalt  }
0x68: {  	_ =	shalt  }
0x69: {  	_ =	shalt  }
0x6a: {  	_ =	shalt  }
0x6b: {  	_ =	shalt  }
0x6c: {  	_ =	shalt  }
0x6d: {  	_ =	shalt  }
0x6e: {  	_ =	shalt  }
0x6f: {  	_ =	shalt  }
0x70: {  	_ =	shalt  }
0x71: {  	_ =	shalt  }
0x72: {  	_ =	shalt  }
0x73: {  	_ =	shalt  }
0x74: {  	_ =	shalt  }
0x75: {  	_ =	shalt  }
0x76: {  	_ =	shalt  }
0x77: {  	_ =	shalt  }
0x78: {  	_ =	shalt  }
0x79: {  	_ =	shalt  }
0x7a: {  	_ =	shalt  }
0x7b: {  	_ =	shalt  }
0x7c: {  	_ =	shalt  }
0x7d: {  	_ =	shalt  }
0x7e: {  	_ =	shalt  }
0x7f: {  	_ =	shalt  }
0x80: {  	_ =	shalt  }
0x81: {  	_ =	shalt  }
0x82: {  	_ =	shalt  }
0x83: {  	_ =	shalt  }
0x84: {  	_ =	shalt  }
0x85: {  	_ =	shalt  }
0x86: {  	_ =	shalt  }
0x87: {  	_ =	shalt  }
.Lfunc_end0:
.L_simem_size_0:
called_computation.3_lowered:
.L_overlay_start_0:
0x88: {  	s2 =	sld [smem:$0x3FD9]  }
0x89: {  	s3 =	sld [smem:$0x3FFE];
	_ =	sdelay $0x1  }
0x8a: {  	s1 =	srdreg.scid  }
0x8b: {  	s0 =	sand.u32 $0x1, s1  }
0x8c: {  	s14 =	sshll.u32 s0, $0xA;
	s2 =	sadd.s32 s3, s2  }
0x8d: {  	s2 =	sadd.s32 s2, s14  }
0x8e: {  	[smem:$0x3FB6] =	sst s2  }
0x8f: {  	_ = 	snop  }
0x90: {  	s2 =	sld [smem:$0x3FD0];
	_ =	sdelay $0x2  }
0x91: {  	s15 =	simm.s32 $0xA;
	s4 =	simm.s32 $0x10  }
0x92: {  	[smem:s4], [sflag:s15] =	dma.local [hbm:s2], $0x1  }
0x93: {  	_ =	swait.eq [sflag:s15], $0x1  }
0x94: {  	[sflag:s15] =	ssyncset.done $0x0  }
0x95: {  	[sflag:s15] =	ssyncadd.s32 $0xFFFFFFFF  }
0x96: {  	s16 =	sld [smem:$0x11];
	(tm) =	ssettm $0x1  }
0x97: {  	s17 =	sld [smem:$0x3FFB];
	_ =	sdelay $0x3  }
0x98: {  	_ =	strace s17  }
0x99: {  	s3 =	sld [smem:$0x3FFC];
	_ =	sdelay $0x3  }
0x9a: {  	_ =	strace s3  }
0x9b: {  	s3 =	sld [smem:$0x3FFD];
	_ =	sdelay $0x3  }
0x9c: {  	_ =	strace s3  }
0x9d: {  	_ =	strace $0x8FFFFFFF  }
0x9e: {  	s18 =	sld [smem:$0x3FDB];
	_ =	sdelay $0x1  }
0x9f: {  	s19 =	simm.s32 $_scs_section_size  }
0xa0: {  	s5 =	simm.s32 $_size__tile_overlayer_lowered;
	s6 =	simm.s32 $_tile_overlayer_lowered  }
0xa1: {  	s22 =	simm.s32 $0x1BFF;
	s21 =	sshll.u32 s6, $0x1;
	s3 =	sadd.s32 s19, s18  }
0xa2: {  	s7 =	simm.s32 $0x0;
	s20 =	sshll.u32 s5, $0x1;
	s5 =	sadd.s32 s21, s3  }
0xa3: {  	[timem:s7], [sflag:s22] =	dma.local [hbm:s5], s20  }
0xa4: {  	_ =	swait.ge [sflag:s22], s20  }
0xa5: {  	s4 =	ssub.s32 $0x0, s20;
	[sflag:s22] =	ssyncset.done $0x0  }
0xa6: {  	[sflag:s22] =	ssyncadd.s32 s4;
	_ =	sdelay $0x1  }
0xa7: {  	s23 =	simm.s32 $0x1B8B  }
0xa8: {  	_ =	swait.ge [sflag:s23], $0x1  }
0xa9: {  	[sflag:s23] =	ssyncset.done $0x0  }
0xaa: {  	s25 =	simm.s32 $0x1B8E;
	s24 =	sld [smem:$0x3FFE];
	[sflag:s23] =	ssyncadd.s32 $0xFFFFFFFF  }
0xab: {  	s26 =	simm.s32 $execute0_lowered;
	[smem:$0x3FD2] =	sst s25  }
0xac: {  	s5 =	sshll.u32 s26, $0x1;
	_ =	strace $0x8000004F;
	[dreg:$0x1] =	wrdreg $0xFFFFFFFF  }
0xad: {  	s28 =	simm.s32 $_size_execute0_lowered;
	s3 =	sadd.s32 s3, s5;
	[dreg:$0x0] =	wrdreg $0x0  }
0xae: {  	s5 =	sshll.u32 s28, $0x1;
	[dreg:$0x2] =	wrdreg s3  }
0xaf: {  	[dreg:$0x3] =	wrdreg s5  }
0xb0: {  	[dreg:$0x4] =	wrdreg $0xC0  }
0xb1: {  	_ =	task [dreg:s7], $0x5FFFF  }
0xb2: {  	[dreg:$0x1] =	wrdreg $0xFFFFFFFF  }
0xb3: {  	[dreg:$0x0] =	wrdreg $0x60  }
0xb4: {  	[dreg:$0x2] =	wrdreg s24  }
0xb5: {  	[dreg:$0x3] =	wrdreg s16  }
0xb6: {  	[dreg:$0x4] =	wrdreg $0xA6000  }
0xb7: {  	[dreg:$0x5] =	wrdreg $0x9  }
0xb8: {  	_ =	task.clear_ibuf [dreg:s7], $0x6FFFF;
	_ =	strace $0x9000004F  }
0xb9: {  	s29 =	simm.s32 $0x9;
	_ =	strace $0x80000051  }
0xba: {  	_ =	swait.ge [sflag:s29], $0x1  }
0xbb: {  	[sflag:s29] =	ssyncadd.s32 $0xFFFFFFFF  }
0xbc: {  	_ =	strace $0x90000051  }
0xbd: {  	_ =	sfence  }
0xbe: {  	s30 =	sld [smem:$0x0];
	_ =	sdelay $0x2  }
0xbf: {  	s31 =	sshll.u32 s1, $0xD;
	s1 =	sshrl.u32 s1, $0x2  }
0xc0: {  	s3 =	sand.u32 $0x4000, s31;
	s1 =	sadd.s32 s1, s30  }
0xc1: {  	s0 =	sor.u32 s3, s0;
	s1 =	sshll.u32 s1, $0x11  }
0xc2: {  	s0 =	sor.u32 s1, s0  }
0xc3: {  	s0 =	sadd.s32 $0x8F2B, s0  }
0xc4: {  	[sflag:s0] =	ssyncadd.remote.s32 $0x1  }
0xc5: {  	_ =	sfence.sel $0xFFFF  }
0xc6: {  	[dreg:$0x0] =	wrdreg $0xFFFFFFFF;
	(pc) =	sbr.abs _section_cstart, $3  }
0xc7: {  	[dreg:$0x1] =	wrdreg $0xFFFFFFFF  }
0xc8: {  	_ =	task.clear_ibuf [dreg:s7], $0x2FFFF;
	_ =	strace $0x9FFFFFFF  }
0xc9: {  	(tm) =	ssettm $0x7FFFFFFF  }
tec
execute0_lowered:
.L_overlay_start_1:
0x0: {  	(tag) =	ssettag $0x1  }
0x1: {  	s0 =	rddreg [dreg:$0x0]  }
0x2: {  	s1 =	rddreg [dreg:$0x1]  }
0x3: {  	s2 =	rddreg [dreg:$0x2];
	s3 =	simm.s32 $0x0;
	s6 =	srdreg.scid  }
0x4: {  	s19 =	stileid.u32;
	s18 =	simm.s32 $0x2FC00;
	s23 =	simm.s32 $0x1  }
0x5: {  	s24 =	simm.s32 $0x28;
	s30 =	simm.s32 $0x78;
	s31 =	simm.s32 $0x4200  }
0x6: {  	[smem:$0x7FF] =	sst s3;
	s5 =	sadd.s32 $0x5400, s0;
	s4 =	sadd.s32 $0x2D400, s0  }
0x7: {  	s15 =	sand.u32 $0x1, s6;
	s25 =	sshll.u32 s19, $0x1;
	s7 =	smul.u32 $0x50000, s19  }
0x8: {  	s16 =	smul.u32 $0x2800, s19;
	s29 =	sshll.u32 s19, $0x6;
	s19 =	simm.s32 $0x0  }
0x9: {  	_ =	strace $0x80000050;
	s8 =	ssub.s32 $0x2, s15;
	s6 =	sor.u32 s15, s25  }
0xa: {  	p0 =	seq.s32 s15, $0x0;
	s9 =	sshrl.u32 s8, $0x1;
	s7 =	sshrl.u32 s7, $0x2  }
0xb: {  	s6 =	smul.u32 $0x2710, s6;
	s18 =	simm.s32 @!p0 $0x57C00;
	p0 =	sne.s32 s15, $0x0  }
0xc: {  	s14 =	ssub.s32 s8, s9;
	s17 =	sadd.s32 s7, s2;
	s7 =	sadd.s32 s5, s16  }
0xd: {  	s0 =	sadd.s32 s18, s0;
	s18 =	simm.s32 $0x4;
	s26 =	sshrl.u32 s6, $0x3  }
0xe: {  	s28 =	sadd.s32 $0xC8, s6;
	s11 =	sadd.s32 $0x4E2C8, s6;
	s14 =	smax.u32 s14, $0x1  }
.Ltmp0:
0xf: {  	s15 =	sadd.s32 s0, s16;
	s7 =	smov.u32 @p0 s4;
	(pc) =	sbr.rel .LBB2_1-.Ltmp0, $4  }
0x10: {  	s16 =	sor.u32 $0x1C04, s29;
	s17 =	sshrl.u32 s17, $0x3;
	s0 =	simm.s32 $0x2  }
0x11: {  	s4 =	simm.s32 $0x3;
	s8 =	sadd.s32 s1, s26;
	s10 =	sshrl.u32 s28, $0x3  }
0x12: {  	s11 =	sshrl.u32 s11, $0x3;
	s9 =	sadd.s32 $0x9C40, s8;
	s10 =	sadd.s32 s1, s10  }
0x13: {  	s11 =	sadd.s32 s1, s11;
	s12 =	sadd.s32 $0x32, s8;
	s13 =	sadd.s32 $0x9C72, s8  }
.LBB2_7:
0x14: {  	_ =	swait.ge [sflag:s4], $0x1400  }
0x15: {  	[sflag:s4] =	ssyncset.done $0x0  }
0x16: {  	[sflag:s4] =	ssyncadd.s32 $0xFFFFEC00  }
0x17: {  	_ =	swait.ge [sflag:s4], $0x1400  }
0x18: {  	[sflag:s4] =	ssyncset.done $0x0  }
0x19: {  	[sflag:s4] =	ssyncadd.s32 $0xFFFFEC00  }
0x1a: {  	_ =	swait.ge [sflag:s4], $0x1400  }
0x1b: {  	s19 =	sadd.s32 $0x1, s19;
	[sflag:s4] =	ssyncset.done $0x0  }
0x1c: {  	p0 =	sne.s32 s19, s14;
	[sflag:s4] =	ssyncadd.s32 $0xFFFFEC00  }
.Ltmp1:
0x1d: {  	[bflag:$0x0] =	sbarrier.arrive $0xFFFF;
	(pc) =	sbr.rel @!p0 .LBB2_8-.Ltmp1, $4  }
0x1e: {  	[hbm:s15], [sflag:s16] =	dma.local [spmem:s17], $0x2800  }
0x1f: {  	_ =	swait.ge [sflag:s18], $0x2800  }
0x20: {  	[sflag:s18] =	ssyncset.done $0x0  }
0x21: {  	[sflag:s18] =	ssyncadd.s32 $0xFFFFD800  }
.LBB2_1:
0x22: {  	[spmem:s17], [sflag:s16] =	dma.local [hbm:s7], $0x2800  }
0x23: {  	_ =	swait.ge [sflag:s18], $0x2800  }
0x24: {  	[sflag:s18] =	ssyncset.done $0x0  }
0x25: {  	[sflag:s18] =	ssyncadd.s32 $0xFFFFD800  }
0x26: {  	[bflag:$0x0] =	sbarrier.arrive $0xFFFF  }
0x27: {  	[tilespmem:s3], [sflag:$0x1] =	stream.linear.gather [hbm4b:s8+s3], $0xC8, $0x38;
	[tilespmem:$0x1E600] =	vst v63  }
0x28: {  	s20 =	simm.s32 $0x280  }
0x29: {  	[tilespmem:s20], [sflag:$0x1] =	stream.linear.gather [hbm4b:s9+s3], $0xC8, $0x38;
	[tilespmem:$0x1E600] =	vst v63  }
0x2a: {  	s29 =	simm.s32 $0xC8  }
0x2b: {  	[tilespmem:s29], [sflag:$0x1] =	stream.linear.gather [hbm4b:s10+s3], $0xC8, $0x38;
	[tilespmem:$0x1E600] =	vst v63  }
0x2c: {  	s21 =	simm.s32 $0x348  }
0x2d: {  	[tilespmem:s21], [sflag:$0x1] =	stream.linear.gather [hbm4b:s11+s3], $0xC8, $0x38;
	[tilespmem:$0x1E600] =	vst v63  }
0x2e: {  	s22 =	simm.s32 $0x190  }
0x2f: {  	[tilespmem:s22], [sflag:$0x1] =	stream.linear.gather [hbm4b:s12+s3], $0xC8, $0x38;
	[tilespmem:$0x1E600] =	vst v63  }
0x30: {  	s25 =	simm.s32 $0x410  }
0x31: {  	[tilespmem:s25], [sflag:$0x1] =	stream.linear.gather [hbm4b:s13+s3], $0xC8, $0x38;
	[tilespmem:$0x1E600] =	vst v63  }
0x32: {  	_ =	swait.ge [sflag:s23], $0xC8  }
0x33: {  	[sflag:s23] =	ssyncset.done $0x0  }
0x34: {  	[sflag:s23] =	ssyncadd.s32 $0xFFFFFF38  }
0x35: {  	_ =	swait.ge [sflag:s23], $0xC8  }
0x36: {  	[sflag:s23] =	ssyncset.done $0x0  }
0x37: {  	s26 =	simm.s32 $0x600;
	[sflag:s23] =	ssyncadd.s32 $0xFFFFFF38  }
0x38: {  	[tilespmem:s26], [sflag:$0x2] =	stream.indirect.gather [hbm4b:s5+s24], $0x80, s3, s24, $0xb8;
	[tilespmem:$0x1E600] =	vst v63  }
0x39: {  	s28 =	simm.s32 $0x1A00  }
0x3a: {  	[tilespmem:s28], [sflag:$0x2] =	stream.indirect.gather [hbm4b:s5+s24], $0x80, s24, s24, $0xb8;
	[tilespmem:$0x1E600] =	vst v63  }
.Ltmp2:
0x3b: {  	_ = 	snop;
	(pc) =	sbr.rel .LBB2_2-.Ltmp2, $4  }
0x3c: {  	s29 =	simm.s32 $0x50;
	s21 =	simm.s32 $0x2E00  }
0x3d: {  	[tilespmem:s21], [sflag:$0x2] =	stream.indirect.gather [hbm4b:s5+s24], $0x80, s29, s24, $0xb8;
	[tilespmem:$0x1E600] =	vst v63  }
0x3e: {  	s20 =	simm.s32 $0x4  }
0x3f: {  	[tilespmem:s31], [sflag:$0x2] =	stream.indirect.gather [hbm4b:s5+s24], $0x80, s30, s24, $0xb8;
	[tilespmem:$0x1E600] =	vst v63  }
.LBB2_3:
0x40: {  	s21 =	sadd.s32 $0x3, s22  }
0x41: {  	s22 =	smul.u32 $0x56, s21;
	_ =	sdelay $0x1  }
0x42: {  	s22 =	sshrl.u32 s22, $0x8  }
0x43: {  	s22 =	smul.u32 $0x3, s22;
	_ =	sdelay $0x1  }
0x44: {  	s25 =	smul.u32 $0xC8, s21;
	s22 =	ssub.s32 s21, s22;
	s21 =	sand.u32 $0x3, s21  }
0x45: {  	s22 =	sand.u32 $0xFF, s22;
	s21 =	smul.u32 $0x320, s21  }
0x46: {  	s25 =	sadd.s32 s6, s25;
	s22 =	smul.u32 $0x320, s22  }
0x47: {  	s25 =	sshrl.u32 s25, $0x3  }
0x48: {  	s25 =	sadd.s32 s1, s25;
	s21 =	sshrl.u32 s21, $0x2;
	s22 =	sshrl.u32 s22, $0x2  }
0x49: {  	[tilespmem:s22], [sflag:$0x1] =	stream.linear.gather [hbm4b:s25+s3], $0xC8, $0x38;
	[tilespmem:$0x1E600] =	vst v63  }
0x4a: {  	s29 =	sadd.s32 $0x9C40, s25;
	s21 =	sadd.s32 $0x280, s21  }
0x4b: {  	[tilespmem:s21], [sflag:$0x1] =	stream.linear.gather [hbm4b:s29+s3], $0xC8, $0x38;
	[tilespmem:$0x1E600] =	vst v63  }
.LBB2_5:
0x4c: {  	s21 =	smul.u32 $0xCD, s20;
	_ =	sdelay $0x1  }
0x4d: {  	s21 =	sshrl.u32 s21, $0xA  }
0x4e: {  	s21 =	sand.u32 $0x3F, s21  }
0x4f: {  	s22 =	smul.u32 $0x5, s21  }
0x50: {  	s25 =	smul.u32 $0x56, s21  }
0x51: {  	s22 =	ssub.s32 s20, s22  }
0x52: {  	s25 =	sshrl.u32 s25, $0x8;
	s22 =	sand.u32 $0xFF, s22  }
0x53: {  	s25 =	smul.u32 $0x3, s25;
	p0 =	sne.s32 s22, $0x0  }
0x54: {  	s29 =	sand.u32 $0x7, s20;
	s26 =	simm.s32 @!p0 $0x1  }
0x55: {  	s22 =	smul.u32 $0xA0, s22;
	s21 =	ssub.s32 s21, s25;
	_ =	swait.ge @!p0 [sflag:s26], $0xC8  }
0x56: {  	s25 =	smul.u32 $0x5000, s29;
	s21 =	sand.u32 $0xFF, s21;
	[sflag:s26] =	ssyncset.done @!p0 $0x0  }
0x57: {  	s21 =	smul.u32 $0x320, s21;
	[sflag:s26] =	ssyncadd.s32 @!p0 $0xFFFFFF38  }
0x58: {  	s22 =	sshrl.u32 s22, $0x2;
	_ =	swait.ge @!p0 [sflag:s26], $0xC8  }
0x59: {  	s25 =	sshrl.u32 s25, $0x2;
	s21 =	sshrl.u32 s21, $0x2;
	[sflag:s26] =	ssyncset.done @!p0 $0x0  }
0x5a: {  	s25 =	sadd.s32 $0x600, s25;
	s21 =	sadd.s32 s22, s21;
	[sflag:s26] =	ssyncadd.s32 @!p0 $0xFFFFFF38  }
0x5b: {  	[tilespmem:s25], [sflag:$0x2] =	stream.indirect.gather [hbm4b:s5+s24], $0x80, s21, s24, $0xb8;
	[tilespmem:$0x1E600] =	vst v63  }
.LBB2_6:
0x5c: {  	s20 =	sadd.s32 $0x1, s20  }
0x5d: {  	p0 =	sne.s32 s20, $0xFE  }
.Ltmp3:
0x5e: {  	_ = 	snop;
	(pc) =	sbr.rel @!p0 .LBB2_7-.Ltmp3, $1  }
0x5f: {  	_ =	sdelay $0x3  }
.LBB2_2:
0x60: {  	s21 =	sadd.s32 $0xFFFFFFFC, s20  }
0x61: {  	s22 =	smul.u32 $0xCD, s21;
	_ =	sdelay $0x1  }
0x62: {  	s25 =	sshrl.u32 s22, $0xA  }
0x63: {  	s22 =	sand.u32 $0x3F, s25  }
0x64: {  	s26 =	smul.u32 $0x5, s22;
	_ =	sdelay $0x1  }
0x65: {  	s25 =	sand.u32 $0x3, s25;
	s26 =	ssub.s32 s21, s26  }
0x66: {  	_ =	swait.ge [sflag:s0], $0x1400;
	s25 =	smul.u32 $0x320, s25;
	s28 =	sand.u32 $0xFF, s26  }
0x67: {  	s29 =	sand.u32 $0x7, s21;
	[sflag:s0] =	ssyncset.done $0x0;
	s28 =	smul.u32 $0xA0, s28  }
0x68: {  	p1 =	sgt.u32 s21, $0xEA;
	s29 =	smul.u32 $0x5000, s29;
	[sflag:s0] =	ssyncadd.s32 $0xFFFFEC00  }
0x69: {  	s25 =	sshrl.u32 s25, $0x2;
	s26 =	sand.u32 @!p1 $0xFF, s26;
	s28 =	sshrl.u32 s28, $0x2  }
0x6a: {  	s29 =	sshrl.u32 s29, $0x2;
	p2 =	sne.s32 @!p1 s26, $0x4;
	s25 =	sadd.s32 s28, s25  }
0x6b: {  	s29 =	sadd.s32 $0x600, s29;
	p1 =	por p1, p2;
	s25 =	sadd.s32 $0x280, s25  }
0x6c: {  	[spmem:s2] =	stream.indirect.scatter.add.f32 [tilespmem:s29], [sflag:$0x3], $0x80, s25, s24, $0xb8;
	[tilespmem:$0x1E600] =	vst v63  }
.Ltmp4:
0x6d: {  	p0 =	slt.u32 s21, $0x3;
	(pc) =	sbr.rel @!p1 .LBB2_3-.Ltmp4, $4  }
0x6e: {  	s25 =	simm.s32 @!p0 $0x3  }
0x6f: {  	_ =	swait.ge @!p0 [sflag:s25], $0x1400  }
0x70: {  	[sflag:s25] =	ssyncset.done @!p0 $0x0  }
0x71: {  	[sflag:s25] =	ssyncadd.s32 @!p0 $0xFFFFEC00  }
0x72: {  	p0 =	sgt.u32 s21, $0xF5  }
.Ltmp5:
0x73: {  	_ = 	snop;
	(pc) =	sbr.rel @p0 .LBB2_6-.Ltmp5, $4  }
.Ltmp6:
0x74: {  	_ = 	snop;
	(pc) =	sbr.rel @!p0 .LBB2_5-.Ltmp6, $4  }
0x75: {  	_ = 	snop  }
0x76: {  	_ = 	snop  }
0x77: {  	_ = 	snop  }
0x78: {  	_ = 	snop  }
.LBB2_8:
0x79: {  	_ =	sfence.sel $0x180000  }
0x7a: {  	[bflag:$0x0] =	sbarrier.arrive $0xFFFF  }
0x7b: {  	_ =	strace $0x90000050  }
0x7c: {  	s0 =	stileid.u32;
	[bflag:$0x2] =	sbarrier.arrive $0xFFFF  }
0x7d: {  	p0 =	sne.s32 s0, $0x0;
	s0 =	rddreg [dreg:$0x3]  }
0x7e: {  	s0 =	sadd.s32 @!p0 $0x100000, s0  }
0x7f: {  	[sflag:s0] =	ssyncadd.tile.s32 @!p0 $0x1;
	_ =	shalt  }
.Lfunc_end2:
_tile_overlayer_lowered:
.L_overlay_start_2:
0x80: {  	(tag) =	ssettag $0x2  }
0x81: {  	s0 =	rddreg [dreg:$0x0];
	s2 =	stileid.u32  }
0x82: {  	s1 =	rddreg [dreg:$0x1];
	p0 =	sne.s32 s2, $0x0  }
0x83: {  	s3 =	rddreg [dreg:$0x2];
	[bflag:$0x3] =	sbarrier.arrive $0xFFFF;
	s2 =	simm.s32 @!p0 $0x1C04  }
0x84: {  	[timem:s3], [sflag:s2] =	dma.local @!p0 [hbm:s0], s1  }
0x85: {  	s0 =	simm.s32 @!p0 $0x4  }
0x86: {  	_ =	swait.ge @!p0 [sflag:s0], s1  }
0x87: {  	s1 =	ssub.s32 @!p0 $0x0, s1;
	[sflag:s0] =	ssyncset.done @!p0 $0x0  }
0x88: {  	[sflag:s0] =	ssyncadd.s32 @!p0 s1  }
0x89: {  	[bflag:$0x3] =	sbarrier.arrive $0xFFFF  }
0x8a: {  	_ =	shalt  }

</sc_bundles>
